<compile_context>
chip_gen: v7x
topology: tpu7x:2x2x1
jax: 0.10.2.dev20260603
libtpu: 0.0.44.dev20260713+nightly
codegen_flags: <defaults>
</compile_context>

<pallas_src>
import functools

import jax
import jax.numpy as jnp
from jax import lax
from jax.experimental import pallas as pl
from jax.experimental.pallas import tpu as pltpu
from jax.experimental.pallas import tpu_sc as plsc

NC, NS = 2, 16
K = 125
NQ = 2
NPAD = 10240
RPT = NPAD // NS
ZROWS = 128


def _sc_segment_sums(xl, xr, ei3, et3, rell, relr):
    n, hd = xl.shape
    r = rell.shape[0]
    nchunk = ei3.shape[2]

    mesh = plsc.VectorSubcoreMesh(
        core_axis_name="c", subcore_axis_name="s", num_cores=NC, num_subcores=NS
    )

    @functools.partial(
        pl.kernel,
        out_type=(
            jax.ShapeDtypeStruct((NPAD, hd), jnp.float32),
            jax.ShapeDtypeStruct((NPAD, hd), jnp.float32),
            jax.ShapeDtypeStruct((2, NPAD), jnp.float32),
        ),
        mesh=mesh,
        scratch_types=[
            pltpu.VMEM((nchunk // NQ, K), jnp.int32),
            pltpu.VMEM((nchunk // NQ, K), jnp.int32),
            pltpu.VMEM((nchunk // NQ, K), jnp.int32),
            pltpu.VMEM((K, hd), jnp.float32),
            pltpu.VMEM((K, hd), jnp.float32),
            pltpu.VMEM((K, hd), jnp.float32),
            pltpu.VMEM((K, hd), jnp.float32),
            pltpu.VMEM((128,), jnp.float32),
            pltpu.VMEM((ZROWS, hd), jnp.float32),
            pltpu.VMEM((RPT,), jnp.float32),
            pltpu.VMEM_SHARED((NPAD, hd), jnp.float32),
            pltpu.VMEM_SHARED((NPAD,), jnp.float32),
            pltpu.VMEM_SHARED((r, hd), jnp.float32),
            pltpu.SemaphoreType.DMA,
            pltpu.SemaphoreType.DMA,
            pltpu.SemaphoreType.DMA,
            pltpu.SemaphoreType.DMA,
            pltpu.SemaphoreType.DMA,
            pltpu.SemaphoreType.DMA,
            pltpu.SemaphoreType.DMA,
            pltpu.SemaphoreType.DMA,
        ],
        compiler_params=pltpu.CompilerParams(use_tc_tiling_on_sc=False),
    )
    def sc_fn(xl_hbm, xr_hbm, ei_hbm, et_hbm, rell_hbm, relr_hbm,
              s0_hbm, s1_hbm, deg_hbm,
              srcv, dstv, etv, xb0, xb1, rb0, rb1, ones, zbuf, dstage,
              acc, degacc, srel,
              gsem0, gsem1, gsem2, gsem3, ssem0, ssem1, dsem0, dsem1):
        c = lax.axis_index("c")
        s = lax.axis_index("s")

        zv = jnp.zeros((16,), jnp.float32)
        ov = jnp.ones((16,), jnp.float32)
        nsub = hd // 16

        def zrow(i, _):
            for g in range(nsub):
                zbuf[i, pl.ds(g * 16, 16)] = zv
            return 0

        lax.fori_loop(0, ZROWS, zrow, 0)

        def zdeg(i, _):
            dstage[pl.ds(i * 16, 16)] = zv
            return 0

        lax.fori_loop(0, RPT // 16, zdeg, 0)
        for g in range(8):
            ones[pl.ds(g * 16, 16)] = ov

        for i in range(RPT // ZROWS):
            pltpu.sync_copy(zbuf, acc.at[pl.ds(s * RPT + i * ZROWS, ZROWS)])
        pltpu.sync_copy(dstage, degacc.at[pl.ds(s * RPT, RPT)])

        @pl.when(jnp.logical_and(s == 0, c == 0))
        def _():
            pltpu.sync_copy(rell_hbm, srel)

        @pl.when(jnp.logical_and(s == 0, c == 1))
        def _():
            pltpu.sync_copy(relr_hbm, srel)

        plsc.subcore_barrier()

        def addbuf(dref, sref):
            @plsc.parallel_loop(0, K, 1, unroll=5)
            def _(i):
                for g in range(nsub):
                    sl = pl.ds(g * 16, 16)
                    dref[i, sl] = dref[i, sl] + sref[i, sl]

        def gx(j, buf, sem):
            @pl.when(c == 0)
            def _():
                pltpu.async_copy(xl_hbm.at[srcv.at[j]], buf, sem)

            @pl.when(c == 1)
            def _():
                pltpu.async_copy(xr_hbm.at[srcv.at[j]], buf, sem)

        def wait_gx(j, buf, sem):
            @pl.when(c == 0)
            def _():
                pltpu.make_async_copy(xl_hbm.at[srcv.at[j]], buf, sem).wait()

            @pl.when(c == 1)
            def _():
                pltpu.make_async_copy(xr_hbm.at[srcv.at[j]], buf, sem).wait()

        def gr(j, buf, sem):
            pltpu.async_copy(srel.at[etv.at[j]], buf, sem)

        def wait_gr(j, buf, sem):
            pltpu.make_async_copy(srel.at[etv.at[j]], buf, sem).wait()

        def sx(j, buf, sem):
            pltpu.async_copy(buf, acc.at[dstv.at[j]], sem, add=True)

        def wait_sx(j, buf, sem):
            pltpu.make_async_copy(buf, acc.at[dstv.at[j]], sem).wait()

        def sd(j, sem, deg_on):
            @pl.when(deg_on)
            def _():
                pltpu.async_copy(ones.at[pl.ds(0, K)],
                                 degacc.at[dstv.at[j]], sem, add=True)

        def wait_sd(j, sem, deg_on):
            @pl.when(deg_on)
            def _():
                pltpu.make_async_copy(ones.at[pl.ds(0, K)],
                                      degacc.at[dstv.at[j]], sem).wait()

        qchunk = nchunk // NQ
        npair = qchunk // 2
        for q in range(NQ):
            deg_on = (c == 0) if q < NQ // 2 else (c == 1)
            qs = pl.ds(q * qchunk, qchunk)
            pltpu.sync_copy(ei_hbm.at[0, s, qs], srcv)
            pltpu.sync_copy(ei_hbm.at[1, s, qs], dstv)
            pltpu.sync_copy(et_hbm.at[s, qs], etv)

            def body(jj, peel_first, fire_next):
                j0 = 2 * jj
                j1 = j0 + 1
                if not peel_first:
                    wait_sx(j1 - 2, xb1, ssem1)
                    wait_sd(j1 - 2, dsem1, deg_on)
                gx(j1, xb1, gsem2)
                wait_gx(j0, xb0, gsem0)
                wait_gr(j0, rb0, gsem1)
                addbuf(xb0, rb0)
                if fire_next:
                    gr(j0 + 2, rb0, gsem1)
                sx(j0, xb0, ssem0)
                sd(j0, dsem0, deg_on)
                wait_gx(j1, xb1, gsem2)
                wait_gr(j1, rb1, gsem3)
                addbuf(xb1, rb1)
                if fire_next:
                    gr(j1 + 2, rb1, gsem3)
                wait_sx(j0, xb0, ssem0)
                wait_sd(j0, dsem0, deg_on)
                if fire_next:
                    gx(j0 + 2, xb0, gsem0)
                sx(j1, xb1, ssem1)
                sd(j1, dsem1, deg_on)

            gx(0, xb0, gsem0)
            gr(0, rb0, gsem1)
            gr(1, rb1, gsem3)
            body(0, True, True)

            def mid(jj, _):
                body(jj, False, True)
                return 0

            lax.fori_loop(1, npair - 1, mid, 0)
            body(npair - 1, False, False)
            wait_sx(qchunk - 1, xb1, ssem1)
            wait_sd(qchunk - 1, dsem1, deg_on)

        plsc.subcore_barrier()

        @pl.when(c == 0)
        def _():
            for i in range(RPT // ZROWS):
                rows = pl.ds(s * RPT + i * ZROWS, ZROWS)
                pltpu.sync_copy(acc.at[rows], zbuf)
                pltpu.sync_copy(zbuf, s0_hbm.at[rows])

        @pl.when(c == 1)
        def _():
            for i in range(RPT // ZROWS):
                rows = pl.ds(s * RPT + i * ZROWS, ZROWS)
                pltpu.sync_copy(acc.at[rows], zbuf)
                pltpu.sync_copy(zbuf, s1_hbm.at[rows])

        pltpu.sync_copy(degacc.at[pl.ds(s * RPT, RPT)], dstage)
        pltpu.sync_copy(dstage, deg_hbm.at[c, pl.ds(s * RPT, RPT)])

    return sc_fn(xl, xr, ei3, et3, rell, relr)


def _tc_combine(s0, s1, x, norm, degp3, wn, wl, we):
    n, d = x.shape
    hd = d // 2
    bs = 1000

    def body(s0_ref, s1_ref, x_ref, norm_ref, d0_ref, d1_ref,
             wn_ref, wl_ref, we_ref, o_ref):
        h = jnp.dot(s0_ref[...], wn_ref[0:hd, :],
                    preferred_element_type=jnp.float32)
        h = h + jnp.dot(s1_ref[...], wn_ref[hd:d, :],
                        preferred_element_type=jnp.float32)
        xb = x_ref[...]
        lm_main = jnp.dot(xb, wl_ref[...], preferred_element_type=jnp.float32)
        lm_evo = jnp.dot(xb, we_ref[...], preferred_element_type=jnp.float32)
        deg = d0_ref[...][0] + d1_ref[...][0]
        o_ref[...] = h * norm_ref[...] + jnp.where(
            deg > 0.0, lm_main, lm_evo)

    half_spec = pl.BlockSpec((bs, hd), lambda i: (i, 0))
    row_spec = pl.BlockSpec((bs, d), lambda i: (i, 0))
    col_spec = pl.BlockSpec((bs, 1), lambda i: (i, 0))
    d0_spec = pl.BlockSpec((1, bs, 1), lambda i: (0, i, 0))
    d1_spec = pl.BlockSpec((1, bs, 1), lambda i: (1, i, 0))
    w_spec = pl.BlockSpec((d, d), lambda i: (0, 0))

    return pl.pallas_call(
        body,
        grid=(n // bs,),
        in_specs=[half_spec, half_spec, row_spec, col_spec, d0_spec,
                  d1_spec, w_spec, w_spec, w_spec],
        out_specs=row_spec,
        out_shape=jax.ShapeDtypeStruct((n, d), jnp.float32),
    )(s0, s1, x, norm, degp3, degp3, wn, wl, we)


def kernel(x, edge_index, edge_type, norm, emb_rel, prev_h,
           weight_neighbor, loop_weight, evolve_loop_weight):
    n, d = x.shape
    e = edge_type.shape[0]
    hd = d // 2
    nchunk = e // (NS * K)
    assert e == NS * K * nchunk and n <= NPAD

    ei3 = edge_index.reshape(2, NS, nchunk, K)
    et3 = edge_type.reshape(NS, nchunk, K)
    xl = x[:, :hd]
    xr = x[:, hd:]
    rell = emb_rel[:, :hd]
    relr = emb_rel[:, hd:]

    s0, s1, degp = _sc_segment_sums(xl, xr, ei3, et3, rell, relr)
    return _tc_combine(s0, s1, x, norm, degp.reshape(2, NPAD, 1),
                       weight_neighbor, loop_weight, evolve_loop_weight)

# --- scband reference (transcript-rebuilt; emitter-appended) ---
"""Pipeline reference for scband-union-rgcnlayer-14955076125444 (READ-ONLY COPY).

The authoritative reference and input builder live on the scoring server;
editing this copy changes nothing except your own understanding.
"""

import jax, jax.numpy as jnp
import numpy as np

N, E, D, R = 10000, 320000, 128, 200

def _xavier(key, shape, gain):
    fan_in, fan_out = shape[0], shape[1]
    a = gain * np.sqrt(6.0 / (fan_in + fan_out))
    return jax.random.uniform(key, shape, dtype=jnp.float32, minval=-a, maxval=a)

def setup_inputs(seed: int = 0) -> dict:
    key = jax.random.key(seed)
    ks = jax.random.split(key, 9)
    gain = float(np.sqrt(2.0))  # calculate_gain('relu')
    x = jax.random.normal(ks[0], (N, D), dtype=jnp.float32)
    edge_index = jax.random.randint(ks[1], (2, E), 0, N, dtype=jnp.int32)
    edge_type = jax.random.randint(ks[2], (E,), 0, R, dtype=jnp.int32)
    norm = jax.random.uniform(ks[3], (N, 1), dtype=jnp.float32)
    emb_rel = jax.random.normal(ks[4], (R, D), dtype=jnp.float32)
    prev_h = jnp.zeros((0, D), dtype=jnp.float32)
    weight_neighbor = _xavier(ks[5], (D, D), gain)
    loop_weight = _xavier(ks[6], (D, D), gain)
    evolve_loop_weight = _xavier(ks[7], (D, D), gain)
    return {"x": x, "edge_index": edge_index, "edge_type": edge_type, "norm": norm,
            "emb_rel": emb_rel, "prev_h": prev_h, "weight_neighbor": weight_neighbor,
            "loop_weight": loop_weight, "evolve_loop_weight": evolve_loop_weight}

def reference(x, edge_index, edge_type, norm, emb_rel, prev_h,
              weight_neighbor, loop_weight, evolve_loop_weight):
    src = edge_index[0]
    dst = edge_index[1]
    n = x.shape[0]
    # self-loop: nodes with in_degree > 0 use loop_weight, isolated nodes use evolve_loop_weight
    in_deg = jnp.zeros((n,), dtype=jnp.float32).at[dst].add(1.0)
    loop_msg_evolve = x @ evolve_loop_weight
    loop_msg_main = x @ loop_weight
    loop_message = jnp.where((in_deg > 0)[:, None], loop_msg_main, loop_msg_evolve)
    # msg_func: (h_src + rel_emb[type]) @ weight_neighbor, reduce = sum over dst
    relation = jnp.take(emb_rel, edge_type, axis=0)
    node = jnp.take(x, src, axis=0)
    msg = (node + relation) @ weight_neighbor
    h = jax.ops.segment_sum(msg, dst, num_segments=n)
    # apply_func: h * norm
    h = h * norm
    # self_loop=True, skip_connect=False, activation=None, dropout=0
    node_repr = h + loop_message
    return node_repr

if __name__ == "__main__":
    import jax
    _d = setup_inputs()
    print(jax.jit(kernel)(*tuple(_d.values())))

</pallas_src>

<mosaic_0001>
#map = affine_map<(d0, d1) -> (0, 0)>
#map1 = affine_map<(d0, d1) -> (0, 0, 0, 0)>
#map2 = affine_map<(d0, d1) -> (0, 0, 0)>
module attributes {stable_mosaic.version = 14 : i64} {
  func.func @sc_fn(%arg0: i32, %arg1: i32, %arg2: memref<10000x64xf32, #tpu.memory_space<hbm>>, %arg3: memref<10000x64xf32, #tpu.memory_space<hbm>>, %arg4: memref<2x16x160x125xi32, #tpu.memory_space<hbm>>, %arg5: memref<16x160x125xi32, #tpu.memory_space<hbm>>, %arg6: memref<200x64xf32, #tpu.memory_space<hbm>>, %arg7: memref<200x64xf32, #tpu.memory_space<hbm>>, %arg8: memref<10240x64xf32, #tpu.memory_space<hbm>>, %arg9: memref<10240x64xf32, #tpu.memory_space<hbm>>, %arg10: memref<2x10240xf32, #tpu.memory_space<hbm>>, %arg11: memref<80x125xi32, #tpu.memory_space<vmem>>, %arg12: memref<80x125xi32, #tpu.memory_space<vmem>>, %arg13: memref<80x125xi32, #tpu.memory_space<vmem>>, %arg14: memref<125x64xf32, #tpu.memory_space<vmem>>, %arg15: memref<125x64xf32, #tpu.memory_space<vmem>>, %arg16: memref<125x64xf32, #tpu.memory_space<vmem>>, %arg17: memref<125x64xf32, #tpu.memory_space<vmem>>, %arg18: memref<128xf32, #tpu.memory_space<vmem>>, %arg19: memref<128x64xf32, #tpu.memory_space<vmem>>, %arg20: memref<640xf32, #tpu.memory_space<vmem>>, %arg21: memref<10240x64xf32, #tpu.memory_space<vmem_shared>>, %arg22: memref<10240xf32, #tpu.memory_space<vmem_shared>>, %arg23: memref<200x64xf32, #tpu.memory_space<vmem_shared>>, %arg24: memref<!tpu.dma_semaphore, #tpu.memory_space<semaphore_mem>>, %arg25: memref<!tpu.dma_semaphore, #tpu.memory_space<semaphore_mem>>, %arg26: memref<!tpu.dma_semaphore, #tpu.memory_space<semaphore_mem>>, %arg27: memref<!tpu.dma_semaphore, #tpu.memory_space<semaphore_mem>>, %arg28: memref<!tpu.dma_semaphore, #tpu.memory_space<semaphore_mem>>, %arg29: memref<!tpu.dma_semaphore, #tpu.memory_space<semaphore_mem>>, %arg30: memref<!tpu.dma_semaphore, #tpu.memory_space<semaphore_mem>>, %arg31: memref<!tpu.dma_semaphore, #tpu.memory_space<semaphore_mem>>) attributes {dimension_semantics = [#tpu.dimension_semantics<core_parallel>, #tpu.dimension_semantics<subcore_parallel>], iteration_bounds = array<i64: 2, 16>, scalar_prefetch = 0 : i64, scratch_operands = 21 : i64, tpu.core_type = #tpu.core_type<sc_vector_subcore>, window_params = [{transform_indices = #map}, {transform_indices = #map}, {transform_indices = #map1}, {transform_indices = #map2}, {transform_indices = #map}, {transform_indices = #map}, {transform_indices = #map}, {transform_indices = #map}, {transform_indices = #map}]} {
    %broadcast_in_dim3A = arith.constant 0.000000e+00 : f32
    %broadcast_in_dim3A_0 = vector.broadcast %broadcast_in_dim3A : f32 to vector<16xf32>
    %broadcast_in_dim3A_1 = arith.constant 1.000000e+00 : f32
    %broadcast_in_dim3A_2 = vector.broadcast %broadcast_in_dim3A_1 : f32 to vector<16xf32>
    %scan3A = arith.constant 0 : i32
    %scan3A_3 = arith.constant 0 : i32
    %scan3A_4 = arith.constant 128 : i32
    %scan3A_5 = arith.addi %scan3A_3, %scan3A_4 : i32
    %scan3A_6 = arith.constant 1 : i32
    %scan3A_7 = scf.for %scan3A_568 = %scan3A_3 to %scan3A_5 step %scan3A_6 iter_args(%scan3A_569 = %scan3A) -> (i32)  : i32 {
      %swap3A_570 = arith.index_cast %scan3A_568 : i32 to index
      %swap3A_571 = arith.constant 0 : index
      %swap3A_572 = tpu.vector_load %arg19[%swap3A_570, %swap3A_571] {strides = array<i32>} : memref<128x64xf32, #tpu.memory_space<vmem>>, vector<1x16xf32>,
      %swap3A_573 = vector.shape_cast %swap3A_572 : vector<1x16xf32> to vector<16xf32>
      %swap3A_574 = vector.shape_cast %broadcast_in_dim3A_0 : vector<16xf32> to vector<1x16xf32>
      tpu.vector_store %arg19[%swap3A_570, %swap3A_571], %swap3A_574 {strides = array<i32>} : memref<128x64xf32, #tpu.memory_space<vmem>>, vector<1x16xf32>,
      %swap3A_575 = arith.index_cast %scan3A_568 : i32 to index
      %swap3A_576 = arith.constant 16 : index
      %swap3A_577 = tpu.vector_load %arg19[%swap3A_575, %swap3A_576] {strides = array<i32>} : memref<128x64xf32, #tpu.memory_space<vmem>>, vector<1x16xf32>,
      %swap3A_578 = vector.shape_cast %swap3A_577 : vector<1x16xf32> to vector<16xf32>
      %swap3A_579 = vector.shape_cast %broadcast_in_dim3A_0 : vector<16xf32> to vector<1x16xf32>
      tpu.vector_store %arg19[%swap3A_575, %swap3A_576], %swap3A_579 {strides = array<i32>} : memref<128x64xf32, #tpu.memory_space<vmem>>, vector<1x16xf32>,
      %swap3A_580 = arith.index_cast %scan3A_568 : i32 to index
      %swap3A_581 = arith.constant 32 : index
      %swap3A_582 = tpu.vector_load %arg19[%swap3A_580, %swap3A_581] {strides = array<i32>} : memref<128x64xf32, #tpu.memory_space<vmem>>, vector<1x16xf32>,
      %swap3A_583 = vector.shape_cast %swap3A_582 : vector<1x16xf32> to vector<16xf32>
      %swap3A_584 = vector.shape_cast %broadcast_in_dim3A_0 : vector<16xf32> to vector<1x16xf32>
      tpu.vector_store %arg19[%swap3A_580, %swap3A_581], %swap3A_584 {strides = array<i32>} : memref<128x64xf32, #tpu.memory_space<vmem>>, vector<1x16xf32>,
      %swap3A_585 = arith.index_cast %scan3A_568 : i32 to index
      %swap3A_586 = arith.constant 48 : index
      %swap3A_587 = tpu.vector_load %arg19[%swap3A_585, %swap3A_586] {strides = array<i32>} : memref<128x64xf32, #tpu.memory_space<vmem>>, vector<1x16xf32>,
      %swap3A_588 = vector.shape_cast %swap3A_587 : vector<1x16xf32> to vector<16xf32>
      %swap3A_589 = vector.shape_cast %broadcast_in_dim3A_0 : vector<16xf32> to vector<1x16xf32>
      tpu.vector_store %arg19[%swap3A_585, %swap3A_586], %swap3A_589 {strides = array<i32>} : memref<128x64xf32, #tpu.memory_space<vmem>>, vector<1x16xf32>,
      %scan3A_590 = arith.constant 0 : i32
      scf.yield %scan3A_590 : i32
    }
    %scan3A_8 = arith.constant 128 : i32
    %scan3A_9 = arith.constant 0 : i32
    %scan3A_10 = arith.constant 0 : i32
    %scan3A_11 = arith.constant 40 : i32
    %scan3A_12 = arith.addi %scan3A_10, %scan3A_11 : i32
    %scan3A_13 = arith.constant 1 : i32
    %scan3A_14 = scf.for %scan3A_568 = %scan3A_10 to %scan3A_12 step %scan3A_13 iter_args(%scan3A_569 = %scan3A_9) -> (i32)  : i32 {
      %mul3A_570 = arith.constant 16 : i32
      %mul3A_571 = arith.muli %scan3A_568, %mul3A_570 : i32
      %swap3A_572 = arith.index_cast %mul3A_571 : i32 to index
      %swap3A_573 = tpu.vector_load %arg20[%swap3A_572] {strides = array<i32>} : memref<640xf32, #tpu.memory_space<vmem>>, vector<16xf32>,
      %swap3A_574 = vector.shape_cast %swap3A_573 : vector<16xf32> to vector<16xf32>
      %swap3A_575 = vector.shape_cast %broadcast_in_dim3A_0 : vector<16xf32> to vector<16xf32>
      tpu.vector_store %arg20[%swap3A_572], %swap3A_575 {strides = array<i32>} : memref<640xf32, #tpu.memory_space<vmem>>, vector<16xf32>,
      %scan3A_576 = arith.constant 0 : i32
      scf.yield %scan3A_576 : i32
    }
    %scan3A_15 = arith.constant 40 : i32
    %swap3A = arith.constant 0 : index
    %swap3A_16 = tpu.vector_load %arg18[%swap3A] {strides = array<i32>} : memref<128xf32, #tpu.memory_space<vmem>>, vector<16xf32>,
    %swap3A_17 = vector.shape_cast %swap3A_16 : vector<16xf32> to vector<16xf32>
    %swap3A_18 = vector.shape_cast %broadcast_in_dim3A_2 : vector<16xf32> to vector<16xf32>
    tpu.vector_store %arg18[%swap3A], %swap3A_18 {strides = array<i32>} : memref<128xf32, #tpu.memory_space<vmem>>, vector<16xf32>,
    %swap3A_19 = arith.constant 16 : index
    %swap3A_20 = tpu.vector_load %arg18[%swap3A_19] {strides = array<i32>} : memref<128xf32, #tpu.memory_space<vmem>>, vector<16xf32>,
    %swap3A_21 = vector.shape_cast %swap3A_20 : vector<16xf32> to vector<16xf32>
    %swap3A_22 = vector.shape_cast %broadcast_in_dim3A_2 : vector<16xf32> to vector<16xf32>
    tpu.vector_store %arg18[%swap3A_19], %swap3A_22 {strides = array<i32>} : memref<128xf32, #tpu.memory_space<vmem>>, vector<16xf32>,
    %swap3A_23 = arith.constant 32 : index
    %swap3A_24 = tpu.vector_load %arg18[%swap3A_23] {strides = array<i32>} : memref<128xf32, #tpu.memory_space<vmem>>, vector<16xf32>,
    %swap3A_25 = vector.shape_cast %swap3A_24 : vector<16xf32> to vector<16xf32>
    %swap3A_26 = vector.shape_cast %broadcast_in_dim3A_2 : vector<16xf32> to vector<16xf32>
    tpu.vector_store %arg18[%swap3A_23], %swap3A_26 {strides = array<i32>} : memref<128xf32, #tpu.memory_space<vmem>>, vector<16xf32>,
    %swap3A_27 = arith.constant 48 : index
    %swap3A_28 = tpu.vector_load %arg18[%swap3A_27] {strides = array<i32>} : memref<128xf32, #tpu.memory_space<vmem>>, vector<16xf32>,
    %swap3A_29 = vector.shape_cast %swap3A_28 : vector<16xf32> to vector<16xf32>
    %swap3A_30 = vector.shape_cast %broadcast_in_dim3A_2 : vector<16xf32> to vector<16xf32>
    tpu.vector_store %arg18[%swap3A_27], %swap3A_30 {strides = array<i32>} : memref<128xf32, #tpu.memory_space<vmem>>, vector<16xf32>,
    %swap3A_31 = arith.constant 64 : index
    %swap3A_32 = tpu.vector_load %arg18[%swap3A_31] {strides = array<i32>} : memref<128xf32, #tpu.memory_space<vmem>>, vector<16xf32>,
    %swap3A_33 = vector.shape_cast %swap3A_32 : vector<16xf32> to vector<16xf32>
    %swap3A_34 = vector.shape_cast %broadcast_in_dim3A_2 : vector<16xf32> to vector<16xf32>
    tpu.vector_store %arg18[%swap3A_31], %swap3A_34 {strides = array<i32>} : memref<128xf32, #tpu.memory_space<vmem>>, vector<16xf32>,
    %swap3A_35 = arith.constant 80 : index
    %swap3A_36 = tpu.vector_load %arg18[%swap3A_35] {strides = array<i32>} : memref<128xf32, #tpu.memory_space<vmem>>, vector<16xf32>,
    %swap3A_37 = vector.shape_cast %swap3A_36 : vector<16xf32> to vector<16xf32>
    %swap3A_38 = vector.shape_cast %broadcast_in_dim3A_2 : vector<16xf32> to vector<16xf32>
    tpu.vector_store %arg18[%swap3A_35], %swap3A_38 {strides = array<i32>} : memref<128xf32, #tpu.memory_space<vmem>>, vector<16xf32>,
    %swap3A_39 = arith.constant 96 : index
    %swap3A_40 = tpu.vector_load %arg18[%swap3A_39] {strides = array<i32>} : memref<128xf32, #tpu.memory_space<vmem>>, vector<16xf32>,
    %swap3A_41 = vector.shape_cast %swap3A_40 : vector<16xf32> to vector<16xf32>
    %swap3A_42 = vector.shape_cast %broadcast_in_dim3A_2 : vector<16xf32> to vector<16xf32>
    tpu.vector_store %arg18[%swap3A_39], %swap3A_42 {strides = array<i32>} : memref<128xf32, #tpu.memory_space<vmem>>, vector<16xf32>,
    %swap3A_43 = arith.constant 112 : index
    %swap3A_44 = tpu.vector_load %arg18[%swap3A_43] {strides = array<i32>} : memref<128xf32, #tpu.memory_space<vmem>>, vector<16xf32>,
    %swap3A_45 = vector.shape_cast %swap3A_44 : vector<16xf32> to vector<16xf32>
    %swap3A_46 = vector.shape_cast %broadcast_in_dim3A_2 : vector<16xf32> to vector<16xf32>
    tpu.vector_store %arg18[%swap3A_43], %swap3A_46 {strides = array<i32>} : memref<128xf32, #tpu.memory_space<vmem>>, vector<16xf32>,
    %mul3A = arith.constant 640 : i32
    %mul3A_47 = arith.muli %arg1, %mul3A : i32
    %add3A = arith.constant 0 : i32
    %add3A_48 = arith.addi %mul3A_47, %add3A : i32
    "tpu.region"() ({
      %run_scoped3A_568 = tpu.sem_alloc : memref<!tpu.dma_semaphore, #tpu.memory_space<semaphore_mem>>
      %dma_start3A_569 = arith.constant 0 : i32
      %dma_start3A_570 = tpu.memref_slice %arg21[%add3A_48, %dma_start3A_569] : memref<10240x64xf32, #tpu.memory_space<vmem_shared>> -> memref<128x64xf32, #tpu.memory_space<vmem_shared>>
      %dma_start3A_571 = arith.constant 0 : i32
      %dma_start3A_572 = tpu.memref_slice %arg21[%add3A_48, %dma_start3A_571] : memref<10240x64xf32, #tpu.memory_space<vmem_shared>> -> memref<128x64xf32, #tpu.memory_space<vmem_shared>>
      tpu.enqueue_dma source(%arg19 : memref<128x64xf32, #tpu.memory_space<vmem>>) target(%dma_start3A_572 : memref<128x64xf32, #tpu.memory_space<vmem_shared>>) target_semaphore(%run_scoped3A_568 : memref<!tpu.dma_semaphore, #tpu.memory_space<semaphore_mem>>)
      %dma_wait3A_573 = arith.constant 0 : i32
      %dma_wait3A_574 = tpu.memref_slice %arg21[%add3A_48, %dma_wait3A_573] : memref<10240x64xf32, #tpu.memory_space<vmem_shared>> -> memref<128x64xf32, #tpu.memory_space<vmem_shared>>
      %dma_wait3A_575 = arith.constant 0 : i32
      %dma_wait3A_576 = tpu.memref_slice %arg21[%add3A_48, %dma_wait3A_575] : memref<10240x64xf32, #tpu.memory_space<vmem_shared>> -> memref<128x64xf32, #tpu.memory_space<vmem_shared>>
      tpu.wait_dma2 semaphore(%run_scoped3A_568 : memref<!tpu.dma_semaphore, #tpu.memory_space<semaphore_mem>>) src(%arg19 : memref<128x64xf32, #tpu.memory_space<vmem>>) dst(%dma_wait3A_576 : memref<128x64xf32, #tpu.memory_space<vmem_shared>>)
      tpu.yield
    }) : () -> ()
    %mul3A_49 = arith.constant 640 : i32
    %mul3A_50 = arith.muli %arg1, %mul3A_49 : i32
    %add3A_51 = arith.constant 128 : i32
    %add3A_52 = arith.addi %mul3A_50, %add3A_51 : i32
    "tpu.region"() ({
      %run_scoped3A_568 = tpu.sem_alloc : memref<!tpu.dma_semaphore, #tpu.memory_space<semaphore_mem>>
      %dma_start3A_569 = arith.constant 0 : i32
      %dma_start3A_570 = tpu.memref_slice %arg21[%add3A_52, %dma_start3A_569] : memref<10240x64xf32, #tpu.memory_space<vmem_shared>> -> memref<128x64xf32, #tpu.memory_space<vmem_shared>>
      %dma_start3A_571 = arith.constant 0 : i32
      %dma_start3A_572 = tpu.memref_slice %arg21[%add3A_52, %dma_start3A_571] : memref<10240x64xf32, #tpu.memory_space<vmem_shared>> -> memref<128x64xf32, #tpu.memory_space<vmem_shared>>
      tpu.enqueue_dma source(%arg19 : memref<128x64xf32, #tpu.memory_space<vmem>>) target(%dma_start3A_572 : memref<128x64xf32, #tpu.memory_space<vmem_shared>>) target_semaphore(%run_scoped3A_568 : memref<!tpu.dma_semaphore, #tpu.memory_space<semaphore_mem>>)
      %dma_wait3A_573 = arith.constant 0 : i32
      %dma_wait3A_574 = tpu.memref_slice %arg21[%add3A_52, %dma_wait3A_573] : memref<10240x64xf32, #tpu.memory_space<vmem_shared>> -> memref<128x64xf32, #tpu.memory_space<vmem_shared>>
      %dma_wait3A_575 = arith.constant 0 : i32
      %dma_wait3A_576 = tpu.memref_slice %arg21[%add3A_52, %dma_wait3A_575] : memref<10240x64xf32, #tpu.memory_space<vmem_shared>> -> memref<128x64xf32, #tpu.memory_space<vmem_shared>>
      tpu.wait_dma2 semaphore(%run_scoped3A_568 : memref<!tpu.dma_semaphore, #tpu.memory_space<semaphore_mem>>) src(%arg19 : memref<128x64xf32, #tpu.memory_space<vmem>>) dst(%dma_wait3A_576 : memref<128x64xf32, #tpu.memory_space<vmem_shared>>)
      tpu.yield
    }) : () -> ()
    %mul3A_53 = arith.constant 640 : i32
    %mul3A_54 = arith.muli %arg1, %mul3A_53 : i32
    %add3A_55 = arith.constant 256 : i32
    %add3A_56 = arith.addi %mul3A_54, %add3A_55 : i32
    "tpu.region"() ({
      %run_scoped3A_568 = tpu.sem_alloc : memref<!tpu.dma_semaphore, #tpu.memory_space<semaphore_mem>>
      %dma_start3A_569 = arith.constant 0 : i32
      %dma_start3A_570 = tpu.memref_slice %arg21[%add3A_56, %dma_start3A_569] : memref<10240x64xf32, #tpu.memory_space<vmem_shared>> -> memref<128x64xf32, #tpu.memory_space<vmem_shared>>
      %dma_start3A_571 = arith.constant 0 : i32
      %dma_start3A_572 = tpu.memref_slice %arg21[%add3A_56, %dma_start3A_571] : memref<10240x64xf32, #tpu.memory_space<vmem_shared>> -> memref<128x64xf32, #tpu.memory_space<vmem_shared>>
      tpu.enqueue_dma source(%arg19 : memref<128x64xf32, #tpu.memory_space<vmem>>) target(%dma_start3A_572 : memref<128x64xf32, #tpu.memory_space<vmem_shared>>) target_semaphore(%run_scoped3A_568 : memref<!tpu.dma_semaphore, #tpu.memory_space<semaphore_mem>>)
      %dma_wait3A_573 = arith.constant 0 : i32
      %dma_wait3A_574 = tpu.memref_slice %arg21[%add3A_56, %dma_wait3A_573] : memref<10240x64xf32, #tpu.memory_space<vmem_shared>> -> memref<128x64xf32, #tpu.memory_space<vmem_shared>>
      %dma_wait3A_575 = arith.constant 0 : i32
      %dma_wait3A_576 = tpu.memref_slice %arg21[%add3A_56, %dma_wait3A_575] : memref<10240x64xf32, #tpu.memory_space<vmem_shared>> -> memref<128x64xf32, #tpu.memory_space<vmem_shared>>
      tpu.wait_dma2 semaphore(%run_scoped3A_568 : memref<!tpu.dma_semaphore, #tpu.memory_space<semaphore_mem>>) src(%arg19 : memref<128x64xf32, #tpu.memory_space<vmem>>) dst(%dma_wait3A_576 : memref<128x64xf32, #tpu.memory_space<vmem_shared>>)
      tpu.yield
    }) : () -> ()
    %mul3A_57 = arith.constant 640 : i32
    %mul3A_58 = arith.muli %arg1, %mul3A_57 : i32
    %add3A_59 = arith.constant 384 : i32
    %add3A_60 = arith.addi %mul3A_58, %add3A_59 : i32
    "tpu.region"() ({
      %run_scoped3A_568 = tpu.sem_alloc : memref<!tpu.dma_semaphore, #tpu.memory_space<semaphore_mem>>
      %dma_start3A_569 = arith.constant 0 : i32
      %dma_start3A_570 = tpu.memref_slice %arg21[%add3A_60, %dma_start3A_569] : memref<10240x64xf32, #tpu.memory_space<vmem_shared>> -> memref<128x64xf32, #tpu.memory_space<vmem_shared>>
      %dma_start3A_571 = arith.constant 0 : i32
      %dma_start3A_572 = tpu.memref_slice %arg21[%add3A_60, %dma_start3A_571] : memref<10240x64xf32, #tpu.memory_space<vmem_shared>> -> memref<128x64xf32, #tpu.memory_space<vmem_shared>>
      tpu.enqueue_dma source(%arg19 : memref<128x64xf32, #tpu.memory_space<vmem>>) target(%dma_start3A_572 : memref<128x64xf32, #tpu.memory_space<vmem_shared>>) target_semaphore(%run_scoped3A_568 : memref<!tpu.dma_semaphore, #tpu.memory_space<semaphore_mem>>)
      %dma_wait3A_573 = arith.constant 0 : i32
      %dma_wait3A_574 = tpu.memref_slice %arg21[%add3A_60, %dma_wait3A_573] : memref<10240x64xf32, #tpu.memory_space<vmem_shared>> -> memref<128x64xf32, #tpu.memory_space<vmem_shared>>
      %dma_wait3A_575 = arith.constant 0 : i32
      %dma_wait3A_576 = tpu.memref_slice %arg21[%add3A_60, %dma_wait3A_575] : memref<10240x64xf32, #tpu.memory_space<vmem_shared>> -> memref<128x64xf32, #tpu.memory_space<vmem_shared>>
      tpu.wait_dma2 semaphore(%run_scoped3A_568 : memref<!tpu.dma_semaphore, #tpu.memory_space<semaphore_mem>>) src(%arg19 : memref<128x64xf32, #tpu.memory_space<vmem>>) dst(%dma_wait3A_576 : memref<128x64xf32, #tpu.memory_space<vmem_shared>>)
      tpu.yield
    }) : () -> ()
    %mul3A_61 = arith.constant 640 : i32
    %mul3A_62 = arith.muli %arg1, %mul3A_61 : i32
    %add3A_63 = arith.constant 512 : i32
    %add3A_64 = arith.addi %mul3A_62, %add3A_63 : i32
    "tpu.region"() ({
      %run_scoped3A_568 = tpu.sem_alloc : memref<!tpu.dma_semaphore, #tpu.memory_space<semaphore_mem>>
      %dma_start3A_569 = arith.constant 0 : i32
      %dma_start3A_570 = tpu.memref_slice %arg21[%add3A_64, %dma_start3A_569] : memref<10240x64xf32, #tpu.memory_space<vmem_shared>> -> memref<128x64xf32, #tpu.memory_space<vmem_shared>>
      %dma_start3A_571 = arith.constant 0 : i32
      %dma_start3A_572 = tpu.memref_slice %arg21[%add3A_64, %dma_start3A_571] : memref<10240x64xf32, #tpu.memory_space<vmem_shared>> -> memref<128x64xf32, #tpu.memory_space<vmem_shared>>
      tpu.enqueue_dma source(%arg19 : memref<128x64xf32, #tpu.memory_space<vmem>>) target(%dma_start3A_572 : memref<128x64xf32, #tpu.memory_space<vmem_shared>>) target_semaphore(%run_scoped3A_568 : memref<!tpu.dma_semaphore, #tpu.memory_space<semaphore_mem>>)
      %dma_wait3A_573 = arith.constant 0 : i32
      %dma_wait3A_574 = tpu.memref_slice %arg21[%add3A_64, %dma_wait3A_573] : memref<10240x64xf32, #tpu.memory_space<vmem_shared>> -> memref<128x64xf32, #tpu.memory_space<vmem_shared>>
      %dma_wait3A_575 = arith.constant 0 : i32
      %dma_wait3A_576 = tpu.memref_slice %arg21[%add3A_64, %dma_wait3A_575] : memref<10240x64xf32, #tpu.memory_space<vmem_shared>> -> memref<128x64xf32, #tpu.memory_space<vmem_shared>>
      tpu.wait_dma2 semaphore(%run_scoped3A_568 : memref<!tpu.dma_semaphore, #tpu.memory_space<semaphore_mem>>) src(%arg19 : memref<128x64xf32, #tpu.memory_space<vmem>>) dst(%dma_wait3A_576 : memref<128x64xf32, #tpu.memory_space<vmem_shared>>)
      tpu.yield
    }) : () -> ()
    %mul3A_65 = arith.constant 640 : i32
    %mul3A_66 = arith.muli %arg1, %mul3A_65 : i32
    "tpu.region"() ({
      %run_scoped3A_568 = tpu.sem_alloc : memref<!tpu.dma_semaphore, #tpu.memory_space<semaphore_mem>>
      %dma_start3A_569 = tpu.memref_slice %arg22[%mul3A_66] : memref<10240xf32, #tpu.memory_space<vmem_shared>> -> memref<640xf32, #tpu.memory_space<vmem_shared>>
      %dma_start3A_570 = tpu.memref_slice %arg22[%mul3A_66] : memref<10240xf32, #tpu.memory_space<vmem_shared>> -> memref<640xf32, #tpu.memory_space<vmem_shared>>
      tpu.enqueue_dma source(%arg20 : memref<640xf32, #tpu.memory_space<vmem>>) target(%dma_start3A_570 : memref<640xf32, #tpu.memory_space<vmem_shared>>) target_semaphore(%run_scoped3A_568 : memref<!tpu.dma_semaphore, #tpu.memory_space<semaphore_mem>>)
      %dma_wait3A_571 = tpu.memref_slice %arg22[%mul3A_66] : memref<10240xf32, #tpu.memory_space<vmem_shared>> -> memref<640xf32, #tpu.memory_space<vmem_shared>>
      %dma_wait3A_572 = tpu.memref_slice %arg22[%mul3A_66] : memref<10240xf32, #tpu.memory_space<vmem_shared>> -> memref<640xf32, #tpu.memory_space<vmem_shared>>
      tpu.wait_dma2 semaphore(%run_scoped3A_568 : memref<!tpu.dma_semaphore, #tpu.memory_space<semaphore_mem>>) src(%arg20 : memref<640xf32, #tpu.memory_space<vmem>>) dst(%dma_wait3A_572 : memref<640xf32, #tpu.memory_space<vmem_shared>>)
      tpu.yield
    }) : () -> ()
    %eq3A = arith.constant 0 : i32
    %eq3A_67 = arith.cmpi eq, %arg1, %eq3A : i32
    %eq3A_68 = arith.constant 0 : i32
    %eq3A_69 = arith.cmpi eq, %arg0, %eq3A_68 : i32
    %and3A = arith.andi %eq3A_67, %eq3A_69 : i1
    %convert_element_type3A = arith.extui %and3A : i1 to i32
    %cond3A = arith.constant 0 : i32
    %cond3A_70 = arith.cmpi ne, %convert_element_type3A, %cond3A : i32
    scf.if %cond3A_70 {
      "tpu.region"() ({
        %run_scoped3A_568 = tpu.sem_alloc : memref<!tpu.dma_semaphore, #tpu.memory_space<semaphore_mem>>
        tpu.enqueue_dma source(%arg6 : memref<200x64xf32, #tpu.memory_space<hbm>>) target(%arg23 : memref<200x64xf32, #tpu.memory_space<vmem_shared>>) target_semaphore(%run_scoped3A_568 : memref<!tpu.dma_semaphore, #tpu.memory_space<semaphore_mem>>)
        tpu.wait_dma2 semaphore(%run_scoped3A_568 : memref<!tpu.dma_semaphore, #tpu.memory_space<semaphore_mem>>) src(%arg6 : memref<200x64xf32, #tpu.memory_space<hbm>>) dst(%arg23 : memref<200x64xf32, #tpu.memory_space<vmem_shared>>)
        tpu.yield
      }) : () -> ()
    } else {
    }
    %eq3A_71 = arith.constant 0 : i32
    %eq3A_72 = arith.cmpi eq, %arg1, %eq3A_71 : i32
    %eq3A_73 = arith.constant 1 : i32
    %eq3A_74 = arith.cmpi eq, %arg0, %eq3A_73 : i32
    %and3A_75 = arith.andi %eq3A_72, %eq3A_74 : i1
    %convert_element_type3A_76 = arith.extui %and3A_75 : i1 to i32
    %cond3A_77 = arith.constant 0 : i32
    %cond3A_78 = arith.cmpi ne, %convert_element_type3A_76, %cond3A_77 : i32
    scf.if %cond3A_78 {
      "tpu.region"() ({
        %run_scoped3A_568 = tpu.sem_alloc : memref<!tpu.dma_semaphore, #tpu.memory_space<semaphore_mem>>
        tpu.enqueue_dma source(%arg7 : memref<200x64xf32, #tpu.memory_space<hbm>>) target(%arg23 : memref<200x64xf32, #tpu.memory_space<vmem_shared>>) target_semaphore(%run_scoped3A_568 : memref<!tpu.dma_semaphore, #tpu.memory_space<semaphore_mem>>)
        tpu.wait_dma2 semaphore(%run_scoped3A_568 : memref<!tpu.dma_semaphore, #tpu.memory_space<semaphore_mem>>) src(%arg7 : memref<200x64xf32, #tpu.memory_space<hbm>>) dst(%arg23 : memref<200x64xf32, #tpu.memory_space<vmem_shared>>)
        tpu.yield
      }) : () -> ()
    } else {
    }
    %barrier3A = arith.constant 0 : index
    tpu.barrier barrier_id(%barrier3A)
    %eq3A_79 = arith.constant 0 : i32
    %eq3A_80 = arith.cmpi eq, %arg0, %eq3A_79 : i32
    %run_scoped3A = arith.constant 0 : i32
    "tpu.region"() ({
      %run_scoped3A_568 = tpu.sem_alloc : memref<!tpu.dma_semaphore, #tpu.memory_space<semaphore_mem>>
      %dma_start3A_569 = arith.constant 0 : i32
      %dma_start3A_570 = arith.constant 0 : i32
      %dma_start3A_571 = tpu.memref_slice %arg4[%run_scoped3A, %arg1, %dma_start3A_569, %dma_start3A_570] : memref<2x16x160x125xi32, #tpu.memory_space<hbm>> -> memref<1x1x80x125xi32, #tpu.memory_space<hbm>>
      %dma_start3A_572 = tpu.memref_squeeze %dma_start3A_571 : memref<1x1x80x125xi32, #tpu.memory_space<hbm>> -> memref<80x125xi32, #tpu.memory_space<hbm>>
      %dma_start3A_573 = arith.constant 0 : i32
      %dma_start3A_574 = arith.constant 0 : i32
      %dma_start3A_575 = tpu.memref_slice %arg4[%run_scoped3A, %arg1, %dma_start3A_573, %dma_start3A_574] : memref<2x16x160x125xi32, #tpu.memory_space<hbm>> -> memref<1x1x80x125xi32, #tpu.memory_space<hbm>>
      %dma_start3A_576 = tpu.memref_squeeze %dma_start3A_575 : memref<1x1x80x125xi32, #tpu.memory_space<hbm>> -> memref<80x125xi32, #tpu.memory_space<hbm>>
      tpu.enqueue_dma source(%dma_start3A_576 : memref<80x125xi32, #tpu.memory_space<hbm>>) target(%arg11 : memref<80x125xi32, #tpu.memory_space<vmem>>) target_semaphore(%run_scoped3A_568 : memref<!tpu.dma_semaphore, #tpu.memory_space<semaphore_mem>>)
      %dma_wait3A_577 = arith.constant 0 : i32
      %dma_wait3A_578 = arith.constant 0 : i32
      %dma_wait3A_579 = tpu.memref_slice %arg4[%run_scoped3A, %arg1, %dma_wait3A_577, %dma_wait3A_578] : memref<2x16x160x125xi32, #tpu.memory_space<hbm>> -> memref<1x1x80x125xi32, #tpu.memory_space<hbm>>
      %dma_wait3A_580 = tpu.memref_squeeze %dma_wait3A_579 : memref<1x1x80x125xi32, #tpu.memory_space<hbm>> -> memref<80x125xi32, #tpu.memory_space<hbm>>
      %dma_wait3A_581 = arith.constant 0 : i32
      %dma_wait3A_582 = arith.constant 0 : i32
      %dma_wait3A_583 = tpu.memref_slice %arg4[%run_scoped3A, %arg1, %dma_wait3A_581, %dma_wait3A_582] : memref<2x16x160x125xi32, #tpu.memory_space<hbm>> -> memref<1x1x80x125xi32, #tpu.memory_space<hbm>>
      %dma_wait3A_584 = tpu.memref_squeeze %dma_wait3A_583 : memref<1x1x80x125xi32, #tpu.memory_space<hbm>> -> memref<80x125xi32, #tpu.memory_space<hbm>>
      tpu.wait_dma2 semaphore(%run_scoped3A_568 : memref<!tpu.dma_semaphore, #tpu.memory_space<semaphore_mem>>) src(%dma_wait3A_584 : memref<80x125xi32, #tpu.memory_space<hbm>>) dst(%arg11 : memref<80x125xi32, #tpu.memory_space<vmem>>)
      tpu.yield
    }) : () -> ()
    %run_scoped3A_81 = arith.constant 1 : i32
    "tpu.region"() ({
      %run_scoped3A_568 = tpu.sem_alloc : memref<!tpu.dma_semaphore, #tpu.memory_space<semaphore_mem>>
      %dma_start3A_569 = arith.constant 0 : i32
      %dma_start3A_570 = arith.constant 0 : i32
      %dma_start3A_571 = tpu.memref_slice %arg4[%run_scoped3A_81, %arg1, %dma_start3A_569, %dma_start3A_570] : memref<2x16x160x125xi32, #tpu.memory_space<hbm>> -> memref<1x1x80x125xi32, #tpu.memory_space<hbm>>
      %dma_start3A_572 = tpu.memref_squeeze %dma_start3A_571 : memref<1x1x80x125xi32, #tpu.memory_space<hbm>> -> memref<80x125xi32, #tpu.memory_space<hbm>>
      %dma_start3A_573 = arith.constant 0 : i32
      %dma_start3A_574 = arith.constant 0 : i32
      %dma_start3A_575 = tpu.memref_slice %arg4[%run_scoped3A_81, %arg1, %dma_start3A_573, %dma_start3A_574] : memref<2x16x160x125xi32, #tpu.memory_space<hbm>> -> memref<1x1x80x125xi32, #tpu.memory_space<hbm>>
      %dma_start3A_576 = tpu.memref_squeeze %dma_start3A_575 : memref<1x1x80x125xi32, #tpu.memory_space<hbm>> -> memref<80x125xi32, #tpu.memory_space<hbm>>
      tpu.enqueue_dma source(%dma_start3A_576 : memref<80x125xi32, #tpu.memory_space<hbm>>) target(%arg12 : memref<80x125xi32, #tpu.memory_space<vmem>>) target_semaphore(%run_scoped3A_568 : memref<!tpu.dma_semaphore, #tpu.memory_space<semaphore_mem>>)
      %dma_wait3A_577 = arith.constant 0 : i32
      %dma_wait3A_578 = arith.constant 0 : i32
      %dma_wait3A_579 = tpu.memref_slice %arg4[%run_scoped3A_81, %arg1, %dma_wait3A_577, %dma_wait3A_578] : memref<2x16x160x125xi32, #tpu.memory_space<hbm>> -> memref<1x1x80x125xi32, #tpu.memory_space<hbm>>
      %dma_wait3A_580 = tpu.memref_squeeze %dma_wait3A_579 : memref<1x1x80x125xi32, #tpu.memory_space<hbm>> -> memref<80x125xi32, #tpu.memory_space<hbm>>
      %dma_wait3A_581 = arith.constant 0 : i32
      %dma_wait3A_582 = arith.constant 0 : i32
      %dma_wait3A_583 = tpu.memref_slice %arg4[%run_scoped3A_81, %arg1, %dma_wait3A_581, %dma_wait3A_582] : memref<2x16x160x125xi32, #tpu.memory_space<hbm>> -> memref<1x1x80x125xi32, #tpu.memory_space<hbm>>
      %dma_wait3A_584 = tpu.memref_squeeze %dma_wait3A_583 : memref<1x1x80x125xi32, #tpu.memory_space<hbm>> -> memref<80x125xi32, #tpu.memory_space<hbm>>
      tpu.wait_dma2 semaphore(%run_scoped3A_568 : memref<!tpu.dma_semaphore, #tpu.memory_space<semaphore_mem>>) src(%dma_wait3A_584 : memref<80x125xi32, #tpu.memory_space<hbm>>) dst(%arg12 : memref<80x125xi32, #tpu.memory_space<vmem>>)
      tpu.yield
    }) : () -> ()
    "tpu.region"() ({
      %run_scoped3A_568 = tpu.sem_alloc : memref<!tpu.dma_semaphore, #tpu.memory_space<semaphore_mem>>
      %dma_start3A_569 = arith.constant 0 : i32
      %dma_start3A_570 = arith.constant 0 : i32
      %dma_start3A_571 = tpu.memref_slice %arg5[%arg1, %dma_start3A_569, %dma_start3A_570] : memref<16x160x125xi32, #tpu.memory_space<hbm>> -> memref<1x80x125xi32, #tpu.memory_space<hbm>>
      %dma_start3A_572 = tpu.memref_squeeze %dma_start3A_571 : memref<1x80x125xi32, #tpu.memory_space<hbm>> -> memref<80x125xi32, #tpu.memory_space<hbm>>
      %dma_start3A_573 = arith.constant 0 : i32
      %dma_start3A_574 = arith.constant 0 : i32
      %dma_start3A_575 = tpu.memref_slice %arg5[%arg1, %dma_start3A_573, %dma_start3A_574] : memref<16x160x125xi32, #tpu.memory_space<hbm>> -> memref<1x80x125xi32, #tpu.memory_space<hbm>>
      %dma_start3A_576 = tpu.memref_squeeze %dma_start3A_575 : memref<1x80x125xi32, #tpu.memory_space<hbm>> -> memref<80x125xi32, #tpu.memory_space<hbm>>
      tpu.enqueue_dma source(%dma_start3A_576 : memref<80x125xi32, #tpu.memory_space<hbm>>) target(%arg13 : memref<80x125xi32, #tpu.memory_space<vmem>>) target_semaphore(%run_scoped3A_568 : memref<!tpu.dma_semaphore, #tpu.memory_space<semaphore_mem>>)
      %dma_wait3A_577 = arith.constant 0 : i32
      %dma_wait3A_578 = arith.constant 0 : i32
      %dma_wait3A_579 = tpu.memref_slice %arg5[%arg1, %dma_wait3A_577, %dma_wait3A_578] : memref<16x160x125xi32, #tpu.memory_space<hbm>> -> memref<1x80x125xi32, #tpu.memory_space<hbm>>
      %dma_wait3A_580 = tpu.memref_squeeze %dma_wait3A_579 : memref<1x80x125xi32, #tpu.memory_space<hbm>> -> memref<80x125xi32, #tpu.memory_space<hbm>>
      %dma_wait3A_581 = arith.constant 0 : i32
      %dma_wait3A_582 = arith.constant 0 : i32
      %dma_wait3A_583 = tpu.memref_slice %arg5[%arg1, %dma_wait3A_581, %dma_wait3A_582] : memref<16x160x125xi32, #tpu.memory_space<hbm>> -> memref<1x80x125xi32, #tpu.memory_space<hbm>>
      %dma_wait3A_584 = tpu.memref_squeeze %dma_wait3A_583 : memref<1x80x125xi32, #tpu.memory_space<hbm>> -> memref<80x125xi32, #tpu.memory_space<hbm>>
      tpu.wait_dma2 semaphore(%run_scoped3A_568 : memref<!tpu.dma_semaphore, #tpu.memory_space<semaphore_mem>>) src(%dma_wait3A_584 : memref<80x125xi32, #tpu.memory_space<hbm>>) dst(%arg13 : memref<80x125xi32, #tpu.memory_space<vmem>>)
      tpu.yield
    }) : () -> ()
    %eq3A_82 = arith.constant 0 : i32
    %eq3A_83 = arith.cmpi eq, %arg0, %eq3A_82 : i32
    %convert_element_type3A_84 = arith.extui %eq3A_83 : i1 to i32
    %cond3A_85 = arith.constant 0 : i32
    %cond3A_86 = arith.cmpi ne, %convert_element_type3A_84, %cond3A_85 : i32
    scf.if %cond3A_86 {
      %dma_start3A_568 = arith.constant 0 : i32
      %dma_start3A_569 = arith.constant 0 : i32
      %dma_start3A_570 = tpu.memref_slice %arg11[%dma_start3A_568, %dma_start3A_569] : memref<80x125xi32, #tpu.memory_space<vmem>> -> memref<1x125xi32, #tpu.memory_space<vmem>>
      %dma_start3A_571 = tpu.memref_squeeze %dma_start3A_570 : memref<1x125xi32, #tpu.memory_space<vmem>> -> memref<125xi32, #tpu.memory_space<vmem>>
      %dma_start3A_572 = arith.constant 0 : i32
      %dma_start3A_573 = arith.constant 0 : i32
      %dma_start3A_574 = tpu.memref_slice %arg2[%dma_start3A_572, %dma_start3A_573] : memref<10000x64xf32, #tpu.memory_space<hbm>> -> memref<10000x64xf32, #tpu.memory_space<hbm>>
      tpu.enqueue_indirect_dma source(%dma_start3A_574 : memref<10000x64xf32, #tpu.memory_space<hbm>>) target(%arg14 : memref<125x64xf32, #tpu.memory_space<vmem>>) offsets(%dma_start3A_571 : memref<125xi32, #tpu.memory_space<vmem>>) semaphore(%arg24 : memref<!tpu.dma_semaphore, #tpu.memory_space<semaphore_mem>>)
    } else {
    }
    %eq3A_87 = arith.constant 1 : i32
    %eq3A_88 = arith.cmpi eq, %arg0, %eq3A_87 : i32
    %convert_element_type3A_89 = arith.extui %eq3A_88 : i1 to i32
    %cond3A_90 = arith.constant 0 : i32
    %cond3A_91 = arith.cmpi ne, %convert_element_type3A_89, %cond3A_90 : i32
    scf.if %cond3A_91 {
      %dma_start3A_568 = arith.constant 0 : i32
      %dma_start3A_569 = arith.constant 0 : i32
      %dma_start3A_570 = tpu.memref_slice %arg11[%dma_start3A_568, %dma_start3A_569] : memref<80x125xi32, #tpu.memory_space<vmem>> -> memref<1x125xi32, #tpu.memory_space<vmem>>
      %dma_start3A_571 = tpu.memref_squeeze %dma_start3A_570 : memref<1x125xi32, #tpu.memory_space<vmem>> -> memref<125xi32, #tpu.memory_space<vmem>>
      %dma_start3A_572 = arith.constant 0 : i32
      %dma_start3A_573 = arith.constant 0 : i32
      %dma_start3A_574 = tpu.memref_slice %arg3[%dma_start3A_572, %dma_start3A_573] : memref<10000x64xf32, #tpu.memory_space<hbm>> -> memref<10000x64xf32, #tpu.memory_space<hbm>>
      tpu.enqueue_indirect_dma source(%dma_start3A_574 : memref<10000x64xf32, #tpu.memory_space<hbm>>) target(%arg14 : memref<125x64xf32, #tpu.memory_space<vmem>>) offsets(%dma_start3A_571 : memref<125xi32, #tpu.memory_space<vmem>>) semaphore(%arg24 : memref<!tpu.dma_semaphore, #tpu.memory_space<semaphore_mem>>)
    } else {
    }
    %dma_start3A = arith.constant 0 : i32
    %dma_start3A_92 = arith.constant 0 : i32
    %dma_start3A_93 = tpu.memref_slice %arg13[%dma_start3A, %dma_start3A_92] : memref<80x125xi32, #tpu.memory_space<vmem>> -> memref<1x125xi32, #tpu.memory_space<vmem>>
    %dma_start3A_94 = tpu.memref_squeeze %dma_start3A_93 : memref<1x125xi32, #tpu.memory_space<vmem>> -> memref<125xi32, #tpu.memory_space<vmem>>
    %dma_start3A_95 = arith.constant 0 : i32
    %dma_start3A_96 = arith.constant 0 : i32
    %dma_start3A_97 = tpu.memref_slice %arg23[%dma_start3A_95, %dma_start3A_96] : memref<200x64xf32, #tpu.memory_space<vmem_shared>> -> memref<200x64xf32, #tpu.memory_space<vmem_shared>>
    tpu.enqueue_indirect_dma source(%dma_start3A_97 : memref<200x64xf32, #tpu.memory_space<vmem_shared>>) target(%arg16 : memref<125x64xf32, #tpu.memory_space<vmem>>) offsets(%dma_start3A_94 : memref<125xi32, #tpu.memory_space<vmem>>) semaphore(%arg25 : memref<!tpu.dma_semaphore, #tpu.memory_space<semaphore_mem>>)
    %dma_start3A_98 = arith.constant 1 : i32
    %dma_start3A_99 = arith.constant 0 : i32
    %dma_start3A_100 = tpu.memref_slice %arg13[%dma_start3A_98, %dma_start3A_99] : memref<80x125xi32, #tpu.memory_space<vmem>> -> memref<1x125xi32, #tpu.memory_space<vmem>>
    %dma_start3A_101 = tpu.memref_squeeze %dma_start3A_100 : memref<1x125xi32, #tpu.memory_space<vmem>> -> memref<125xi32, #tpu.memory_space<vmem>>
    %dma_start3A_102 = arith.constant 0 : i32
    %dma_start3A_103 = arith.constant 0 : i32
    %dma_start3A_104 = tpu.memref_slice %arg23[%dma_start3A_102, %dma_start3A_103] : memref<200x64xf32, #tpu.memory_space<vmem_shared>> -> memref<200x64xf32, #tpu.memory_space<vmem_shared>>
    tpu.enqueue_indirect_dma source(%dma_start3A_104 : memref<200x64xf32, #tpu.memory_space<vmem_shared>>) target(%arg17 : memref<125x64xf32, #tpu.memory_space<vmem>>) offsets(%dma_start3A_101 : memref<125xi32, #tpu.memory_space<vmem>>) semaphore(%arg27 : memref<!tpu.dma_semaphore, #tpu.memory_space<semaphore_mem>>)
    %eq3A_105 = arith.constant 0 : i32
    %eq3A_106 = arith.cmpi eq, %arg0, %eq3A_105 : i32
    %convert_element_type3A_107 = arith.extui %eq3A_106 : i1 to i32
    %cond3A_108 = arith.constant 0 : i32
    %cond3A_109 = arith.cmpi ne, %convert_element_type3A_107, %cond3A_108 : i32
    scf.if %cond3A_109 {
      %dma_start3A_568 = arith.constant 1 : i32
      %dma_start3A_569 = arith.constant 0 : i32
      %dma_start3A_570 = tpu.memref_slice %arg11[%dma_start3A_568, %dma_start3A_569] : memref<80x125xi32, #tpu.memory_space<vmem>> -> memref<1x125xi32, #tpu.memory_space<vmem>>
      %dma_start3A_571 = tpu.memref_squeeze %dma_start3A_570 : memref<1x125xi32, #tpu.memory_space<vmem>> -> memref<125xi32, #tpu.memory_space<vmem>>
      %dma_start3A_572 = arith.constant 0 : i32
      %dma_start3A_573 = arith.constant 0 : i32
      %dma_start3A_574 = tpu.memref_slice %arg2[%dma_start3A_572, %dma_start3A_573] : memref<10000x64xf32, #tpu.memory_space<hbm>> -> memref<10000x64xf32, #tpu.memory_space<hbm>>
      tpu.enqueue_indirect_dma source(%dma_start3A_574 : memref<10000x64xf32, #tpu.memory_space<hbm>>) target(%arg15 : memref<125x64xf32, #tpu.memory_space<vmem>>) offsets(%dma_start3A_571 : memref<125xi32, #tpu.memory_space<vmem>>) semaphore(%arg26 : memref<!tpu.dma_semaphore, #tpu.memory_space<semaphore_mem>>)
    } else {
    }
    %eq3A_110 = arith.constant 1 : i32
    %eq3A_111 = arith.cmpi eq, %arg0, %eq3A_110 : i32
    %convert_element_type3A_112 = arith.extui %eq3A_111 : i1 to i32
    %cond3A_113 = arith.constant 0 : i32
    %cond3A_114 = arith.cmpi ne, %convert_element_type3A_112, %cond3A_113 : i32
    scf.if %cond3A_114 {
      %dma_start3A_568 = arith.constant 1 : i32
      %dma_start3A_569 = arith.constant 0 : i32
      %dma_start3A_570 = tpu.memref_slice %arg11[%dma_start3A_568, %dma_start3A_569] : memref<80x125xi32, #tpu.memory_space<vmem>> -> memref<1x125xi32, #tpu.memory_space<vmem>>
      %dma_start3A_571 = tpu.memref_squeeze %dma_start3A_570 : memref<1x125xi32, #tpu.memory_space<vmem>> -> memref<125xi32, #tpu.memory_space<vmem>>
      %dma_start3A_572 = arith.constant 0 : i32
      %dma_start3A_573 = arith.constant 0 : i32
      %dma_start3A_574 = tpu.memref_slice %arg3[%dma_start3A_572, %dma_start3A_573] : memref<10000x64xf32, #tpu.memory_space<hbm>> -> memref<10000x64xf32, #tpu.memory_space<hbm>>
      tpu.enqueue_indirect_dma source(%dma_start3A_574 : memref<10000x64xf32, #tpu.memory_space<hbm>>) target(%arg15 : memref<125x64xf32, #tpu.memory_space<vmem>>) offsets(%dma_start3A_571 : memref<125xi32, #tpu.memory_space<vmem>>) semaphore(%arg26 : memref<!tpu.dma_semaphore, #tpu.memory_space<semaphore_mem>>)
    } else {
    }
    %eq3A_115 = arith.constant 0 : i32
    %eq3A_116 = arith.cmpi eq, %arg0, %eq3A_115 : i32
    %convert_element_type3A_117 = arith.extui %eq3A_116 : i1 to i32
    %cond3A_118 = arith.constant 0 : i32
    %cond3A_119 = arith.cmpi ne, %convert_element_type3A_117, %cond3A_118 : i32
    scf.if %cond3A_119 {
      %dma_wait3A_568 = arith.constant 0 : i32
      %dma_wait3A_569 = arith.constant 0 : i32
      %dma_wait3A_570 = tpu.memref_slice %arg11[%dma_wait3A_568, %dma_wait3A_569] : memref<80x125xi32, #tpu.memory_space<vmem>> -> memref<1x125xi32, #tpu.memory_space<vmem>>
      %dma_wait3A_571 = tpu.memref_squeeze %dma_wait3A_570 : memref<1x125xi32, #tpu.memory_space<vmem>> -> memref<125xi32, #tpu.memory_space<vmem>>
      %dma_wait3A_572 = arith.constant 0 : i32
      %dma_wait3A_573 = arith.constant 0 : i32
      %dma_wait3A_574 = tpu.memref_slice %arg2[%dma_wait3A_572, %dma_wait3A_573] : memref<10000x64xf32, #tpu.memory_space<hbm>> -> memref<10000x64xf32, #tpu.memory_space<hbm>>
      tpu.wait_indirect_dma semaphore(%arg24 : memref<!tpu.dma_semaphore, #tpu.memory_space<semaphore_mem>>) src(%dma_wait3A_574 : memref<10000x64xf32, #tpu.memory_space<hbm>>) dst(%arg14 : memref<125x64xf32, #tpu.memory_space<vmem>>)
    } else {
    }
    %eq3A_120 = arith.constant 1 : i32
    %eq3A_121 = arith.cmpi eq, %arg0, %eq3A_120 : i32
    %convert_element_type3A_122 = arith.extui %eq3A_121 : i1 to i32
    %cond3A_123 = arith.constant 0 : i32
    %cond3A_124 = arith.cmpi ne, %convert_element_type3A_122, %cond3A_123 : i32
    scf.if %cond3A_124 {
      %dma_wait3A_568 = arith.constant 0 : i32
      %dma_wait3A_569 = arith.constant 0 : i32
      %dma_wait3A_570 = tpu.memref_slice %arg11[%dma_wait3A_568, %dma_wait3A_569] : memref<80x125xi32, #tpu.memory_space<vmem>> -> memref<1x125xi32, #tpu.memory_space<vmem>>
      %dma_wait3A_571 = tpu.memref_squeeze %dma_wait3A_570 : memref<1x125xi32, #tpu.memory_space<vmem>> -> memref<125xi32, #tpu.memory_space<vmem>>
      %dma_wait3A_572 = arith.constant 0 : i32
      %dma_wait3A_573 = arith.constant 0 : i32
      %dma_wait3A_574 = tpu.memref_slice %arg3[%dma_wait3A_572, %dma_wait3A_573] : memref<10000x64xf32, #tpu.memory_space<hbm>> -> memref<10000x64xf32, #tpu.memory_space<hbm>>
      tpu.wait_indirect_dma semaphore(%arg24 : memref<!tpu.dma_semaphore, #tpu.memory_space<semaphore_mem>>) src(%dma_wait3A_574 : memref<10000x64xf32, #tpu.memory_space<hbm>>) dst(%arg14 : memref<125x64xf32, #tpu.memory_space<vmem>>)
    } else {
    }
    %dma_wait3A = arith.constant 0 : i32
    %dma_wait3A_125 = arith.constant 0 : i32
    %dma_wait3A_126 = tpu.memref_slice %arg13[%dma_wait3A, %dma_wait3A_125] : memref<80x125xi32, #tpu.memory_space<vmem>> -> memref<1x125xi32, #tpu.memory_space<vmem>>
    %dma_wait3A_127 = tpu.memref_squeeze %dma_wait3A_126 : memref<1x125xi32, #tpu.memory_space<vmem>> -> memref<125xi32, #tpu.memory_space<vmem>>
    %dma_wait3A_128 = arith.constant 0 : i32
    %dma_wait3A_129 = arith.constant 0 : i32
    %dma_wait3A_130 = tpu.memref_slice %arg23[%dma_wait3A_128, %dma_wait3A_129] : memref<200x64xf32, #tpu.memory_space<vmem_shared>> -> memref<200x64xf32, #tpu.memory_space<vmem_shared>>
    tpu.wait_indirect_dma semaphore(%arg25 : memref<!tpu.dma_semaphore, #tpu.memory_space<semaphore_mem>>) src(%dma_wait3A_130 : memref<200x64xf32, #tpu.memory_space<vmem_shared>>) dst(%arg16 : memref<125x64xf32, #tpu.memory_space<vmem>>)
    %parallel_loop3A = arith.constant 0 : i32
    %parallel_loop3A_131 = arith.constant 125 : i32
    %parallel_loop3A_132 = arith.constant 1 : i32
    scf.for %parallel_loop3A_568 = %parallel_loop3A to %parallel_loop3A_131 step %parallel_loop3A_132  : i32 {
      %parallel_loop3A_569 = arith.index_cast %parallel_loop3A_568 : i32 to index
      %parallel_loop3A_570 = arith.constant 0 : index
      %parallel_loop3A_571 = tpu.vector_load %arg14[%parallel_loop3A_569, %parallel_loop3A_570] {strides = array<i32>} : memref<125x64xf32, #tpu.memory_space<vmem>>, vector<1x16xf32>,
      %parallel_loop3A_572 = vector.shape_cast %parallel_loop3A_571 : vector<1x16xf32> to vector<16xf32>
      %parallel_loop3A_573 = arith.index_cast %parallel_loop3A_568 : i32 to index
      %parallel_loop3A_574 = arith.constant 0 : index
      %parallel_loop3A_575 = tpu.vector_load %arg16[%parallel_loop3A_573, %parallel_loop3A_574] {strides = array<i32>} : memref<125x64xf32, #tpu.memory_space<vmem>>, vector<1x16xf32>,
      %parallel_loop3A_576 = vector.shape_cast %parallel_loop3A_575 : vector<1x16xf32> to vector<16xf32>
      %parallel_loop3A_577 = arith.addf %parallel_loop3A_572, %parallel_loop3A_576 : vector<16xf32>
      %parallel_loop3A_578 = arith.index_cast %parallel_loop3A_568 : i32 to index
      %parallel_loop3A_579 = arith.constant 0 : index
      %parallel_loop3A_580 = tpu.vector_load %arg14[%parallel_loop3A_578, %parallel_loop3A_579] {strides = array<i32>} : memref<125x64xf32, #tpu.memory_space<vmem>>, vector<1x16xf32>,
      %parallel_loop3A_581 = vector.shape_cast %parallel_loop3A_580 : vector<1x16xf32> to vector<16xf32>
      %parallel_loop3A_582 = vector.shape_cast %parallel_loop3A_577 : vector<16xf32> to vector<1x16xf32>
      tpu.vector_store %arg14[%parallel_loop3A_578, %parallel_loop3A_579], %parallel_loop3A_582 {strides = array<i32>} : memref<125x64xf32, #tpu.memory_space<vmem>>, vector<1x16xf32>,
      %parallel_loop3A_583 = arith.index_cast %parallel_loop3A_568 : i32 to index
      %parallel_loop3A_584 = arith.constant 16 : index
      %parallel_loop3A_585 = tpu.vector_load %arg14[%parallel_loop3A_583, %parallel_loop3A_584] {strides = array<i32>} : memref<125x64xf32, #tpu.memory_space<vmem>>, vector<1x16xf32>,
      %parallel_loop3A_586 = vector.shape_cast %parallel_loop3A_585 : vector<1x16xf32> to vector<16xf32>
      %parallel_loop3A_587 = arith.index_cast %parallel_loop3A_568 : i32 to index
      %parallel_loop3A_588 = arith.constant 16 : index
      %parallel_loop3A_589 = tpu.vector_load %arg16[%parallel_loop3A_587, %parallel_loop3A_588] {strides = array<i32>} : memref<125x64xf32, #tpu.memory_space<vmem>>, vector<1x16xf32>,
      %parallel_loop3A_590 = vector.shape_cast %parallel_loop3A_589 : vector<1x16xf32> to vector<16xf32>
      %parallel_loop3A_591 = arith.addf %parallel_loop3A_586, %parallel_loop3A_590 : vector<16xf32>
      %parallel_loop3A_592 = arith.index_cast %parallel_loop3A_568 : i32 to index
      %parallel_loop3A_593 = arith.constant 16 : index
      %parallel_loop3A_594 = tpu.vector_load %arg14[%parallel_loop3A_592, %parallel_loop3A_593] {strides = array<i32>} : memref<125x64xf32, #tpu.memory_space<vmem>>, vector<1x16xf32>,
      %parallel_loop3A_595 = vector.shape_cast %parallel_loop3A_594 : vector<1x16xf32> to vector<16xf32>
      %parallel_loop3A_596 = vector.shape_cast %parallel_loop3A_591 : vector<16xf32> to vector<1x16xf32>
      tpu.vector_store %arg14[%parallel_loop3A_592, %parallel_loop3A_593], %parallel_loop3A_596 {strides = array<i32>} : memref<125x64xf32, #tpu.memory_space<vmem>>, vector<1x16xf32>,
      %parallel_loop3A_597 = arith.index_cast %parallel_loop3A_568 : i32 to index
      %parallel_loop3A_598 = arith.constant 32 : index
      %parallel_loop3A_599 = tpu.vector_load %arg14[%parallel_loop3A_597, %parallel_loop3A_598] {strides = array<i32>} : memref<125x64xf32, #tpu.memory_space<vmem>>, vector<1x16xf32>,
      %parallel_loop3A_600 = vector.shape_cast %parallel_loop3A_599 : vector<1x16xf32> to vector<16xf32>
      %parallel_loop3A_601 = arith.index_cast %parallel_loop3A_568 : i32 to index
      %parallel_loop3A_602 = arith.constant 32 : index
      %parallel_loop3A_603 = tpu.vector_load %arg16[%parallel_loop3A_601, %parallel_loop3A_602] {strides = array<i32>} : memref<125x64xf32, #tpu.memory_space<vmem>>, vector<1x16xf32>,
      %parallel_loop3A_604 = vector.shape_cast %parallel_loop3A_603 : vector<1x16xf32> to vector<16xf32>
      %parallel_loop3A_605 = arith.addf %parallel_loop3A_600, %parallel_loop3A_604 : vector<16xf32>
      %parallel_loop3A_606 = arith.index_cast %parallel_loop3A_568 : i32 to index
      %parallel_loop3A_607 = arith.constant 32 : index
      %parallel_loop3A_608 = tpu.vector_load %arg14[%parallel_loop3A_606, %parallel_loop3A_607] {strides = array<i32>} : memref<125x64xf32, #tpu.memory_space<vmem>>, vector<1x16xf32>,
      %parallel_loop3A_609 = vector.shape_cast %parallel_loop3A_608 : vector<1x16xf32> to vector<16xf32>
      %parallel_loop3A_610 = vector.shape_cast %parallel_loop3A_605 : vector<16xf32> to vector<1x16xf32>
      tpu.vector_store %arg14[%parallel_loop3A_606, %parallel_loop3A_607], %parallel_loop3A_610 {strides = array<i32>} : memref<125x64xf32, #tpu.memory_space<vmem>>, vector<1x16xf32>,
      %parallel_loop3A_611 = arith.index_cast %parallel_loop3A_568 : i32 to index
      %parallel_loop3A_612 = arith.constant 48 : index
      %parallel_loop3A_613 = tpu.vector_load %arg14[%parallel_loop3A_611, %parallel_loop3A_612] {strides = array<i32>} : memref<125x64xf32, #tpu.memory_space<vmem>>, vector<1x16xf32>,
      %parallel_loop3A_614 = vector.shape_cast %parallel_loop3A_613 : vector<1x16xf32> to vector<16xf32>
      %parallel_loop3A_615 = arith.index_cast %parallel_loop3A_568 : i32 to index
      %parallel_loop3A_616 = arith.constant 48 : index
      %parallel_loop3A_617 = tpu.vector_load %arg16[%parallel_loop3A_615, %parallel_loop3A_616] {strides = array<i32>} : memref<125x64xf32, #tpu.memory_space<vmem>>, vector<1x16xf32>,
      %parallel_loop3A_618 = vector.shape_cast %parallel_loop3A_617 : vector<1x16xf32> to vector<16xf32>
      %parallel_loop3A_619 = arith.addf %parallel_loop3A_614, %parallel_loop3A_618 : vector<16xf32>
      %parallel_loop3A_620 = arith.index_cast %parallel_loop3A_568 : i32 to index
      %parallel_loop3A_621 = arith.constant 48 : index
      %parallel_loop3A_622 = tpu.vector_load %arg14[%parallel_loop3A_620, %parallel_loop3A_621] {strides = array<i32>} : memref<125x64xf32, #tpu.memory_space<vmem>>, vector<1x16xf32>,
      %parallel_loop3A_623 = vector.shape_cast %parallel_loop3A_622 : vector<1x16xf32> to vector<16xf32>
      %parallel_loop3A_624 = vector.shape_cast %parallel_loop3A_619 : vector<16xf32> to vector<1x16xf32>
      tpu.vector_store %arg14[%parallel_loop3A_620, %parallel_loop3A_621], %parallel_loop3A_624 {strides = array<i32>} : memref<125x64xf32, #tpu.memory_space<vmem>>, vector<1x16xf32>,
    } {sc.loop_unroll_factor = 5 : i64, sc.parallel_access}
    %dma_start3A_133 = arith.constant 2 : i32
    %dma_start3A_134 = arith.constant 0 : i32
    %dma_start3A_135 = tpu.memref_slice %arg13[%dma_start3A_133, %dma_start3A_134] : memref<80x125xi32, #tpu.memory_space<vmem>> -> memref<1x125xi32, #tpu.memory_space<vmem>>
    %dma_start3A_136 = tpu.memref_squeeze %dma_start3A_135 : memref<1x125xi32, #tpu.memory_space<vmem>> -> memref<125xi32, #tpu.memory_space<vmem>>
    %dma_start3A_137 = arith.constant 0 : i32
    %dma_start3A_138 = arith.constant 0 : i32
    %dma_start3A_139 = tpu.memref_slice %arg23[%dma_start3A_137, %dma_start3A_138] : memref<200x64xf32, #tpu.memory_space<vmem_shared>> -> memref<200x64xf32, #tpu.memory_space<vmem_shared>>
    tpu.enqueue_indirect_dma source(%dma_start3A_139 : memref<200x64xf32, #tpu.memory_space<vmem_shared>>) target(%arg16 : memref<125x64xf32, #tpu.memory_space<vmem>>) offsets(%dma_start3A_136 : memref<125xi32, #tpu.memory_space<vmem>>) semaphore(%arg25 : memref<!tpu.dma_semaphore, #tpu.memory_space<semaphore_mem>>)
    %dma_start3A_140 = arith.constant 0 : i32
    %dma_start3A_141 = arith.constant 0 : i32
    %dma_start3A_142 = tpu.memref_slice %arg12[%dma_start3A_140, %dma_start3A_141] : memref<80x125xi32, #tpu.memory_space<vmem>> -> memref<1x125xi32, #tpu.memory_space<vmem>>
    %dma_start3A_143 = tpu.memref_squeeze %dma_start3A_142 : memref<1x125xi32, #tpu.memory_space<vmem>> -> memref<125xi32, #tpu.memory_space<vmem>>
    %dma_start3A_144 = arith.constant 0 : i32
    %dma_start3A_145 = arith.constant 0 : i32
    %dma_start3A_146 = tpu.memref_slice %arg21[%dma_start3A_144, %dma_start3A_145] : memref<10240x64xf32, #tpu.memory_space<vmem_shared>> -> memref<10240x64xf32, #tpu.memory_space<vmem_shared>>
    tpu.enqueue_indirect_dma source(%arg14 : memref<125x64xf32, #tpu.memory_space<vmem>>) target(%dma_start3A_146 : memref<10240x64xf32, #tpu.memory_space<vmem_shared>>) offsets(%dma_start3A_143 : memref<125xi32, #tpu.memory_space<vmem>>) semaphore(%arg28 : memref<!tpu.dma_semaphore, #tpu.memory_space<semaphore_mem>>) {add = true}
    %convert_element_type3A_147 = arith.extui %eq3A_80 : i1 to i32
    %cond3A_148 = arith.constant 0 : i32
    %cond3A_149 = arith.cmpi ne, %convert_element_type3A_147, %cond3A_148 : i32
    scf.if %cond3A_149 {
      %dma_start3A_568 = arith.constant 0 : i32
      %dma_start3A_569 = arith.constant 0 : i32
      %dma_start3A_570 = tpu.memref_slice %arg18[%dma_start3A_569] : memref<128xf32, #tpu.memory_space<vmem>> -> memref<125xf32, #tpu.memory_space<vmem>>
      %dma_start3A_571 = arith.constant 0 : i32
      %dma_start3A_572 = tpu.memref_slice %arg12[%dma_start3A_568, %dma_start3A_571] : memref<80x125xi32, #tpu.memory_space<vmem>> -> memref<1x125xi32, #tpu.memory_space<vmem>>
      %dma_start3A_573 = tpu.memref_squeeze %dma_start3A_572 : memref<1x125xi32, #tpu.memory_space<vmem>> -> memref<125xi32, #tpu.memory_space<vmem>>
      %dma_start3A_574 = arith.constant 0 : i32
      %dma_start3A_575 = tpu.memref_slice %arg22[%dma_start3A_574] : memref<10240xf32, #tpu.memory_space<vmem_shared>> -> memref<10240xf32, #tpu.memory_space<vmem_shared>>
      tpu.enqueue_indirect_dma source(%dma_start3A_570 : memref<125xf32, #tpu.memory_space<vmem>>) target(%dma_start3A_575 : memref<10240xf32, #tpu.memory_space<vmem_shared>>) offsets(%dma_start3A_573 : memref<125xi32, #tpu.memory_space<vmem>>) semaphore(%arg30 : memref<!tpu.dma_semaphore, #tpu.memory_space<semaphore_mem>>) {add = true}
    } else {
    }
    %eq3A_150 = arith.constant 0 : i32
    %eq3A_151 = arith.cmpi eq, %arg0, %eq3A_150 : i32
    %convert_element_type3A_152 = arith.extui %eq3A_151 : i1 to i32
    %cond3A_153 = arith.constant 0 : i32
    %cond3A_154 = arith.cmpi ne, %convert_element_type3A_152, %cond3A_153 : i32
    scf.if %cond3A_154 {
      %dma_wait3A_568 = arith.constant 1 : i32
      %dma_wait3A_569 = arith.constant 0 : i32
      %dma_wait3A_570 = tpu.memref_slice %arg11[%dma_wait3A_568, %dma_wait3A_569] : memref<80x125xi32, #tpu.memory_space<vmem>> -> memref<1x125xi32, #tpu.memory_space<vmem>>
      %dma_wait3A_571 = tpu.memref_squeeze %dma_wait3A_570 : memref<1x125xi32, #tpu.memory_space<vmem>> -> memref<125xi32, #tpu.memory_space<vmem>>
      %dma_wait3A_572 = arith.constant 0 : i32
      %dma_wait3A_573 = arith.constant 0 : i32
      %dma_wait3A_574 = tpu.memref_slice %arg2[%dma_wait3A_572, %dma_wait3A_573] : memref<10000x64xf32, #tpu.memory_space<hbm>> -> memref<10000x64xf32, #tpu.memory_space<hbm>>
      tpu.wait_indirect_dma semaphore(%arg26 : memref<!tpu.dma_semaphore, #tpu.memory_space<semaphore_mem>>) src(%dma_wait3A_574 : memref<10000x64xf32, #tpu.memory_space<hbm>>) dst(%arg15 : memref<125x64xf32, #tpu.memory_space<vmem>>)
    } else {
    }
    %eq3A_155 = arith.constant 1 : i32
    %eq3A_156 = arith.cmpi eq, %arg0, %eq3A_155 : i32
    %convert_element_type3A_157 = arith.extui %eq3A_156 : i1 to i32
    %cond3A_158 = arith.constant 0 : i32
    %cond3A_159 = arith.cmpi ne, %convert_element_type3A_157, %cond3A_158 : i32
    scf.if %cond3A_159 {
      %dma_wait3A_568 = arith.constant 1 : i32
      %dma_wait3A_569 = arith.constant 0 : i32
      %dma_wait3A_570 = tpu.memref_slice %arg11[%dma_wait3A_568, %dma_wait3A_569] : memref<80x125xi32, #tpu.memory_space<vmem>> -> memref<1x125xi32, #tpu.memory_space<vmem>>
      %dma_wait3A_571 = tpu.memref_squeeze %dma_wait3A_570 : memref<1x125xi32, #tpu.memory_space<vmem>> -> memref<125xi32, #tpu.memory_space<vmem>>
      %dma_wait3A_572 = arith.constant 0 : i32
      %dma_wait3A_573 = arith.constant 0 : i32
      %dma_wait3A_574 = tpu.memref_slice %arg3[%dma_wait3A_572, %dma_wait3A_573] : memref<10000x64xf32, #tpu.memory_space<hbm>> -> memref<10000x64xf32, #tpu.memory_space<hbm>>
      tpu.wait_indirect_dma semaphore(%arg26 : memref<!tpu.dma_semaphore, #tpu.memory_space<semaphore_mem>>) src(%dma_wait3A_574 : memref<10000x64xf32, #tpu.memory_space<hbm>>) dst(%arg15 : memref<125x64xf32, #tpu.memory_space<vmem>>)
    } else {
    }
    %dma_wait3A_160 = arith.constant 1 : i32
    %dma_wait3A_161 = arith.constant 0 : i32
    %dma_wait3A_162 = tpu.memref_slice %arg13[%dma_wait3A_160, %dma_wait3A_161] : memref<80x125xi32, #tpu.memory_space<vmem>> -> memref<1x125xi32, #tpu.memory_space<vmem>>
    %dma_wait3A_163 = tpu.memref_squeeze %dma_wait3A_162 : memref<1x125xi32, #tpu.memory_space<vmem>> -> memref<125xi32, #tpu.memory_space<vmem>>
    %dma_wait3A_164 = arith.constant 0 : i32
    %dma_wait3A_165 = arith.constant 0 : i32
    %dma_wait3A_166 = tpu.memref_slice %arg23[%dma_wait3A_164, %dma_wait3A_165] : memref<200x64xf32, #tpu.memory_space<vmem_shared>> -> memref<200x64xf32, #tpu.memory_space<vmem_shared>>
    tpu.wait_indirect_dma semaphore(%arg27 : memref<!tpu.dma_semaphore, #tpu.memory_space<semaphore_mem>>) src(%dma_wait3A_166 : memref<200x64xf32, #tpu.memory_space<vmem_shared>>) dst(%arg17 : memref<125x64xf32, #tpu.memory_space<vmem>>)
    %parallel_loop3A_167 = arith.constant 0 : i32
    %parallel_loop3A_168 = arith.constant 125 : i32
    %parallel_loop3A_169 = arith.constant 1 : i32
    scf.for %parallel_loop3A_568 = %parallel_loop3A_167 to %parallel_loop3A_168 step %parallel_loop3A_169  : i32 {
      %parallel_loop3A_569 = arith.index_cast %parallel_loop3A_568 : i32 to index
      %parallel_loop3A_570 = arith.constant 0 : index
      %parallel_loop3A_571 = tpu.vector_load %arg15[%parallel_loop3A_569, %parallel_loop3A_570] {strides = array<i32>} : memref<125x64xf32, #tpu.memory_space<vmem>>, vector<1x16xf32>,
      %parallel_loop3A_572 = vector.shape_cast %parallel_loop3A_571 : vector<1x16xf32> to vector<16xf32>
      %parallel_loop3A_573 = arith.index_cast %parallel_loop3A_568 : i32 to index
      %parallel_loop3A_574 = arith.constant 0 : index
      %parallel_loop3A_575 = tpu.vector_load %arg17[%parallel_loop3A_573, %parallel_loop3A_574] {strides = array<i32>} : memref<125x64xf32, #tpu.memory_space<vmem>>, vector<1x16xf32>,
      %parallel_loop3A_576 = vector.shape_cast %parallel_loop3A_575 : vector<1x16xf32> to vector<16xf32>
      %parallel_loop3A_577 = arith.addf %parallel_loop3A_572, %parallel_loop3A_576 : vector<16xf32>
      %parallel_loop3A_578 = arith.index_cast %parallel_loop3A_568 : i32 to index
      %parallel_loop3A_579 = arith.constant 0 : index
      %parallel_loop3A_580 = tpu.vector_load %arg15[%parallel_loop3A_578, %parallel_loop3A_579] {strides = array<i32>} : memref<125x64xf32, #tpu.memory_space<vmem>>, vector<1x16xf32>,
      %parallel_loop3A_581 = vector.shape_cast %parallel_loop3A_580 : vector<1x16xf32> to vector<16xf32>
      %parallel_loop3A_582 = vector.shape_cast %parallel_loop3A_577 : vector<16xf32> to vector<1x16xf32>
      tpu.vector_store %arg15[%parallel_loop3A_578, %parallel_loop3A_579], %parallel_loop3A_582 {strides = array<i32>} : memref<125x64xf32, #tpu.memory_space<vmem>>, vector<1x16xf32>,
      %parallel_loop3A_583 = arith.index_cast %parallel_loop3A_568 : i32 to index
      %parallel_loop3A_584 = arith.constant 16 : index
      %parallel_loop3A_585 = tpu.vector_load %arg15[%parallel_loop3A_583, %parallel_loop3A_584] {strides = array<i32>} : memref<125x64xf32, #tpu.memory_space<vmem>>, vector<1x16xf32>,
      %parallel_loop3A_586 = vector.shape_cast %parallel_loop3A_585 : vector<1x16xf32> to vector<16xf32>
      %parallel_loop3A_587 = arith.index_cast %parallel_loop3A_568 : i32 to index
      %parallel_loop3A_588 = arith.constant 16 : index
      %parallel_loop3A_589 = tpu.vector_load %arg17[%parallel_loop3A_587, %parallel_loop3A_588] {strides = array<i32>} : memref<125x64xf32, #tpu.memory_space<vmem>>, vector<1x16xf32>,
      %parallel_loop3A_590 = vector.shape_cast %parallel_loop3A_589 : vector<1x16xf32> to vector<16xf32>
      %parallel_loop3A_591 = arith.addf %parallel_loop3A_586, %parallel_loop3A_590 : vector<16xf32>
      %parallel_loop3A_592 = arith.index_cast %parallel_loop3A_568 : i32 to index
      %parallel_loop3A_593 = arith.constant 16 : index
      %parallel_loop3A_594 = tpu.vector_load %arg15[%parallel_loop3A_592, %parallel_loop3A_593] {strides = array<i32>} : memref<125x64xf32, #tpu.memory_space<vmem>>, vector<1x16xf32>,
      %parallel_loop3A_595 = vector.shape_cast %parallel_loop3A_594 : vector<1x16xf32> to vector<16xf32>
      %parallel_loop3A_596 = vector.shape_cast %parallel_loop3A_591 : vector<16xf32> to vector<1x16xf32>
      tpu.vector_store %arg15[%parallel_loop3A_592, %parallel_loop3A_593], %parallel_loop3A_596 {strides = array<i32>} : memref<125x64xf32, #tpu.memory_space<vmem>>, vector<1x16xf32>,
      %parallel_loop3A_597 = arith.index_cast %parallel_loop3A_568 : i32 to index
      %parallel_loop3A_598 = arith.constant 32 : index
      %parallel_loop3A_599 = tpu.vector_load %arg15[%parallel_loop3A_597, %parallel_loop3A_598] {strides = array<i32>} : memref<125x64xf32, #tpu.memory_space<vmem>>, vector<1x16xf32>,
      %parallel_loop3A_600 = vector.shape_cast %parallel_loop3A_599 : vector<1x16xf32> to vector<16xf32>
      %parallel_loop3A_601 = arith.index_cast %parallel_loop3A_568 : i32 to index
      %parallel_loop3A_602 = arith.constant 32 : index
      %parallel_loop3A_603 = tpu.vector_load %arg17[%parallel_loop3A_601, %parallel_loop3A_602] {strides = array<i32>} : memref<125x64xf32, #tpu.memory_space<vmem>>, vector<1x16xf32>,
      %parallel_loop3A_604 = vector.shape_cast %parallel_loop3A_603 : vector<1x16xf32> to vector<16xf32>
      %parallel_loop3A_605 = arith.addf %parallel_loop3A_600, %parallel_loop3A_604 : vector<16xf32>
      %parallel_loop3A_606 = arith.index_cast %parallel_loop3A_568 : i32 to index
      %parallel_loop3A_607 = arith.constant 32 : index
      %parallel_loop3A_608 = tpu.vector_load %arg15[%parallel_loop3A_606, %parallel_loop3A_607] {strides = array<i32>} : memref<125x64xf32, #tpu.memory_space<vmem>>, vector<1x16xf32>,
      %parallel_loop3A_609 = vector.shape_cast %parallel_loop3A_608 : vector<1x16xf32> to vector<16xf32>
      %parallel_loop3A_610 = vector.shape_cast %parallel_loop3A_605 : vector<16xf32> to vector<1x16xf32>
      tpu.vector_store %arg15[%parallel_loop3A_606, %parallel_loop3A_607], %parallel_loop3A_610 {strides = array<i32>} : memref<125x64xf32, #tpu.memory_space<vmem>>, vector<1x16xf32>,
      %parallel_loop3A_611 = arith.index_cast %parallel_loop3A_568 : i32 to index
      %parallel_loop3A_612 = arith.constant 48 : index
      %parallel_loop3A_613 = tpu.vector_load %arg15[%parallel_loop3A_611, %parallel_loop3A_612] {strides = array<i32>} : memref<125x64xf32, #tpu.memory_space<vmem>>, vector<1x16xf32>,
      %parallel_loop3A_614 = vector.shape_cast %parallel_loop3A_613 : vector<1x16xf32> to vector<16xf32>
      %parallel_loop3A_615 = arith.index_cast %parallel_loop3A_568 : i32 to index
      %parallel_loop3A_616 = arith.constant 48 : index
      %parallel_loop3A_617 = tpu.vector_load %arg17[%parallel_loop3A_615, %parallel_loop3A_616] {strides = array<i32>} : memref<125x64xf32, #tpu.memory_space<vmem>>, vector<1x16xf32>,
      %parallel_loop3A_618 = vector.shape_cast %parallel_loop3A_617 : vector<1x16xf32> to vector<16xf32>
      %parallel_loop3A_619 = arith.addf %parallel_loop3A_614, %parallel_loop3A_618 : vector<16xf32>
      %parallel_loop3A_620 = arith.index_cast %parallel_loop3A_568 : i32 to index
      %parallel_loop3A_621 = arith.constant 48 : index
      %parallel_loop3A_622 = tpu.vector_load %arg15[%parallel_loop3A_620, %parallel_loop3A_621] {strides = array<i32>} : memref<125x64xf32, #tpu.memory_space<vmem>>, vector<1x16xf32>,
      %parallel_loop3A_623 = vector.shape_cast %parallel_loop3A_622 : vector<1x16xf32> to vector<16xf32>
      %parallel_loop3A_624 = vector.shape_cast %parallel_loop3A_619 : vector<16xf32> to vector<1x16xf32>
      tpu.vector_store %arg15[%parallel_loop3A_620, %parallel_loop3A_621], %parallel_loop3A_624 {strides = array<i32>} : memref<125x64xf32, #tpu.memory_space<vmem>>, vector<1x16xf32>,
    } {sc.loop_unroll_factor = 5 : i64, sc.parallel_access}
    %dma_start3A_170 = arith.constant 3 : i32
    %dma_start3A_171 = arith.constant 0 : i32
    %dma_start3A_172 = tpu.memref_slice %arg13[%dma_start3A_170, %dma_start3A_171] : memref<80x125xi32, #tpu.memory_space<vmem>> -> memref<1x125xi32, #tpu.memory_space<vmem>>
    %dma_start3A_173 = tpu.memref_squeeze %dma_start3A_172 : memref<1x125xi32, #tpu.memory_space<vmem>> -> memref<125xi32, #tpu.memory_space<vmem>>
    %dma_start3A_174 = arith.constant 0 : i32
    %dma_start3A_175 = arith.constant 0 : i32
    %dma_start3A_176 = tpu.memref_slice %arg23[%dma_start3A_174, %dma_start3A_175] : memref<200x64xf32, #tpu.memory_space<vmem_shared>> -> memref<200x64xf32, #tpu.memory_space<vmem_shared>>
    tpu.enqueue_indirect_dma source(%dma_start3A_176 : memref<200x64xf32, #tpu.memory_space<vmem_shared>>) target(%arg17 : memref<125x64xf32, #tpu.memory_space<vmem>>) offsets(%dma_start3A_173 : memref<125xi32, #tpu.memory_space<vmem>>) semaphore(%arg27 : memref<!tpu.dma_semaphore, #tpu.memory_space<semaphore_mem>>)
    %dma_wait3A_177 = arith.constant 0 : i32
    %dma_wait3A_178 = arith.constant 0 : i32
    %dma_wait3A_179 = tpu.memref_slice %arg12[%dma_wait3A_177, %dma_wait3A_178] : memref<80x125xi32, #tpu.memory_space<vmem>> -> memref<1x125xi32, #tpu.memory_space<vmem>>
    %dma_wait3A_180 = tpu.memref_squeeze %dma_wait3A_179 : memref<1x125xi32, #tpu.memory_space<vmem>> -> memref<125xi32, #tpu.memory_space<vmem>>
    %dma_wait3A_181 = arith.constant 0 : i32
    %dma_wait3A_182 = arith.constant 0 : i32
    %dma_wait3A_183 = tpu.memref_slice %arg21[%dma_wait3A_181, %dma_wait3A_182] : memref<10240x64xf32, #tpu.memory_space<vmem_shared>> -> memref<10240x64xf32, #tpu.memory_space<vmem_shared>>
    tpu.wait_indirect_dma semaphore(%arg28 : memref<!tpu.dma_semaphore, #tpu.memory_space<semaphore_mem>>) src(%arg14 : memref<125x64xf32, #tpu.memory_space<vmem>>) dst(%dma_wait3A_183 : memref<10240x64xf32, #tpu.memory_space<vmem_shared>>)
    %convert_element_type3A_184 = arith.extui %eq3A_80 : i1 to i32
    %cond3A_185 = arith.constant 0 : i32
    %cond3A_186 = arith.cmpi ne, %convert_element_type3A_184, %cond3A_185 : i32
    scf.if %cond3A_186 {
      %dma_wait3A_568 = arith.constant 0 : i32
      %dma_wait3A_569 = arith.constant 0 : i32
      %dma_wait3A_570 = tpu.memref_slice %arg18[%dma_wait3A_569] : memref<128xf32, #tpu.memory_space<vmem>> -> memref<125xf32, #tpu.memory_space<vmem>>
      %dma_wait3A_571 = arith.constant 0 : i32
      %dma_wait3A_572 = tpu.memref_slice %arg12[%dma_wait3A_568, %dma_wait3A_571] : memref<80x125xi32, #tpu.memory_space<vmem>> -> memref<1x125xi32, #tpu.memory_space<vmem>>
      %dma_wait3A_573 = tpu.memref_squeeze %dma_wait3A_572 : memref<1x125xi32, #tpu.memory_space<vmem>> -> memref<125xi32, #tpu.memory_space<vmem>>
      %dma_wait3A_574 = arith.constant 0 : i32
      %dma_wait3A_575 = tpu.memref_slice %arg22[%dma_wait3A_574] : memref<10240xf32, #tpu.memory_space<vmem_shared>> -> memref<10240xf32, #tpu.memory_space<vmem_shared>>
      tpu.wait_indirect_dma semaphore(%arg30 : memref<!tpu.dma_semaphore, #tpu.memory_space<semaphore_mem>>) src(%dma_wait3A_570 : memref<125xf32, #tpu.memory_space<vmem>>) dst(%dma_wait3A_575 : memref<10240xf32, #tpu.memory_space<vmem_shared>>)
    } else {
    }
    %eq3A_187 = arith.constant 0 : i32
    %eq3A_188 = arith.cmpi eq, %arg0, %eq3A_187 : i32
    %convert_element_type3A_189 = arith.extui %eq3A_188 : i1 to i32
    %cond3A_190 = arith.constant 0 : i32
    %cond3A_191 = arith.cmpi ne, %convert_element_type3A_189, %cond3A_190 : i32
    scf.if %cond3A_191 {
      %dma_start3A_568 = arith.constant 2 : i32
      %dma_start3A_569 = arith.constant 0 : i32
      %dma_start3A_570 = tpu.memref_slice %arg11[%dma_start3A_568, %dma_start3A_569] : memref<80x125xi32, #tpu.memory_space<vmem>> -> memref<1x125xi32, #tpu.memory_space<vmem>>
      %dma_start3A_571 = tpu.memref_squeeze %dma_start3A_570 : memref<1x125xi32, #tpu.memory_space<vmem>> -> memref<125xi32, #tpu.memory_space<vmem>>
      %dma_start3A_572 = arith.constant 0 : i32
      %dma_start3A_573 = arith.constant 0 : i32
      %dma_start3A_574 = tpu.memref_slice %arg2[%dma_start3A_572, %dma_start3A_573] : memref<10000x64xf32, #tpu.memory_space<hbm>> -> memref<10000x64xf32, #tpu.memory_space<hbm>>
      tpu.enqueue_indirect_dma source(%dma_start3A_574 : memref<10000x64xf32, #tpu.memory_space<hbm>>) target(%arg14 : memref<125x64xf32, #tpu.memory_space<vmem>>) offsets(%dma_start3A_571 : memref<125xi32, #tpu.memory_space<vmem>>) semaphore(%arg24 : memref<!tpu.dma_semaphore, #tpu.memory_space<semaphore_mem>>)
    } else {
    }
    %eq3A_192 = arith.constant 1 : i32
    %eq3A_193 = arith.cmpi eq, %arg0, %eq3A_192 : i32
    %convert_element_type3A_194 = arith.extui %eq3A_193 : i1 to i32
    %cond3A_195 = arith.constant 0 : i32
    %cond3A_196 = arith.cmpi ne, %convert_element_type3A_194, %cond3A_195 : i32
    scf.if %cond3A_196 {
      %dma_start3A_568 = arith.constant 2 : i32
      %dma_start3A_569 = arith.constant 0 : i32
      %dma_start3A_570 = tpu.memref_slice %arg11[%dma_start3A_568, %dma_start3A_569] : memref<80x125xi32, #tpu.memory_space<vmem>> -> memref<1x125xi32, #tpu.memory_space<vmem>>
      %dma_start3A_571 = tpu.memref_squeeze %dma_start3A_570 : memref<1x125xi32, #tpu.memory_space<vmem>> -> memref<125xi32, #tpu.memory_space<vmem>>
      %dma_start3A_572 = arith.constant 0 : i32
      %dma_start3A_573 = arith.constant 0 : i32
      %dma_start3A_574 = tpu.memref_slice %arg3[%dma_start3A_572, %dma_start3A_573] : memref<10000x64xf32, #tpu.memory_space<hbm>> -> memref<10000x64xf32, #tpu.memory_space<hbm>>
      tpu.enqueue_indirect_dma source(%dma_start3A_574 : memref<10000x64xf32, #tpu.memory_space<hbm>>) target(%arg14 : memref<125x64xf32, #tpu.memory_space<vmem>>) offsets(%dma_start3A_571 : memref<125xi32, #tpu.memory_space<vmem>>) semaphore(%arg24 : memref<!tpu.dma_semaphore, #tpu.memory_space<semaphore_mem>>)
    } else {
    }
    %dma_start3A_197 = arith.constant 1 : i32
    %dma_start3A_198 = arith.constant 0 : i32
    %dma_start3A_199 = tpu.memref_slice %arg12[%dma_start3A_197, %dma_start3A_198] : memref<80x125xi32, #tpu.memory_space<vmem>> -> memref<1x125xi32, #tpu.memory_space<vmem>>
    %dma_start3A_200 = tpu.memref_squeeze %dma_start3A_199 : memref<1x125xi32, #tpu.memory_space<vmem>> -> memref<125xi32, #tpu.memory_space<vmem>>
    %dma_start3A_201 = arith.constant 0 : i32
    %dma_start3A_202 = arith.constant 0 : i32
    %dma_start3A_203 = tpu.memref_slice %arg21[%dma_start3A_201, %dma_start3A_202] : memref<10240x64xf32, #tpu.memory_space<vmem_shared>> -> memref<10240x64xf32, #tpu.memory_space<vmem_shared>>
    tpu.enqueue_indirect_dma source(%arg15 : memref<125x64xf32, #tpu.memory_space<vmem>>) target(%dma_start3A_203 : memref<10240x64xf32, #tpu.memory_space<vmem_shared>>) offsets(%dma_start3A_200 : memref<125xi32, #tpu.memory_space<vmem>>) semaphore(%arg29 : memref<!tpu.dma_semaphore, #tpu.memory_space<semaphore_mem>>) {add = true}
    %convert_element_type3A_204 = arith.extui %eq3A_80 : i1 to i32
    %cond3A_205 = arith.constant 0 : i32
    %cond3A_206 = arith.cmpi ne, %convert_element_type3A_204, %cond3A_205 : i32
    scf.if %cond3A_206 {
      %dma_start3A_568 = arith.constant 1 : i32
      %dma_start3A_569 = arith.constant 0 : i32
      %dma_start3A_570 = tpu.memref_slice %arg18[%dma_start3A_569] : memref<128xf32, #tpu.memory_space<vmem>> -> memref<125xf32, #tpu.memory_space<vmem>>
      %dma_start3A_571 = arith.constant 0 : i32
      %dma_start3A_572 = tpu.memref_slice %arg12[%dma_start3A_568, %dma_start3A_571] : memref<80x125xi32, #tpu.memory_space<vmem>> -> memref<1x125xi32, #tpu.memory_space<vmem>>
      %dma_start3A_573 = tpu.memref_squeeze %dma_start3A_572 : memref<1x125xi32, #tpu.memory_space<vmem>> -> memref<125xi32, #tpu.memory_space<vmem>>
      %dma_start3A_574 = arith.constant 0 : i32
      %dma_start3A_575 = tpu.memref_slice %arg22[%dma_start3A_574] : memref<10240xf32, #tpu.memory_space<vmem_shared>> -> memref<10240xf32, #tpu.memory_space<vmem_shared>>
      tpu.enqueue_indirect_dma source(%dma_start3A_570 : memref<125xf32, #tpu.memory_space<vmem>>) target(%dma_start3A_575 : memref<10240xf32, #tpu.memory_space<vmem_shared>>) offsets(%dma_start3A_573 : memref<125xi32, #tpu.memory_space<vmem>>) semaphore(%arg31 : memref<!tpu.dma_semaphore, #tpu.memory_space<semaphore_mem>>) {add = true}
    } else {
    }
    %scan3A_207 = arith.constant 0 : i32
    %scan3A_208 = arith.constant 1 : i32
    %scan3A_209 = arith.constant 38 : i32
    %scan3A_210 = arith.addi %scan3A_208, %scan3A_209 : i32
    %scan3A_211 = arith.constant 1 : i32
    %scan3A_212 = scf.for %scan3A_568 = %scan3A_208 to %scan3A_210 step %scan3A_211 iter_args(%scan3A_569 = %scan3A_207) -> (i32)  : i32 {
      %mul3A_570 = arith.constant 2 : i32
      %mul3A_571 = arith.muli %mul3A_570, %scan3A_568 : i32
      %add3A_572 = arith.constant 1 : i32
      %add3A_573 = arith.addi %mul3A_571, %add3A_572 : i32
      %sub3A = arith.constant 2 : i32
      %sub3A_574 = arith.subi %add3A_573, %sub3A : i32
      %dma_wait3A_575 = arith.constant 0 : i32
      %dma_wait3A_576 = tpu.memref_slice %arg12[%sub3A_574, %dma_wait3A_575] : memref<80x125xi32, #tpu.memory_space<vmem>> -> memref<1x125xi32, #tpu.memory_space<vmem>>
      %dma_wait3A_577 = tpu.memref_squeeze %dma_wait3A_576 : memref<1x125xi32, #tpu.memory_space<vmem>> -> memref<125xi32, #tpu.memory_space<vmem>>
      %dma_wait3A_578 = arith.constant 0 : i32
      %dma_wait3A_579 = arith.constant 0 : i32
      %dma_wait3A_580 = tpu.memref_slice %arg21[%dma_wait3A_578, %dma_wait3A_579] : memref<10240x64xf32, #tpu.memory_space<vmem_shared>> -> memref<10240x64xf32, #tpu.memory_space<vmem_shared>>
      tpu.wait_indirect_dma semaphore(%arg29 : memref<!tpu.dma_semaphore, #tpu.memory_space<semaphore_mem>>) src(%arg15 : memref<125x64xf32, #tpu.memory_space<vmem>>) dst(%dma_wait3A_580 : memref<10240x64xf32, #tpu.memory_space<vmem_shared>>)
      %sub3A_581 = arith.constant 2 : i32
      %sub3A_582 = arith.subi %add3A_573, %sub3A_581 : i32
      %convert_element_type3A_583 = arith.extui %eq3A_80 : i1 to i32
      %cond3A_584 = arith.constant 0 : i32
      %cond3A_585 = arith.cmpi ne, %convert_element_type3A_583, %cond3A_584 : i32
      scf.if %cond3A_585 {
        %dma_wait3A_690 = arith.constant 0 : i32
        %dma_wait3A_691 = tpu.memref_slice %arg18[%dma_wait3A_690] : memref<128xf32, #tpu.memory_space<vmem>> -> memref<125xf32, #tpu.memory_space<vmem>>
        %dma_wait3A_692 = arith.constant 0 : i32
        %dma_wait3A_693 = tpu.memref_slice %arg12[%sub3A_582, %dma_wait3A_692] : memref<80x125xi32, #tpu.memory_space<vmem>> -> memref<1x125xi32, #tpu.memory_space<vmem>>
        %dma_wait3A_694 = tpu.memref_squeeze %dma_wait3A_693 : memref<1x125xi32, #tpu.memory_space<vmem>> -> memref<125xi32, #tpu.memory_space<vmem>>
        %dma_wait3A_695 = arith.constant 0 : i32
        %dma_wait3A_696 = tpu.memref_slice %arg22[%dma_wait3A_695] : memref<10240xf32, #tpu.memory_space<vmem_shared>> -> memref<10240xf32, #tpu.memory_space<vmem_shared>>
        tpu.wait_indirect_dma semaphore(%arg31 : memref<!tpu.dma_semaphore, #tpu.memory_space<semaphore_mem>>) src(%dma_wait3A_691 : memref<125xf32, #tpu.memory_space<vmem>>) dst(%dma_wait3A_696 : memref<10240xf32, #tpu.memory_space<vmem_shared>>)
      } else {
      }
      %eq3A_586 = arith.constant 0 : i32
      %eq3A_587 = arith.cmpi eq, %arg0, %eq3A_586 : i32
      %convert_element_type3A_588 = arith.extui %eq3A_587 : i1 to i32
      %cond3A_589 = arith.constant 0 : i32
      %cond3A_590 = arith.cmpi ne, %convert_element_type3A_588, %cond3A_589 : i32
      scf.if %cond3A_590 {
        %dma_start3A_690 = arith.constant 0 : i32
        %dma_start3A_691 = tpu.memref_slice %arg11[%add3A_573, %dma_start3A_690] : memref<80x125xi32, #tpu.memory_space<vmem>> -> memref<1x125xi32, #tpu.memory_space<vmem>>
        %dma_start3A_692 = tpu.memref_squeeze %dma_start3A_691 : memref<1x125xi32, #tpu.memory_space<vmem>> -> memref<125xi32, #tpu.memory_space<vmem>>
        %dma_start3A_693 = arith.constant 0 : i32
        %dma_start3A_694 = arith.constant 0 : i32
        %dma_start3A_695 = tpu.memref_slice %arg2[%dma_start3A_693, %dma_start3A_694] : memref<10000x64xf32, #tpu.memory_space<hbm>> -> memref<10000x64xf32, #tpu.memory_space<hbm>>
        tpu.enqueue_indirect_dma source(%dma_start3A_695 : memref<10000x64xf32, #tpu.memory_space<hbm>>) target(%arg15 : memref<125x64xf32, #tpu.memory_space<vmem>>) offsets(%dma_start3A_692 : memref<125xi32, #tpu.memory_space<vmem>>) semaphore(%arg26 : memref<!tpu.dma_semaphore, #tpu.memory_space<semaphore_mem>>)
      } else {
      }
      %eq3A_591 = arith.constant 1 : i32
      %eq3A_592 = arith.cmpi eq, %arg0, %eq3A_591 : i32
      %convert_element_type3A_593 = arith.extui %eq3A_592 : i1 to i32
      %cond3A_594 = arith.constant 0 : i32
      %cond3A_595 = arith.cmpi ne, %convert_element_type3A_593, %cond3A_594 : i32
      scf.if %cond3A_595 {
        %dma_start3A_690 = arith.constant 0 : i32
        %dma_start3A_691 = tpu.memref_slice %arg11[%add3A_573, %dma_start3A_690] : memref<80x125xi32, #tpu.memory_space<vmem>> -> memref<1x125xi32, #tpu.memory_space<vmem>>
        %dma_start3A_692 = tpu.memref_squeeze %dma_start3A_691 : memref<1x125xi32, #tpu.memory_space<vmem>> -> memref<125xi32, #tpu.memory_space<vmem>>
        %dma_start3A_693 = arith.constant 0 : i32
        %dma_start3A_694 = arith.constant 0 : i32
        %dma_start3A_695 = tpu.memref_slice %arg3[%dma_start3A_693, %dma_start3A_694] : memref<10000x64xf32, #tpu.memory_space<hbm>> -> memref<10000x64xf32, #tpu.memory_space<hbm>>
        tpu.enqueue_indirect_dma source(%dma_start3A_695 : memref<10000x64xf32, #tpu.memory_space<hbm>>) target(%arg15 : memref<125x64xf32, #tpu.memory_space<vmem>>) offsets(%dma_start3A_692 : memref<125xi32, #tpu.memory_space<vmem>>) semaphore(%arg26 : memref<!tpu.dma_semaphore, #tpu.memory_space<semaphore_mem>>)
      } else {
      }
      %eq3A_596 = arith.constant 0 : i32
      %eq3A_597 = arith.cmpi eq, %arg0, %eq3A_596 : i32
      %convert_element_type3A_598 = arith.extui %eq3A_597 : i1 to i32
      %cond3A_599 = arith.constant 0 : i32
      %cond3A_600 = arith.cmpi ne, %convert_element_type3A_598, %cond3A_599 : i32
      scf.if %cond3A_600 {
        %dma_wait3A_690 = arith.constant 0 : i32
        %dma_wait3A_691 = tpu.memref_slice %arg11[%mul3A_571, %dma_wait3A_690] : memref<80x125xi32, #tpu.memory_space<vmem>> -> memref<1x125xi32, #tpu.memory_space<vmem>>
        %dma_wait3A_692 = tpu.memref_squeeze %dma_wait3A_691 : memref<1x125xi32, #tpu.memory_space<vmem>> -> memref<125xi32, #tpu.memory_space<vmem>>
        %dma_wait3A_693 = arith.constant 0 : i32
        %dma_wait3A_694 = arith.constant 0 : i32
        %dma_wait3A_695 = tpu.memref_slice %arg2[%dma_wait3A_693, %dma_wait3A_694] : memref<10000x64xf32, #tpu.memory_space<hbm>> -> memref<10000x64xf32, #tpu.memory_space<hbm>>
        tpu.wait_indirect_dma semaphore(%arg24 : memref<!tpu.dma_semaphore, #tpu.memory_space<semaphore_mem>>) src(%dma_wait3A_695 : memref<10000x64xf32, #tpu.memory_space<hbm>>) dst(%arg14 : memref<125x64xf32, #tpu.memory_space<vmem>>)
      } else {
      }
      %eq3A_601 = arith.constant 1 : i32
      %eq3A_602 = arith.cmpi eq, %arg0, %eq3A_601 : i32
      %convert_element_type3A_603 = arith.extui %eq3A_602 : i1 to i32
      %cond3A_604 = arith.constant 0 : i32
      %cond3A_605 = arith.cmpi ne, %convert_element_type3A_603, %cond3A_604 : i32
      scf.if %cond3A_605 {
        %dma_wait3A_690 = arith.constant 0 : i32
        %dma_wait3A_691 = tpu.memref_slice %arg11[%mul3A_571, %dma_wait3A_690] : memref<80x125xi32, #tpu.memory_space<vmem>> -> memref<1x125xi32, #tpu.memory_space<vmem>>
        %dma_wait3A_692 = tpu.memref_squeeze %dma_wait3A_691 : memref<1x125xi32, #tpu.memory_space<vmem>> -> memref<125xi32, #tpu.memory_space<vmem>>
        %dma_wait3A_693 = arith.constant 0 : i32
        %dma_wait3A_694 = arith.constant 0 : i32
        %dma_wait3A_695 = tpu.memref_slice %arg3[%dma_wait3A_693, %dma_wait3A_694] : memref<10000x64xf32, #tpu.memory_space<hbm>> -> memref<10000x64xf32, #tpu.memory_space<hbm>>
        tpu.wait_indirect_dma semaphore(%arg24 : memref<!tpu.dma_semaphore, #tpu.memory_space<semaphore_mem>>) src(%dma_wait3A_695 : memref<10000x64xf32, #tpu.memory_space<hbm>>) dst(%arg14 : memref<125x64xf32, #tpu.memory_space<vmem>>)
      } else {
      }
      %dma_wait3A_606 = arith.constant 0 : i32
      %dma_wait3A_607 = tpu.memref_slice %arg13[%mul3A_571, %dma_wait3A_606] : memref<80x125xi32, #tpu.memory_space<vmem>> -> memref<1x125xi32, #tpu.memory_space<vmem>>
      %dma_wait3A_608 = tpu.memref_squeeze %dma_wait3A_607 : memref<1x125xi32, #tpu.memory_space<vmem>> -> memref<125xi32, #tpu.memory_space<vmem>>
      %dma_wait3A_609 = arith.constant 0 : i32
      %dma_wait3A_610 = arith.constant 0 : i32
      %dma_wait3A_611 = tpu.memref_slice %arg23[%dma_wait3A_609, %dma_wait3A_610] : memref<200x64xf32, #tpu.memory_space<vmem_shared>> -> memref<200x64xf32, #tpu.memory_space<vmem_shared>>
      tpu.wait_indirect_dma semaphore(%arg25 : memref<!tpu.dma_semaphore, #tpu.memory_space<semaphore_mem>>) src(%dma_wait3A_611 : memref<200x64xf32, #tpu.memory_space<vmem_shared>>) dst(%arg16 : memref<125x64xf32, #tpu.memory_space<vmem>>)
      %parallel_loop3A_612 = arith.constant 0 : i32
      %parallel_loop3A_613 = arith.constant 125 : i32
      %parallel_loop3A_614 = arith.constant 1 : i32
      scf.for %parallel_loop3A_690 = %parallel_loop3A_612 to %parallel_loop3A_613 step %parallel_loop3A_614  : i32 {
        %parallel_loop3A_691 = arith.index_cast %parallel_loop3A_690 : i32 to index
        %parallel_loop3A_692 = arith.constant 0 : index
        %parallel_loop3A_693 = tpu.vector_load %arg14[%parallel_loop3A_691, %parallel_loop3A_692] {strides = array<i32>} : memref<125x64xf32, #tpu.memory_space<vmem>>, vector<1x16xf32>,
        %parallel_loop3A_694 = vector.shape_cast %parallel_loop3A_693 : vector<1x16xf32> to vector<16xf32>
        %parallel_loop3A_695 = arith.index_cast %parallel_loop3A_690 : i32 to index
        %parallel_loop3A_696 = arith.constant 0 : index
        %parallel_loop3A_697 = tpu.vector_load %arg16[%parallel_loop3A_695, %parallel_loop3A_696] {strides = array<i32>} : memref<125x64xf32, #tpu.memory_space<vmem>>, vector<1x16xf32>,
        %parallel_loop3A_698 = vector.shape_cast %parallel_loop3A_697 : vector<1x16xf32> to vector<16xf32>
        %parallel_loop3A_699 = arith.addf %parallel_loop3A_694, %parallel_loop3A_698 : vector<16xf32>
        %parallel_loop3A_700 = arith.index_cast %parallel_loop3A_690 : i32 to index
        %parallel_loop3A_701 = arith.constant 0 : index
        %parallel_loop3A_702 = tpu.vector_load %arg14[%parallel_loop3A_700, %parallel_loop3A_701] {strides = array<i32>} : memref<125x64xf32, #tpu.memory_space<vmem>>, vector<1x16xf32>,
        %parallel_loop3A_703 = vector.shape_cast %parallel_loop3A_702 : vector<1x16xf32> to vector<16xf32>
        %parallel_loop3A_704 = vector.shape_cast %parallel_loop3A_699 : vector<16xf32> to vector<1x16xf32>
        tpu.vector_store %arg14[%parallel_loop3A_700, %parallel_loop3A_701], %parallel_loop3A_704 {strides = array<i32>} : memref<125x64xf32, #tpu.memory_space<vmem>>, vector<1x16xf32>,
        %parallel_loop3A_705 = arith.index_cast %parallel_loop3A_690 : i32 to index
        %parallel_loop3A_706 = arith.constant 16 : index
        %parallel_loop3A_707 = tpu.vector_load %arg14[%parallel_loop3A_705, %parallel_loop3A_706] {strides = array<i32>} : memref<125x64xf32, #tpu.memory_space<vmem>>, vector<1x16xf32>,
        %parallel_loop3A_708 = vector.shape_cast %parallel_loop3A_707 : vector<1x16xf32> to vector<16xf32>
        %parallel_loop3A_709 = arith.index_cast %parallel_loop3A_690 : i32 to index
        %parallel_loop3A_710 = arith.constant 16 : index
        %parallel_loop3A_711 = tpu.vector_load %arg16[%parallel_loop3A_709, %parallel_loop3A_710] {strides = array<i32>} : memref<125x64xf32, #tpu.memory_space<vmem>>, vector<1x16xf32>,
        %parallel_loop3A_712 = vector.shape_cast %parallel_loop3A_711 : vector<1x16xf32> to vector<16xf32>
        %parallel_loop3A_713 = arith.addf %parallel_loop3A_708, %parallel_loop3A_712 : vector<16xf32>
        %parallel_loop3A_714 = arith.index_cast %parallel_loop3A_690 : i32 to index
        %parallel_loop3A_715 = arith.constant 16 : index
        %parallel_loop3A_716 = tpu.vector_load %arg14[%parallel_loop3A_714, %parallel_loop3A_715] {strides = array<i32>} : memref<125x64xf32, #tpu.memory_space<vmem>>, vector<1x16xf32>,
        %parallel_loop3A_717 = vector.shape_cast %parallel_loop3A_716 : vector<1x16xf32> to vector<16xf32>
        %parallel_loop3A_718 = vector.shape_cast %parallel_loop3A_713 : vector<16xf32> to vector<1x16xf32>
        tpu.vector_store %arg14[%parallel_loop3A_714, %parallel_loop3A_715], %parallel_loop3A_718 {strides = array<i32>} : memref<125x64xf32, #tpu.memory_space<vmem>>, vector<1x16xf32>,
        %parallel_loop3A_719 = arith.index_cast %parallel_loop3A_690 : i32 to index
        %parallel_loop3A_720 = arith.constant 32 : index
        %parallel_loop3A_721 = tpu.vector_load %arg14[%parallel_loop3A_719, %parallel_loop3A_720] {strides = array<i32>} : memref<125x64xf32, #tpu.memory_space<vmem>>, vector<1x16xf32>,
        %parallel_loop3A_722 = vector.shape_cast %parallel_loop3A_721 : vector<1x16xf32> to vector<16xf32>
        %parallel_loop3A_723 = arith.index_cast %parallel_loop3A_690 : i32 to index
        %parallel_loop3A_724 = arith.constant 32 : index
        %parallel_loop3A_725 = tpu.vector_load %arg16[%parallel_loop3A_723, %parallel_loop3A_724] {strides = array<i32>} : memref<125x64xf32, #tpu.memory_space<vmem>>, vector<1x16xf32>,
        %parallel_loop3A_726 = vector.shape_cast %parallel_loop3A_725 : vector<1x16xf32> to vector<16xf32>
        %parallel_loop3A_727 = arith.addf %parallel_loop3A_722, %parallel_loop3A_726 : vector<16xf32>
        %parallel_loop3A_728 = arith.index_cast %parallel_loop3A_690 : i32 to index
        %parallel_loop3A_729 = arith.constant 32 : index
        %parallel_loop3A_730 = tpu.vector_load %arg14[%parallel_loop3A_728, %parallel_loop3A_729] {strides = array<i32>} : memref<125x64xf32, #tpu.memory_space<vmem>>, vector<1x16xf32>,
        %parallel_loop3A_731 = vector.shape_cast %parallel_loop3A_730 : vector<1x16xf32> to vector<16xf32>
        %parallel_loop3A_732 = vector.shape_cast %parallel_loop3A_727 : vector<16xf32> to vector<1x16xf32>
        tpu.vector_store %arg14[%parallel_loop3A_728, %parallel_loop3A_729], %parallel_loop3A_732 {strides = array<i32>} : memref<125x64xf32, #tpu.memory_space<vmem>>, vector<1x16xf32>,
        %parallel_loop3A_733 = arith.index_cast %parallel_loop3A_690 : i32 to index
        %parallel_loop3A_734 = arith.constant 48 : index
        %parallel_loop3A_735 = tpu.vector_load %arg14[%parallel_loop3A_733, %parallel_loop3A_734] {strides = array<i32>} : memref<125x64xf32, #tpu.memory_space<vmem>>, vector<1x16xf32>,
        %parallel_loop3A_736 = vector.shape_cast %parallel_loop3A_735 : vector<1x16xf32> to vector<16xf32>
        %parallel_loop3A_737 = arith.index_cast %parallel_loop3A_690 : i32 to index
        %parallel_loop3A_738 = arith.constant 48 : index
        %parallel_loop3A_739 = tpu.vector_load %arg16[%parallel_loop3A_737, %parallel_loop3A_738] {strides = array<i32>} : memref<125x64xf32, #tpu.memory_space<vmem>>, vector<1x16xf32>,
        %parallel_loop3A_740 = vector.shape_cast %parallel_loop3A_739 : vector<1x16xf32> to vector<16xf32>
        %parallel_loop3A_741 = arith.addf %parallel_loop3A_736, %parallel_loop3A_740 : vector<16xf32>
        %parallel_loop3A_742 = arith.index_cast %parallel_loop3A_690 : i32 to index
        %parallel_loop3A_743 = arith.constant 48 : index
        %parallel_loop3A_744 = tpu.vector_load %arg14[%parallel_loop3A_742, %parallel_loop3A_743] {strides = array<i32>} : memref<125x64xf32, #tpu.memory_space<vmem>>, vector<1x16xf32>,
        %parallel_loop3A_745 = vector.shape_cast %parallel_loop3A_744 : vector<1x16xf32> to vector<16xf32>
        %parallel_loop3A_746 = vector.shape_cast %parallel_loop3A_741 : vector<16xf32> to vector<1x16xf32>
        tpu.vector_store %arg14[%parallel_loop3A_742, %parallel_loop3A_743], %parallel_loop3A_746 {strides = array<i32>} : memref<125x64xf32, #tpu.memory_space<vmem>>, vector<1x16xf32>,
      } {sc.loop_unroll_factor = 5 : i64, sc.parallel_access}
      %add3A_615 = arith.constant 2 : i32
      %add3A_616 = arith.addi %mul3A_571, %add3A_615 : i32
      %dma_start3A_617 = arith.constant 0 : i32
      %dma_start3A_618 = tpu.memref_slice %arg13[%add3A_616, %dma_start3A_617] : memref<80x125xi32, #tpu.memory_space<vmem>> -> memref<1x125xi32, #tpu.memory_space<vmem>>
      %dma_start3A_619 = tpu.memref_squeeze %dma_start3A_618 : memref<1x125xi32, #tpu.memory_space<vmem>> -> memref<125xi32, #tpu.memory_space<vmem>>
      %dma_start3A_620 = arith.constant 0 : i32
      %dma_start3A_621 = arith.constant 0 : i32
      %dma_start3A_622 = tpu.memref_slice %arg23[%dma_start3A_620, %dma_start3A_621] : memref<200x64xf32, #tpu.memory_space<vmem_shared>> -> memref<200x64xf32, #tpu.memory_space<vmem_shared>>
      tpu.enqueue_indirect_dma source(%dma_start3A_622 : memref<200x64xf32, #tpu.memory_space<vmem_shared>>) target(%arg16 : memref<125x64xf32, #tpu.memory_space<vmem>>) offsets(%dma_start3A_619 : memref<125xi32, #tpu.memory_space<vmem>>) semaphore(%arg25 : memref<!tpu.dma_semaphore, #tpu.memory_space<semaphore_mem>>)
      %dma_start3A_623 = arith.constant 0 : i32
      %dma_start3A_624 = tpu.memref_slice %arg12[%mul3A_571, %dma_start3A_623] : memref<80x125xi32, #tpu.memory_space<vmem>> -> memref<1x125xi32, #tpu.memory_space<vmem>>
      %dma_start3A_625 = tpu.memref_squeeze %dma_start3A_624 : memref<1x125xi32, #tpu.memory_space<vmem>> -> memref<125xi32, #tpu.memory_space<vmem>>
      %dma_start3A_626 = arith.constant 0 : i32
      %dma_start3A_627 = arith.constant 0 : i32
      %dma_start3A_628 = tpu.memref_slice %arg21[%dma_start3A_626, %dma_start3A_627] : memref<10240x64xf32, #tpu.memory_space<vmem_shared>> -> memref<10240x64xf32, #tpu.memory_space<vmem_shared>>
      tpu.enqueue_indirect_dma source(%arg14 : memref<125x64xf32, #tpu.memory_space<vmem>>) target(%dma_start3A_628 : memref<10240x64xf32, #tpu.memory_space<vmem_shared>>) offsets(%dma_start3A_625 : memref<125xi32, #tpu.memory_space<vmem>>) semaphore(%arg28 : memref<!tpu.dma_semaphore, #tpu.memory_space<semaphore_mem>>) {add = true}
      %convert_element_type3A_629 = arith.extui %eq3A_80 : i1 to i32
      %cond3A_630 = arith.constant 0 : i32
      %cond3A_631 = arith.cmpi ne, %convert_element_type3A_629, %cond3A_630 : i32
      scf.if %cond3A_631 {
        %dma_start3A_690 = arith.constant 0 : i32
        %dma_start3A_691 = tpu.memref_slice %arg18[%dma_start3A_690] : memref<128xf32, #tpu.memory_space<vmem>> -> memref<125xf32, #tpu.memory_space<vmem>>
        %dma_start3A_692 = arith.constant 0 : i32
        %dma_start3A_693 = tpu.memref_slice %arg12[%mul3A_571, %dma_start3A_692] : memref<80x125xi32, #tpu.memory_space<vmem>> -> memref<1x125xi32, #tpu.memory_space<vmem>>
        %dma_start3A_694 = tpu.memref_squeeze %dma_start3A_693 : memref<1x125xi32, #tpu.memory_space<vmem>> -> memref<125xi32, #tpu.memory_space<vmem>>
        %dma_start3A_695 = arith.constant 0 : i32
        %dma_start3A_696 = tpu.memref_slice %arg22[%dma_start3A_695] : memref<10240xf32, #tpu.memory_space<vmem_shared>> -> memref<10240xf32, #tpu.memory_space<vmem_shared>>
        tpu.enqueue_indirect_dma source(%dma_start3A_691 : memref<125xf32, #tpu.memory_space<vmem>>) target(%dma_start3A_696 : memref<10240xf32, #tpu.memory_space<vmem_shared>>) offsets(%dma_start3A_694 : memref<125xi32, #tpu.memory_space<vmem>>) semaphore(%arg30 : memref<!tpu.dma_semaphore, #tpu.memory_space<semaphore_mem>>) {add = true}
      } else {
      }
      %eq3A_632 = arith.constant 0 : i32
      %eq3A_633 = arith.cmpi eq, %arg0, %eq3A_632 : i32
      %convert_element_type3A_634 = arith.extui %eq3A_633 : i1 to i32
      %cond3A_635 = arith.constant 0 : i32
      %cond3A_636 = arith.cmpi ne, %convert_element_type3A_634, %cond3A_635 : i32
      scf.if %cond3A_636 {
        %dma_wait3A_690 = arith.constant 0 : i32
        %dma_wait3A_691 = tpu.memref_slice %arg11[%add3A_573, %dma_wait3A_690] : memref<80x125xi32, #tpu.memory_space<vmem>> -> memref<1x125xi32, #tpu.memory_space<vmem>>
        %dma_wait3A_692 = tpu.memref_squeeze %dma_wait3A_691 : memref<1x125xi32, #tpu.memory_space<vmem>> -> memref<125xi32, #tpu.memory_space<vmem>>
        %dma_wait3A_693 = arith.constant 0 : i32
        %dma_wait3A_694 = arith.constant 0 : i32
        %dma_wait3A_695 = tpu.memref_slice %arg2[%dma_wait3A_693, %dma_wait3A_694] : memref<10000x64xf32, #tpu.memory_space<hbm>> -> memref<10000x64xf32, #tpu.memory_space<hbm>>
        tpu.wait_indirect_dma semaphore(%arg26 : memref<!tpu.dma_semaphore, #tpu.memory_space<semaphore_mem>>) src(%dma_wait3A_695 : memref<10000x64xf32, #tpu.memory_space<hbm>>) dst(%arg15 : memref<125x64xf32, #tpu.memory_space<vmem>>)
      } else {
      }
      %eq3A_637 = arith.constant 1 : i32
      %eq3A_638 = arith.cmpi eq, %arg0, %eq3A_637 : i32
      %convert_element_type3A_639 = arith.extui %eq3A_638 : i1 to i32
      %cond3A_640 = arith.constant 0 : i32
      %cond3A_641 = arith.cmpi ne, %convert_element_type3A_639, %cond3A_640 : i32
      scf.if %cond3A_641 {
        %dma_wait3A_690 = arith.constant 0 : i32
        %dma_wait3A_691 = tpu.memref_slice %arg11[%add3A_573, %dma_wait3A_690] : memref<80x125xi32, #tpu.memory_space<vmem>> -> memref<1x125xi32, #tpu.memory_space<vmem>>
        %dma_wait3A_692 = tpu.memref_squeeze %dma_wait3A_691 : memref<1x125xi32, #tpu.memory_space<vmem>> -> memref<125xi32, #tpu.memory_space<vmem>>
        %dma_wait3A_693 = arith.constant 0 : i32
        %dma_wait3A_694 = arith.constant 0 : i32
        %dma_wait3A_695 = tpu.memref_slice %arg3[%dma_wait3A_693, %dma_wait3A_694] : memref<10000x64xf32, #tpu.memory_space<hbm>> -> memref<10000x64xf32, #tpu.memory_space<hbm>>
        tpu.wait_indirect_dma semaphore(%arg26 : memref<!tpu.dma_semaphore, #tpu.memory_space<semaphore_mem>>) src(%dma_wait3A_695 : memref<10000x64xf32, #tpu.memory_space<hbm>>) dst(%arg15 : memref<125x64xf32, #tpu.memory_space<vmem>>)
      } else {
      }
      %dma_wait3A_642 = arith.constant 0 : i32
      %dma_wait3A_643 = tpu.memref_slice %arg13[%add3A_573, %dma_wait3A_642] : memref<80x125xi32, #tpu.memory_space<vmem>> -> memref<1x125xi32, #tpu.memory_space<vmem>>
      %dma_wait3A_644 = tpu.memref_squeeze %dma_wait3A_643 : memref<1x125xi32, #tpu.memory_space<vmem>> -> memref<125xi32, #tpu.memory_space<vmem>>
      %dma_wait3A_645 = arith.constant 0 : i32
      %dma_wait3A_646 = arith.constant 0 : i32
      %dma_wait3A_647 = tpu.memref_slice %arg23[%dma_wait3A_645, %dma_wait3A_646] : memref<200x64xf32, #tpu.memory_space<vmem_shared>> -> memref<200x64xf32, #tpu.memory_space<vmem_shared>>
      tpu.wait_indirect_dma semaphore(%arg27 : memref<!tpu.dma_semaphore, #tpu.memory_space<semaphore_mem>>) src(%dma_wait3A_647 : memref<200x64xf32, #tpu.memory_space<vmem_shared>>) dst(%arg17 : memref<125x64xf32, #tpu.memory_space<vmem>>)
      %parallel_loop3A_648 = arith.constant 0 : i32
      %parallel_loop3A_649 = arith.constant 125 : i32
      %parallel_loop3A_650 = arith.constant 1 : i32
      scf.for %parallel_loop3A_690 = %parallel_loop3A_648 to %parallel_loop3A_649 step %parallel_loop3A_650  : i32 {
        %parallel_loop3A_691 = arith.index_cast %parallel_loop3A_690 : i32 to index
        %parallel_loop3A_692 = arith.constant 0 : index
        %parallel_loop3A_693 = tpu.vector_load %arg15[%parallel_loop3A_691, %parallel_loop3A_692] {strides = array<i32>} : memref<125x64xf32, #tpu.memory_space<vmem>>, vector<1x16xf32>,
        %parallel_loop3A_694 = vector.shape_cast %parallel_loop3A_693 : vector<1x16xf32> to vector<16xf32>
        %parallel_loop3A_695 = arith.index_cast %parallel_loop3A_690 : i32 to index
        %parallel_loop3A_696 = arith.constant 0 : index
        %parallel_loop3A_697 = tpu.vector_load %arg17[%parallel_loop3A_695, %parallel_loop3A_696] {strides = array<i32>} : memref<125x64xf32, #tpu.memory_space<vmem>>, vector<1x16xf32>,
        %parallel_loop3A_698 = vector.shape_cast %parallel_loop3A_697 : vector<1x16xf32> to vector<16xf32>
        %parallel_loop3A_699 = arith.addf %parallel_loop3A_694, %parallel_loop3A_698 : vector<16xf32>
        %parallel_loop3A_700 = arith.index_cast %parallel_loop3A_690 : i32 to index
        %parallel_loop3A_701 = arith.constant 0 : index
        %parallel_loop3A_702 = tpu.vector_load %arg15[%parallel_loop3A_700, %parallel_loop3A_701] {strides = array<i32>} : memref<125x64xf32, #tpu.memory_space<vmem>>, vector<1x16xf32>,
        %parallel_loop3A_703 = vector.shape_cast %parallel_loop3A_702 : vector<1x16xf32> to vector<16xf32>
        %parallel_loop3A_704 = vector.shape_cast %parallel_loop3A_699 : vector<16xf32> to vector<1x16xf32>
        tpu.vector_store %arg15[%parallel_loop3A_700, %parallel_loop3A_701], %parallel_loop3A_704 {strides = array<i32>} : memref<125x64xf32, #tpu.memory_space<vmem>>, vector<1x16xf32>,
        %parallel_loop3A_705 = arith.index_cast %parallel_loop3A_690 : i32 to index
        %parallel_loop3A_706 = arith.constant 16 : index
        %parallel_loop3A_707 = tpu.vector_load %arg15[%parallel_loop3A_705, %parallel_loop3A_706] {strides = array<i32>} : memref<125x64xf32, #tpu.memory_space<vmem>>, vector<1x16xf32>,
        %parallel_loop3A_708 = vector.shape_cast %parallel_loop3A_707 : vector<1x16xf32> to vector<16xf32>
        %parallel_loop3A_709 = arith.index_cast %parallel_loop3A_690 : i32 to index
        %parallel_loop3A_710 = arith.constant 16 : index
        %parallel_loop3A_711 = tpu.vector_load %arg17[%parallel_loop3A_709, %parallel_loop3A_710] {strides = array<i32>} : memref<125x64xf32, #tpu.memory_space<vmem>>, vector<1x16xf32>,
        %parallel_loop3A_712 = vector.shape_cast %parallel_loop3A_711 : vector<1x16xf32> to vector<16xf32>
        %parallel_loop3A_713 = arith.addf %parallel_loop3A_708, %parallel_loop3A_712 : vector<16xf32>
        %parallel_loop3A_714 = arith.index_cast %parallel_loop3A_690 : i32 to index
        %parallel_loop3A_715 = arith.constant 16 : index
        %parallel_loop3A_716 = tpu.vector_load %arg15[%parallel_loop3A_714, %parallel_loop3A_715] {strides = array<i32>} : memref<125x64xf32, #tpu.memory_space<vmem>>, vector<1x16xf32>,
        %parallel_loop3A_717 = vector.shape_cast %parallel_loop3A_716 : vector<1x16xf32> to vector<16xf32>
        %parallel_loop3A_718 = vector.shape_cast %parallel_loop3A_713 : vector<16xf32> to vector<1x16xf32>
        tpu.vector_store %arg15[%parallel_loop3A_714, %parallel_loop3A_715], %parallel_loop3A_718 {strides = array<i32>} : memref<125x64xf32, #tpu.memory_space<vmem>>, vector<1x16xf32>,
        %parallel_loop3A_719 = arith.index_cast %parallel_loop3A_690 : i32 to index
        %parallel_loop3A_720 = arith.constant 32 : index
        %parallel_loop3A_721 = tpu.vector_load %arg15[%parallel_loop3A_719, %parallel_loop3A_720] {strides = array<i32>} : memref<125x64xf32, #tpu.memory_space<vmem>>, vector<1x16xf32>,
        %parallel_loop3A_722 = vector.shape_cast %parallel_loop3A_721 : vector<1x16xf32> to vector<16xf32>
        %parallel_loop3A_723 = arith.index_cast %parallel_loop3A_690 : i32 to index
        %parallel_loop3A_724 = arith.constant 32 : index
        %parallel_loop3A_725 = tpu.vector_load %arg17[%parallel_loop3A_723, %parallel_loop3A_724] {strides = array<i32>} : memref<125x64xf32, #tpu.memory_space<vmem>>, vector<1x16xf32>,
        %parallel_loop3A_726 = vector.shape_cast %parallel_loop3A_725 : vector<1x16xf32> to vector<16xf32>
        %parallel_loop3A_727 = arith.addf %parallel_loop3A_722, %parallel_loop3A_726 : vector<16xf32>
        %parallel_loop3A_728 = arith.index_cast %parallel_loop3A_690 : i32 to index
        %parallel_loop3A_729 = arith.constant 32 : index
        %parallel_loop3A_730 = tpu.vector_load %arg15[%parallel_loop3A_728, %parallel_loop3A_729] {strides = array<i32>} : memref<125x64xf32, #tpu.memory_space<vmem>>, vector<1x16xf32>,
        %parallel_loop3A_731 = vector.shape_cast %parallel_loop3A_730 : vector<1x16xf32> to vector<16xf32>
        %parallel_loop3A_732 = vector.shape_cast %parallel_loop3A_727 : vector<16xf32> to vector<1x16xf32>
        tpu.vector_store %arg15[%parallel_loop3A_728, %parallel_loop3A_729], %parallel_loop3A_732 {strides = array<i32>} : memref<125x64xf32, #tpu.memory_space<vmem>>, vector<1x16xf32>,
        %parallel_loop3A_733 = arith.index_cast %parallel_loop3A_690 : i32 to index
        %parallel_loop3A_734 = arith.constant 48 : index
        %parallel_loop3A_735 = tpu.vector_load %arg15[%parallel_loop3A_733, %parallel_loop3A_734] {strides = array<i32>} : memref<125x64xf32, #tpu.memory_space<vmem>>, vector<1x16xf32>,
        %parallel_loop3A_736 = vector.shape_cast %parallel_loop3A_735 : vector<1x16xf32> to vector<16xf32>
        %parallel_loop3A_737 = arith.index_cast %parallel_loop3A_690 : i32 to index
        %parallel_loop3A_738 = arith.constant 48 : index
        %parallel_loop3A_739 = tpu.vector_load %arg17[%parallel_loop3A_737, %parallel_loop3A_738] {strides = array<i32>} : memref<125x64xf32, #tpu.memory_space<vmem>>, vector<1x16xf32>,
        %parallel_loop3A_740 = vector.shape_cast %parallel_loop3A_739 : vector<1x16xf32> to vector<16xf32>
        %parallel_loop3A_741 = arith.addf %parallel_loop3A_736, %parallel_loop3A_740 : vector<16xf32>
        %parallel_loop3A_742 = arith.index_cast %parallel_loop3A_690 : i32 to index
        %parallel_loop3A_743 = arith.constant 48 : index
        %parallel_loop3A_744 = tpu.vector_load %arg15[%parallel_loop3A_742, %parallel_loop3A_743] {strides = array<i32>} : memref<125x64xf32, #tpu.memory_space<vmem>>, vector<1x16xf32>,
        %parallel_loop3A_745 = vector.shape_cast %parallel_loop3A_744 : vector<1x16xf32> to vector<16xf32>
        %parallel_loop3A_746 = vector.shape_cast %parallel_loop3A_741 : vector<16xf32> to vector<1x16xf32>
        tpu.vector_store %arg15[%parallel_loop3A_742, %parallel_loop3A_743], %parallel_loop3A_746 {strides = array<i32>} : memref<125x64xf32, #tpu.memory_space<vmem>>, vector<1x16xf32>,
      } {sc.loop_unroll_factor = 5 : i64, sc.parallel_access}
      %add3A_651 = arith.constant 2 : i32
      %add3A_652 = arith.addi %add3A_573, %add3A_651 : i32
      %dma_start3A_653 = arith.constant 0 : i32
      %dma_start3A_654 = tpu.memref_slice %arg13[%add3A_652, %dma_start3A_653] : memref<80x125xi32, #tpu.memory_space<vmem>> -> memref<1x125xi32, #tpu.memory_space<vmem>>
      %dma_start3A_655 = tpu.memref_squeeze %dma_start3A_654 : memref<1x125xi32, #tpu.memory_space<vmem>> -> memref<125xi32, #tpu.memory_space<vmem>>
      %dma_start3A_656 = arith.constant 0 : i32
      %dma_start3A_657 = arith.constant 0 : i32
      %dma_start3A_658 = tpu.memref_slice %arg23[%dma_start3A_656, %dma_start3A_657] : memref<200x64xf32, #tpu.memory_space<vmem_shared>> -> memref<200x64xf32, #tpu.memory_space<vmem_shared>>
      tpu.enqueue_indirect_dma source(%dma_start3A_658 : memref<200x64xf32, #tpu.memory_space<vmem_shared>>) target(%arg17 : memref<125x64xf32, #tpu.memory_space<vmem>>) offsets(%dma_start3A_655 : memref<125xi32, #tpu.memory_space<vmem>>) semaphore(%arg27 : memref<!tpu.dma_semaphore, #tpu.memory_space<semaphore_mem>>)
      %dma_wait3A_659 = arith.constant 0 : i32
      %dma_wait3A_660 = tpu.memref_slice %arg12[%mul3A_571, %dma_wait3A_659] : memref<80x125xi32, #tpu.memory_space<vmem>> -> memref<1x125xi32, #tpu.memory_space<vmem>>
      %dma_wait3A_661 = tpu.memref_squeeze %dma_wait3A_660 : memref<1x125xi32, #tpu.memory_space<vmem>> -> memref<125xi32, #tpu.memory_space<vmem>>
      %dma_wait3A_662 = arith.constant 0 : i32
      %dma_wait3A_663 = arith.constant 0 : i32
      %dma_wait3A_664 = tpu.memref_slice %arg21[%dma_wait3A_662, %dma_wait3A_663] : memref<10240x64xf32, #tpu.memory_space<vmem_shared>> -> memref<10240x64xf32, #tpu.memory_space<vmem_shared>>
      tpu.wait_indirect_dma semaphore(%arg28 : memref<!tpu.dma_semaphore, #tpu.memory_space<semaphore_mem>>) src(%arg14 : memref<125x64xf32, #tpu.memory_space<vmem>>) dst(%dma_wait3A_664 : memref<10240x64xf32, #tpu.memory_space<vmem_shared>>)
      %convert_element_type3A_665 = arith.extui %eq3A_80 : i1 to i32
      %cond3A_666 = arith.constant 0 : i32
      %cond3A_667 = arith.cmpi ne, %convert_element_type3A_665, %cond3A_666 : i32
      scf.if %cond3A_667 {
        %dma_wait3A_690 = arith.constant 0 : i32
        %dma_wait3A_691 = tpu.memref_slice %arg18[%dma_wait3A_690] : memref<128xf32, #tpu.memory_space<vmem>> -> memref<125xf32, #tpu.memory_space<vmem>>
        %dma_wait3A_692 = arith.constant 0 : i32
        %dma_wait3A_693 = tpu.memref_slice %arg12[%mul3A_571, %dma_wait3A_692] : memref<80x125xi32, #tpu.memory_space<vmem>> -> memref<1x125xi32, #tpu.memory_space<vmem>>
        %dma_wait3A_694 = tpu.memref_squeeze %dma_wait3A_693 : memref<1x125xi32, #tpu.memory_space<vmem>> -> memref<125xi32, #tpu.memory_space<vmem>>
        %dma_wait3A_695 = arith.constant 0 : i32
        %dma_wait3A_696 = tpu.memref_slice %arg22[%dma_wait3A_695] : memref<10240xf32, #tpu.memory_space<vmem_shared>> -> memref<10240xf32, #tpu.memory_space<vmem_shared>>
        tpu.wait_indirect_dma semaphore(%arg30 : memref<!tpu.dma_semaphore, #tpu.memory_space<semaphore_mem>>) src(%dma_wait3A_691 : memref<125xf32, #tpu.memory_space<vmem>>) dst(%dma_wait3A_696 : memref<10240xf32, #tpu.memory_space<vmem_shared>>)
      } else {
      }
      %add3A_668 = arith.constant 2 : i32
      %add3A_669 = arith.addi %mul3A_571, %add3A_668 : i32
      %eq3A_670 = arith.constant 0 : i32
      %eq3A_671 = arith.cmpi eq, %arg0, %eq3A_670 : i32
      %convert_element_type3A_672 = arith.extui %eq3A_671 : i1 to i32
      %cond3A_673 = arith.constant 0 : i32
      %cond3A_674 = arith.cmpi ne, %convert_element_type3A_672, %cond3A_673 : i32
      scf.if %cond3A_674 {
        %dma_start3A_690 = arith.constant 0 : i32
        %dma_start3A_691 = tpu.memref_slice %arg11[%add3A_669, %dma_start3A_690] : memref<80x125xi32, #tpu.memory_space<vmem>> -> memref<1x125xi32, #tpu.memory_space<vmem>>
        %dma_start3A_692 = tpu.memref_squeeze %dma_start3A_691 : memref<1x125xi32, #tpu.memory_space<vmem>> -> memref<125xi32, #tpu.memory_space<vmem>>
        %dma_start3A_693 = arith.constant 0 : i32
        %dma_start3A_694 = arith.constant 0 : i32
        %dma_start3A_695 = tpu.memref_slice %arg2[%dma_start3A_693, %dma_start3A_694] : memref<10000x64xf32, #tpu.memory_space<hbm>> -> memref<10000x64xf32, #tpu.memory_space<hbm>>
        tpu.enqueue_indirect_dma source(%dma_start3A_695 : memref<10000x64xf32, #tpu.memory_space<hbm>>) target(%arg14 : memref<125x64xf32, #tpu.memory_space<vmem>>) offsets(%dma_start3A_692 : memref<125xi32, #tpu.memory_space<vmem>>) semaphore(%arg24 : memref<!tpu.dma_semaphore, #tpu.memory_space<semaphore_mem>>)
      } else {
      }
      %eq3A_675 = arith.constant 1 : i32
      %eq3A_676 = arith.cmpi eq, %arg0, %eq3A_675 : i32
      %convert_element_type3A_677 = arith.extui %eq3A_676 : i1 to i32
      %cond3A_678 = arith.constant 0 : i32
      %cond3A_679 = arith.cmpi ne, %convert_element_type3A_677, %cond3A_678 : i32
      scf.if %cond3A_679 {
        %dma_start3A_690 = arith.constant 0 : i32
        %dma_start3A_691 = tpu.memref_slice %arg11[%add3A_669, %dma_start3A_690] : memref<80x125xi32, #tpu.memory_space<vmem>> -> memref<1x125xi32, #tpu.memory_space<vmem>>
        %dma_start3A_692 = tpu.memref_squeeze %dma_start3A_691 : memref<1x125xi32, #tpu.memory_space<vmem>> -> memref<125xi32, #tpu.memory_space<vmem>>
        %dma_start3A_693 = arith.constant 0 : i32
        %dma_start3A_694 = arith.constant 0 : i32
        %dma_start3A_695 = tpu.memref_slice %arg3[%dma_start3A_693, %dma_start3A_694] : memref<10000x64xf32, #tpu.memory_space<hbm>> -> memref<10000x64xf32, #tpu.memory_space<hbm>>
        tpu.enqueue_indirect_dma source(%dma_start3A_695 : memref<10000x64xf32, #tpu.memory_space<hbm>>) target(%arg14 : memref<125x64xf32, #tpu.memory_space<vmem>>) offsets(%dma_start3A_692 : memref<125xi32, #tpu.memory_space<vmem>>) semaphore(%arg24 : memref<!tpu.dma_semaphore, #tpu.memory_space<semaphore_mem>>)
      } else {
      }
      %dma_start3A_680 = arith.constant 0 : i32
      %dma_start3A_681 = tpu.memref_slice %arg12[%add3A_573, %dma_start3A_680] : memref<80x125xi32, #tpu.memory_space<vmem>> -> memref<1x125xi32, #tpu.memory_space<vmem>>
      %dma_start3A_682 = tpu.memref_squeeze %dma_start3A_681 : memref<1x125xi32, #tpu.memory_space<vmem>> -> memref<125xi32, #tpu.memory_space<vmem>>
      %dma_start3A_683 = arith.constant 0 : i32
      %dma_start3A_684 = arith.constant 0 : i32
      %dma_start3A_685 = tpu.memref_slice %arg21[%dma_start3A_683, %dma_start3A_684] : memref<10240x64xf32, #tpu.memory_space<vmem_shared>> -> memref<10240x64xf32, #tpu.memory_space<vmem_shared>>
      tpu.enqueue_indirect_dma source(%arg15 : memref<125x64xf32, #tpu.memory_space<vmem>>) target(%dma_start3A_685 : memref<10240x64xf32, #tpu.memory_space<vmem_shared>>) offsets(%dma_start3A_682 : memref<125xi32, #tpu.memory_space<vmem>>) semaphore(%arg29 : memref<!tpu.dma_semaphore, #tpu.memory_space<semaphore_mem>>) {add = true}
      %convert_element_type3A_686 = arith.extui %eq3A_80 : i1 to i32
      %cond3A_687 = arith.constant 0 : i32
      %cond3A_688 = arith.cmpi ne, %convert_element_type3A_686, %cond3A_687 : i32
      scf.if %cond3A_688 {
        %dma_start3A_690 = arith.constant 0 : i32
        %dma_start3A_691 = tpu.memref_slice %arg18[%dma_start3A_690] : memref<128xf32, #tpu.memory_space<vmem>> -> memref<125xf32, #tpu.memory_space<vmem>>
        %dma_start3A_692 = arith.constant 0 : i32
        %dma_start3A_693 = tpu.memref_slice %arg12[%add3A_573, %dma_start3A_692] : memref<80x125xi32, #tpu.memory_space<vmem>> -> memref<1x125xi32, #tpu.memory_space<vmem>>
        %dma_start3A_694 = tpu.memref_squeeze %dma_start3A_693 : memref<1x125xi32, #tpu.memory_space<vmem>> -> memref<125xi32, #tpu.memory_space<vmem>>
        %dma_start3A_695 = arith.constant 0 : i32
        %dma_start3A_696 = tpu.memref_slice %arg22[%dma_start3A_695] : memref<10240xf32, #tpu.memory_space<vmem_shared>> -> memref<10240xf32, #tpu.memory_space<vmem_shared>>
        tpu.enqueue_indirect_dma source(%dma_start3A_691 : memref<125xf32, #tpu.memory_space<vmem>>) target(%dma_start3A_696 : memref<10240xf32, #tpu.memory_space<vmem_shared>>) offsets(%dma_start3A_694 : memref<125xi32, #tpu.memory_space<vmem>>) semaphore(%arg31 : memref<!tpu.dma_semaphore, #tpu.memory_space<semaphore_mem>>) {add = true}
      } else {
      }
      %scan3A_689 = arith.constant 0 : i32
      scf.yield %scan3A_689 : i32
    }
    %scan3A_213 = arith.constant 38 : i32
    %dma_wait3A_214 = arith.constant 77 : i32
    %dma_wait3A_215 = arith.constant 0 : i32
    %dma_wait3A_216 = tpu.memref_slice %arg12[%dma_wait3A_214, %dma_wait3A_215] : memref<80x125xi32, #tpu.memory_space<vmem>> -> memref<1x125xi32, #tpu.memory_space<vmem>>
    %dma_wait3A_217 = tpu.memref_squeeze %dma_wait3A_216 : memref<1x125xi32, #tpu.memory_space<vmem>> -> memref<125xi32, #tpu.memory_space<vmem>>
    %dma_wait3A_218 = arith.constant 0 : i32
    %dma_wait3A_219 = arith.constant 0 : i32
    %dma_wait3A_220 = tpu.memref_slice %arg21[%dma_wait3A_218, %dma_wait3A_219] : memref<10240x64xf32, #tpu.memory_space<vmem_shared>> -> memref<10240x64xf32, #tpu.memory_space<vmem_shared>>
    tpu.wait_indirect_dma semaphore(%arg29 : memref<!tpu.dma_semaphore, #tpu.memory_space<semaphore_mem>>) src(%arg15 : memref<125x64xf32, #tpu.memory_space<vmem>>) dst(%dma_wait3A_220 : memref<10240x64xf32, #tpu.memory_space<vmem_shared>>)
    %convert_element_type3A_221 = arith.extui %eq3A_80 : i1 to i32
    %cond3A_222 = arith.constant 0 : i32
    %cond3A_223 = arith.cmpi ne, %convert_element_type3A_221, %cond3A_222 : i32
    scf.if %cond3A_223 {
      %dma_wait3A_568 = arith.constant 77 : i32
      %dma_wait3A_569 = arith.constant 0 : i32
      %dma_wait3A_570 = tpu.memref_slice %arg18[%dma_wait3A_569] : memref<128xf32, #tpu.memory_space<vmem>> -> memref<125xf32, #tpu.memory_space<vmem>>
      %dma_wait3A_571 = arith.constant 0 : i32
      %dma_wait3A_572 = tpu.memref_slice %arg12[%dma_wait3A_568, %dma_wait3A_571] : memref<80x125xi32, #tpu.memory_space<vmem>> -> memref<1x125xi32, #tpu.memory_space<vmem>>
      %dma_wait3A_573 = tpu.memref_squeeze %dma_wait3A_572 : memref<1x125xi32, #tpu.memory_space<vmem>> -> memref<125xi32, #tpu.memory_space<vmem>>
      %dma_wait3A_574 = arith.constant 0 : i32
      %dma_wait3A_575 = tpu.memref_slice %arg22[%dma_wait3A_574] : memref<10240xf32, #tpu.memory_space<vmem_shared>> -> memref<10240xf32, #tpu.memory_space<vmem_shared>>
      tpu.wait_indirect_dma semaphore(%arg31 : memref<!tpu.dma_semaphore, #tpu.memory_space<semaphore_mem>>) src(%dma_wait3A_570 : memref<125xf32, #tpu.memory_space<vmem>>) dst(%dma_wait3A_575 : memref<10240xf32, #tpu.memory_space<vmem_shared>>)
    } else {
    }
    %eq3A_224 = arith.constant 0 : i32
    %eq3A_225 = arith.cmpi eq, %arg0, %eq3A_224 : i32
    %convert_element_type3A_226 = arith.extui %eq3A_225 : i1 to i32
    %cond3A_227 = arith.constant 0 : i32
    %cond3A_228 = arith.cmpi ne, %convert_element_type3A_226, %cond3A_227 : i32
    scf.if %cond3A_228 {
      %dma_start3A_568 = arith.constant 79 : i32
      %dma_start3A_569 = arith.constant 0 : i32
      %dma_start3A_570 = tpu.memref_slice %arg11[%dma_start3A_568, %dma_start3A_569] : memref<80x125xi32, #tpu.memory_space<vmem>> -> memref<1x125xi32, #tpu.memory_space<vmem>>
      %dma_start3A_571 = tpu.memref_squeeze %dma_start3A_570 : memref<1x125xi32, #tpu.memory_space<vmem>> -> memref<125xi32, #tpu.memory_space<vmem>>
      %dma_start3A_572 = arith.constant 0 : i32
      %dma_start3A_573 = arith.constant 0 : i32
      %dma_start3A_574 = tpu.memref_slice %arg2[%dma_start3A_572, %dma_start3A_573] : memref<10000x64xf32, #tpu.memory_space<hbm>> -> memref<10000x64xf32, #tpu.memory_space<hbm>>
      tpu.enqueue_indirect_dma source(%dma_start3A_574 : memref<10000x64xf32, #tpu.memory_space<hbm>>) target(%arg15 : memref<125x64xf32, #tpu.memory_space<vmem>>) offsets(%dma_start3A_571 : memref<125xi32, #tpu.memory_space<vmem>>) semaphore(%arg26 : memref<!tpu.dma_semaphore, #tpu.memory_space<semaphore_mem>>)
    } else {
    }
    %eq3A_229 = arith.constant 1 : i32
    %eq3A_230 = arith.cmpi eq, %arg0, %eq3A_229 : i32
    %convert_element_type3A_231 = arith.extui %eq3A_230 : i1 to i32
    %cond3A_232 = arith.constant 0 : i32
    %cond3A_233 = arith.cmpi ne, %convert_element_type3A_231, %cond3A_232 : i32
    scf.if %cond3A_233 {
      %dma_start3A_568 = arith.constant 79 : i32
      %dma_start3A_569 = arith.constant 0 : i32
      %dma_start3A_570 = tpu.memref_slice %arg11[%dma_start3A_568, %dma_start3A_569] : memref<80x125xi32, #tpu.memory_space<vmem>> -> memref<1x125xi32, #tpu.memory_space<vmem>>
      %dma_start3A_571 = tpu.memref_squeeze %dma_start3A_570 : memref<1x125xi32, #tpu.memory_space<vmem>> -> memref<125xi32, #tpu.memory_space<vmem>>
      %dma_start3A_572 = arith.constant 0 : i32
      %dma_start3A_573 = arith.constant 0 : i32
      %dma_start3A_574 = tpu.memref_slice %arg3[%dma_start3A_572, %dma_start3A_573] : memref<10000x64xf32, #tpu.memory_space<hbm>> -> memref<10000x64xf32, #tpu.memory_space<hbm>>
      tpu.enqueue_indirect_dma source(%dma_start3A_574 : memref<10000x64xf32, #tpu.memory_space<hbm>>) target(%arg15 : memref<125x64xf32, #tpu.memory_space<vmem>>) offsets(%dma_start3A_571 : memref<125xi32, #tpu.memory_space<vmem>>) semaphore(%arg26 : memref<!tpu.dma_semaphore, #tpu.memory_space<semaphore_mem>>)
    } else {
    }
    %eq3A_234 = arith.constant 0 : i32
    %eq3A_235 = arith.cmpi eq, %arg0, %eq3A_234 : i32
    %convert_element_type3A_236 = arith.extui %eq3A_235 : i1 to i32
    %cond3A_237 = arith.constant 0 : i32
    %cond3A_238 = arith.cmpi ne, %convert_element_type3A_236, %cond3A_237 : i32
    scf.if %cond3A_238 {
      %dma_wait3A_568 = arith.constant 78 : i32
      %dma_wait3A_569 = arith.constant 0 : i32
      %dma_wait3A_570 = tpu.memref_slice %arg11[%dma_wait3A_568, %dma_wait3A_569] : memref<80x125xi32, #tpu.memory_space<vmem>> -> memref<1x125xi32, #tpu.memory_space<vmem>>
      %dma_wait3A_571 = tpu.memref_squeeze %dma_wait3A_570 : memref<1x125xi32, #tpu.memory_space<vmem>> -> memref<125xi32, #tpu.memory_space<vmem>>
      %dma_wait3A_572 = arith.constant 0 : i32
      %dma_wait3A_573 = arith.constant 0 : i32
      %dma_wait3A_574 = tpu.memref_slice %arg2[%dma_wait3A_572, %dma_wait3A_573] : memref<10000x64xf32, #tpu.memory_space<hbm>> -> memref<10000x64xf32, #tpu.memory_space<hbm>>
      tpu.wait_indirect_dma semaphore(%arg24 : memref<!tpu.dma_semaphore, #tpu.memory_space<semaphore_mem>>) src(%dma_wait3A_574 : memref<10000x64xf32, #tpu.memory_space<hbm>>) dst(%arg14 : memref<125x64xf32, #tpu.memory_space<vmem>>)
    } else {
    }
    %eq3A_239 = arith.constant 1 : i32
    %eq3A_240 = arith.cmpi eq, %arg0, %eq3A_239 : i32
    %convert_element_type3A_241 = arith.extui %eq3A_240 : i1 to i32
    %cond3A_242 = arith.constant 0 : i32
    %cond3A_243 = arith.cmpi ne, %convert_element_type3A_241, %cond3A_242 : i32
    scf.if %cond3A_243 {
      %dma_wait3A_568 = arith.constant 78 : i32
      %dma_wait3A_569 = arith.constant 0 : i32
      %dma_wait3A_570 = tpu.memref_slice %arg11[%dma_wait3A_568, %dma_wait3A_569] : memref<80x125xi32, #tpu.memory_space<vmem>> -> memref<1x125xi32, #tpu.memory_space<vmem>>
      %dma_wait3A_571 = tpu.memref_squeeze %dma_wait3A_570 : memref<1x125xi32, #tpu.memory_space<vmem>> -> memref<125xi32, #tpu.memory_space<vmem>>
      %dma_wait3A_572 = arith.constant 0 : i32
      %dma_wait3A_573 = arith.constant 0 : i32
      %dma_wait3A_574 = tpu.memref_slice %arg3[%dma_wait3A_572, %dma_wait3A_573] : memref<10000x64xf32, #tpu.memory_space<hbm>> -> memref<10000x64xf32, #tpu.memory_space<hbm>>
      tpu.wait_indirect_dma semaphore(%arg24 : memref<!tpu.dma_semaphore, #tpu.memory_space<semaphore_mem>>) src(%dma_wait3A_574 : memref<10000x64xf32, #tpu.memory_space<hbm>>) dst(%arg14 : memref<125x64xf32, #tpu.memory_space<vmem>>)
    } else {
    }
    %dma_wait3A_244 = arith.constant 78 : i32
    %dma_wait3A_245 = arith.constant 0 : i32
    %dma_wait3A_246 = tpu.memref_slice %arg13[%dma_wait3A_244, %dma_wait3A_245] : memref<80x125xi32, #tpu.memory_space<vmem>> -> memref<1x125xi32, #tpu.memory_space<vmem>>
    %dma_wait3A_247 = tpu.memref_squeeze %dma_wait3A_246 : memref<1x125xi32, #tpu.memory_space<vmem>> -> memref<125xi32, #tpu.memory_space<vmem>>
    %dma_wait3A_248 = arith.constant 0 : i32
    %dma_wait3A_249 = arith.constant 0 : i32
    %dma_wait3A_250 = tpu.memref_slice %arg23[%dma_wait3A_248, %dma_wait3A_249] : memref<200x64xf32, #tpu.memory_space<vmem_shared>> -> memref<200x64xf32, #tpu.memory_space<vmem_shared>>
    tpu.wait_indirect_dma semaphore(%arg25 : memref<!tpu.dma_semaphore, #tpu.memory_space<semaphore_mem>>) src(%dma_wait3A_250 : memref<200x64xf32, #tpu.memory_space<vmem_shared>>) dst(%arg16 : memref<125x64xf32, #tpu.memory_space<vmem>>)
    %parallel_loop3A_251 = arith.constant 0 : i32
    %parallel_loop3A_252 = arith.constant 125 : i32
    %parallel_loop3A_253 = arith.constant 1 : i32
    scf.for %parallel_loop3A_568 = %parallel_loop3A_251 to %parallel_loop3A_252 step %parallel_loop3A_253  : i32 {
      %parallel_loop3A_569 = arith.index_cast %parallel_loop3A_568 : i32 to index
      %parallel_loop3A_570 = arith.constant 0 : index
      %parallel_loop3A_571 = tpu.vector_load %arg14[%parallel_loop3A_569, %parallel_loop3A_570] {strides = array<i32>} : memref<125x64xf32, #tpu.memory_space<vmem>>, vector<1x16xf32>,
      %parallel_loop3A_572 = vector.shape_cast %parallel_loop3A_571 : vector<1x16xf32> to vector<16xf32>
      %parallel_loop3A_573 = arith.index_cast %parallel_loop3A_568 : i32 to index
      %parallel_loop3A_574 = arith.constant 0 : index
      %parallel_loop3A_575 = tpu.vector_load %arg16[%parallel_loop3A_573, %parallel_loop3A_574] {strides = array<i32>} : memref<125x64xf32, #tpu.memory_space<vmem>>, vector<1x16xf32>,
      %parallel_loop3A_576 = vector.shape_cast %parallel_loop3A_575 : vector<1x16xf32> to vector<16xf32>
      %parallel_loop3A_577 = arith.addf %parallel_loop3A_572, %parallel_loop3A_576 : vector<16xf32>
      %parallel_loop3A_578 = arith.index_cast %parallel_loop3A_568 : i32 to index
      %parallel_loop3A_579 = arith.constant 0 : index
      %parallel_loop3A_580 = tpu.vector_load %arg14[%parallel_loop3A_578, %parallel_loop3A_579] {strides = array<i32>} : memref<125x64xf32, #tpu.memory_space<vmem>>, vector<1x16xf32>,
      %parallel_loop3A_581 = vector.shape_cast %parallel_loop3A_580 : vector<1x16xf32> to vector<16xf32>
      %parallel_loop3A_582 = vector.shape_cast %parallel_loop3A_577 : vector<16xf32> to vector<1x16xf32>
      tpu.vector_store %arg14[%parallel_loop3A_578, %parallel_loop3A_579], %parallel_loop3A_582 {strides = array<i32>} : memref<125x64xf32, #tpu.memory_space<vmem>>, vector<1x16xf32>,
      %parallel_loop3A_583 = arith.index_cast %parallel_loop3A_568 : i32 to index
      %parallel_loop3A_584 = arith.constant 16 : index
      %parallel_loop3A_585 = tpu.vector_load %arg14[%parallel_loop3A_583, %parallel_loop3A_584] {strides = array<i32>} : memref<125x64xf32, #tpu.memory_space<vmem>>, vector<1x16xf32>,
      %parallel_loop3A_586 = vector.shape_cast %parallel_loop3A_585 : vector<1x16xf32> to vector<16xf32>
      %parallel_loop3A_587 = arith.index_cast %parallel_loop3A_568 : i32 to index
      %parallel_loop3A_588 = arith.constant 16 : index
      %parallel_loop3A_589 = tpu.vector_load %arg16[%parallel_loop3A_587, %parallel_loop3A_588] {strides = array<i32>} : memref<125x64xf32, #tpu.memory_space<vmem>>, vector<1x16xf32>,
      %parallel_loop3A_590 = vector.shape_cast %parallel_loop3A_589 : vector<1x16xf32> to vector<16xf32>
      %parallel_loop3A_591 = arith.addf %parallel_loop3A_586, %parallel_loop3A_590 : vector<16xf32>
      %parallel_loop3A_592 = arith.index_cast %parallel_loop3A_568 : i32 to index
      %parallel_loop3A_593 = arith.constant 16 : index
      %parallel_loop3A_594 = tpu.vector_load %arg14[%parallel_loop3A_592, %parallel_loop3A_593] {strides = array<i32>} : memref<125x64xf32, #tpu.memory_space<vmem>>, vector<1x16xf32>,
      %parallel_loop3A_595 = vector.shape_cast %parallel_loop3A_594 : vector<1x16xf32> to vector<16xf32>
      %parallel_loop3A_596 = vector.shape_cast %parallel_loop3A_591 : vector<16xf32> to vector<1x16xf32>
      tpu.vector_store %arg14[%parallel_loop3A_592, %parallel_loop3A_593], %parallel_loop3A_596 {strides = array<i32>} : memref<125x64xf32, #tpu.memory_space<vmem>>, vector<1x16xf32>,
      %parallel_loop3A_597 = arith.index_cast %parallel_loop3A_568 : i32 to index
      %parallel_loop3A_598 = arith.constant 32 : index
      %parallel_loop3A_599 = tpu.vector_load %arg14[%parallel_loop3A_597, %parallel_loop3A_598] {strides = array<i32>} : memref<125x64xf32, #tpu.memory_space<vmem>>, vector<1x16xf32>,
      %parallel_loop3A_600 = vector.shape_cast %parallel_loop3A_599 : vector<1x16xf32> to vector<16xf32>
      %parallel_loop3A_601 = arith.index_cast %parallel_loop3A_568 : i32 to index
      %parallel_loop3A_602 = arith.constant 32 : index
      %parallel_loop3A_603 = tpu.vector_load %arg16[%parallel_loop3A_601, %parallel_loop3A_602] {strides = array<i32>} : memref<125x64xf32, #tpu.memory_space<vmem>>, vector<1x16xf32>,
      %parallel_loop3A_604 = vector.shape_cast %parallel_loop3A_603 : vector<1x16xf32> to vector<16xf32>
      %parallel_loop3A_605 = arith.addf %parallel_loop3A_600, %parallel_loop3A_604 : vector<16xf32>
      %parallel_loop3A_606 = arith.index_cast %parallel_loop3A_568 : i32 to index
      %parallel_loop3A_607 = arith.constant 32 : index
      %parallel_loop3A_608 = tpu.vector_load %arg14[%parallel_loop3A_606, %parallel_loop3A_607] {strides = array<i32>} : memref<125x64xf32, #tpu.memory_space<vmem>>, vector<1x16xf32>,
      %parallel_loop3A_609 = vector.shape_cast %parallel_loop3A_608 : vector<1x16xf32> to vector<16xf32>
      %parallel_loop3A_610 = vector.shape_cast %parallel_loop3A_605 : vector<16xf32> to vector<1x16xf32>
      tpu.vector_store %arg14[%parallel_loop3A_606, %parallel_loop3A_607], %parallel_loop3A_610 {strides = array<i32>} : memref<125x64xf32, #tpu.memory_space<vmem>>, vector<1x16xf32>,
      %parallel_loop3A_611 = arith.index_cast %parallel_loop3A_568 : i32 to index
      %parallel_loop3A_612 = arith.constant 48 : index
      %parallel_loop3A_613 = tpu.vector_load %arg14[%parallel_loop3A_611, %parallel_loop3A_612] {strides = array<i32>} : memref<125x64xf32, #tpu.memory_space<vmem>>, vector<1x16xf32>,
      %parallel_loop3A_614 = vector.shape_cast %parallel_loop3A_613 : vector<1x16xf32> to vector<16xf32>
      %parallel_loop3A_615 = arith.index_cast %parallel_loop3A_568 : i32 to index
      %parallel_loop3A_616 = arith.constant 48 : index
      %parallel_loop3A_617 = tpu.vector_load %arg16[%parallel_loop3A_615, %parallel_loop3A_616] {strides = array<i32>} : memref<125x64xf32, #tpu.memory_space<vmem>>, vector<1x16xf32>,
      %parallel_loop3A_618 = vector.shape_cast %parallel_loop3A_617 : vector<1x16xf32> to vector<16xf32>
      %parallel_loop3A_619 = arith.addf %parallel_loop3A_614, %parallel_loop3A_618 : vector<16xf32>
      %parallel_loop3A_620 = arith.index_cast %parallel_loop3A_568 : i32 to index
      %parallel_loop3A_621 = arith.constant 48 : index
      %parallel_loop3A_622 = tpu.vector_load %arg14[%parallel_loop3A_620, %parallel_loop3A_621] {strides = array<i32>} : memref<125x64xf32, #tpu.memory_space<vmem>>, vector<1x16xf32>,
      %parallel_loop3A_623 = vector.shape_cast %parallel_loop3A_622 : vector<1x16xf32> to vector<16xf32>
      %parallel_loop3A_624 = vector.shape_cast %parallel_loop3A_619 : vector<16xf32> to vector<1x16xf32>
      tpu.vector_store %arg14[%parallel_loop3A_620, %parallel_loop3A_621], %parallel_loop3A_624 {strides = array<i32>} : memref<125x64xf32, #tpu.memory_space<vmem>>, vector<1x16xf32>,
    } {sc.loop_unroll_factor = 5 : i64, sc.parallel_access}
    %dma_start3A_254 = arith.constant 78 : i32
    %dma_start3A_255 = arith.constant 0 : i32
    %dma_start3A_256 = tpu.memref_slice %arg12[%dma_start3A_254, %dma_start3A_255] : memref<80x125xi32, #tpu.memory_space<vmem>> -> memref<1x125xi32, #tpu.memory_space<vmem>>
    %dma_start3A_257 = tpu.memref_squeeze %dma_start3A_256 : memref<1x125xi32, #tpu.memory_space<vmem>> -> memref<125xi32, #tpu.memory_space<vmem>>
    %dma_start3A_258 = arith.constant 0 : i32
    %dma_start3A_259 = arith.constant 0 : i32
    %dma_start3A_260 = tpu.memref_slice %arg21[%dma_start3A_258, %dma_start3A_259] : memref<10240x64xf32, #tpu.memory_space<vmem_shared>> -> memref<10240x64xf32, #tpu.memory_space<vmem_shared>>
    tpu.enqueue_indirect_dma source(%arg14 : memref<125x64xf32, #tpu.memory_space<vmem>>) target(%dma_start3A_260 : memref<10240x64xf32, #tpu.memory_space<vmem_shared>>) offsets(%dma_start3A_257 : memref<125xi32, #tpu.memory_space<vmem>>) semaphore(%arg28 : memref<!tpu.dma_semaphore, #tpu.memory_space<semaphore_mem>>) {add = true}
    %convert_element_type3A_261 = arith.extui %eq3A_80 : i1 to i32
    %cond3A_262 = arith.constant 0 : i32
    %cond3A_263 = arith.cmpi ne, %convert_element_type3A_261, %cond3A_262 : i32
    scf.if %cond3A_263 {
      %dma_start3A_568 = arith.constant 78 : i32
      %dma_start3A_569 = arith.constant 0 : i32
      %dma_start3A_570 = tpu.memref_slice %arg18[%dma_start3A_569] : memref<128xf32, #tpu.memory_space<vmem>> -> memref<125xf32, #tpu.memory_space<vmem>>
      %dma_start3A_571 = arith.constant 0 : i32
      %dma_start3A_572 = tpu.memref_slice %arg12[%dma_start3A_568, %dma_start3A_571] : memref<80x125xi32, #tpu.memory_space<vmem>> -> memref<1x125xi32, #tpu.memory_space<vmem>>
      %dma_start3A_573 = tpu.memref_squeeze %dma_start3A_572 : memref<1x125xi32, #tpu.memory_space<vmem>> -> memref<125xi32, #tpu.memory_space<vmem>>
      %dma_start3A_574 = arith.constant 0 : i32
      %dma_start3A_575 = tpu.memref_slice %arg22[%dma_start3A_574] : memref<10240xf32, #tpu.memory_space<vmem_shared>> -> memref<10240xf32, #tpu.memory_space<vmem_shared>>
      tpu.enqueue_indirect_dma source(%dma_start3A_570 : memref<125xf32, #tpu.memory_space<vmem>>) target(%dma_start3A_575 : memref<10240xf32, #tpu.memory_space<vmem_shared>>) offsets(%dma_start3A_573 : memref<125xi32, #tpu.memory_space<vmem>>) semaphore(%arg30 : memref<!tpu.dma_semaphore, #tpu.memory_space<semaphore_mem>>) {add = true}
    } else {
    }
    %eq3A_264 = arith.constant 0 : i32
    %eq3A_265 = arith.cmpi eq, %arg0, %eq3A_264 : i32
    %convert_element_type3A_266 = arith.extui %eq3A_265 : i1 to i32
    %cond3A_267 = arith.constant 0 : i32
    %cond3A_268 = arith.cmpi ne, %convert_element_type3A_266, %cond3A_267 : i32
    scf.if %cond3A_268 {
      %dma_wait3A_568 = arith.constant 79 : i32
      %dma_wait3A_569 = arith.constant 0 : i32
      %dma_wait3A_570 = tpu.memref_slice %arg11[%dma_wait3A_568, %dma_wait3A_569] : memref<80x125xi32, #tpu.memory_space<vmem>> -> memref<1x125xi32, #tpu.memory_space<vmem>>
      %dma_wait3A_571 = tpu.memref_squeeze %dma_wait3A_570 : memref<1x125xi32, #tpu.memory_space<vmem>> -> memref<125xi32, #tpu.memory_space<vmem>>
      %dma_wait3A_572 = arith.constant 0 : i32
      %dma_wait3A_573 = arith.constant 0 : i32
      %dma_wait3A_574 = tpu.memref_slice %arg2[%dma_wait3A_572, %dma_wait3A_573] : memref<10000x64xf32, #tpu.memory_space<hbm>> -> memref<10000x64xf32, #tpu.memory_space<hbm>>
      tpu.wait_indirect_dma semaphore(%arg26 : memref<!tpu.dma_semaphore, #tpu.memory_space<semaphore_mem>>) src(%dma_wait3A_574 : memref<10000x64xf32, #tpu.memory_space<hbm>>) dst(%arg15 : memref<125x64xf32, #tpu.memory_space<vmem>>)
    } else {
    }
    %eq3A_269 = arith.constant 1 : i32
    %eq3A_270 = arith.cmpi eq, %arg0, %eq3A_269 : i32
    %convert_element_type3A_271 = arith.extui %eq3A_270 : i1 to i32
    %cond3A_272 = arith.constant 0 : i32
    %cond3A_273 = arith.cmpi ne, %convert_element_type3A_271, %cond3A_272 : i32
    scf.if %cond3A_273 {
      %dma_wait3A_568 = arith.constant 79 : i32
      %dma_wait3A_569 = arith.constant 0 : i32
      %dma_wait3A_570 = tpu.memref_slice %arg11[%dma_wait3A_568, %dma_wait3A_569] : memref<80x125xi32, #tpu.memory_space<vmem>> -> memref<1x125xi32, #tpu.memory_space<vmem>>
      %dma_wait3A_571 = tpu.memref_squeeze %dma_wait3A_570 : memref<1x125xi32, #tpu.memory_space<vmem>> -> memref<125xi32, #tpu.memory_space<vmem>>
      %dma_wait3A_572 = arith.constant 0 : i32
      %dma_wait3A_573 = arith.constant 0 : i32
      %dma_wait3A_574 = tpu.memref_slice %arg3[%dma_wait3A_572, %dma_wait3A_573] : memref<10000x64xf32, #tpu.memory_space<hbm>> -> memref<10000x64xf32, #tpu.memory_space<hbm>>
      tpu.wait_indirect_dma semaphore(%arg26 : memref<!tpu.dma_semaphore, #tpu.memory_space<semaphore_mem>>) src(%dma_wait3A_574 : memref<10000x64xf32, #tpu.memory_space<hbm>>) dst(%arg15 : memref<125x64xf32, #tpu.memory_space<vmem>>)
    } else {
    }
    %dma_wait3A_274 = arith.constant 79 : i32
    %dma_wait3A_275 = arith.constant 0 : i32
    %dma_wait3A_276 = tpu.memref_slice %arg13[%dma_wait3A_274, %dma_wait3A_275] : memref<80x125xi32, #tpu.memory_space<vmem>> -> memref<1x125xi32, #tpu.memory_space<vmem>>
    %dma_wait3A_277 = tpu.memref_squeeze %dma_wait3A_276 : memref<1x125xi32, #tpu.memory_space<vmem>> -> memref<125xi32, #tpu.memory_space<vmem>>
    %dma_wait3A_278 = arith.constant 0 : i32
    %dma_wait3A_279 = arith.constant 0 : i32
    %dma_wait3A_280 = tpu.memref_slice %arg23[%dma_wait3A_278, %dma_wait3A_279] : memref<200x64xf32, #tpu.memory_space<vmem_shared>> -> memref<200x64xf32, #tpu.memory_space<vmem_shared>>
    tpu.wait_indirect_dma semaphore(%arg27 : memref<!tpu.dma_semaphore, #tpu.memory_space<semaphore_mem>>) src(%dma_wait3A_280 : memref<200x64xf32, #tpu.memory_space<vmem_shared>>) dst(%arg17 : memref<125x64xf32, #tpu.memory_space<vmem>>)
    %parallel_loop3A_281 = arith.constant 0 : i32
    %parallel_loop3A_282 = arith.constant 125 : i32
    %parallel_loop3A_283 = arith.constant 1 : i32
    scf.for %parallel_loop3A_568 = %parallel_loop3A_281 to %parallel_loop3A_282 step %parallel_loop3A_283  : i32 {
      %parallel_loop3A_569 = arith.index_cast %parallel_loop3A_568 : i32 to index
      %parallel_loop3A_570 = arith.constant 0 : index
      %parallel_loop3A_571 = tpu.vector_load %arg15[%parallel_loop3A_569, %parallel_loop3A_570] {strides = array<i32>} : memref<125x64xf32, #tpu.memory_space<vmem>>, vector<1x16xf32>,
      %parallel_loop3A_572 = vector.shape_cast %parallel_loop3A_571 : vector<1x16xf32> to vector<16xf32>
      %parallel_loop3A_573 = arith.index_cast %parallel_loop3A_568 : i32 to index
      %parallel_loop3A_574 = arith.constant 0 : index
      %parallel_loop3A_575 = tpu.vector_load %arg17[%parallel_loop3A_573, %parallel_loop3A_574] {strides = array<i32>} : memref<125x64xf32, #tpu.memory_space<vmem>>, vector<1x16xf32>,
      %parallel_loop3A_576 = vector.shape_cast %parallel_loop3A_575 : vector<1x16xf32> to vector<16xf32>
      %parallel_loop3A_577 = arith.addf %parallel_loop3A_572, %parallel_loop3A_576 : vector<16xf32>
      %parallel_loop3A_578 = arith.index_cast %parallel_loop3A_568 : i32 to index
      %parallel_loop3A_579 = arith.constant 0 : index
      %parallel_loop3A_580 = tpu.vector_load %arg15[%parallel_loop3A_578, %parallel_loop3A_579] {strides = array<i32>} : memref<125x64xf32, #tpu.memory_space<vmem>>, vector<1x16xf32>,
      %parallel_loop3A_581 = vector.shape_cast %parallel_loop3A_580 : vector<1x16xf32> to vector<16xf32>
      %parallel_loop3A_582 = vector.shape_cast %parallel_loop3A_577 : vector<16xf32> to vector<1x16xf32>
      tpu.vector_store %arg15[%parallel_loop3A_578, %parallel_loop3A_579], %parallel_loop3A_582 {strides = array<i32>} : memref<125x64xf32, #tpu.memory_space<vmem>>, vector<1x16xf32>,
      %parallel_loop3A_583 = arith.index_cast %parallel_loop3A_568 : i32 to index
      %parallel_loop3A_584 = arith.constant 16 : index
      %parallel_loop3A_585 = tpu.vector_load %arg15[%parallel_loop3A_583, %parallel_loop3A_584] {strides = array<i32>} : memref<125x64xf32, #tpu.memory_space<vmem>>, vector<1x16xf32>,
      %parallel_loop3A_586 = vector.shape_cast %parallel_loop3A_585 : vector<1x16xf32> to vector<16xf32>
      %parallel_loop3A_587 = arith.index_cast %parallel_loop3A_568 : i32 to index
      %parallel_loop3A_588 = arith.constant 16 : index
      %parallel_loop3A_589 = tpu.vector_load %arg17[%parallel_loop3A_587, %parallel_loop3A_588] {strides = array<i32>} : memref<125x64xf32, #tpu.memory_space<vmem>>, vector<1x16xf32>,
      %parallel_loop3A_590 = vector.shape_cast %parallel_loop3A_589 : vector<1x16xf32> to vector<16xf32>
      %parallel_loop3A_591 = arith.addf %parallel_loop3A_586, %parallel_loop3A_590 : vector<16xf32>
      %parallel_loop3A_592 = arith.index_cast %parallel_loop3A_568 : i32 to index
      %parallel_loop3A_593 = arith.constant 16 : index
      %parallel_loop3A_594 = tpu.vector_load %arg15[%parallel_loop3A_592, %parallel_loop3A_593] {strides = array<i32>} : memref<125x64xf32, #tpu.memory_space<vmem>>, vector<1x16xf32>,
      %parallel_loop3A_595 = vector.shape_cast %parallel_loop3A_594 : vector<1x16xf32> to vector<16xf32>
      %parallel_loop3A_596 = vector.shape_cast %parallel_loop3A_591 : vector<16xf32> to vector<1x16xf32>
      tpu.vector_store %arg15[%parallel_loop3A_592, %parallel_loop3A_593], %parallel_loop3A_596 {strides = array<i32>} : memref<125x64xf32, #tpu.memory_space<vmem>>, vector<1x16xf32>,
      %parallel_loop3A_597 = arith.index_cast %parallel_loop3A_568 : i32 to index
      %parallel_loop3A_598 = arith.constant 32 : index
      %parallel_loop3A_599 = tpu.vector_load %arg15[%parallel_loop3A_597, %parallel_loop3A_598] {strides = array<i32>} : memref<125x64xf32, #tpu.memory_space<vmem>>, vector<1x16xf32>,
      %parallel_loop3A_600 = vector.shape_cast %parallel_loop3A_599 : vector<1x16xf32> to vector<16xf32>
      %parallel_loop3A_601 = arith.index_cast %parallel_loop3A_568 : i32 to index
      %parallel_loop3A_602 = arith.constant 32 : index
      %parallel_loop3A_603 = tpu.vector_load %arg17[%parallel_loop3A_601, %parallel_loop3A_602] {strides = array<i32>} : memref<125x64xf32, #tpu.memory_space<vmem>>, vector<1x16xf32>,
      %parallel_loop3A_604 = vector.shape_cast %parallel_loop3A_603 : vector<1x16xf32> to vector<16xf32>
      %parallel_loop3A_605 = arith.addf %parallel_loop3A_600, %parallel_loop3A_604 : vector<16xf32>
      %parallel_loop3A_606 = arith.index_cast %parallel_loop3A_568 : i32 to index
      %parallel_loop3A_607 = arith.constant 32 : index
      %parallel_loop3A_608 = tpu.vector_load %arg15[%parallel_loop3A_606, %parallel_loop3A_607] {strides = array<i32>} : memref<125x64xf32, #tpu.memory_space<vmem>>, vector<1x16xf32>,
      %parallel_loop3A_609 = vector.shape_cast %parallel_loop3A_608 : vector<1x16xf32> to vector<16xf32>
      %parallel_loop3A_610 = vector.shape_cast %parallel_loop3A_605 : vector<16xf32> to vector<1x16xf32>
      tpu.vector_store %arg15[%parallel_loop3A_606, %parallel_loop3A_607], %parallel_loop3A_610 {strides = array<i32>} : memref<125x64xf32, #tpu.memory_space<vmem>>, vector<1x16xf32>,
      %parallel_loop3A_611 = arith.index_cast %parallel_loop3A_568 : i32 to index
      %parallel_loop3A_612 = arith.constant 48 : index
      %parallel_loop3A_613 = tpu.vector_load %arg15[%parallel_loop3A_611, %parallel_loop3A_612] {strides = array<i32>} : memref<125x64xf32, #tpu.memory_space<vmem>>, vector<1x16xf32>,
      %parallel_loop3A_614 = vector.shape_cast %parallel_loop3A_613 : vector<1x16xf32> to vector<16xf32>
      %parallel_loop3A_615 = arith.index_cast %parallel_loop3A_568 : i32 to index
      %parallel_loop3A_616 = arith.constant 48 : index
      %parallel_loop3A_617 = tpu.vector_load %arg17[%parallel_loop3A_615, %parallel_loop3A_616] {strides = array<i32>} : memref<125x64xf32, #tpu.memory_space<vmem>>, vector<1x16xf32>,
      %parallel_loop3A_618 = vector.shape_cast %parallel_loop3A_617 : vector<1x16xf32> to vector<16xf32>
      %parallel_loop3A_619 = arith.addf %parallel_loop3A_614, %parallel_loop3A_618 : vector<16xf32>
      %parallel_loop3A_620 = arith.index_cast %parallel_loop3A_568 : i32 to index
      %parallel_loop3A_621 = arith.constant 48 : index
      %parallel_loop3A_622 = tpu.vector_load %arg15[%parallel_loop3A_620, %parallel_loop3A_621] {strides = array<i32>} : memref<125x64xf32, #tpu.memory_space<vmem>>, vector<1x16xf32>,
      %parallel_loop3A_623 = vector.shape_cast %parallel_loop3A_622 : vector<1x16xf32> to vector<16xf32>
      %parallel_loop3A_624 = vector.shape_cast %parallel_loop3A_619 : vector<16xf32> to vector<1x16xf32>
      tpu.vector_store %arg15[%parallel_loop3A_620, %parallel_loop3A_621], %parallel_loop3A_624 {strides = array<i32>} : memref<125x64xf32, #tpu.memory_space<vmem>>, vector<1x16xf32>,
    } {sc.loop_unroll_factor = 5 : i64, sc.parallel_access}
    %dma_wait3A_284 = arith.constant 78 : i32
    %dma_wait3A_285 = arith.constant 0 : i32
    %dma_wait3A_286 = tpu.memref_slice %arg12[%dma_wait3A_284, %dma_wait3A_285] : memref<80x125xi32, #tpu.memory_space<vmem>> -> memref<1x125xi32, #tpu.memory_space<vmem>>
    %dma_wait3A_287 = tpu.memref_squeeze %dma_wait3A_286 : memref<1x125xi32, #tpu.memory_space<vmem>> -> memref<125xi32, #tpu.memory_space<vmem>>
    %dma_wait3A_288 = arith.constant 0 : i32
    %dma_wait3A_289 = arith.constant 0 : i32
    %dma_wait3A_290 = tpu.memref_slice %arg21[%dma_wait3A_288, %dma_wait3A_289] : memref<10240x64xf32, #tpu.memory_space<vmem_shared>> -> memref<10240x64xf32, #tpu.memory_space<vmem_shared>>
    tpu.wait_indirect_dma semaphore(%arg28 : memref<!tpu.dma_semaphore, #tpu.memory_space<semaphore_mem>>) src(%arg14 : memref<125x64xf32, #tpu.memory_space<vmem>>) dst(%dma_wait3A_290 : memref<10240x64xf32, #tpu.memory_space<vmem_shared>>)
    %convert_element_type3A_291 = arith.extui %eq3A_80 : i1 to i32
    %cond3A_292 = arith.constant 0 : i32
    %cond3A_293 = arith.cmpi ne, %convert_element_type3A_291, %cond3A_292 : i32
    scf.if %cond3A_293 {
      %dma_wait3A_568 = arith.constant 78 : i32
      %dma_wait3A_569 = arith.constant 0 : i32
      %dma_wait3A_570 = tpu.memref_slice %arg18[%dma_wait3A_569] : memref<128xf32, #tpu.memory_space<vmem>> -> memref<125xf32, #tpu.memory_space<vmem>>
      %dma_wait3A_571 = arith.constant 0 : i32
      %dma_wait3A_572 = tpu.memref_slice %arg12[%dma_wait3A_568, %dma_wait3A_571] : memref<80x125xi32, #tpu.memory_space<vmem>> -> memref<1x125xi32, #tpu.memory_space<vmem>>
      %dma_wait3A_573 = tpu.memref_squeeze %dma_wait3A_572 : memref<1x125xi32, #tpu.memory_space<vmem>> -> memref<125xi32, #tpu.memory_space<vmem>>
      %dma_wait3A_574 = arith.constant 0 : i32
      %dma_wait3A_575 = tpu.memref_slice %arg22[%dma_wait3A_574] : memref<10240xf32, #tpu.memory_space<vmem_shared>> -> memref<10240xf32, #tpu.memory_space<vmem_shared>>
      tpu.wait_indirect_dma semaphore(%arg30 : memref<!tpu.dma_semaphore, #tpu.memory_space<semaphore_mem>>) src(%dma_wait3A_570 : memref<125xf32, #tpu.memory_space<vmem>>) dst(%dma_wait3A_575 : memref<10240xf32, #tpu.memory_space<vmem_shared>>)
    } else {
    }
    %dma_start3A_294 = arith.constant 79 : i32
    %dma_start3A_295 = arith.constant 0 : i32
    %dma_start3A_296 = tpu.memref_slice %arg12[%dma_start3A_294, %dma_start3A_295] : memref<80x125xi32, #tpu.memory_space<vmem>> -> memref<1x125xi32, #tpu.memory_space<vmem>>
    %dma_start3A_297 = tpu.memref_squeeze %dma_start3A_296 : memref<1x125xi32, #tpu.memory_space<vmem>> -> memref<125xi32, #tpu.memory_space<vmem>>
    %dma_start3A_298 = arith.constant 0 : i32
    %dma_start3A_299 = arith.constant 0 : i32
    %dma_start3A_300 = tpu.memref_slice %arg21[%dma_start3A_298, %dma_start3A_299] : memref<10240x64xf32, #tpu.memory_space<vmem_shared>> -> memref<10240x64xf32, #tpu.memory_space<vmem_shared>>
    tpu.enqueue_indirect_dma source(%arg15 : memref<125x64xf32, #tpu.memory_space<vmem>>) target(%dma_start3A_300 : memref<10240x64xf32, #tpu.memory_space<vmem_shared>>) offsets(%dma_start3A_297 : memref<125xi32, #tpu.memory_space<vmem>>) semaphore(%arg29 : memref<!tpu.dma_semaphore, #tpu.memory_space<semaphore_mem>>) {add = true}
    %convert_element_type3A_301 = arith.extui %eq3A_80 : i1 to i32
    %cond3A_302 = arith.constant 0 : i32
    %cond3A_303 = arith.cmpi ne, %convert_element_type3A_301, %cond3A_302 : i32
    scf.if %cond3A_303 {
      %dma_start3A_568 = arith.constant 79 : i32
      %dma_start3A_569 = arith.constant 0 : i32
      %dma_start3A_570 = tpu.memref_slice %arg18[%dma_start3A_569] : memref<128xf32, #tpu.memory_space<vmem>> -> memref<125xf32, #tpu.memory_space<vmem>>
      %dma_start3A_571 = arith.constant 0 : i32
      %dma_start3A_572 = tpu.memref_slice %arg12[%dma_start3A_568, %dma_start3A_571] : memref<80x125xi32, #tpu.memory_space<vmem>> -> memref<1x125xi32, #tpu.memory_space<vmem>>
      %dma_start3A_573 = tpu.memref_squeeze %dma_start3A_572 : memref<1x125xi32, #tpu.memory_space<vmem>> -> memref<125xi32, #tpu.memory_space<vmem>>
      %dma_start3A_574 = arith.constant 0 : i32
      %dma_start3A_575 = tpu.memref_slice %arg22[%dma_start3A_574] : memref<10240xf32, #tpu.memory_space<vmem_shared>> -> memref<10240xf32, #tpu.memory_space<vmem_shared>>
      tpu.enqueue_indirect_dma source(%dma_start3A_570 : memref<125xf32, #tpu.memory_space<vmem>>) target(%dma_start3A_575 : memref<10240xf32, #tpu.memory_space<vmem_shared>>) offsets(%dma_start3A_573 : memref<125xi32, #tpu.memory_space<vmem>>) semaphore(%arg31 : memref<!tpu.dma_semaphore, #tpu.memory_space<semaphore_mem>>) {add = true}
    } else {
    }
    %dma_wait3A_304 = arith.constant 79 : i32
    %dma_wait3A_305 = arith.constant 0 : i32
    %dma_wait3A_306 = tpu.memref_slice %arg12[%dma_wait3A_304, %dma_wait3A_305] : memref<80x125xi32, #tpu.memory_space<vmem>> -> memref<1x125xi32, #tpu.memory_space<vmem>>
    %dma_wait3A_307 = tpu.memref_squeeze %dma_wait3A_306 : memref<1x125xi32, #tpu.memory_space<vmem>> -> memref<125xi32, #tpu.memory_space<vmem>>
    %dma_wait3A_308 = arith.constant 0 : i32
    %dma_wait3A_309 = arith.constant 0 : i32
    %dma_wait3A_310 = tpu.memref_slice %arg21[%dma_wait3A_308, %dma_wait3A_309] : memref<10240x64xf32, #tpu.memory_space<vmem_shared>> -> memref<10240x64xf32, #tpu.memory_space<vmem_shared>>
    tpu.wait_indirect_dma semaphore(%arg29 : memref<!tpu.dma_semaphore, #tpu.memory_space<semaphore_mem>>) src(%arg15 : memref<125x64xf32, #tpu.memory_space<vmem>>) dst(%dma_wait3A_310 : memref<10240x64xf32, #tpu.memory_space<vmem_shared>>)
    %convert_element_type3A_311 = arith.extui %eq3A_80 : i1 to i32
    %cond3A_312 = arith.constant 0 : i32
    %cond3A_313 = arith.cmpi ne, %convert_element_type3A_311, %cond3A_312 : i32
    scf.if %cond3A_313 {
      %dma_wait3A_568 = arith.constant 79 : i32
      %dma_wait3A_569 = arith.constant 0 : i32
      %dma_wait3A_570 = tpu.memref_slice %arg18[%dma_wait3A_569] : memref<128xf32, #tpu.memory_space<vmem>> -> memref<125xf32, #tpu.memory_space<vmem>>
      %dma_wait3A_571 = arith.constant 0 : i32
      %dma_wait3A_572 = tpu.memref_slice %arg12[%dma_wait3A_568, %dma_wait3A_571] : memref<80x125xi32, #tpu.memory_space<vmem>> -> memref<1x125xi32, #tpu.memory_space<vmem>>
      %dma_wait3A_573 = tpu.memref_squeeze %dma_wait3A_572 : memref<1x125xi32, #tpu.memory_space<vmem>> -> memref<125xi32, #tpu.memory_space<vmem>>
      %dma_wait3A_574 = arith.constant 0 : i32
      %dma_wait3A_575 = tpu.memref_slice %arg22[%dma_wait3A_574] : memref<10240xf32, #tpu.memory_space<vmem_shared>> -> memref<10240xf32, #tpu.memory_space<vmem_shared>>
      tpu.wait_indirect_dma semaphore(%arg31 : memref<!tpu.dma_semaphore, #tpu.memory_space<semaphore_mem>>) src(%dma_wait3A_570 : memref<125xf32, #tpu.memory_space<vmem>>) dst(%dma_wait3A_575 : memref<10240xf32, #tpu.memory_space<vmem_shared>>)
    } else {
    }
    %eq3A_314 = arith.constant 1 : i32
    %eq3A_315 = arith.cmpi eq, %arg0, %eq3A_314 : i32
    %run_scoped3A_316 = arith.constant 0 : i32
    "tpu.region"() ({
      %run_scoped3A_568 = tpu.sem_alloc : memref<!tpu.dma_semaphore, #tpu.memory_space<semaphore_mem>>
      %dma_start3A_569 = arith.constant 80 : i32
      %dma_start3A_570 = arith.constant 0 : i32
      %dma_start3A_571 = tpu.memref_slice %arg4[%run_scoped3A_316, %arg1, %dma_start3A_569, %dma_start3A_570] : memref<2x16x160x125xi32, #tpu.memory_space<hbm>> -> memref<1x1x80x125xi32, #tpu.memory_space<hbm>>
      %dma_start3A_572 = tpu.memref_squeeze %dma_start3A_571 : memref<1x1x80x125xi32, #tpu.memory_space<hbm>> -> memref<80x125xi32, #tpu.memory_space<hbm>>
      %dma_start3A_573 = arith.constant 80 : i32
      %dma_start3A_574 = arith.constant 0 : i32
      %dma_start3A_575 = tpu.memref_slice %arg4[%run_scoped3A_316, %arg1, %dma_start3A_573, %dma_start3A_574] : memref<2x16x160x125xi32, #tpu.memory_space<hbm>> -> memref<1x1x80x125xi32, #tpu.memory_space<hbm>>
      %dma_start3A_576 = tpu.memref_squeeze %dma_start3A_575 : memref<1x1x80x125xi32, #tpu.memory_space<hbm>> -> memref<80x125xi32, #tpu.memory_space<hbm>>
      tpu.enqueue_dma source(%dma_start3A_576 : memref<80x125xi32, #tpu.memory_space<hbm>>) target(%arg11 : memref<80x125xi32, #tpu.memory_space<vmem>>) target_semaphore(%run_scoped3A_568 : memref<!tpu.dma_semaphore, #tpu.memory_space<semaphore_mem>>)
      %dma_wait3A_577 = arith.constant 80 : i32
      %dma_wait3A_578 = arith.constant 0 : i32
      %dma_wait3A_579 = tpu.memref_slice %arg4[%run_scoped3A_316, %arg1, %dma_wait3A_577, %dma_wait3A_578] : memref<2x16x160x125xi32, #tpu.memory_space<hbm>> -> memref<1x1x80x125xi32, #tpu.memory_space<hbm>>
      %dma_wait3A_580 = tpu.memref_squeeze %dma_wait3A_579 : memref<1x1x80x125xi32, #tpu.memory_space<hbm>> -> memref<80x125xi32, #tpu.memory_space<hbm>>
      %dma_wait3A_581 = arith.constant 80 : i32
      %dma_wait3A_582 = arith.constant 0 : i32
      %dma_wait3A_583 = tpu.memref_slice %arg4[%run_scoped3A_316, %arg1, %dma_wait3A_581, %dma_wait3A_582] : memref<2x16x160x125xi32, #tpu.memory_space<hbm>> -> memref<1x1x80x125xi32, #tpu.memory_space<hbm>>
      %dma_wait3A_584 = tpu.memref_squeeze %dma_wait3A_583 : memref<1x1x80x125xi32, #tpu.memory_space<hbm>> -> memref<80x125xi32, #tpu.memory_space<hbm>>
      tpu.wait_dma2 semaphore(%run_scoped3A_568 : memref<!tpu.dma_semaphore, #tpu.memory_space<semaphore_mem>>) src(%dma_wait3A_584 : memref<80x125xi32, #tpu.memory_space<hbm>>) dst(%arg11 : memref<80x125xi32, #tpu.memory_space<vmem>>)
      tpu.yield
    }) : () -> ()
    %run_scoped3A_317 = arith.constant 1 : i32
    "tpu.region"() ({
      %run_scoped3A_568 = tpu.sem_alloc : memref<!tpu.dma_semaphore, #tpu.memory_space<semaphore_mem>>
      %dma_start3A_569 = arith.constant 80 : i32
      %dma_start3A_570 = arith.constant 0 : i32
      %dma_start3A_571 = tpu.memref_slice %arg4[%run_scoped3A_317, %arg1, %dma_start3A_569, %dma_start3A_570] : memref<2x16x160x125xi32, #tpu.memory_space<hbm>> -> memref<1x1x80x125xi32, #tpu.memory_space<hbm>>
      %dma_start3A_572 = tpu.memref_squeeze %dma_start3A_571 : memref<1x1x80x125xi32, #tpu.memory_space<hbm>> -> memref<80x125xi32, #tpu.memory_space<hbm>>
      %dma_start3A_573 = arith.constant 80 : i32
      %dma_start3A_574 = arith.constant 0 : i32
      %dma_start3A_575 = tpu.memref_slice %arg4[%run_scoped3A_317, %arg1, %dma_start3A_573, %dma_start3A_574] : memref<2x16x160x125xi32, #tpu.memory_space<hbm>> -> memref<1x1x80x125xi32, #tpu.memory_space<hbm>>
      %dma_start3A_576 = tpu.memref_squeeze %dma_start3A_575 : memref<1x1x80x125xi32, #tpu.memory_space<hbm>> -> memref<80x125xi32, #tpu.memory_space<hbm>>
      tpu.enqueue_dma source(%dma_start3A_576 : memref<80x125xi32, #tpu.memory_space<hbm>>) target(%arg12 : memref<80x125xi32, #tpu.memory_space<vmem>>) target_semaphore(%run_scoped3A_568 : memref<!tpu.dma_semaphore, #tpu.memory_space<semaphore_mem>>)
      %dma_wait3A_577 = arith.constant 80 : i32
      %dma_wait3A_578 = arith.constant 0 : i32
      %dma_wait3A_579 = tpu.memref_slice %arg4[%run_scoped3A_317, %arg1, %dma_wait3A_577, %dma_wait3A_578] : memref<2x16x160x125xi32, #tpu.memory_space<hbm>> -> memref<1x1x80x125xi32, #tpu.memory_space<hbm>>
      %dma_wait3A_580 = tpu.memref_squeeze %dma_wait3A_579 : memref<1x1x80x125xi32, #tpu.memory_space<hbm>> -> memref<80x125xi32, #tpu.memory_space<hbm>>
      %dma_wait3A_581 = arith.constant 80 : i32
      %dma_wait3A_582 = arith.constant 0 : i32
      %dma_wait3A_583 = tpu.memref_slice %arg4[%run_scoped3A_317, %arg1, %dma_wait3A_581, %dma_wait3A_582] : memref<2x16x160x125xi32, #tpu.memory_space<hbm>> -> memref<1x1x80x125xi32, #tpu.memory_space<hbm>>
      %dma_wait3A_584 = tpu.memref_squeeze %dma_wait3A_583 : memref<1x1x80x125xi32, #tpu.memory_space<hbm>> -> memref<80x125xi32, #tpu.memory_space<hbm>>
      tpu.wait_dma2 semaphore(%run_scoped3A_568 : memref<!tpu.dma_semaphore, #tpu.memory_space<semaphore_mem>>) src(%dma_wait3A_584 : memref<80x125xi32, #tpu.memory_space<hbm>>) dst(%arg12 : memref<80x125xi32, #tpu.memory_space<vmem>>)
      tpu.yield
    }) : () -> ()
    "tpu.region"() ({
      %run_scoped3A_568 = tpu.sem_alloc : memref<!tpu.dma_semaphore, #tpu.memory_space<semaphore_mem>>
      %dma_start3A_569 = arith.constant 80 : i32
      %dma_start3A_570 = arith.constant 0 : i32
      %dma_start3A_571 = tpu.memref_slice %arg5[%arg1, %dma_start3A_569, %dma_start3A_570] : memref<16x160x125xi32, #tpu.memory_space<hbm>> -> memref<1x80x125xi32, #tpu.memory_space<hbm>>
      %dma_start3A_572 = tpu.memref_squeeze %dma_start3A_571 : memref<1x80x125xi32, #tpu.memory_space<hbm>> -> memref<80x125xi32, #tpu.memory_space<hbm>>
      %dma_start3A_573 = arith.constant 80 : i32
      %dma_start3A_574 = arith.constant 0 : i32
      %dma_start3A_575 = tpu.memref_slice %arg5[%arg1, %dma_start3A_573, %dma_start3A_574] : memref<16x160x125xi32, #tpu.memory_space<hbm>> -> memref<1x80x125xi32, #tpu.memory_space<hbm>>
      %dma_start3A_576 = tpu.memref_squeeze %dma_start3A_575 : memref<1x80x125xi32, #tpu.memory_space<hbm>> -> memref<80x125xi32, #tpu.memory_space<hbm>>
      tpu.enqueue_dma source(%dma_start3A_576 : memref<80x125xi32, #tpu.memory_space<hbm>>) target(%arg13 : memref<80x125xi32, #tpu.memory_space<vmem>>) target_semaphore(%run_scoped3A_568 : memref<!tpu.dma_semaphore, #tpu.memory_space<semaphore_mem>>)
      %dma_wait3A_577 = arith.constant 80 : i32
      %dma_wait3A_578 = arith.constant 0 : i32
      %dma_wait3A_579 = tpu.memref_slice %arg5[%arg1, %dma_wait3A_577, %dma_wait3A_578] : memref<16x160x125xi32, #tpu.memory_space<hbm>> -> memref<1x80x125xi32, #tpu.memory_space<hbm>>
      %dma_wait3A_580 = tpu.memref_squeeze %dma_wait3A_579 : memref<1x80x125xi32, #tpu.memory_space<hbm>> -> memref<80x125xi32, #tpu.memory_space<hbm>>
      %dma_wait3A_581 = arith.constant 80 : i32
      %dma_wait3A_582 = arith.constant 0 : i32
      %dma_wait3A_583 = tpu.memref_slice %arg5[%arg1, %dma_wait3A_581, %dma_wait3A_582] : memref<16x160x125xi32, #tpu.memory_space<hbm>> -> memref<1x80x125xi32, #tpu.memory_space<hbm>>
      %dma_wait3A_584 = tpu.memref_squeeze %dma_wait3A_583 : memref<1x80x125xi32, #tpu.memory_space<hbm>> -> memref<80x125xi32, #tpu.memory_space<hbm>>
      tpu.wait_dma2 semaphore(%run_scoped3A_568 : memref<!tpu.dma_semaphore, #tpu.memory_space<semaphore_mem>>) src(%dma_wait3A_584 : memref<80x125xi32, #tpu.memory_space<hbm>>) dst(%arg13 : memref<80x125xi32, #tpu.memory_space<vmem>>)
      tpu.yield
    }) : () -> ()
    %eq3A_318 = arith.constant 0 : i32
    %eq3A_319 = arith.cmpi eq, %arg0, %eq3A_318 : i32
    %convert_element_type3A_320 = arith.extui %eq3A_319 : i1 to i32
    %cond3A_321 = arith.constant 0 : i32
    %cond3A_322 = arith.cmpi ne, %convert_element_type3A_320, %cond3A_321 : i32
    scf.if %cond3A_322 {
      %dma_start3A_568 = arith.constant 0 : i32
      %dma_start3A_569 = arith.constant 0 : i32
      %dma_start3A_570 = tpu.memref_slice %arg11[%dma_start3A_568, %dma_start3A_569] : memref<80x125xi32, #tpu.memory_space<vmem>> -> memref<1x125xi32, #tpu.memory_space<vmem>>
      %dma_start3A_571 = tpu.memref_squeeze %dma_start3A_570 : memref<1x125xi32, #tpu.memory_space<vmem>> -> memref<125xi32, #tpu.memory_space<vmem>>
      %dma_start3A_572 = arith.constant 0 : i32
      %dma_start3A_573 = arith.constant 0 : i32
      %dma_start3A_574 = tpu.memref_slice %arg2[%dma_start3A_572, %dma_start3A_573] : memref<10000x64xf32, #tpu.memory_space<hbm>> -> memref<10000x64xf32, #tpu.memory_space<hbm>>
      tpu.enqueue_indirect_dma source(%dma_start3A_574 : memref<10000x64xf32, #tpu.memory_space<hbm>>) target(%arg14 : memref<125x64xf32, #tpu.memory_space<vmem>>) offsets(%dma_start3A_571 : memref<125xi32, #tpu.memory_space<vmem>>) semaphore(%arg24 : memref<!tpu.dma_semaphore, #tpu.memory_space<semaphore_mem>>)
    } else {
    }
    %eq3A_323 = arith.constant 1 : i32
    %eq3A_324 = arith.cmpi eq, %arg0, %eq3A_323 : i32
    %convert_element_type3A_325 = arith.extui %eq3A_324 : i1 to i32
    %cond3A_326 = arith.constant 0 : i32
    %cond3A_327 = arith.cmpi ne, %convert_element_type3A_325, %cond3A_326 : i32
    scf.if %cond3A_327 {
      %dma_start3A_568 = arith.constant 0 : i32
      %dma_start3A_569 = arith.constant 0 : i32
      %dma_start3A_570 = tpu.memref_slice %arg11[%dma_start3A_568, %dma_start3A_569] : memref<80x125xi32, #tpu.memory_space<vmem>> -> memref<1x125xi32, #tpu.memory_space<vmem>>
      %dma_start3A_571 = tpu.memref_squeeze %dma_start3A_570 : memref<1x125xi32, #tpu.memory_space<vmem>> -> memref<125xi32, #tpu.memory_space<vmem>>
      %dma_start3A_572 = arith.constant 0 : i32
      %dma_start3A_573 = arith.constant 0 : i32
      %dma_start3A_574 = tpu.memref_slice %arg3[%dma_start3A_572, %dma_start3A_573] : memref<10000x64xf32, #tpu.memory_space<hbm>> -> memref<10000x64xf32, #tpu.memory_space<hbm>>
      tpu.enqueue_indirect_dma source(%dma_start3A_574 : memref<10000x64xf32, #tpu.memory_space<hbm>>) target(%arg14 : memref<125x64xf32, #tpu.memory_space<vmem>>) offsets(%dma_start3A_571 : memref<125xi32, #tpu.memory_space<vmem>>) semaphore(%arg24 : memref<!tpu.dma_semaphore, #tpu.memory_space<semaphore_mem>>)
    } else {
    }
    %dma_start3A_328 = arith.constant 0 : i32
    %dma_start3A_329 = arith.constant 0 : i32
    %dma_start3A_330 = tpu.memref_slice %arg13[%dma_start3A_328, %dma_start3A_329] : memref<80x125xi32, #tpu.memory_space<vmem>> -> memref<1x125xi32, #tpu.memory_space<vmem>>
    %dma_start3A_331 = tpu.memref_squeeze %dma_start3A_330 : memref<1x125xi32, #tpu.memory_space<vmem>> -> memref<125xi32, #tpu.memory_space<vmem>>
    %dma_start3A_332 = arith.constant 0 : i32
    %dma_start3A_333 = arith.constant 0 : i32
    %dma_start3A_334 = tpu.memref_slice %arg23[%dma_start3A_332, %dma_start3A_333] : memref<200x64xf32, #tpu.memory_space<vmem_shared>> -> memref<200x64xf32, #tpu.memory_space<vmem_shared>>
    tpu.enqueue_indirect_dma source(%dma_start3A_334 : memref<200x64xf32, #tpu.memory_space<vmem_shared>>) target(%arg16 : memref<125x64xf32, #tpu.memory_space<vmem>>) offsets(%dma_start3A_331 : memref<125xi32, #tpu.memory_space<vmem>>) semaphore(%arg25 : memref<!tpu.dma_semaphore, #tpu.memory_space<semaphore_mem>>)
    %dma_start3A_335 = arith.constant 1 : i32
    %dma_start3A_336 = arith.constant 0 : i32
    %dma_start3A_337 = tpu.memref_slice %arg13[%dma_start3A_335, %dma_start3A_336] : memref<80x125xi32, #tpu.memory_space<vmem>> -> memref<1x125xi32, #tpu.memory_space<vmem>>
    %dma_start3A_338 = tpu.memref_squeeze %dma_start3A_337 : memref<1x125xi32, #tpu.memory_space<vmem>> -> memref<125xi32, #tpu.memory_space<vmem>>
    %dma_start3A_339 = arith.constant 0 : i32
    %dma_start3A_340 = arith.constant 0 : i32
    %dma_start3A_341 = tpu.memref_slice %arg23[%dma_start3A_339, %dma_start3A_340] : memref<200x64xf32, #tpu.memory_space<vmem_shared>> -> memref<200x64xf32, #tpu.memory_space<vmem_shared>>
    tpu.enqueue_indirect_dma source(%dma_start3A_341 : memref<200x64xf32, #tpu.memory_space<vmem_shared>>) target(%arg17 : memref<125x64xf32, #tpu.memory_space<vmem>>) offsets(%dma_start3A_338 : memref<125xi32, #tpu.memory_space<vmem>>) semaphore(%arg27 : memref<!tpu.dma_semaphore, #tpu.memory_space<semaphore_mem>>)
    %eq3A_342 = arith.constant 0 : i32
    %eq3A_343 = arith.cmpi eq, %arg0, %eq3A_342 : i32
    %convert_element_type3A_344 = arith.extui %eq3A_343 : i1 to i32
    %cond3A_345 = arith.constant 0 : i32
    %cond3A_346 = arith.cmpi ne, %convert_element_type3A_344, %cond3A_345 : i32
    scf.if %cond3A_346 {
      %dma_start3A_568 = arith.constant 1 : i32
      %dma_start3A_569 = arith.constant 0 : i32
      %dma_start3A_570 = tpu.memref_slice %arg11[%dma_start3A_568, %dma_start3A_569] : memref<80x125xi32, #tpu.memory_space<vmem>> -> memref<1x125xi32, #tpu.memory_space<vmem>>
      %dma_start3A_571 = tpu.memref_squeeze %dma_start3A_570 : memref<1x125xi32, #tpu.memory_space<vmem>> -> memref<125xi32, #tpu.memory_space<vmem>>
      %dma_start3A_572 = arith.constant 0 : i32
      %dma_start3A_573 = arith.constant 0 : i32
      %dma_start3A_574 = tpu.memref_slice %arg2[%dma_start3A_572, %dma_start3A_573] : memref<10000x64xf32, #tpu.memory_space<hbm>> -> memref<10000x64xf32, #tpu.memory_space<hbm>>
      tpu.enqueue_indirect_dma source(%dma_start3A_574 : memref<10000x64xf32, #tpu.memory_space<hbm>>) target(%arg15 : memref<125x64xf32, #tpu.memory_space<vmem>>) offsets(%dma_start3A_571 : memref<125xi32, #tpu.memory_space<vmem>>) semaphore(%arg26 : memref<!tpu.dma_semaphore, #tpu.memory_space<semaphore_mem>>)
    } else {
    }
    %eq3A_347 = arith.constant 1 : i32
    %eq3A_348 = arith.cmpi eq, %arg0, %eq3A_347 : i32
    %convert_element_type3A_349 = arith.extui %eq3A_348 : i1 to i32
    %cond3A_350 = arith.constant 0 : i32
    %cond3A_351 = arith.cmpi ne, %convert_element_type3A_349, %cond3A_350 : i32
    scf.if %cond3A_351 {
      %dma_start3A_568 = arith.constant 1 : i32
      %dma_start3A_569 = arith.constant 0 : i32
      %dma_start3A_570 = tpu.memref_slice %arg11[%dma_start3A_568, %dma_start3A_569] : memref<80x125xi32, #tpu.memory_space<vmem>> -> memref<1x125xi32, #tpu.memory_space<vmem>>
      %dma_start3A_571 = tpu.memref_squeeze %dma_start3A_570 : memref<1x125xi32, #tpu.memory_space<vmem>> -> memref<125xi32, #tpu.memory_space<vmem>>
      %dma_start3A_572 = arith.constant 0 : i32
      %dma_start3A_573 = arith.constant 0 : i32
      %dma_start3A_574 = tpu.memref_slice %arg3[%dma_start3A_572, %dma_start3A_573] : memref<10000x64xf32, #tpu.memory_space<hbm>> -> memref<10000x64xf32, #tpu.memory_space<hbm>>
      tpu.enqueue_indirect_dma source(%dma_start3A_574 : memref<10000x64xf32, #tpu.memory_space<hbm>>) target(%arg15 : memref<125x64xf32, #tpu.memory_space<vmem>>) offsets(%dma_start3A_571 : memref<125xi32, #tpu.memory_space<vmem>>) semaphore(%arg26 : memref<!tpu.dma_semaphore, #tpu.memory_space<semaphore_mem>>)
    } else {
    }
    %eq3A_352 = arith.constant 0 : i32
    %eq3A_353 = arith.cmpi eq, %arg0, %eq3A_352 : i32
    %convert_element_type3A_354 = arith.extui %eq3A_353 : i1 to i32
    %cond3A_355 = arith.constant 0 : i32
    %cond3A_356 = arith.cmpi ne, %convert_element_type3A_354, %cond3A_355 : i32
    scf.if %cond3A_356 {
      %dma_wait3A_568 = arith.constant 0 : i32
      %dma_wait3A_569 = arith.constant 0 : i32
      %dma_wait3A_570 = tpu.memref_slice %arg11[%dma_wait3A_568, %dma_wait3A_569] : memref<80x125xi32, #tpu.memory_space<vmem>> -> memref<1x125xi32, #tpu.memory_space<vmem>>
      %dma_wait3A_571 = tpu.memref_squeeze %dma_wait3A_570 : memref<1x125xi32, #tpu.memory_space<vmem>> -> memref<125xi32, #tpu.memory_space<vmem>>
      %dma_wait3A_572 = arith.constant 0 : i32
      %dma_wait3A_573 = arith.constant 0 : i32
      %dma_wait3A_574 = tpu.memref_slice %arg2[%dma_wait3A_572, %dma_wait3A_573] : memref<10000x64xf32, #tpu.memory_space<hbm>> -> memref<10000x64xf32, #tpu.memory_space<hbm>>
      tpu.wait_indirect_dma semaphore(%arg24 : memref<!tpu.dma_semaphore, #tpu.memory_space<semaphore_mem>>) src(%dma_wait3A_574 : memref<10000x64xf32, #tpu.memory_space<hbm>>) dst(%arg14 : memref<125x64xf32, #tpu.memory_space<vmem>>)
    } else {
    }
    %eq3A_357 = arith.constant 1 : i32
    %eq3A_358 = arith.cmpi eq, %arg0, %eq3A_357 : i32
    %convert_element_type3A_359 = arith.extui %eq3A_358 : i1 to i32
    %cond3A_360 = arith.constant 0 : i32
    %cond3A_361 = arith.cmpi ne, %convert_element_type3A_359, %cond3A_360 : i32
    scf.if %cond3A_361 {
      %dma_wait3A_568 = arith.constant 0 : i32
      %dma_wait3A_569 = arith.constant 0 : i32
      %dma_wait3A_570 = tpu.memref_slice %arg11[%dma_wait3A_568, %dma_wait3A_569] : memref<80x125xi32, #tpu.memory_space<vmem>> -> memref<1x125xi32, #tpu.memory_space<vmem>>
      %dma_wait3A_571 = tpu.memref_squeeze %dma_wait3A_570 : memref<1x125xi32, #tpu.memory_space<vmem>> -> memref<125xi32, #tpu.memory_space<vmem>>
      %dma_wait3A_572 = arith.constant 0 : i32
      %dma_wait3A_573 = arith.constant 0 : i32
      %dma_wait3A_574 = tpu.memref_slice %arg3[%dma_wait3A_572, %dma_wait3A_573] : memref<10000x64xf32, #tpu.memory_space<hbm>> -> memref<10000x64xf32, #tpu.memory_space<hbm>>
      tpu.wait_indirect_dma semaphore(%arg24 : memref<!tpu.dma_semaphore, #tpu.memory_space<semaphore_mem>>) src(%dma_wait3A_574 : memref<10000x64xf32, #tpu.memory_space<hbm>>) dst(%arg14 : memref<125x64xf32, #tpu.memory_space<vmem>>)
    } else {
    }
    %dma_wait3A_362 = arith.constant 0 : i32
    %dma_wait3A_363 = arith.constant 0 : i32
    %dma_wait3A_364 = tpu.memref_slice %arg13[%dma_wait3A_362, %dma_wait3A_363] : memref<80x125xi32, #tpu.memory_space<vmem>> -> memref<1x125xi32, #tpu.memory_space<vmem>>
    %dma_wait3A_365 = tpu.memref_squeeze %dma_wait3A_364 : memref<1x125xi32, #tpu.memory_space<vmem>> -> memref<125xi32, #tpu.memory_space<vmem>>
    %dma_wait3A_366 = arith.constant 0 : i32
    %dma_wait3A_367 = arith.constant 0 : i32
    %dma_wait3A_368 = tpu.memref_slice %arg23[%dma_wait3A_366, %dma_wait3A_367] : memref<200x64xf32, #tpu.memory_space<vmem_shared>> -> memref<200x64xf32, #tpu.memory_space<vmem_shared>>
    tpu.wait_indirect_dma semaphore(%arg25 : memref<!tpu.dma_semaphore, #tpu.memory_space<semaphore_mem>>) src(%dma_wait3A_368 : memref<200x64xf32, #tpu.memory_space<vmem_shared>>) dst(%arg16 : memref<125x64xf32, #tpu.memory_space<vmem>>)
    %parallel_loop3A_369 = arith.constant 0 : i32
    %parallel_loop3A_370 = arith.constant 125 : i32
    %parallel_loop3A_371 = arith.constant 1 : i32
    scf.for %parallel_loop3A_568 = %parallel_loop3A_369 to %parallel_loop3A_370 step %parallel_loop3A_371  : i32 {
      %parallel_loop3A_569 = arith.index_cast %parallel_loop3A_568 : i32 to index
      %parallel_loop3A_570 = arith.constant 0 : index
      %parallel_loop3A_571 = tpu.vector_load %arg14[%parallel_loop3A_569, %parallel_loop3A_570] {strides = array<i32>} : memref<125x64xf32, #tpu.memory_space<vmem>>, vector<1x16xf32>,
      %parallel_loop3A_572 = vector.shape_cast %parallel_loop3A_571 : vector<1x16xf32> to vector<16xf32>
      %parallel_loop3A_573 = arith.index_cast %parallel_loop3A_568 : i32 to index
      %parallel_loop3A_574 = arith.constant 0 : index
      %parallel_loop3A_575 = tpu.vector_load %arg16[%parallel_loop3A_573, %parallel_loop3A_574] {strides = array<i32>} : memref<125x64xf32, #tpu.memory_space<vmem>>, vector<1x16xf32>,
      %parallel_loop3A_576 = vector.shape_cast %parallel_loop3A_575 : vector<1x16xf32> to vector<16xf32>
      %parallel_loop3A_577 = arith.addf %parallel_loop3A_572, %parallel_loop3A_576 : vector<16xf32>
      %parallel_loop3A_578 = arith.index_cast %parallel_loop3A_568 : i32 to index
      %parallel_loop3A_579 = arith.constant 0 : index
      %parallel_loop3A_580 = tpu.vector_load %arg14[%parallel_loop3A_578, %parallel_loop3A_579] {strides = array<i32>} : memref<125x64xf32, #tpu.memory_space<vmem>>, vector<1x16xf32>,
      %parallel_loop3A_581 = vector.shape_cast %parallel_loop3A_580 : vector<1x16xf32> to vector<16xf32>
      %parallel_loop3A_582 = vector.shape_cast %parallel_loop3A_577 : vector<16xf32> to vector<1x16xf32>
      tpu.vector_store %arg14[%parallel_loop3A_578, %parallel_loop3A_579], %parallel_loop3A_582 {strides = array<i32>} : memref<125x64xf32, #tpu.memory_space<vmem>>, vector<1x16xf32>,
      %parallel_loop3A_583 = arith.index_cast %parallel_loop3A_568 : i32 to index
      %parallel_loop3A_584 = arith.constant 16 : index
      %parallel_loop3A_585 = tpu.vector_load %arg14[%parallel_loop3A_583, %parallel_loop3A_584] {strides = array<i32>} : memref<125x64xf32, #tpu.memory_space<vmem>>, vector<1x16xf32>,
      %parallel_loop3A_586 = vector.shape_cast %parallel_loop3A_585 : vector<1x16xf32> to vector<16xf32>
      %parallel_loop3A_587 = arith.index_cast %parallel_loop3A_568 : i32 to index
      %parallel_loop3A_588 = arith.constant 16 : index
      %parallel_loop3A_589 = tpu.vector_load %arg16[%parallel_loop3A_587, %parallel_loop3A_588] {strides = array<i32>} : memref<125x64xf32, #tpu.memory_space<vmem>>, vector<1x16xf32>,
      %parallel_loop3A_590 = vector.shape_cast %parallel_loop3A_589 : vector<1x16xf32> to vector<16xf32>
      %parallel_loop3A_591 = arith.addf %parallel_loop3A_586, %parallel_loop3A_590 : vector<16xf32>
      %parallel_loop3A_592 = arith.index_cast %parallel_loop3A_568 : i32 to index
      %parallel_loop3A_593 = arith.constant 16 : index
      %parallel_loop3A_594 = tpu.vector_load %arg14[%parallel_loop3A_592, %parallel_loop3A_593] {strides = array<i32>} : memref<125x64xf32, #tpu.memory_space<vmem>>, vector<1x16xf32>,
      %parallel_loop3A_595 = vector.shape_cast %parallel_loop3A_594 : vector<1x16xf32> to vector<16xf32>
      %parallel_loop3A_596 = vector.shape_cast %parallel_loop3A_591 : vector<16xf32> to vector<1x16xf32>
      tpu.vector_store %arg14[%parallel_loop3A_592, %parallel_loop3A_593], %parallel_loop3A_596 {strides = array<i32>} : memref<125x64xf32, #tpu.memory_space<vmem>>, vector<1x16xf32>,
      %parallel_loop3A_597 = arith.index_cast %parallel_loop3A_568 : i32 to index
      %parallel_loop3A_598 = arith.constant 32 : index
      %parallel_loop3A_599 = tpu.vector_load %arg14[%parallel_loop3A_597, %parallel_loop3A_598] {strides = array<i32>} : memref<125x64xf32, #tpu.memory_space<vmem>>, vector<1x16xf32>,
      %parallel_loop3A_600 = vector.shape_cast %parallel_loop3A_599 : vector<1x16xf32> to vector<16xf32>
      %parallel_loop3A_601 = arith.index_cast %parallel_loop3A_568 : i32 to index
      %parallel_loop3A_602 = arith.constant 32 : index
      %parallel_loop3A_603 = tpu.vector_load %arg16[%parallel_loop3A_601, %parallel_loop3A_602] {strides = array<i32>} : memref<125x64xf32, #tpu.memory_space<vmem>>, vector<1x16xf32>,
      %parallel_loop3A_604 = vector.shape_cast %parallel_loop3A_603 : vector<1x16xf32> to vector<16xf32>
      %parallel_loop3A_605 = arith.addf %parallel_loop3A_600, %parallel_loop3A_604 : vector<16xf32>
      %parallel_loop3A_606 = arith.index_cast %parallel_loop3A_568 : i32 to index
      %parallel_loop3A_607 = arith.constant 32 : index
      %parallel_loop3A_608 = tpu.vector_load %arg14[%parallel_loop3A_606, %parallel_loop3A_607] {strides = array<i32>} : memref<125x64xf32, #tpu.memory_space<vmem>>, vector<1x16xf32>,
      %parallel_loop3A_609 = vector.shape_cast %parallel_loop3A_608 : vector<1x16xf32> to vector<16xf32>
      %parallel_loop3A_610 = vector.shape_cast %parallel_loop3A_605 : vector<16xf32> to vector<1x16xf32>
      tpu.vector_store %arg14[%parallel_loop3A_606, %parallel_loop3A_607], %parallel_loop3A_610 {strides = array<i32>} : memref<125x64xf32, #tpu.memory_space<vmem>>, vector<1x16xf32>,
      %parallel_loop3A_611 = arith.index_cast %parallel_loop3A_568 : i32 to index
      %parallel_loop3A_612 = arith.constant 48 : index
      %parallel_loop3A_613 = tpu.vector_load %arg14[%parallel_loop3A_611, %parallel_loop3A_612] {strides = array<i32>} : memref<125x64xf32, #tpu.memory_space<vmem>>, vector<1x16xf32>,
      %parallel_loop3A_614 = vector.shape_cast %parallel_loop3A_613 : vector<1x16xf32> to vector<16xf32>
      %parallel_loop3A_615 = arith.index_cast %parallel_loop3A_568 : i32 to index
      %parallel_loop3A_616 = arith.constant 48 : index
      %parallel_loop3A_617 = tpu.vector_load %arg16[%parallel_loop3A_615, %parallel_loop3A_616] {strides = array<i32>} : memref<125x64xf32, #tpu.memory_space<vmem>>, vector<1x16xf32>,
      %parallel_loop3A_618 = vector.shape_cast %parallel_loop3A_617 : vector<1x16xf32> to vector<16xf32>
      %parallel_loop3A_619 = arith.addf %parallel_loop3A_614, %parallel_loop3A_618 : vector<16xf32>
      %parallel_loop3A_620 = arith.index_cast %parallel_loop3A_568 : i32 to index
      %parallel_loop3A_621 = arith.constant 48 : index
      %parallel_loop3A_622 = tpu.vector_load %arg14[%parallel_loop3A_620, %parallel_loop3A_621] {strides = array<i32>} : memref<125x64xf32, #tpu.memory_space<vmem>>, vector<1x16xf32>,
      %parallel_loop3A_623 = vector.shape_cast %parallel_loop3A_622 : vector<1x16xf32> to vector<16xf32>
      %parallel_loop3A_624 = vector.shape_cast %parallel_loop3A_619 : vector<16xf32> to vector<1x16xf32>
      tpu.vector_store %arg14[%parallel_loop3A_620, %parallel_loop3A_621], %parallel_loop3A_624 {strides = array<i32>} : memref<125x64xf32, #tpu.memory_space<vmem>>, vector<1x16xf32>,
    } {sc.loop_unroll_factor = 5 : i64, sc.parallel_access}
    %dma_start3A_372 = arith.constant 2 : i32
    %dma_start3A_373 = arith.constant 0 : i32
    %dma_start3A_374 = tpu.memref_slice %arg13[%dma_start3A_372, %dma_start3A_373] : memref<80x125xi32, #tpu.memory_space<vmem>> -> memref<1x125xi32, #tpu.memory_space<vmem>>
    %dma_start3A_375 = tpu.memref_squeeze %dma_start3A_374 : memref<1x125xi32, #tpu.memory_space<vmem>> -> memref<125xi32, #tpu.memory_space<vmem>>
    %dma_start3A_376 = arith.constant 0 : i32
    %dma_start3A_377 = arith.constant 0 : i32
    %dma_start3A_378 = tpu.memref_slice %arg23[%dma_start3A_376, %dma_start3A_377] : memref<200x64xf32, #tpu.memory_space<vmem_shared>> -> memref<200x64xf32, #tpu.memory_space<vmem_shared>>
    tpu.enqueue_indirect_dma source(%dma_start3A_378 : memref<200x64xf32, #tpu.memory_space<vmem_shared>>) target(%arg16 : memref<125x64xf32, #tpu.memory_space<vmem>>) offsets(%dma_start3A_375 : memref<125xi32, #tpu.memory_space<vmem>>) semaphore(%arg25 : memref<!tpu.dma_semaphore, #tpu.memory_space<semaphore_mem>>)
    %dma_start3A_379 = arith.constant 0 : i32
    %dma_start3A_380 = arith.constant 0 : i32
    %dma_start3A_381 = tpu.memref_slice %arg12[%dma_start3A_379, %dma_start3A_380] : memref<80x125xi32, #tpu.memory_space<vmem>> -> memref<1x125xi32, #tpu.memory_space<vmem>>
    %dma_start3A_382 = tpu.memref_squeeze %dma_start3A_381 : memref<1x125xi32, #tpu.memory_space<vmem>> -> memref<125xi32, #tpu.memory_space<vmem>>
    %dma_start3A_383 = arith.constant 0 : i32
    %dma_start3A_384 = arith.constant 0 : i32
    %dma_start3A_385 = tpu.memref_slice %arg21[%dma_start3A_383, %dma_start3A_384] : memref<10240x64xf32, #tpu.memory_space<vmem_shared>> -> memref<10240x64xf32, #tpu.memory_space<vmem_shared>>
    tpu.enqueue_indirect_dma source(%arg14 : memref<125x64xf32, #tpu.memory_space<vmem>>) target(%dma_start3A_385 : memref<10240x64xf32, #tpu.memory_space<vmem_shared>>) offsets(%dma_start3A_382 : memref<125xi32, #tpu.memory_space<vmem>>) semaphore(%arg28 : memref<!tpu.dma_semaphore, #tpu.memory_space<semaphore_mem>>) {add = true}
    %convert_element_type3A_386 = arith.extui %eq3A_315 : i1 to i32
    %cond3A_387 = arith.constant 0 : i32
    %cond3A_388 = arith.cmpi ne, %convert_element_type3A_386, %cond3A_387 : i32
    scf.if %cond3A_388 {
      %dma_start3A_568 = arith.constant 0 : i32
      %dma_start3A_569 = arith.constant 0 : i32
      %dma_start3A_570 = tpu.memref_slice %arg18[%dma_start3A_569] : memref<128xf32, #tpu.memory_space<vmem>> -> memref<125xf32, #tpu.memory_space<vmem>>
      %dma_start3A_571 = arith.constant 0 : i32
      %dma_start3A_572 = tpu.memref_slice %arg12[%dma_start3A_568, %dma_start3A_571] : memref<80x125xi32, #tpu.memory_space<vmem>> -> memref<1x125xi32, #tpu.memory_space<vmem>>
      %dma_start3A_573 = tpu.memref_squeeze %dma_start3A_572 : memref<1x125xi32, #tpu.memory_space<vmem>> -> memref<125xi32, #tpu.memory_space<vmem>>
      %dma_start3A_574 = arith.constant 0 : i32
      %dma_start3A_575 = tpu.memref_slice %arg22[%dma_start3A_574] : memref<10240xf32, #tpu.memory_space<vmem_shared>> -> memref<10240xf32, #tpu.memory_space<vmem_shared>>
      tpu.enqueue_indirect_dma source(%dma_start3A_570 : memref<125xf32, #tpu.memory_space<vmem>>) target(%dma_start3A_575 : memref<10240xf32, #tpu.memory_space<vmem_shared>>) offsets(%dma_start3A_573 : memref<125xi32, #tpu.memory_space<vmem>>) semaphore(%arg30 : memref<!tpu.dma_semaphore, #tpu.memory_space<semaphore_mem>>) {add = true}
    } else {
    }
    %eq3A_389 = arith.constant 0 : i32
    %eq3A_390 = arith.cmpi eq, %arg0, %eq3A_389 : i32
    %convert_element_type3A_391 = arith.extui %eq3A_390 : i1 to i32
    %cond3A_392 = arith.constant 0 : i32
    %cond3A_393 = arith.cmpi ne, %convert_element_type3A_391, %cond3A_392 : i32
    scf.if %cond3A_393 {
      %dma_wait3A_568 = arith.constant 1 : i32
      %dma_wait3A_569 = arith.constant 0 : i32
      %dma_wait3A_570 = tpu.memref_slice %arg11[%dma_wait3A_568, %dma_wait3A_569] : memref<80x125xi32, #tpu.memory_space<vmem>> -> memref<1x125xi32, #tpu.memory_space<vmem>>
      %dma_wait3A_571 = tpu.memref_squeeze %dma_wait3A_570 : memref<1x125xi32, #tpu.memory_space<vmem>> -> memref<125xi32, #tpu.memory_space<vmem>>
      %dma_wait3A_572 = arith.constant 0 : i32
      %dma_wait3A_573 = arith.constant 0 : i32
      %dma_wait3A_574 = tpu.memref_slice %arg2[%dma_wait3A_572, %dma_wait3A_573] : memref<10000x64xf32, #tpu.memory_space<hbm>> -> memref<10000x64xf32, #tpu.memory_space<hbm>>
      tpu.wait_indirect_dma semaphore(%arg26 : memref<!tpu.dma_semaphore, #tpu.memory_space<semaphore_mem>>) src(%dma_wait3A_574 : memref<10000x64xf32, #tpu.memory_space<hbm>>) dst(%arg15 : memref<125x64xf32, #tpu.memory_space<vmem>>)
    } else {
    }
    %eq3A_394 = arith.constant 1 : i32
    %eq3A_395 = arith.cmpi eq, %arg0, %eq3A_394 : i32
    %convert_element_type3A_396 = arith.extui %eq3A_395 : i1 to i32
    %cond3A_397 = arith.constant 0 : i32
    %cond3A_398 = arith.cmpi ne, %convert_element_type3A_396, %cond3A_397 : i32
    scf.if %cond3A_398 {
      %dma_wait3A_568 = arith.constant 1 : i32
      %dma_wait3A_569 = arith.constant 0 : i32
      %dma_wait3A_570 = tpu.memref_slice %arg11[%dma_wait3A_568, %dma_wait3A_569] : memref<80x125xi32, #tpu.memory_space<vmem>> -> memref<1x125xi32, #tpu.memory_space<vmem>>
      %dma_wait3A_571 = tpu.memref_squeeze %dma_wait3A_570 : memref<1x125xi32, #tpu.memory_space<vmem>> -> memref<125xi32, #tpu.memory_space<vmem>>
      %dma_wait3A_572 = arith.constant 0 : i32
      %dma_wait3A_573 = arith.constant 0 : i32
      %dma_wait3A_574 = tpu.memref_slice %arg3[%dma_wait3A_572, %dma_wait3A_573] : memref<10000x64xf32, #tpu.memory_space<hbm>> -> memref<10000x64xf32, #tpu.memory_space<hbm>>
      tpu.wait_indirect_dma semaphore(%arg26 : memref<!tpu.dma_semaphore, #tpu.memory_space<semaphore_mem>>) src(%dma_wait3A_574 : memref<10000x64xf32, #tpu.memory_space<hbm>>) dst(%arg15 : memref<125x64xf32, #tpu.memory_space<vmem>>)
    } else {
    }
    %dma_wait3A_399 = arith.constant 1 : i32
    %dma_wait3A_400 = arith.constant 0 : i32
    %dma_wait3A_401 = tpu.memref_slice %arg13[%dma_wait3A_399, %dma_wait3A_400] : memref<80x125xi32, #tpu.memory_space<vmem>> -> memref<1x125xi32, #tpu.memory_space<vmem>>
    %dma_wait3A_402 = tpu.memref_squeeze %dma_wait3A_401 : memref<1x125xi32, #tpu.memory_space<vmem>> -> memref<125xi32, #tpu.memory_space<vmem>>
    %dma_wait3A_403 = arith.constant 0 : i32
    %dma_wait3A_404 = arith.constant 0 : i32
    %dma_wait3A_405 = tpu.memref_slice %arg23[%dma_wait3A_403, %dma_wait3A_404] : memref<200x64xf32, #tpu.memory_space<vmem_shared>> -> memref<200x64xf32, #tpu.memory_space<vmem_shared>>
    tpu.wait_indirect_dma semaphore(%arg27 : memref<!tpu.dma_semaphore, #tpu.memory_space<semaphore_mem>>) src(%dma_wait3A_405 : memref<200x64xf32, #tpu.memory_space<vmem_shared>>) dst(%arg17 : memref<125x64xf32, #tpu.memory_space<vmem>>)
    %parallel_loop3A_406 = arith.constant 0 : i32
    %parallel_loop3A_407 = arith.constant 125 : i32
    %parallel_loop3A_408 = arith.constant 1 : i32
    scf.for %parallel_loop3A_568 = %parallel_loop3A_406 to %parallel_loop3A_407 step %parallel_loop3A_408  : i32 {
      %parallel_loop3A_569 = arith.index_cast %parallel_loop3A_568 : i32 to index
      %parallel_loop3A_570 = arith.constant 0 : index
      %parallel_loop3A_571 = tpu.vector_load %arg15[%parallel_loop3A_569, %parallel_loop3A_570] {strides = array<i32>} : memref<125x64xf32, #tpu.memory_space<vmem>>, vector<1x16xf32>,
      %parallel_loop3A_572 = vector.shape_cast %parallel_loop3A_571 : vector<1x16xf32> to vector<16xf32>
      %parallel_loop3A_573 = arith.index_cast %parallel_loop3A_568 : i32 to index
      %parallel_loop3A_574 = arith.constant 0 : index
      %parallel_loop3A_575 = tpu.vector_load %arg17[%parallel_loop3A_573, %parallel_loop3A_574] {strides = array<i32>} : memref<125x64xf32, #tpu.memory_space<vmem>>, vector<1x16xf32>,
      %parallel_loop3A_576 = vector.shape_cast %parallel_loop3A_575 : vector<1x16xf32> to vector<16xf32>
      %parallel_loop3A_577 = arith.addf %parallel_loop3A_572, %parallel_loop3A_576 : vector<16xf32>
      %parallel_loop3A_578 = arith.index_cast %parallel_loop3A_568 : i32 to index
      %parallel_loop3A_579 = arith.constant 0 : index
      %parallel_loop3A_580 = tpu.vector_load %arg15[%parallel_loop3A_578, %parallel_loop3A_579] {strides = array<i32>} : memref<125x64xf32, #tpu.memory_space<vmem>>, vector<1x16xf32>,
      %parallel_loop3A_581 = vector.shape_cast %parallel_loop3A_580 : vector<1x16xf32> to vector<16xf32>
      %parallel_loop3A_582 = vector.shape_cast %parallel_loop3A_577 : vector<16xf32> to vector<1x16xf32>
      tpu.vector_store %arg15[%parallel_loop3A_578, %parallel_loop3A_579], %parallel_loop3A_582 {strides = array<i32>} : memref<125x64xf32, #tpu.memory_space<vmem>>, vector<1x16xf32>,
      %parallel_loop3A_583 = arith.index_cast %parallel_loop3A_568 : i32 to index
      %parallel_loop3A_584 = arith.constant 16 : index
      %parallel_loop3A_585 = tpu.vector_load %arg15[%parallel_loop3A_583, %parallel_loop3A_584] {strides = array<i32>} : memref<125x64xf32, #tpu.memory_space<vmem>>, vector<1x16xf32>,
      %parallel_loop3A_586 = vector.shape_cast %parallel_loop3A_585 : vector<1x16xf32> to vector<16xf32>
      %parallel_loop3A_587 = arith.index_cast %parallel_loop3A_568 : i32 to index
      %parallel_loop3A_588 = arith.constant 16 : index
      %parallel_loop3A_589 = tpu.vector_load %arg17[%parallel_loop3A_587, %parallel_loop3A_588] {strides = array<i32>} : memref<125x64xf32, #tpu.memory_space<vmem>>, vector<1x16xf32>,
      %parallel_loop3A_590 = vector.shape_cast %parallel_loop3A_589 : vector<1x16xf32> to vector<16xf32>
      %parallel_loop3A_591 = arith.addf %parallel_loop3A_586, %parallel_loop3A_590 : vector<16xf32>
      %parallel_loop3A_592 = arith.index_cast %parallel_loop3A_568 : i32 to index
      %parallel_loop3A_593 = arith.constant 16 : index
      %parallel_loop3A_594 = tpu.vector_load %arg15[%parallel_loop3A_592, %parallel_loop3A_593] {strides = array<i32>} : memref<125x64xf32, #tpu.memory_space<vmem>>, vector<1x16xf32>,
      %parallel_loop3A_595 = vector.shape_cast %parallel_loop3A_594 : vector<1x16xf32> to vector<16xf32>
      %parallel_loop3A_596 = vector.shape_cast %parallel_loop3A_591 : vector<16xf32> to vector<1x16xf32>
      tpu.vector_store %arg15[%parallel_loop3A_592, %parallel_loop3A_593], %parallel_loop3A_596 {strides = array<i32>} : memref<125x64xf32, #tpu.memory_space<vmem>>, vector<1x16xf32>,
      %parallel_loop3A_597 = arith.index_cast %parallel_loop3A_568 : i32 to index
      %parallel_loop3A_598 = arith.constant 32 : index
      %parallel_loop3A_599 = tpu.vector_load %arg15[%parallel_loop3A_597, %parallel_loop3A_598] {strides = array<i32>} : memref<125x64xf32, #tpu.memory_space<vmem>>, vector<1x16xf32>,
      %parallel_loop3A_600 = vector.shape_cast %parallel_loop3A_599 : vector<1x16xf32> to vector<16xf32>
      %parallel_loop3A_601 = arith.index_cast %parallel_loop3A_568 : i32 to index
      %parallel_loop3A_602 = arith.constant 32 : index
      %parallel_loop3A_603 = tpu.vector_load %arg17[%parallel_loop3A_601, %parallel_loop3A_602] {strides = array<i32>} : memref<125x64xf32, #tpu.memory_space<vmem>>, vector<1x16xf32>,
      %parallel_loop3A_604 = vector.shape_cast %parallel_loop3A_603 : vector<1x16xf32> to vector<16xf32>
      %parallel_loop3A_605 = arith.addf %parallel_loop3A_600, %parallel_loop3A_604 : vector<16xf32>
      %parallel_loop3A_606 = arith.index_cast %parallel_loop3A_568 : i32 to index
      %parallel_loop3A_607 = arith.constant 32 : index
      %parallel_loop3A_608 = tpu.vector_load %arg15[%parallel_loop3A_606, %parallel_loop3A_607] {strides = array<i32>} : memref<125x64xf32, #tpu.memory_space<vmem>>, vector<1x16xf32>,
      %parallel_loop3A_609 = vector.shape_cast %parallel_loop3A_608 : vector<1x16xf32> to vector<16xf32>
      %parallel_loop3A_610 = vector.shape_cast %parallel_loop3A_605 : vector<16xf32> to vector<1x16xf32>
      tpu.vector_store %arg15[%parallel_loop3A_606, %parallel_loop3A_607], %parallel_loop3A_610 {strides = array<i32>} : memref<125x64xf32, #tpu.memory_space<vmem>>, vector<1x16xf32>,
      %parallel_loop3A_611 = arith.index_cast %parallel_loop3A_568 : i32 to index
      %parallel_loop3A_612 = arith.constant 48 : index
      %parallel_loop3A_613 = tpu.vector_load %arg15[%parallel_loop3A_611, %parallel_loop3A_612] {strides = array<i32>} : memref<125x64xf32, #tpu.memory_space<vmem>>, vector<1x16xf32>,
      %parallel_loop3A_614 = vector.shape_cast %parallel_loop3A_613 : vector<1x16xf32> to vector<16xf32>
      %parallel_loop3A_615 = arith.index_cast %parallel_loop3A_568 : i32 to index
      %parallel_loop3A_616 = arith.constant 48 : index
      %parallel_loop3A_617 = tpu.vector_load %arg17[%parallel_loop3A_615, %parallel_loop3A_616] {strides = array<i32>} : memref<125x64xf32, #tpu.memory_space<vmem>>, vector<1x16xf32>,
      %parallel_loop3A_618 = vector.shape_cast %parallel_loop3A_617 : vector<1x16xf32> to vector<16xf32>
      %parallel_loop3A_619 = arith.addf %parallel_loop3A_614, %parallel_loop3A_618 : vector<16xf32>
      %parallel_loop3A_620 = arith.index_cast %parallel_loop3A_568 : i32 to index
      %parallel_loop3A_621 = arith.constant 48 : index
      %parallel_loop3A_622 = tpu.vector_load %arg15[%parallel_loop3A_620, %parallel_loop3A_621] {strides = array<i32>} : memref<125x64xf32, #tpu.memory_space<vmem>>, vector<1x16xf32>,
      %parallel_loop3A_623 = vector.shape_cast %parallel_loop3A_622 : vector<1x16xf32> to vector<16xf32>
      %parallel_loop3A_624 = vector.shape_cast %parallel_loop3A_619 : vector<16xf32> to vector<1x16xf32>
      tpu.vector_store %arg15[%parallel_loop3A_620, %parallel_loop3A_621], %parallel_loop3A_624 {strides = array<i32>} : memref<125x64xf32, #tpu.memory_space<vmem>>, vector<1x16xf32>,
    } {sc.loop_unroll_factor = 5 : i64, sc.parallel_access}
    %dma_start3A_409 = arith.constant 3 : i32
    %dma_start3A_410 = arith.constant 0 : i32
    %dma_start3A_411 = tpu.memref_slice %arg13[%dma_start3A_409, %dma_start3A_410] : memref<80x125xi32, #tpu.memory_space<vmem>> -> memref<1x125xi32, #tpu.memory_space<vmem>>
    %dma_start3A_412 = tpu.memref_squeeze %dma_start3A_411 : memref<1x125xi32, #tpu.memory_space<vmem>> -> memref<125xi32, #tpu.memory_space<vmem>>
    %dma_start3A_413 = arith.constant 0 : i32
    %dma_start3A_414 = arith.constant 0 : i32
    %dma_start3A_415 = tpu.memref_slice %arg23[%dma_start3A_413, %dma_start3A_414] : memref<200x64xf32, #tpu.memory_space<vmem_shared>> -> memref<200x64xf32, #tpu.memory_space<vmem_shared>>
    tpu.enqueue_indirect_dma source(%dma_start3A_415 : memref<200x64xf32, #tpu.memory_space<vmem_shared>>) target(%arg17 : memref<125x64xf32, #tpu.memory_space<vmem>>) offsets(%dma_start3A_412 : memref<125xi32, #tpu.memory_space<vmem>>) semaphore(%arg27 : memref<!tpu.dma_semaphore, #tpu.memory_space<semaphore_mem>>)
    %dma_wait3A_416 = arith.constant 0 : i32
    %dma_wait3A_417 = arith.constant 0 : i32
    %dma_wait3A_418 = tpu.memref_slice %arg12[%dma_wait3A_416, %dma_wait3A_417] : memref<80x125xi32, #tpu.memory_space<vmem>> -> memref<1x125xi32, #tpu.memory_space<vmem>>
    %dma_wait3A_419 = tpu.memref_squeeze %dma_wait3A_418 : memref<1x125xi32, #tpu.memory_space<vmem>> -> memref<125xi32, #tpu.memory_space<vmem>>
    %dma_wait3A_420 = arith.constant 0 : i32
    %dma_wait3A_421 = arith.constant 0 : i32
    %dma_wait3A_422 = tpu.memref_slice %arg21[%dma_wait3A_420, %dma_wait3A_421] : memref<10240x64xf32, #tpu.memory_space<vmem_shared>> -> memref<10240x64xf32, #tpu.memory_space<vmem_shared>>
    tpu.wait_indirect_dma semaphore(%arg28 : memref<!tpu.dma_semaphore, #tpu.memory_space<semaphore_mem>>) src(%arg14 : memref<125x64xf32, #tpu.memory_space<vmem>>) dst(%dma_wait3A_422 : memref<10240x64xf32, #tpu.memory_space<vmem_shared>>)
    %convert_element_type3A_423 = arith.extui %eq3A_315 : i1 to i32
    %cond3A_424 = arith.constant 0 : i32
    %cond3A_425 = arith.cmpi ne, %convert_element_type3A_423, %cond3A_424 : i32
    scf.if %cond3A_425 {
      %dma_wait3A_568 = arith.constant 0 : i32
      %dma_wait3A_569 = arith.constant 0 : i32
      %dma_wait3A_570 = tpu.memref_slice %arg18[%dma_wait3A_569] : memref<128xf32, #tpu.memory_space<vmem>> -> memref<125xf32, #tpu.memory_space<vmem>>
      %dma_wait3A_571 = arith.constant 0 : i32
      %dma_wait3A_572 = tpu.memref_slice %arg12[%dma_wait3A_568, %dma_wait3A_571] : memref<80x125xi32, #tpu.memory_space<vmem>> -> memref<1x125xi32, #tpu.memory_space<vmem>>
      %dma_wait3A_573 = tpu.memref_squeeze %dma_wait3A_572 : memref<1x125xi32, #tpu.memory_space<vmem>> -> memref<125xi32, #tpu.memory_space<vmem>>
      %dma_wait3A_574 = arith.constant 0 : i32
      %dma_wait3A_575 = tpu.memref_slice %arg22[%dma_wait3A_574] : memref<10240xf32, #tpu.memory_space<vmem_shared>> -> memref<10240xf32, #tpu.memory_space<vmem_shared>>
      tpu.wait_indirect_dma semaphore(%arg30 : memref<!tpu.dma_semaphore, #tpu.memory_space<semaphore_mem>>) src(%dma_wait3A_570 : memref<125xf32, #tpu.memory_space<vmem>>) dst(%dma_wait3A_575 : memref<10240xf32, #tpu.memory_space<vmem_shared>>)
    } else {
    }
    %eq3A_426 = arith.constant 0 : i32
    %eq3A_427 = arith.cmpi eq, %arg0, %eq3A_426 : i32
    %convert_element_type3A_428 = arith.extui %eq3A_427 : i1 to i32
    %cond3A_429 = arith.constant 0 : i32
    %cond3A_430 = arith.cmpi ne, %convert_element_type3A_428, %cond3A_429 : i32
    scf.if %cond3A_430 {
      %dma_start3A_568 = arith.constant 2 : i32
      %dma_start3A_569 = arith.constant 0 : i32
      %dma_start3A_570 = tpu.memref_slice %arg11[%dma_start3A_568, %dma_start3A_569] : memref<80x125xi32, #tpu.memory_space<vmem>> -> memref<1x125xi32, #tpu.memory_space<vmem>>
      %dma_start3A_571 = tpu.memref_squeeze %dma_start3A_570 : memref<1x125xi32, #tpu.memory_space<vmem>> -> memref<125xi32, #tpu.memory_space<vmem>>
      %dma_start3A_572 = arith.constant 0 : i32
      %dma_start3A_573 = arith.constant 0 : i32
      %dma_start3A_574 = tpu.memref_slice %arg2[%dma_start3A_572, %dma_start3A_573] : memref<10000x64xf32, #tpu.memory_space<hbm>> -> memref<10000x64xf32, #tpu.memory_space<hbm>>
      tpu.enqueue_indirect_dma source(%dma_start3A_574 : memref<10000x64xf32, #tpu.memory_space<hbm>>) target(%arg14 : memref<125x64xf32, #tpu.memory_space<vmem>>) offsets(%dma_start3A_571 : memref<125xi32, #tpu.memory_space<vmem>>) semaphore(%arg24 : memref<!tpu.dma_semaphore, #tpu.memory_space<semaphore_mem>>)
    } else {
    }
    %eq3A_431 = arith.constant 1 : i32
    %eq3A_432 = arith.cmpi eq, %arg0, %eq3A_431 : i32
    %convert_element_type3A_433 = arith.extui %eq3A_432 : i1 to i32
    %cond3A_434 = arith.constant 0 : i32
    %cond3A_435 = arith.cmpi ne, %convert_element_type3A_433, %cond3A_434 : i32
    scf.if %cond3A_435 {
      %dma_start3A_568 = arith.constant 2 : i32
      %dma_start3A_569 = arith.constant 0 : i32
      %dma_start3A_570 = tpu.memref_slice %arg11[%dma_start3A_568, %dma_start3A_569] : memref<80x125xi32, #tpu.memory_space<vmem>> -> memref<1x125xi32, #tpu.memory_space<vmem>>
      %dma_start3A_571 = tpu.memref_squeeze %dma_start3A_570 : memref<1x125xi32, #tpu.memory_space<vmem>> -> memref<125xi32, #tpu.memory_space<vmem>>
      %dma_start3A_572 = arith.constant 0 : i32
      %dma_start3A_573 = arith.constant 0 : i32
      %dma_start3A_574 = tpu.memref_slice %arg3[%dma_start3A_572, %dma_start3A_573] : memref<10000x64xf32, #tpu.memory_space<hbm>> -> memref<10000x64xf32, #tpu.memory_space<hbm>>
      tpu.enqueue_indirect_dma source(%dma_start3A_574 : memref<10000x64xf32, #tpu.memory_space<hbm>>) target(%arg14 : memref<125x64xf32, #tpu.memory_space<vmem>>) offsets(%dma_start3A_571 : memref<125xi32, #tpu.memory_space<vmem>>) semaphore(%arg24 : memref<!tpu.dma_semaphore, #tpu.memory_space<semaphore_mem>>)
    } else {
    }
    %dma_start3A_436 = arith.constant 1 : i32
    %dma_start3A_437 = arith.constant 0 : i32
    %dma_start3A_438 = tpu.memref_slice %arg12[%dma_start3A_436, %dma_start3A_437] : memref<80x125xi32, #tpu.memory_space<vmem>> -> memref<1x125xi32, #tpu.memory_space<vmem>>
    %dma_start3A_439 = tpu.memref_squeeze %dma_start3A_438 : memref<1x125xi32, #tpu.memory_space<vmem>> -> memref<125xi32, #tpu.memory_space<vmem>>
    %dma_start3A_440 = arith.constant 0 : i32
    %dma_start3A_441 = arith.constant 0 : i32
    %dma_start3A_442 = tpu.memref_slice %arg21[%dma_start3A_440, %dma_start3A_441] : memref<10240x64xf32, #tpu.memory_space<vmem_shared>> -> memref<10240x64xf32, #tpu.memory_space<vmem_shared>>
    tpu.enqueue_indirect_dma source(%arg15 : memref<125x64xf32, #tpu.memory_space<vmem>>) target(%dma_start3A_442 : memref<10240x64xf32, #tpu.memory_space<vmem_shared>>) offsets(%dma_start3A_439 : memref<125xi32, #tpu.memory_space<vmem>>) semaphore(%arg29 : memref<!tpu.dma_semaphore, #tpu.memory_space<semaphore_mem>>) {add = true}
    %convert_element_type3A_443 = arith.extui %eq3A_315 : i1 to i32
    %cond3A_444 = arith.constant 0 : i32
    %cond3A_445 = arith.cmpi ne, %convert_element_type3A_443, %cond3A_444 : i32
    scf.if %cond3A_445 {
      %dma_start3A_568 = arith.constant 1 : i32
      %dma_start3A_569 = arith.constant 0 : i32
      %dma_start3A_570 = tpu.memref_slice %arg18[%dma_start3A_569] : memref<128xf32, #tpu.memory_space<vmem>> -> memref<125xf32, #tpu.memory_space<vmem>>
      %dma_start3A_571 = arith.constant 0 : i32
      %dma_start3A_572 = tpu.memref_slice %arg12[%dma_start3A_568, %dma_start3A_571] : memref<80x125xi32, #tpu.memory_space<vmem>> -> memref<1x125xi32, #tpu.memory_space<vmem>>
      %dma_start3A_573 = tpu.memref_squeeze %dma_start3A_572 : memref<1x125xi32, #tpu.memory_space<vmem>> -> memref<125xi32, #tpu.memory_space<vmem>>
      %dma_start3A_574 = arith.constant 0 : i32
      %dma_start3A_575 = tpu.memref_slice %arg22[%dma_start3A_574] : memref<10240xf32, #tpu.memory_space<vmem_shared>> -> memref<10240xf32, #tpu.memory_space<vmem_shared>>
      tpu.enqueue_indirect_dma source(%dma_start3A_570 : memref<125xf32, #tpu.memory_space<vmem>>) target(%dma_start3A_575 : memref<10240xf32, #tpu.memory_space<vmem_shared>>) offsets(%dma_start3A_573 : memref<125xi32, #tpu.memory_space<vmem>>) semaphore(%arg31 : memref<!tpu.dma_semaphore, #tpu.memory_space<semaphore_mem>>) {add = true}
    } else {
    }
    %scan3A_446 = arith.constant 0 : i32
    %scan3A_447 = arith.constant 1 : i32
    %scan3A_448 = arith.constant 38 : i32
    %scan3A_449 = arith.addi %scan3A_447, %scan3A_448 : i32
    %scan3A_450 = arith.constant 1 : i32
    %scan3A_451 = scf.for %scan3A_568 = %scan3A_447 to %scan3A_449 step %scan3A_450 iter_args(%scan3A_569 = %scan3A_446) -> (i32)  : i32 {
      %mul3A_570 = arith.constant 2 : i32
      %mul3A_571 = arith.muli %mul3A_570, %scan3A_568 : i32
      %add3A_572 = arith.constant 1 : i32
      %add3A_573 = arith.addi %mul3A_571, %add3A_572 : i32
      %sub3A = arith.constant 2 : i32
      %sub3A_574 = arith.subi %add3A_573, %sub3A : i32
      %dma_wait3A_575 = arith.constant 0 : i32
      %dma_wait3A_576 = tpu.memref_slice %arg12[%sub3A_574, %dma_wait3A_575] : memref<80x125xi32, #tpu.memory_space<vmem>> -> memref<1x125xi32, #tpu.memory_space<vmem>>
      %dma_wait3A_577 = tpu.memref_squeeze %dma_wait3A_576 : memref<1x125xi32, #tpu.memory_space<vmem>> -> memref<125xi32, #tpu.memory_space<vmem>>
      %dma_wait3A_578 = arith.constant 0 : i32
      %dma_wait3A_579 = arith.constant 0 : i32
      %dma_wait3A_580 = tpu.memref_slice %arg21[%dma_wait3A_578, %dma_wait3A_579] : memref<10240x64xf32, #tpu.memory_space<vmem_shared>> -> memref<10240x64xf32, #tpu.memory_space<vmem_shared>>
      tpu.wait_indirect_dma semaphore(%arg29 : memref<!tpu.dma_semaphore, #tpu.memory_space<semaphore_mem>>) src(%arg15 : memref<125x64xf32, #tpu.memory_space<vmem>>) dst(%dma_wait3A_580 : memref<10240x64xf32, #tpu.memory_space<vmem_shared>>)
      %sub3A_581 = arith.constant 2 : i32
      %sub3A_582 = arith.subi %add3A_573, %sub3A_581 : i32
      %convert_element_type3A_583 = arith.extui %eq3A_315 : i1 to i32
      %cond3A_584 = arith.constant 0 : i32
      %cond3A_585 = arith.cmpi ne, %convert_element_type3A_583, %cond3A_584 : i32
      scf.if %cond3A_585 {
        %dma_wait3A_690 = arith.constant 0 : i32
        %dma_wait3A_691 = tpu.memref_slice %arg18[%dma_wait3A_690] : memref<128xf32, #tpu.memory_space<vmem>> -> memref<125xf32, #tpu.memory_space<vmem>>
        %dma_wait3A_692 = arith.constant 0 : i32
        %dma_wait3A_693 = tpu.memref_slice %arg12[%sub3A_582, %dma_wait3A_692] : memref<80x125xi32, #tpu.memory_space<vmem>> -> memref<1x125xi32, #tpu.memory_space<vmem>>
        %dma_wait3A_694 = tpu.memref_squeeze %dma_wait3A_693 : memref<1x125xi32, #tpu.memory_space<vmem>> -> memref<125xi32, #tpu.memory_space<vmem>>
        %dma_wait3A_695 = arith.constant 0 : i32
        %dma_wait3A_696 = tpu.memref_slice %arg22[%dma_wait3A_695] : memref<10240xf32, #tpu.memory_space<vmem_shared>> -> memref<10240xf32, #tpu.memory_space<vmem_shared>>
        tpu.wait_indirect_dma semaphore(%arg31 : memref<!tpu.dma_semaphore, #tpu.memory_space<semaphore_mem>>) src(%dma_wait3A_691 : memref<125xf32, #tpu.memory_space<vmem>>) dst(%dma_wait3A_696 : memref<10240xf32, #tpu.memory_space<vmem_shared>>)
      } else {
      }
      %eq3A_586 = arith.constant 0 : i32
      %eq3A_587 = arith.cmpi eq, %arg0, %eq3A_586 : i32
      %convert_element_type3A_588 = arith.extui %eq3A_587 : i1 to i32
      %cond3A_589 = arith.constant 0 : i32
      %cond3A_590 = arith.cmpi ne, %convert_element_type3A_588, %cond3A_589 : i32
      scf.if %cond3A_590 {
        %dma_start3A_690 = arith.constant 0 : i32
        %dma_start3A_691 = tpu.memref_slice %arg11[%add3A_573, %dma_start3A_690] : memref<80x125xi32, #tpu.memory_space<vmem>> -> memref<1x125xi32, #tpu.memory_space<vmem>>
        %dma_start3A_692 = tpu.memref_squeeze %dma_start3A_691 : memref<1x125xi32, #tpu.memory_space<vmem>> -> memref<125xi32, #tpu.memory_space<vmem>>
        %dma_start3A_693 = arith.constant 0 : i32
        %dma_start3A_694 = arith.constant 0 : i32
        %dma_start3A_695 = tpu.memref_slice %arg2[%dma_start3A_693, %dma_start3A_694] : memref<10000x64xf32, #tpu.memory_space<hbm>> -> memref<10000x64xf32, #tpu.memory_space<hbm>>
        tpu.enqueue_indirect_dma source(%dma_start3A_695 : memref<10000x64xf32, #tpu.memory_space<hbm>>) target(%arg15 : memref<125x64xf32, #tpu.memory_space<vmem>>) offsets(%dma_start3A_692 : memref<125xi32, #tpu.memory_space<vmem>>) semaphore(%arg26 : memref<!tpu.dma_semaphore, #tpu.memory_space<semaphore_mem>>)
      } else {
      }
      %eq3A_591 = arith.constant 1 : i32
      %eq3A_592 = arith.cmpi eq, %arg0, %eq3A_591 : i32
      %convert_element_type3A_593 = arith.extui %eq3A_592 : i1 to i32
      %cond3A_594 = arith.constant 0 : i32
      %cond3A_595 = arith.cmpi ne, %convert_element_type3A_593, %cond3A_594 : i32
      scf.if %cond3A_595 {
        %dma_start3A_690 = arith.constant 0 : i32
        %dma_start3A_691 = tpu.memref_slice %arg11[%add3A_573, %dma_start3A_690] : memref<80x125xi32, #tpu.memory_space<vmem>> -> memref<1x125xi32, #tpu.memory_space<vmem>>
        %dma_start3A_692 = tpu.memref_squeeze %dma_start3A_691 : memref<1x125xi32, #tpu.memory_space<vmem>> -> memref<125xi32, #tpu.memory_space<vmem>>
        %dma_start3A_693 = arith.constant 0 : i32
        %dma_start3A_694 = arith.constant 0 : i32
        %dma_start3A_695 = tpu.memref_slice %arg3[%dma_start3A_693, %dma_start3A_694] : memref<10000x64xf32, #tpu.memory_space<hbm>> -> memref<10000x64xf32, #tpu.memory_space<hbm>>
        tpu.enqueue_indirect_dma source(%dma_start3A_695 : memref<10000x64xf32, #tpu.memory_space<hbm>>) target(%arg15 : memref<125x64xf32, #tpu.memory_space<vmem>>) offsets(%dma_start3A_692 : memref<125xi32, #tpu.memory_space<vmem>>) semaphore(%arg26 : memref<!tpu.dma_semaphore, #tpu.memory_space<semaphore_mem>>)
      } else {
      }
      %eq3A_596 = arith.constant 0 : i32
      %eq3A_597 = arith.cmpi eq, %arg0, %eq3A_596 : i32
      %convert_element_type3A_598 = arith.extui %eq3A_597 : i1 to i32
      %cond3A_599 = arith.constant 0 : i32
      %cond3A_600 = arith.cmpi ne, %convert_element_type3A_598, %cond3A_599 : i32
      scf.if %cond3A_600 {
        %dma_wait3A_690 = arith.constant 0 : i32
        %dma_wait3A_691 = tpu.memref_slice %arg11[%mul3A_571, %dma_wait3A_690] : memref<80x125xi32, #tpu.memory_space<vmem>> -> memref<1x125xi32, #tpu.memory_space<vmem>>
        %dma_wait3A_692 = tpu.memref_squeeze %dma_wait3A_691 : memref<1x125xi32, #tpu.memory_space<vmem>> -> memref<125xi32, #tpu.memory_space<vmem>>
        %dma_wait3A_693 = arith.constant 0 : i32
        %dma_wait3A_694 = arith.constant 0 : i32
        %dma_wait3A_695 = tpu.memref_slice %arg2[%dma_wait3A_693, %dma_wait3A_694] : memref<10000x64xf32, #tpu.memory_space<hbm>> -> memref<10000x64xf32, #tpu.memory_space<hbm>>
        tpu.wait_indirect_dma semaphore(%arg24 : memref<!tpu.dma_semaphore, #tpu.memory_space<semaphore_mem>>) src(%dma_wait3A_695 : memref<10000x64xf32, #tpu.memory_space<hbm>>) dst(%arg14 : memref<125x64xf32, #tpu.memory_space<vmem>>)
      } else {
      }
      %eq3A_601 = arith.constant 1 : i32
      %eq3A_602 = arith.cmpi eq, %arg0, %eq3A_601 : i32
      %convert_element_type3A_603 = arith.extui %eq3A_602 : i1 to i32
      %cond3A_604 = arith.constant 0 : i32
      %cond3A_605 = arith.cmpi ne, %convert_element_type3A_603, %cond3A_604 : i32
      scf.if %cond3A_605 {
        %dma_wait3A_690 = arith.constant 0 : i32
        %dma_wait3A_691 = tpu.memref_slice %arg11[%mul3A_571, %dma_wait3A_690] : memref<80x125xi32, #tpu.memory_space<vmem>> -> memref<1x125xi32, #tpu.memory_space<vmem>>
        %dma_wait3A_692 = tpu.memref_squeeze %dma_wait3A_691 : memref<1x125xi32, #tpu.memory_space<vmem>> -> memref<125xi32, #tpu.memory_space<vmem>>
        %dma_wait3A_693 = arith.constant 0 : i32
        %dma_wait3A_694 = arith.constant 0 : i32
        %dma_wait3A_695 = tpu.memref_slice %arg3[%dma_wait3A_693, %dma_wait3A_694] : memref<10000x64xf32, #tpu.memory_space<hbm>> -> memref<10000x64xf32, #tpu.memory_space<hbm>>
        tpu.wait_indirect_dma semaphore(%arg24 : memref<!tpu.dma_semaphore, #tpu.memory_space<semaphore_mem>>) src(%dma_wait3A_695 : memref<10000x64xf32, #tpu.memory_space<hbm>>) dst(%arg14 : memref<125x64xf32, #tpu.memory_space<vmem>>)
      } else {
      }
      %dma_wait3A_606 = arith.constant 0 : i32
      %dma_wait3A_607 = tpu.memref_slice %arg13[%mul3A_571, %dma_wait3A_606] : memref<80x125xi32, #tpu.memory_space<vmem>> -> memref<1x125xi32, #tpu.memory_space<vmem>>
      %dma_wait3A_608 = tpu.memref_squeeze %dma_wait3A_607 : memref<1x125xi32, #tpu.memory_space<vmem>> -> memref<125xi32, #tpu.memory_space<vmem>>
      %dma_wait3A_609 = arith.constant 0 : i32
      %dma_wait3A_610 = arith.constant 0 : i32
      %dma_wait3A_611 = tpu.memref_slice %arg23[%dma_wait3A_609, %dma_wait3A_610] : memref<200x64xf32, #tpu.memory_space<vmem_shared>> -> memref<200x64xf32, #tpu.memory_space<vmem_shared>>
      tpu.wait_indirect_dma semaphore(%arg25 : memref<!tpu.dma_semaphore, #tpu.memory_space<semaphore_mem>>) src(%dma_wait3A_611 : memref<200x64xf32, #tpu.memory_space<vmem_shared>>) dst(%arg16 : memref<125x64xf32, #tpu.memory_space<vmem>>)
      %parallel_loop3A_612 = arith.constant 0 : i32
      %parallel_loop3A_613 = arith.constant 125 : i32
      %parallel_loop3A_614 = arith.constant 1 : i32
      scf.for %parallel_loop3A_690 = %parallel_loop3A_612 to %parallel_loop3A_613 step %parallel_loop3A_614  : i32 {
        %parallel_loop3A_691 = arith.index_cast %parallel_loop3A_690 : i32 to index
        %parallel_loop3A_692 = arith.constant 0 : index
        %parallel_loop3A_693 = tpu.vector_load %arg14[%parallel_loop3A_691, %parallel_loop3A_692] {strides = array<i32>} : memref<125x64xf32, #tpu.memory_space<vmem>>, vector<1x16xf32>,
        %parallel_loop3A_694 = vector.shape_cast %parallel_loop3A_693 : vector<1x16xf32> to vector<16xf32>
        %parallel_loop3A_695 = arith.index_cast %parallel_loop3A_690 : i32 to index
        %parallel_loop3A_696 = arith.constant 0 : index
        %parallel_loop3A_697 = tpu.vector_load %arg16[%parallel_loop3A_695, %parallel_loop3A_696] {strides = array<i32>} : memref<125x64xf32, #tpu.memory_space<vmem>>, vector<1x16xf32>,
        %parallel_loop3A_698 = vector.shape_cast %parallel_loop3A_697 : vector<1x16xf32> to vector<16xf32>
        %parallel_loop3A_699 = arith.addf %parallel_loop3A_694, %parallel_loop3A_698 : vector<16xf32>
        %parallel_loop3A_700 = arith.index_cast %parallel_loop3A_690 : i32 to index
        %parallel_loop3A_701 = arith.constant 0 : index
        %parallel_loop3A_702 = tpu.vector_load %arg14[%parallel_loop3A_700, %parallel_loop3A_701] {strides = array<i32>} : memref<125x64xf32, #tpu.memory_space<vmem>>, vector<1x16xf32>,
        %parallel_loop3A_703 = vector.shape_cast %parallel_loop3A_702 : vector<1x16xf32> to vector<16xf32>
        %parallel_loop3A_704 = vector.shape_cast %parallel_loop3A_699 : vector<16xf32> to vector<1x16xf32>
        tpu.vector_store %arg14[%parallel_loop3A_700, %parallel_loop3A_701], %parallel_loop3A_704 {strides = array<i32>} : memref<125x64xf32, #tpu.memory_space<vmem>>, vector<1x16xf32>,
        %parallel_loop3A_705 = arith.index_cast %parallel_loop3A_690 : i32 to index
        %parallel_loop3A_706 = arith.constant 16 : index
        %parallel_loop3A_707 = tpu.vector_load %arg14[%parallel_loop3A_705, %parallel_loop3A_706] {strides = array<i32>} : memref<125x64xf32, #tpu.memory_space<vmem>>, vector<1x16xf32>,
        %parallel_loop3A_708 = vector.shape_cast %parallel_loop3A_707 : vector<1x16xf32> to vector<16xf32>
        %parallel_loop3A_709 = arith.index_cast %parallel_loop3A_690 : i32 to index
        %parallel_loop3A_710 = arith.constant 16 : index
        %parallel_loop3A_711 = tpu.vector_load %arg16[%parallel_loop3A_709, %parallel_loop3A_710] {strides = array<i32>} : memref<125x64xf32, #tpu.memory_space<vmem>>, vector<1x16xf32>,
        %parallel_loop3A_712 = vector.shape_cast %parallel_loop3A_711 : vector<1x16xf32> to vector<16xf32>
        %parallel_loop3A_713 = arith.addf %parallel_loop3A_708, %parallel_loop3A_712 : vector<16xf32>
        %parallel_loop3A_714 = arith.index_cast %parallel_loop3A_690 : i32 to index
        %parallel_loop3A_715 = arith.constant 16 : index
        %parallel_loop3A_716 = tpu.vector_load %arg14[%parallel_loop3A_714, %parallel_loop3A_715] {strides = array<i32>} : memref<125x64xf32, #tpu.memory_space<vmem>>, vector<1x16xf32>,
        %parallel_loop3A_717 = vector.shape_cast %parallel_loop3A_716 : vector<1x16xf32> to vector<16xf32>
        %parallel_loop3A_718 = vector.shape_cast %parallel_loop3A_713 : vector<16xf32> to vector<1x16xf32>
        tpu.vector_store %arg14[%parallel_loop3A_714, %parallel_loop3A_715], %parallel_loop3A_718 {strides = array<i32>} : memref<125x64xf32, #tpu.memory_space<vmem>>, vector<1x16xf32>,
        %parallel_loop3A_719 = arith.index_cast %parallel_loop3A_690 : i32 to index
        %parallel_loop3A_720 = arith.constant 32 : index
        %parallel_loop3A_721 = tpu.vector_load %arg14[%parallel_loop3A_719, %parallel_loop3A_720] {strides = array<i32>} : memref<125x64xf32, #tpu.memory_space<vmem>>, vector<1x16xf32>,
        %parallel_loop3A_722 = vector.shape_cast %parallel_loop3A_721 : vector<1x16xf32> to vector<16xf32>
        %parallel_loop3A_723 = arith.index_cast %parallel_loop3A_690 : i32 to index
        %parallel_loop3A_724 = arith.constant 32 : index
        %parallel_loop3A_725 = tpu.vector_load %arg16[%parallel_loop3A_723, %parallel_loop3A_724] {strides = array<i32>} : memref<125x64xf32, #tpu.memory_space<vmem>>, vector<1x16xf32>,
        %parallel_loop3A_726 = vector.shape_cast %parallel_loop3A_725 : vector<1x16xf32> to vector<16xf32>
        %parallel_loop3A_727 = arith.addf %parallel_loop3A_722, %parallel_loop3A_726 : vector<16xf32>
        %parallel_loop3A_728 = arith.index_cast %parallel_loop3A_690 : i32 to index
        %parallel_loop3A_729 = arith.constant 32 : index
        %parallel_loop3A_730 = tpu.vector_load %arg14[%parallel_loop3A_728, %parallel_loop3A_729] {strides = array<i32>} : memref<125x64xf32, #tpu.memory_space<vmem>>, vector<1x16xf32>,
        %parallel_loop3A_731 = vector.shape_cast %parallel_loop3A_730 : vector<1x16xf32> to vector<16xf32>
        %parallel_loop3A_732 = vector.shape_cast %parallel_loop3A_727 : vector<16xf32> to vector<1x16xf32>
        tpu.vector_store %arg14[%parallel_loop3A_728, %parallel_loop3A_729], %parallel_loop3A_732 {strides = array<i32>} : memref<125x64xf32, #tpu.memory_space<vmem>>, vector<1x16xf32>,
        %parallel_loop3A_733 = arith.index_cast %parallel_loop3A_690 : i32 to index
        %parallel_loop3A_734 = arith.constant 48 : index
        %parallel_loop3A_735 = tpu.vector_load %arg14[%parallel_loop3A_733, %parallel_loop3A_734] {strides = array<i32>} : memref<125x64xf32, #tpu.memory_space<vmem>>, vector<1x16xf32>,
        %parallel_loop3A_736 = vector.shape_cast %parallel_loop3A_735 : vector<1x16xf32> to vector<16xf32>
        %parallel_loop3A_737 = arith.index_cast %parallel_loop3A_690 : i32 to index
        %parallel_loop3A_738 = arith.constant 48 : index
        %parallel_loop3A_739 = tpu.vector_load %arg16[%parallel_loop3A_737, %parallel_loop3A_738] {strides = array<i32>} : memref<125x64xf32, #tpu.memory_space<vmem>>, vector<1x16xf32>,
        %parallel_loop3A_740 = vector.shape_cast %parallel_loop3A_739 : vector<1x16xf32> to vector<16xf32>
        %parallel_loop3A_741 = arith.addf %parallel_loop3A_736, %parallel_loop3A_740 : vector<16xf32>
        %parallel_loop3A_742 = arith.index_cast %parallel_loop3A_690 : i32 to index
        %parallel_loop3A_743 = arith.constant 48 : index
        %parallel_loop3A_744 = tpu.vector_load %arg14[%parallel_loop3A_742, %parallel_loop3A_743] {strides = array<i32>} : memref<125x64xf32, #tpu.memory_space<vmem>>, vector<1x16xf32>,
        %parallel_loop3A_745 = vector.shape_cast %parallel_loop3A_744 : vector<1x16xf32> to vector<16xf32>
        %parallel_loop3A_746 = vector.shape_cast %parallel_loop3A_741 : vector<16xf32> to vector<1x16xf32>
        tpu.vector_store %arg14[%parallel_loop3A_742, %parallel_loop3A_743], %parallel_loop3A_746 {strides = array<i32>} : memref<125x64xf32, #tpu.memory_space<vmem>>, vector<1x16xf32>,
      } {sc.loop_unroll_factor = 5 : i64, sc.parallel_access}
      %add3A_615 = arith.constant 2 : i32
      %add3A_616 = arith.addi %mul3A_571, %add3A_615 : i32
      %dma_start3A_617 = arith.constant 0 : i32
      %dma_start3A_618 = tpu.memref_slice %arg13[%add3A_616, %dma_start3A_617] : memref<80x125xi32, #tpu.memory_space<vmem>> -> memref<1x125xi32, #tpu.memory_space<vmem>>
      %dma_start3A_619 = tpu.memref_squeeze %dma_start3A_618 : memref<1x125xi32, #tpu.memory_space<vmem>> -> memref<125xi32, #tpu.memory_space<vmem>>
      %dma_start3A_620 = arith.constant 0 : i32
      %dma_start3A_621 = arith.constant 0 : i32
      %dma_start3A_622 = tpu.memref_slice %arg23[%dma_start3A_620, %dma_start3A_621] : memref<200x64xf32, #tpu.memory_space<vmem_shared>> -> memref<200x64xf32, #tpu.memory_space<vmem_shared>>
      tpu.enqueue_indirect_dma source(%dma_start3A_622 : memref<200x64xf32, #tpu.memory_space<vmem_shared>>) target(%arg16 : memref<125x64xf32, #tpu.memory_space<vmem>>) offsets(%dma_start3A_619 : memref<125xi32, #tpu.memory_space<vmem>>) semaphore(%arg25 : memref<!tpu.dma_semaphore, #tpu.memory_space<semaphore_mem>>)
      %dma_start3A_623 = arith.constant 0 : i32
      %dma_start3A_624 = tpu.memref_slice %arg12[%mul3A_571, %dma_start3A_623] : memref<80x125xi32, #tpu.memory_space<vmem>> -> memref<1x125xi32, #tpu.memory_space<vmem>>
      %dma_start3A_625 = tpu.memref_squeeze %dma_start3A_624 : memref<1x125xi32, #tpu.memory_space<vmem>> -> memref<125xi32, #tpu.memory_space<vmem>>
      %dma_start3A_626 = arith.constant 0 : i32
      %dma_start3A_627 = arith.constant 0 : i32
      %dma_start3A_628 = tpu.memref_slice %arg21[%dma_start3A_626, %dma_start3A_627] : memref<10240x64xf32, #tpu.memory_space<vmem_shared>> -> memref<10240x64xf32, #tpu.memory_space<vmem_shared>>
      tpu.enqueue_indirect_dma source(%arg14 : memref<125x64xf32, #tpu.memory_space<vmem>>) target(%dma_start3A_628 : memref<10240x64xf32, #tpu.memory_space<vmem_shared>>) offsets(%dma_start3A_625 : memref<125xi32, #tpu.memory_space<vmem>>) semaphore(%arg28 : memref<!tpu.dma_semaphore, #tpu.memory_space<semaphore_mem>>) {add = true}
      %convert_element_type3A_629 = arith.extui %eq3A_315 : i1 to i32
      %cond3A_630 = arith.constant 0 : i32
      %cond3A_631 = arith.cmpi ne, %convert_element_type3A_629, %cond3A_630 : i32
      scf.if %cond3A_631 {
        %dma_start3A_690 = arith.constant 0 : i32
        %dma_start3A_691 = tpu.memref_slice %arg18[%dma_start3A_690] : memref<128xf32, #tpu.memory_space<vmem>> -> memref<125xf32, #tpu.memory_space<vmem>>
        %dma_start3A_692 = arith.constant 0 : i32
        %dma_start3A_693 = tpu.memref_slice %arg12[%mul3A_571, %dma_start3A_692] : memref<80x125xi32, #tpu.memory_space<vmem>> -> memref<1x125xi32, #tpu.memory_space<vmem>>
        %dma_start3A_694 = tpu.memref_squeeze %dma_start3A_693 : memref<1x125xi32, #tpu.memory_space<vmem>> -> memref<125xi32, #tpu.memory_space<vmem>>
        %dma_start3A_695 = arith.constant 0 : i32
        %dma_start3A_696 = tpu.memref_slice %arg22[%dma_start3A_695] : memref<10240xf32, #tpu.memory_space<vmem_shared>> -> memref<10240xf32, #tpu.memory_space<vmem_shared>>
        tpu.enqueue_indirect_dma source(%dma_start3A_691 : memref<125xf32, #tpu.memory_space<vmem>>) target(%dma_start3A_696 : memref<10240xf32, #tpu.memory_space<vmem_shared>>) offsets(%dma_start3A_694 : memref<125xi32, #tpu.memory_space<vmem>>) semaphore(%arg30 : memref<!tpu.dma_semaphore, #tpu.memory_space<semaphore_mem>>) {add = true}
      } else {
      }
      %eq3A_632 = arith.constant 0 : i32
      %eq3A_633 = arith.cmpi eq, %arg0, %eq3A_632 : i32
      %convert_element_type3A_634 = arith.extui %eq3A_633 : i1 to i32
      %cond3A_635 = arith.constant 0 : i32
      %cond3A_636 = arith.cmpi ne, %convert_element_type3A_634, %cond3A_635 : i32
      scf.if %cond3A_636 {
        %dma_wait3A_690 = arith.constant 0 : i32
        %dma_wait3A_691 = tpu.memref_slice %arg11[%add3A_573, %dma_wait3A_690] : memref<80x125xi32, #tpu.memory_space<vmem>> -> memref<1x125xi32, #tpu.memory_space<vmem>>
        %dma_wait3A_692 = tpu.memref_squeeze %dma_wait3A_691 : memref<1x125xi32, #tpu.memory_space<vmem>> -> memref<125xi32, #tpu.memory_space<vmem>>
        %dma_wait3A_693 = arith.constant 0 : i32
        %dma_wait3A_694 = arith.constant 0 : i32
        %dma_wait3A_695 = tpu.memref_slice %arg2[%dma_wait3A_693, %dma_wait3A_694] : memref<10000x64xf32, #tpu.memory_space<hbm>> -> memref<10000x64xf32, #tpu.memory_space<hbm>>
        tpu.wait_indirect_dma semaphore(%arg26 : memref<!tpu.dma_semaphore, #tpu.memory_space<semaphore_mem>>) src(%dma_wait3A_695 : memref<10000x64xf32, #tpu.memory_space<hbm>>) dst(%arg15 : memref<125x64xf32, #tpu.memory_space<vmem>>)
      } else {
      }
      %eq3A_637 = arith.constant 1 : i32
      %eq3A_638 = arith.cmpi eq, %arg0, %eq3A_637 : i32
      %convert_element_type3A_639 = arith.extui %eq3A_638 : i1 to i32
      %cond3A_640 = arith.constant 0 : i32
      %cond3A_641 = arith.cmpi ne, %convert_element_type3A_639, %cond3A_640 : i32
      scf.if %cond3A_641 {
        %dma_wait3A_690 = arith.constant 0 : i32
        %dma_wait3A_691 = tpu.memref_slice %arg11[%add3A_573, %dma_wait3A_690] : memref<80x125xi32, #tpu.memory_space<vmem>> -> memref<1x125xi32, #tpu.memory_space<vmem>>
        %dma_wait3A_692 = tpu.memref_squeeze %dma_wait3A_691 : memref<1x125xi32, #tpu.memory_space<vmem>> -> memref<125xi32, #tpu.memory_space<vmem>>
        %dma_wait3A_693 = arith.constant 0 : i32
        %dma_wait3A_694 = arith.constant 0 : i32
        %dma_wait3A_695 = tpu.memref_slice %arg3[%dma_wait3A_693, %dma_wait3A_694] : memref<10000x64xf32, #tpu.memory_space<hbm>> -> memref<10000x64xf32, #tpu.memory_space<hbm>>
        tpu.wait_indirect_dma semaphore(%arg26 : memref<!tpu.dma_semaphore, #tpu.memory_space<semaphore_mem>>) src(%dma_wait3A_695 : memref<10000x64xf32, #tpu.memory_space<hbm>>) dst(%arg15 : memref<125x64xf32, #tpu.memory_space<vmem>>)
      } else {
      }
      %dma_wait3A_642 = arith.constant 0 : i32
      %dma_wait3A_643 = tpu.memref_slice %arg13[%add3A_573, %dma_wait3A_642] : memref<80x125xi32, #tpu.memory_space<vmem>> -> memref<1x125xi32, #tpu.memory_space<vmem>>
      %dma_wait3A_644 = tpu.memref_squeeze %dma_wait3A_643 : memref<1x125xi32, #tpu.memory_space<vmem>> -> memref<125xi32, #tpu.memory_space<vmem>>
      %dma_wait3A_645 = arith.constant 0 : i32
      %dma_wait3A_646 = arith.constant 0 : i32
      %dma_wait3A_647 = tpu.memref_slice %arg23[%dma_wait3A_645, %dma_wait3A_646] : memref<200x64xf32, #tpu.memory_space<vmem_shared>> -> memref<200x64xf32, #tpu.memory_space<vmem_shared>>
      tpu.wait_indirect_dma semaphore(%arg27 : memref<!tpu.dma_semaphore, #tpu.memory_space<semaphore_mem>>) src(%dma_wait3A_647 : memref<200x64xf32, #tpu.memory_space<vmem_shared>>) dst(%arg17 : memref<125x64xf32, #tpu.memory_space<vmem>>)
      %parallel_loop3A_648 = arith.constant 0 : i32
      %parallel_loop3A_649 = arith.constant 125 : i32
      %parallel_loop3A_650 = arith.constant 1 : i32
      scf.for %parallel_loop3A_690 = %parallel_loop3A_648 to %parallel_loop3A_649 step %parallel_loop3A_650  : i32 {
        %parallel_loop3A_691 = arith.index_cast %parallel_loop3A_690 : i32 to index
        %parallel_loop3A_692 = arith.constant 0 : index
        %parallel_loop3A_693 = tpu.vector_load %arg15[%parallel_loop3A_691, %parallel_loop3A_692] {strides = array<i32>} : memref<125x64xf32, #tpu.memory_space<vmem>>, vector<1x16xf32>,
        %parallel_loop3A_694 = vector.shape_cast %parallel_loop3A_693 : vector<1x16xf32> to vector<16xf32>
        %parallel_loop3A_695 = arith.index_cast %parallel_loop3A_690 : i32 to index
        %parallel_loop3A_696 = arith.constant 0 : index
        %parallel_loop3A_697 = tpu.vector_load %arg17[%parallel_loop3A_695, %parallel_loop3A_696] {strides = array<i32>} : memref<125x64xf32, #tpu.memory_space<vmem>>, vector<1x16xf32>,
        %parallel_loop3A_698 = vector.shape_cast %parallel_loop3A_697 : vector<1x16xf32> to vector<16xf32>
        %parallel_loop3A_699 = arith.addf %parallel_loop3A_694, %parallel_loop3A_698 : vector<16xf32>
        %parallel_loop3A_700 = arith.index_cast %parallel_loop3A_690 : i32 to index
        %parallel_loop3A_701 = arith.constant 0 : index
        %parallel_loop3A_702 = tpu.vector_load %arg15[%parallel_loop3A_700, %parallel_loop3A_701] {strides = array<i32>} : memref<125x64xf32, #tpu.memory_space<vmem>>, vector<1x16xf32>,
        %parallel_loop3A_703 = vector.shape_cast %parallel_loop3A_702 : vector<1x16xf32> to vector<16xf32>
        %parallel_loop3A_704 = vector.shape_cast %parallel_loop3A_699 : vector<16xf32> to vector<1x16xf32>
        tpu.vector_store %arg15[%parallel_loop3A_700, %parallel_loop3A_701], %parallel_loop3A_704 {strides = array<i32>} : memref<125x64xf32, #tpu.memory_space<vmem>>, vector<1x16xf32>,
        %parallel_loop3A_705 = arith.index_cast %parallel_loop3A_690 : i32 to index
        %parallel_loop3A_706 = arith.constant 16 : index
        %parallel_loop3A_707 = tpu.vector_load %arg15[%parallel_loop3A_705, %parallel_loop3A_706] {strides = array<i32>} : memref<125x64xf32, #tpu.memory_space<vmem>>, vector<1x16xf32>,
        %parallel_loop3A_708 = vector.shape_cast %parallel_loop3A_707 : vector<1x16xf32> to vector<16xf32>
        %parallel_loop3A_709 = arith.index_cast %parallel_loop3A_690 : i32 to index
        %parallel_loop3A_710 = arith.constant 16 : index
        %parallel_loop3A_711 = tpu.vector_load %arg17[%parallel_loop3A_709, %parallel_loop3A_710] {strides = array<i32>} : memref<125x64xf32, #tpu.memory_space<vmem>>, vector<1x16xf32>,
        %parallel_loop3A_712 = vector.shape_cast %parallel_loop3A_711 : vector<1x16xf32> to vector<16xf32>
        %parallel_loop3A_713 = arith.addf %parallel_loop3A_708, %parallel_loop3A_712 : vector<16xf32>
        %parallel_loop3A_714 = arith.index_cast %parallel_loop3A_690 : i32 to index
        %parallel_loop3A_715 = arith.constant 16 : index
        %parallel_loop3A_716 = tpu.vector_load %arg15[%parallel_loop3A_714, %parallel_loop3A_715] {strides = array<i32>} : memref<125x64xf32, #tpu.memory_space<vmem>>, vector<1x16xf32>,
        %parallel_loop3A_717 = vector.shape_cast %parallel_loop3A_716 : vector<1x16xf32> to vector<16xf32>
        %parallel_loop3A_718 = vector.shape_cast %parallel_loop3A_713 : vector<16xf32> to vector<1x16xf32>
        tpu.vector_store %arg15[%parallel_loop3A_714, %parallel_loop3A_715], %parallel_loop3A_718 {strides = array<i32>} : memref<125x64xf32, #tpu.memory_space<vmem>>, vector<1x16xf32>,
        %parallel_loop3A_719 = arith.index_cast %parallel_loop3A_690 : i32 to index
        %parallel_loop3A_720 = arith.constant 32 : index
        %parallel_loop3A_721 = tpu.vector_load %arg15[%parallel_loop3A_719, %parallel_loop3A_720] {strides = array<i32>} : memref<125x64xf32, #tpu.memory_space<vmem>>, vector<1x16xf32>,
        %parallel_loop3A_722 = vector.shape_cast %parallel_loop3A_721 : vector<1x16xf32> to vector<16xf32>
        %parallel_loop3A_723 = arith.index_cast %parallel_loop3A_690 : i32 to index
        %parallel_loop3A_724 = arith.constant 32 : index
        %parallel_loop3A_725 = tpu.vector_load %arg17[%parallel_loop3A_723, %parallel_loop3A_724] {strides = array<i32>} : memref<125x64xf32, #tpu.memory_space<vmem>>, vector<1x16xf32>,
        %parallel_loop3A_726 = vector.shape_cast %parallel_loop3A_725 : vector<1x16xf32> to vector<16xf32>
        %parallel_loop3A_727 = arith.addf %parallel_loop3A_722, %parallel_loop3A_726 : vector<16xf32>
        %parallel_loop3A_728 = arith.index_cast %parallel_loop3A_690 : i32 to index
        %parallel_loop3A_729 = arith.constant 32 : index
        %parallel_loop3A_730 = tpu.vector_load %arg15[%parallel_loop3A_728, %parallel_loop3A_729] {strides = array<i32>} : memref<125x64xf32, #tpu.memory_space<vmem>>, vector<1x16xf32>,
        %parallel_loop3A_731 = vector.shape_cast %parallel_loop3A_730 : vector<1x16xf32> to vector<16xf32>
        %parallel_loop3A_732 = vector.shape_cast %parallel_loop3A_727 : vector<16xf32> to vector<1x16xf32>
        tpu.vector_store %arg15[%parallel_loop3A_728, %parallel_loop3A_729], %parallel_loop3A_732 {strides = array<i32>} : memref<125x64xf32, #tpu.memory_space<vmem>>, vector<1x16xf32>,
        %parallel_loop3A_733 = arith.index_cast %parallel_loop3A_690 : i32 to index
        %parallel_loop3A_734 = arith.constant 48 : index
        %parallel_loop3A_735 = tpu.vector_load %arg15[%parallel_loop3A_733, %parallel_loop3A_734] {strides = array<i32>} : memref<125x64xf32, #tpu.memory_space<vmem>>, vector<1x16xf32>,
        %parallel_loop3A_736 = vector.shape_cast %parallel_loop3A_735 : vector<1x16xf32> to vector<16xf32>
        %parallel_loop3A_737 = arith.index_cast %parallel_loop3A_690 : i32 to index
        %parallel_loop3A_738 = arith.constant 48 : index
        %parallel_loop3A_739 = tpu.vector_load %arg17[%parallel_loop3A_737, %parallel_loop3A_738] {strides = array<i32>} : memref<125x64xf32, #tpu.memory_space<vmem>>, vector<1x16xf32>,
        %parallel_loop3A_740 = vector.shape_cast %parallel_loop3A_739 : vector<1x16xf32> to vector<16xf32>
        %parallel_loop3A_741 = arith.addf %parallel_loop3A_736, %parallel_loop3A_740 : vector<16xf32>
        %parallel_loop3A_742 = arith.index_cast %parallel_loop3A_690 : i32 to index
        %parallel_loop3A_743 = arith.constant 48 : index
        %parallel_loop3A_744 = tpu.vector_load %arg15[%parallel_loop3A_742, %parallel_loop3A_743] {strides = array<i32>} : memref<125x64xf32, #tpu.memory_space<vmem>>, vector<1x16xf32>,
        %parallel_loop3A_745 = vector.shape_cast %parallel_loop3A_744 : vector<1x16xf32> to vector<16xf32>
        %parallel_loop3A_746 = vector.shape_cast %parallel_loop3A_741 : vector<16xf32> to vector<1x16xf32>
        tpu.vector_store %arg15[%parallel_loop3A_742, %parallel_loop3A_743], %parallel_loop3A_746 {strides = array<i32>} : memref<125x64xf32, #tpu.memory_space<vmem>>, vector<1x16xf32>,
      } {sc.loop_unroll_factor = 5 : i64, sc.parallel_access}
      %add3A_651 = arith.constant 2 : i32
      %add3A_652 = arith.addi %add3A_573, %add3A_651 : i32
      %dma_start3A_653 = arith.constant 0 : i32
      %dma_start3A_654 = tpu.memref_slice %arg13[%add3A_652, %dma_start3A_653] : memref<80x125xi32, #tpu.memory_space<vmem>> -> memref<1x125xi32, #tpu.memory_space<vmem>>
      %dma_start3A_655 = tpu.memref_squeeze %dma_start3A_654 : memref<1x125xi32, #tpu.memory_space<vmem>> -> memref<125xi32, #tpu.memory_space<vmem>>
      %dma_start3A_656 = arith.constant 0 : i32
      %dma_start3A_657 = arith.constant 0 : i32
      %dma_start3A_658 = tpu.memref_slice %arg23[%dma_start3A_656, %dma_start3A_657] : memref<200x64xf32, #tpu.memory_space<vmem_shared>> -> memref<200x64xf32, #tpu.memory_space<vmem_shared>>
      tpu.enqueue_indirect_dma source(%dma_start3A_658 : memref<200x64xf32, #tpu.memory_space<vmem_shared>>) target(%arg17 : memref<125x64xf32, #tpu.memory_space<vmem>>) offsets(%dma_start3A_655 : memref<125xi32, #tpu.memory_space<vmem>>) semaphore(%arg27 : memref<!tpu.dma_semaphore, #tpu.memory_space<semaphore_mem>>)
      %dma_wait3A_659 = arith.constant 0 : i32
      %dma_wait3A_660 = tpu.memref_slice %arg12[%mul3A_571, %dma_wait3A_659] : memref<80x125xi32, #tpu.memory_space<vmem>> -> memref<1x125xi32, #tpu.memory_space<vmem>>
      %dma_wait3A_661 = tpu.memref_squeeze %dma_wait3A_660 : memref<1x125xi32, #tpu.memory_space<vmem>> -> memref<125xi32, #tpu.memory_space<vmem>>
      %dma_wait3A_662 = arith.constant 0 : i32
      %dma_wait3A_663 = arith.constant 0 : i32
      %dma_wait3A_664 = tpu.memref_slice %arg21[%dma_wait3A_662, %dma_wait3A_663] : memref<10240x64xf32, #tpu.memory_space<vmem_shared>> -> memref<10240x64xf32, #tpu.memory_space<vmem_shared>>
      tpu.wait_indirect_dma semaphore(%arg28 : memref<!tpu.dma_semaphore, #tpu.memory_space<semaphore_mem>>) src(%arg14 : memref<125x64xf32, #tpu.memory_space<vmem>>) dst(%dma_wait3A_664 : memref<10240x64xf32, #tpu.memory_space<vmem_shared>>)
      %convert_element_type3A_665 = arith.extui %eq3A_315 : i1 to i32
      %cond3A_666 = arith.constant 0 : i32
      %cond3A_667 = arith.cmpi ne, %convert_element_type3A_665, %cond3A_666 : i32
      scf.if %cond3A_667 {
        %dma_wait3A_690 = arith.constant 0 : i32
        %dma_wait3A_691 = tpu.memref_slice %arg18[%dma_wait3A_690] : memref<128xf32, #tpu.memory_space<vmem>> -> memref<125xf32, #tpu.memory_space<vmem>>
        %dma_wait3A_692 = arith.constant 0 : i32
        %dma_wait3A_693 = tpu.memref_slice %arg12[%mul3A_571, %dma_wait3A_692] : memref<80x125xi32, #tpu.memory_space<vmem>> -> memref<1x125xi32, #tpu.memory_space<vmem>>
        %dma_wait3A_694 = tpu.memref_squeeze %dma_wait3A_693 : memref<1x125xi32, #tpu.memory_space<vmem>> -> memref<125xi32, #tpu.memory_space<vmem>>
        %dma_wait3A_695 = arith.constant 0 : i32
        %dma_wait3A_696 = tpu.memref_slice %arg22[%dma_wait3A_695] : memref<10240xf32, #tpu.memory_space<vmem_shared>> -> memref<10240xf32, #tpu.memory_space<vmem_shared>>
        tpu.wait_indirect_dma semaphore(%arg30 : memref<!tpu.dma_semaphore, #tpu.memory_space<semaphore_mem>>) src(%dma_wait3A_691 : memref<125xf32, #tpu.memory_space<vmem>>) dst(%dma_wait3A_696 : memref<10240xf32, #tpu.memory_space<vmem_shared>>)
      } else {
      }
      %add3A_668 = arith.constant 2 : i32
      %add3A_669 = arith.addi %mul3A_571, %add3A_668 : i32
      %eq3A_670 = arith.constant 0 : i32
      %eq3A_671 = arith.cmpi eq, %arg0, %eq3A_670 : i32
      %convert_element_type3A_672 = arith.extui %eq3A_671 : i1 to i32
      %cond3A_673 = arith.constant 0 : i32
      %cond3A_674 = arith.cmpi ne, %convert_element_type3A_672, %cond3A_673 : i32
      scf.if %cond3A_674 {
        %dma_start3A_690 = arith.constant 0 : i32
        %dma_start3A_691 = tpu.memref_slice %arg11[%add3A_669, %dma_start3A_690] : memref<80x125xi32, #tpu.memory_space<vmem>> -> memref<1x125xi32, #tpu.memory_space<vmem>>
        %dma_start3A_692 = tpu.memref_squeeze %dma_start3A_691 : memref<1x125xi32, #tpu.memory_space<vmem>> -> memref<125xi32, #tpu.memory_space<vmem>>
        %dma_start3A_693 = arith.constant 0 : i32
        %dma_start3A_694 = arith.constant 0 : i32
        %dma_start3A_695 = tpu.memref_slice %arg2[%dma_start3A_693, %dma_start3A_694] : memref<10000x64xf32, #tpu.memory_space<hbm>> -> memref<10000x64xf32, #tpu.memory_space<hbm>>
        tpu.enqueue_indirect_dma source(%dma_start3A_695 : memref<10000x64xf32, #tpu.memory_space<hbm>>) target(%arg14 : memref<125x64xf32, #tpu.memory_space<vmem>>) offsets(%dma_start3A_692 : memref<125xi32, #tpu.memory_space<vmem>>) semaphore(%arg24 : memref<!tpu.dma_semaphore, #tpu.memory_space<semaphore_mem>>)
      } else {
      }
      %eq3A_675 = arith.constant 1 : i32
      %eq3A_676 = arith.cmpi eq, %arg0, %eq3A_675 : i32
      %convert_element_type3A_677 = arith.extui %eq3A_676 : i1 to i32
      %cond3A_678 = arith.constant 0 : i32
      %cond3A_679 = arith.cmpi ne, %convert_element_type3A_677, %cond3A_678 : i32
      scf.if %cond3A_679 {
        %dma_start3A_690 = arith.constant 0 : i32
        %dma_start3A_691 = tpu.memref_slice %arg11[%add3A_669, %dma_start3A_690] : memref<80x125xi32, #tpu.memory_space<vmem>> -> memref<1x125xi32, #tpu.memory_space<vmem>>
        %dma_start3A_692 = tpu.memref_squeeze %dma_start3A_691 : memref<1x125xi32, #tpu.memory_space<vmem>> -> memref<125xi32, #tpu.memory_space<vmem>>
        %dma_start3A_693 = arith.constant 0 : i32
        %dma_start3A_694 = arith.constant 0 : i32
        %dma_start3A_695 = tpu.memref_slice %arg3[%dma_start3A_693, %dma_start3A_694] : memref<10000x64xf32, #tpu.memory_space<hbm>> -> memref<10000x64xf32, #tpu.memory_space<hbm>>
        tpu.enqueue_indirect_dma source(%dma_start3A_695 : memref<10000x64xf32, #tpu.memory_space<hbm>>) target(%arg14 : memref<125x64xf32, #tpu.memory_space<vmem>>) offsets(%dma_start3A_692 : memref<125xi32, #tpu.memory_space<vmem>>) semaphore(%arg24 : memref<!tpu.dma_semaphore, #tpu.memory_space<semaphore_mem>>)
      } else {
      }
      %dma_start3A_680 = arith.constant 0 : i32
      %dma_start3A_681 = tpu.memref_slice %arg12[%add3A_573, %dma_start3A_680] : memref<80x125xi32, #tpu.memory_space<vmem>> -> memref<1x125xi32, #tpu.memory_space<vmem>>
      %dma_start3A_682 = tpu.memref_squeeze %dma_start3A_681 : memref<1x125xi32, #tpu.memory_space<vmem>> -> memref<125xi32, #tpu.memory_space<vmem>>
      %dma_start3A_683 = arith.constant 0 : i32
      %dma_start3A_684 = arith.constant 0 : i32
      %dma_start3A_685 = tpu.memref_slice %arg21[%dma_start3A_683, %dma_start3A_684] : memref<10240x64xf32, #tpu.memory_space<vmem_shared>> -> memref<10240x64xf32, #tpu.memory_space<vmem_shared>>
      tpu.enqueue_indirect_dma source(%arg15 : memref<125x64xf32, #tpu.memory_space<vmem>>) target(%dma_start3A_685 : memref<10240x64xf32, #tpu.memory_space<vmem_shared>>) offsets(%dma_start3A_682 : memref<125xi32, #tpu.memory_space<vmem>>) semaphore(%arg29 : memref<!tpu.dma_semaphore, #tpu.memory_space<semaphore_mem>>) {add = true}
      %convert_element_type3A_686 = arith.extui %eq3A_315 : i1 to i32
      %cond3A_687 = arith.constant 0 : i32
      %cond3A_688 = arith.cmpi ne, %convert_element_type3A_686, %cond3A_687 : i32
      scf.if %cond3A_688 {
        %dma_start3A_690 = arith.constant 0 : i32
        %dma_start3A_691 = tpu.memref_slice %arg18[%dma_start3A_690] : memref<128xf32, #tpu.memory_space<vmem>> -> memref<125xf32, #tpu.memory_space<vmem>>
        %dma_start3A_692 = arith.constant 0 : i32
        %dma_start3A_693 = tpu.memref_slice %arg12[%add3A_573, %dma_start3A_692] : memref<80x125xi32, #tpu.memory_space<vmem>> -> memref<1x125xi32, #tpu.memory_space<vmem>>
        %dma_start3A_694 = tpu.memref_squeeze %dma_start3A_693 : memref<1x125xi32, #tpu.memory_space<vmem>> -> memref<125xi32, #tpu.memory_space<vmem>>
        %dma_start3A_695 = arith.constant 0 : i32
        %dma_start3A_696 = tpu.memref_slice %arg22[%dma_start3A_695] : memref<10240xf32, #tpu.memory_space<vmem_shared>> -> memref<10240xf32, #tpu.memory_space<vmem_shared>>
        tpu.enqueue_indirect_dma source(%dma_start3A_691 : memref<125xf32, #tpu.memory_space<vmem>>) target(%dma_start3A_696 : memref<10240xf32, #tpu.memory_space<vmem_shared>>) offsets(%dma_start3A_694 : memref<125xi32, #tpu.memory_space<vmem>>) semaphore(%arg31 : memref<!tpu.dma_semaphore, #tpu.memory_space<semaphore_mem>>) {add = true}
      } else {
      }
      %scan3A_689 = arith.constant 0 : i32
      scf.yield %scan3A_689 : i32
    }
    %scan3A_452 = arith.constant 38 : i32
    %dma_wait3A_453 = arith.constant 77 : i32
    %dma_wait3A_454 = arith.constant 0 : i32
    %dma_wait3A_455 = tpu.memref_slice %arg12[%dma_wait3A_453, %dma_wait3A_454] : memref<80x125xi32, #tpu.memory_space<vmem>> -> memref<1x125xi32, #tpu.memory_space<vmem>>
    %dma_wait3A_456 = tpu.memref_squeeze %dma_wait3A_455 : memref<1x125xi32, #tpu.memory_space<vmem>> -> memref<125xi32, #tpu.memory_space<vmem>>
    %dma_wait3A_457 = arith.constant 0 : i32
    %dma_wait3A_458 = arith.constant 0 : i32
    %dma_wait3A_459 = tpu.memref_slice %arg21[%dma_wait3A_457, %dma_wait3A_458] : memref<10240x64xf32, #tpu.memory_space<vmem_shared>> -> memref<10240x64xf32, #tpu.memory_space<vmem_shared>>
    tpu.wait_indirect_dma semaphore(%arg29 : memref<!tpu.dma_semaphore, #tpu.memory_space<semaphore_mem>>) src(%arg15 : memref<125x64xf32, #tpu.memory_space<vmem>>) dst(%dma_wait3A_459 : memref<10240x64xf32, #tpu.memory_space<vmem_shared>>)
    %convert_element_type3A_460 = arith.extui %eq3A_315 : i1 to i32
    %cond3A_461 = arith.constant 0 : i32
    %cond3A_462 = arith.cmpi ne, %convert_element_type3A_460, %cond3A_461 : i32
    scf.if %cond3A_462 {
      %dma_wait3A_568 = arith.constant 77 : i32
      %dma_wait3A_569 = arith.constant 0 : i32
      %dma_wait3A_570 = tpu.memref_slice %arg18[%dma_wait3A_569] : memref<128xf32, #tpu.memory_space<vmem>> -> memref<125xf32, #tpu.memory_space<vmem>>
      %dma_wait3A_571 = arith.constant 0 : i32
      %dma_wait3A_572 = tpu.memref_slice %arg12[%dma_wait3A_568, %dma_wait3A_571] : memref<80x125xi32, #tpu.memory_space<vmem>> -> memref<1x125xi32, #tpu.memory_space<vmem>>
      %dma_wait3A_573 = tpu.memref_squeeze %dma_wait3A_572 : memref<1x125xi32, #tpu.memory_space<vmem>> -> memref<125xi32, #tpu.memory_space<vmem>>
      %dma_wait3A_574 = arith.constant 0 : i32
      %dma_wait3A_575 = tpu.memref_slice %arg22[%dma_wait3A_574] : memref<10240xf32, #tpu.memory_space<vmem_shared>> -> memref<10240xf32, #tpu.memory_space<vmem_shared>>
      tpu.wait_indirect_dma semaphore(%arg31 : memref<!tpu.dma_semaphore, #tpu.memory_space<semaphore_mem>>) src(%dma_wait3A_570 : memref<125xf32, #tpu.memory_space<vmem>>) dst(%dma_wait3A_575 : memref<10240xf32, #tpu.memory_space<vmem_shared>>)
    } else {
    }
    %eq3A_463 = arith.constant 0 : i32
    %eq3A_464 = arith.cmpi eq, %arg0, %eq3A_463 : i32
    %convert_element_type3A_465 = arith.extui %eq3A_464 : i1 to i32
    %cond3A_466 = arith.constant 0 : i32
    %cond3A_467 = arith.cmpi ne, %convert_element_type3A_465, %cond3A_466 : i32
    scf.if %cond3A_467 {
      %dma_start3A_568 = arith.constant 79 : i32
      %dma_start3A_569 = arith.constant 0 : i32
      %dma_start3A_570 = tpu.memref_slice %arg11[%dma_start3A_568, %dma_start3A_569] : memref<80x125xi32, #tpu.memory_space<vmem>> -> memref<1x125xi32, #tpu.memory_space<vmem>>
      %dma_start3A_571 = tpu.memref_squeeze %dma_start3A_570 : memref<1x125xi32, #tpu.memory_space<vmem>> -> memref<125xi32, #tpu.memory_space<vmem>>
      %dma_start3A_572 = arith.constant 0 : i32
      %dma_start3A_573 = arith.constant 0 : i32
      %dma_start3A_574 = tpu.memref_slice %arg2[%dma_start3A_572, %dma_start3A_573] : memref<10000x64xf32, #tpu.memory_space<hbm>> -> memref<10000x64xf32, #tpu.memory_space<hbm>>
      tpu.enqueue_indirect_dma source(%dma_start3A_574 : memref<10000x64xf32, #tpu.memory_space<hbm>>) target(%arg15 : memref<125x64xf32, #tpu.memory_space<vmem>>) offsets(%dma_start3A_571 : memref<125xi32, #tpu.memory_space<vmem>>) semaphore(%arg26 : memref<!tpu.dma_semaphore, #tpu.memory_space<semaphore_mem>>)
    } else {
    }
    %eq3A_468 = arith.constant 1 : i32
    %eq3A_469 = arith.cmpi eq, %arg0, %eq3A_468 : i32
    %convert_element_type3A_470 = arith.extui %eq3A_469 : i1 to i32
    %cond3A_471 = arith.constant 0 : i32
    %cond3A_472 = arith.cmpi ne, %convert_element_type3A_470, %cond3A_471 : i32
    scf.if %cond3A_472 {
      %dma_start3A_568 = arith.constant 79 : i32
      %dma_start3A_569 = arith.constant 0 : i32
      %dma_start3A_570 = tpu.memref_slice %arg11[%dma_start3A_568, %dma_start3A_569] : memref<80x125xi32, #tpu.memory_space<vmem>> -> memref<1x125xi32, #tpu.memory_space<vmem>>
      %dma_start3A_571 = tpu.memref_squeeze %dma_start3A_570 : memref<1x125xi32, #tpu.memory_space<vmem>> -> memref<125xi32, #tpu.memory_space<vmem>>
      %dma_start3A_572 = arith.constant 0 : i32
      %dma_start3A_573 = arith.constant 0 : i32
      %dma_start3A_574 = tpu.memref_slice %arg3[%dma_start3A_572, %dma_start3A_573] : memref<10000x64xf32, #tpu.memory_space<hbm>> -> memref<10000x64xf32, #tpu.memory_space<hbm>>
      tpu.enqueue_indirect_dma source(%dma_start3A_574 : memref<10000x64xf32, #tpu.memory_space<hbm>>) target(%arg15 : memref<125x64xf32, #tpu.memory_space<vmem>>) offsets(%dma_start3A_571 : memref<125xi32, #tpu.memory_space<vmem>>) semaphore(%arg26 : memref<!tpu.dma_semaphore, #tpu.memory_space<semaphore_mem>>)
    } else {
    }
    %eq3A_473 = arith.constant 0 : i32
    %eq3A_474 = arith.cmpi eq, %arg0, %eq3A_473 : i32
    %convert_element_type3A_475 = arith.extui %eq3A_474 : i1 to i32
    %cond3A_476 = arith.constant 0 : i32
    %cond3A_477 = arith.cmpi ne, %convert_element_type3A_475, %cond3A_476 : i32
    scf.if %cond3A_477 {
      %dma_wait3A_568 = arith.constant 78 : i32
      %dma_wait3A_569 = arith.constant 0 : i32
      %dma_wait3A_570 = tpu.memref_slice %arg11[%dma_wait3A_568, %dma_wait3A_569] : memref<80x125xi32, #tpu.memory_space<vmem>> -> memref<1x125xi32, #tpu.memory_space<vmem>>
      %dma_wait3A_571 = tpu.memref_squeeze %dma_wait3A_570 : memref<1x125xi32, #tpu.memory_space<vmem>> -> memref<125xi32, #tpu.memory_space<vmem>>
      %dma_wait3A_572 = arith.constant 0 : i32
      %dma_wait3A_573 = arith.constant 0 : i32
      %dma_wait3A_574 = tpu.memref_slice %arg2[%dma_wait3A_572, %dma_wait3A_573] : memref<10000x64xf32, #tpu.memory_space<hbm>> -> memref<10000x64xf32, #tpu.memory_space<hbm>>
      tpu.wait_indirect_dma semaphore(%arg24 : memref<!tpu.dma_semaphore, #tpu.memory_space<semaphore_mem>>) src(%dma_wait3A_574 : memref<10000x64xf32, #tpu.memory_space<hbm>>) dst(%arg14 : memref<125x64xf32, #tpu.memory_space<vmem>>)
    } else {
    }
    %eq3A_478 = arith.constant 1 : i32
    %eq3A_479 = arith.cmpi eq, %arg0, %eq3A_478 : i32
    %convert_element_type3A_480 = arith.extui %eq3A_479 : i1 to i32
    %cond3A_481 = arith.constant 0 : i32
    %cond3A_482 = arith.cmpi ne, %convert_element_type3A_480, %cond3A_481 : i32
    scf.if %cond3A_482 {
      %dma_wait3A_568 = arith.constant 78 : i32
      %dma_wait3A_569 = arith.constant 0 : i32
      %dma_wait3A_570 = tpu.memref_slice %arg11[%dma_wait3A_568, %dma_wait3A_569] : memref<80x125xi32, #tpu.memory_space<vmem>> -> memref<1x125xi32, #tpu.memory_space<vmem>>
      %dma_wait3A_571 = tpu.memref_squeeze %dma_wait3A_570 : memref<1x125xi32, #tpu.memory_space<vmem>> -> memref<125xi32, #tpu.memory_space<vmem>>
      %dma_wait3A_572 = arith.constant 0 : i32
      %dma_wait3A_573 = arith.constant 0 : i32
      %dma_wait3A_574 = tpu.memref_slice %arg3[%dma_wait3A_572, %dma_wait3A_573] : memref<10000x64xf32, #tpu.memory_space<hbm>> -> memref<10000x64xf32, #tpu.memory_space<hbm>>
      tpu.wait_indirect_dma semaphore(%arg24 : memref<!tpu.dma_semaphore, #tpu.memory_space<semaphore_mem>>) src(%dma_wait3A_574 : memref<10000x64xf32, #tpu.memory_space<hbm>>) dst(%arg14 : memref<125x64xf32, #tpu.memory_space<vmem>>)
    } else {
    }
    %dma_wait3A_483 = arith.constant 78 : i32
    %dma_wait3A_484 = arith.constant 0 : i32
    %dma_wait3A_485 = tpu.memref_slice %arg13[%dma_wait3A_483, %dma_wait3A_484] : memref<80x125xi32, #tpu.memory_space<vmem>> -> memref<1x125xi32, #tpu.memory_space<vmem>>
    %dma_wait3A_486 = tpu.memref_squeeze %dma_wait3A_485 : memref<1x125xi32, #tpu.memory_space<vmem>> -> memref<125xi32, #tpu.memory_space<vmem>>
    %dma_wait3A_487 = arith.constant 0 : i32
    %dma_wait3A_488 = arith.constant 0 : i32
    %dma_wait3A_489 = tpu.memref_slice %arg23[%dma_wait3A_487, %dma_wait3A_488] : memref<200x64xf32, #tpu.memory_space<vmem_shared>> -> memref<200x64xf32, #tpu.memory_space<vmem_shared>>
    tpu.wait_indirect_dma semaphore(%arg25 : memref<!tpu.dma_semaphore, #tpu.memory_space<semaphore_mem>>) src(%dma_wait3A_489 : memref<200x64xf32, #tpu.memory_space<vmem_shared>>) dst(%arg16 : memref<125x64xf32, #tpu.memory_space<vmem>>)
    %parallel_loop3A_490 = arith.constant 0 : i32
    %parallel_loop3A_491 = arith.constant 125 : i32
    %parallel_loop3A_492 = arith.constant 1 : i32
    scf.for %parallel_loop3A_568 = %parallel_loop3A_490 to %parallel_loop3A_491 step %parallel_loop3A_492  : i32 {
      %parallel_loop3A_569 = arith.index_cast %parallel_loop3A_568 : i32 to index
      %parallel_loop3A_570 = arith.constant 0 : index
      %parallel_loop3A_571 = tpu.vector_load %arg14[%parallel_loop3A_569, %parallel_loop3A_570] {strides = array<i32>} : memref<125x64xf32, #tpu.memory_space<vmem>>, vector<1x16xf32>,
      %parallel_loop3A_572 = vector.shape_cast %parallel_loop3A_571 : vector<1x16xf32> to vector<16xf32>
      %parallel_loop3A_573 = arith.index_cast %parallel_loop3A_568 : i32 to index
      %parallel_loop3A_574 = arith.constant 0 : index
      %parallel_loop3A_575 = tpu.vector_load %arg16[%parallel_loop3A_573, %parallel_loop3A_574] {strides = array<i32>} : memref<125x64xf32, #tpu.memory_space<vmem>>, vector<1x16xf32>,
      %parallel_loop3A_576 = vector.shape_cast %parallel_loop3A_575 : vector<1x16xf32> to vector<16xf32>
      %parallel_loop3A_577 = arith.addf %parallel_loop3A_572, %parallel_loop3A_576 : vector<16xf32>
      %parallel_loop3A_578 = arith.index_cast %parallel_loop3A_568 : i32 to index
      %parallel_loop3A_579 = arith.constant 0 : index
      %parallel_loop3A_580 = tpu.vector_load %arg14[%parallel_loop3A_578, %parallel_loop3A_579] {strides = array<i32>} : memref<125x64xf32, #tpu.memory_space<vmem>>, vector<1x16xf32>,
      %parallel_loop3A_581 = vector.shape_cast %parallel_loop3A_580 : vector<1x16xf32> to vector<16xf32>
      %parallel_loop3A_582 = vector.shape_cast %parallel_loop3A_577 : vector<16xf32> to vector<1x16xf32>
      tpu.vector_store %arg14[%parallel_loop3A_578, %parallel_loop3A_579], %parallel_loop3A_582 {strides = array<i32>} : memref<125x64xf32, #tpu.memory_space<vmem>>, vector<1x16xf32>,
      %parallel_loop3A_583 = arith.index_cast %parallel_loop3A_568 : i32 to index
      %parallel_loop3A_584 = arith.constant 16 : index
      %parallel_loop3A_585 = tpu.vector_load %arg14[%parallel_loop3A_583, %parallel_loop3A_584] {strides = array<i32>} : memref<125x64xf32, #tpu.memory_space<vmem>>, vector<1x16xf32>,
      %parallel_loop3A_586 = vector.shape_cast %parallel_loop3A_585 : vector<1x16xf32> to vector<16xf32>
      %parallel_loop3A_587 = arith.index_cast %parallel_loop3A_568 : i32 to index
      %parallel_loop3A_588 = arith.constant 16 : index
      %parallel_loop3A_589 = tpu.vector_load %arg16[%parallel_loop3A_587, %parallel_loop3A_588] {strides = array<i32>} : memref<125x64xf32, #tpu.memory_space<vmem>>, vector<1x16xf32>,
      %parallel_loop3A_590 = vector.shape_cast %parallel_loop3A_589 : vector<1x16xf32> to vector<16xf32>
      %parallel_loop3A_591 = arith.addf %parallel_loop3A_586, %parallel_loop3A_590 : vector<16xf32>
      %parallel_loop3A_592 = arith.index_cast %parallel_loop3A_568 : i32 to index
      %parallel_loop3A_593 = arith.constant 16 : index
      %parallel_loop3A_594 = tpu.vector_load %arg14[%parallel_loop3A_592, %parallel_loop3A_593] {strides = array<i32>} : memref<125x64xf32, #tpu.memory_space<vmem>>, vector<1x16xf32>,
      %parallel_loop3A_595 = vector.shape_cast %parallel_loop3A_594 : vector<1x16xf32> to vector<16xf32>
      %parallel_loop3A_596 = vector.shape_cast %parallel_loop3A_591 : vector<16xf32> to vector<1x16xf32>
      tpu.vector_store %arg14[%parallel_loop3A_592, %parallel_loop3A_593], %parallel_loop3A_596 {strides = array<i32>} : memref<125x64xf32, #tpu.memory_space<vmem>>, vector<1x16xf32>,
      %parallel_loop3A_597 = arith.index_cast %parallel_loop3A_568 : i32 to index
      %parallel_loop3A_598 = arith.constant 32 : index
      %parallel_loop3A_599 = tpu.vector_load %arg14[%parallel_loop3A_597, %parallel_loop3A_598] {strides = array<i32>} : memref<125x64xf32, #tpu.memory_space<vmem>>, vector<1x16xf32>,
      %parallel_loop3A_600 = vector.shape_cast %parallel_loop3A_599 : vector<1x16xf32> to vector<16xf32>
      %parallel_loop3A_601 = arith.index_cast %parallel_loop3A_568 : i32 to index
      %parallel_loop3A_602 = arith.constant 32 : index
      %parallel_loop3A_603 = tpu.vector_load %arg16[%parallel_loop3A_601, %parallel_loop3A_602] {strides = array<i32>} : memref<125x64xf32, #tpu.memory_space<vmem>>, vector<1x16xf32>,
      %parallel_loop3A_604 = vector.shape_cast %parallel_loop3A_603 : vector<1x16xf32> to vector<16xf32>
      %parallel_loop3A_605 = arith.addf %parallel_loop3A_600, %parallel_loop3A_604 : vector<16xf32>
      %parallel_loop3A_606 = arith.index_cast %parallel_loop3A_568 : i32 to index
      %parallel_loop3A_607 = arith.constant 32 : index
      %parallel_loop3A_608 = tpu.vector_load %arg14[%parallel_loop3A_606, %parallel_loop3A_607] {strides = array<i32>} : memref<125x64xf32, #tpu.memory_space<vmem>>, vector<1x16xf32>,
      %parallel_loop3A_609 = vector.shape_cast %parallel_loop3A_608 : vector<1x16xf32> to vector<16xf32>
      %parallel_loop3A_610 = vector.shape_cast %parallel_loop3A_605 : vector<16xf32> to vector<1x16xf32>
      tpu.vector_store %arg14[%parallel_loop3A_606, %parallel_loop3A_607], %parallel_loop3A_610 {strides = array<i32>} : memref<125x64xf32, #tpu.memory_space<vmem>>, vector<1x16xf32>,
      %parallel_loop3A_611 = arith.index_cast %parallel_loop3A_568 : i32 to index
      %parallel_loop3A_612 = arith.constant 48 : index
      %parallel_loop3A_613 = tpu.vector_load %arg14[%parallel_loop3A_611, %parallel_loop3A_612] {strides = array<i32>} : memref<125x64xf32, #tpu.memory_space<vmem>>, vector<1x16xf32>,
      %parallel_loop3A_614 = vector.shape_cast %parallel_loop3A_613 : vector<1x16xf32> to vector<16xf32>
      %parallel_loop3A_615 = arith.index_cast %parallel_loop3A_568 : i32 to index
      %parallel_loop3A_616 = arith.constant 48 : index
      %parallel_loop3A_617 = tpu.vector_load %arg16[%parallel_loop3A_615, %parallel_loop3A_616] {strides = array<i32>} : memref<125x64xf32, #tpu.memory_space<vmem>>, vector<1x16xf32>,
      %parallel_loop3A_618 = vector.shape_cast %parallel_loop3A_617 : vector<1x16xf32> to vector<16xf32>
      %parallel_loop3A_619 = arith.addf %parallel_loop3A_614, %parallel_loop3A_618 : vector<16xf32>
      %parallel_loop3A_620 = arith.index_cast %parallel_loop3A_568 : i32 to index
      %parallel_loop3A_621 = arith.constant 48 : index
      %parallel_loop3A_622 = tpu.vector_load %arg14[%parallel_loop3A_620, %parallel_loop3A_621] {strides = array<i32>} : memref<125x64xf32, #tpu.memory_space<vmem>>, vector<1x16xf32>,
      %parallel_loop3A_623 = vector.shape_cast %parallel_loop3A_622 : vector<1x16xf32> to vector<16xf32>
      %parallel_loop3A_624 = vector.shape_cast %parallel_loop3A_619 : vector<16xf32> to vector<1x16xf32>
      tpu.vector_store %arg14[%parallel_loop3A_620, %parallel_loop3A_621], %parallel_loop3A_624 {strides = array<i32>} : memref<125x64xf32, #tpu.memory_space<vmem>>, vector<1x16xf32>,
    } {sc.loop_unroll_factor = 5 : i64, sc.parallel_access}
    %dma_start3A_493 = arith.constant 78 : i32
    %dma_start3A_494 = arith.constant 0 : i32
    %dma_start3A_495 = tpu.memref_slice %arg12[%dma_start3A_493, %dma_start3A_494] : memref<80x125xi32, #tpu.memory_space<vmem>> -> memref<1x125xi32, #tpu.memory_space<vmem>>
    %dma_start3A_496 = tpu.memref_squeeze %dma_start3A_495 : memref<1x125xi32, #tpu.memory_space<vmem>> -> memref<125xi32, #tpu.memory_space<vmem>>
    %dma_start3A_497 = arith.constant 0 : i32
    %dma_start3A_498 = arith.constant 0 : i32
    %dma_start3A_499 = tpu.memref_slice %arg21[%dma_start3A_497, %dma_start3A_498] : memref<10240x64xf32, #tpu.memory_space<vmem_shared>> -> memref<10240x64xf32, #tpu.memory_space<vmem_shared>>
    tpu.enqueue_indirect_dma source(%arg14 : memref<125x64xf32, #tpu.memory_space<vmem>>) target(%dma_start3A_499 : memref<10240x64xf32, #tpu.memory_space<vmem_shared>>) offsets(%dma_start3A_496 : memref<125xi32, #tpu.memory_space<vmem>>) semaphore(%arg28 : memref<!tpu.dma_semaphore, #tpu.memory_space<semaphore_mem>>) {add = true}
    %convert_element_type3A_500 = arith.extui %eq3A_315 : i1 to i32
    %cond3A_501 = arith.constant 0 : i32
    %cond3A_502 = arith.cmpi ne, %convert_element_type3A_500, %cond3A_501 : i32
    scf.if %cond3A_502 {
      %dma_start3A_568 = arith.constant 78 : i32
      %dma_start3A_569 = arith.constant 0 : i32
      %dma_start3A_570 = tpu.memref_slice %arg18[%dma_start3A_569] : memref<128xf32, #tpu.memory_space<vmem>> -> memref<125xf32, #tpu.memory_space<vmem>>
      %dma_start3A_571 = arith.constant 0 : i32
      %dma_start3A_572 = tpu.memref_slice %arg12[%dma_start3A_568, %dma_start3A_571] : memref<80x125xi32, #tpu.memory_space<vmem>> -> memref<1x125xi32, #tpu.memory_space<vmem>>
      %dma_start3A_573 = tpu.memref_squeeze %dma_start3A_572 : memref<1x125xi32, #tpu.memory_space<vmem>> -> memref<125xi32, #tpu.memory_space<vmem>>
      %dma_start3A_574 = arith.constant 0 : i32
      %dma_start3A_575 = tpu.memref_slice %arg22[%dma_start3A_574] : memref<10240xf32, #tpu.memory_space<vmem_shared>> -> memref<10240xf32, #tpu.memory_space<vmem_shared>>
      tpu.enqueue_indirect_dma source(%dma_start3A_570 : memref<125xf32, #tpu.memory_space<vmem>>) target(%dma_start3A_575 : memref<10240xf32, #tpu.memory_space<vmem_shared>>) offsets(%dma_start3A_573 : memref<125xi32, #tpu.memory_space<vmem>>) semaphore(%arg30 : memref<!tpu.dma_semaphore, #tpu.memory_space<semaphore_mem>>) {add = true}
    } else {
    }
    %eq3A_503 = arith.constant 0 : i32
    %eq3A_504 = arith.cmpi eq, %arg0, %eq3A_503 : i32
    %convert_element_type3A_505 = arith.extui %eq3A_504 : i1 to i32
    %cond3A_506 = arith.constant 0 : i32
    %cond3A_507 = arith.cmpi ne, %convert_element_type3A_505, %cond3A_506 : i32
    scf.if %cond3A_507 {
      %dma_wait3A_568 = arith.constant 79 : i32
      %dma_wait3A_569 = arith.constant 0 : i32
      %dma_wait3A_570 = tpu.memref_slice %arg11[%dma_wait3A_568, %dma_wait3A_569] : memref<80x125xi32, #tpu.memory_space<vmem>> -> memref<1x125xi32, #tpu.memory_space<vmem>>
      %dma_wait3A_571 = tpu.memref_squeeze %dma_wait3A_570 : memref<1x125xi32, #tpu.memory_space<vmem>> -> memref<125xi32, #tpu.memory_space<vmem>>
      %dma_wait3A_572 = arith.constant 0 : i32
      %dma_wait3A_573 = arith.constant 0 : i32
      %dma_wait3A_574 = tpu.memref_slice %arg2[%dma_wait3A_572, %dma_wait3A_573] : memref<10000x64xf32, #tpu.memory_space<hbm>> -> memref<10000x64xf32, #tpu.memory_space<hbm>>
      tpu.wait_indirect_dma semaphore(%arg26 : memref<!tpu.dma_semaphore, #tpu.memory_space<semaphore_mem>>) src(%dma_wait3A_574 : memref<10000x64xf32, #tpu.memory_space<hbm>>) dst(%arg15 : memref<125x64xf32, #tpu.memory_space<vmem>>)
    } else {
    }
    %eq3A_508 = arith.constant 1 : i32
    %eq3A_509 = arith.cmpi eq, %arg0, %eq3A_508 : i32
    %convert_element_type3A_510 = arith.extui %eq3A_509 : i1 to i32
    %cond3A_511 = arith.constant 0 : i32
    %cond3A_512 = arith.cmpi ne, %convert_element_type3A_510, %cond3A_511 : i32
    scf.if %cond3A_512 {
      %dma_wait3A_568 = arith.constant 79 : i32
      %dma_wait3A_569 = arith.constant 0 : i32
      %dma_wait3A_570 = tpu.memref_slice %arg11[%dma_wait3A_568, %dma_wait3A_569] : memref<80x125xi32, #tpu.memory_space<vmem>> -> memref<1x125xi32, #tpu.memory_space<vmem>>
      %dma_wait3A_571 = tpu.memref_squeeze %dma_wait3A_570 : memref<1x125xi32, #tpu.memory_space<vmem>> -> memref<125xi32, #tpu.memory_space<vmem>>
      %dma_wait3A_572 = arith.constant 0 : i32
      %dma_wait3A_573 = arith.constant 0 : i32
      %dma_wait3A_574 = tpu.memref_slice %arg3[%dma_wait3A_572, %dma_wait3A_573] : memref<10000x64xf32, #tpu.memory_space<hbm>> -> memref<10000x64xf32, #tpu.memory_space<hbm>>
      tpu.wait_indirect_dma semaphore(%arg26 : memref<!tpu.dma_semaphore, #tpu.memory_space<semaphore_mem>>) src(%dma_wait3A_574 : memref<10000x64xf32, #tpu.memory_space<hbm>>) dst(%arg15 : memref<125x64xf32, #tpu.memory_space<vmem>>)
    } else {
    }
    %dma_wait3A_513 = arith.constant 79 : i32
    %dma_wait3A_514 = arith.constant 0 : i32
    %dma_wait3A_515 = tpu.memref_slice %arg13[%dma_wait3A_513, %dma_wait3A_514] : memref<80x125xi32, #tpu.memory_space<vmem>> -> memref<1x125xi32, #tpu.memory_space<vmem>>
    %dma_wait3A_516 = tpu.memref_squeeze %dma_wait3A_515 : memref<1x125xi32, #tpu.memory_space<vmem>> -> memref<125xi32, #tpu.memory_space<vmem>>
    %dma_wait3A_517 = arith.constant 0 : i32
    %dma_wait3A_518 = arith.constant 0 : i32
    %dma_wait3A_519 = tpu.memref_slice %arg23[%dma_wait3A_517, %dma_wait3A_518] : memref<200x64xf32, #tpu.memory_space<vmem_shared>> -> memref<200x64xf32, #tpu.memory_space<vmem_shared>>
    tpu.wait_indirect_dma semaphore(%arg27 : memref<!tpu.dma_semaphore, #tpu.memory_space<semaphore_mem>>) src(%dma_wait3A_519 : memref<200x64xf32, #tpu.memory_space<vmem_shared>>) dst(%arg17 : memref<125x64xf32, #tpu.memory_space<vmem>>)
    %parallel_loop3A_520 = arith.constant 0 : i32
    %parallel_loop3A_521 = arith.constant 125 : i32
    %parallel_loop3A_522 = arith.constant 1 : i32
    scf.for %parallel_loop3A_568 = %parallel_loop3A_520 to %parallel_loop3A_521 step %parallel_loop3A_522  : i32 {
      %parallel_loop3A_569 = arith.index_cast %parallel_loop3A_568 : i32 to index
      %parallel_loop3A_570 = arith.constant 0 : index
      %parallel_loop3A_571 = tpu.vector_load %arg15[%parallel_loop3A_569, %parallel_loop3A_570] {strides = array<i32>} : memref<125x64xf32, #tpu.memory_space<vmem>>, vector<1x16xf32>,
      %parallel_loop3A_572 = vector.shape_cast %parallel_loop3A_571 : vector<1x16xf32> to vector<16xf32>
      %parallel_loop3A_573 = arith.index_cast %parallel_loop3A_568 : i32 to index
      %parallel_loop3A_574 = arith.constant 0 : index
      %parallel_loop3A_575 = tpu.vector_load %arg17[%parallel_loop3A_573, %parallel_loop3A_574] {strides = array<i32>} : memref<125x64xf32, #tpu.memory_space<vmem>>, vector<1x16xf32>,
      %parallel_loop3A_576 = vector.shape_cast %parallel_loop3A_575 : vector<1x16xf32> to vector<16xf32>
      %parallel_loop3A_577 = arith.addf %parallel_loop3A_572, %parallel_loop3A_576 : vector<16xf32>
      %parallel_loop3A_578 = arith.index_cast %parallel_loop3A_568 : i32 to index
      %parallel_loop3A_579 = arith.constant 0 : index
      %parallel_loop3A_580 = tpu.vector_load %arg15[%parallel_loop3A_578, %parallel_loop3A_579] {strides = array<i32>} : memref<125x64xf32, #tpu.memory_space<vmem>>, vector<1x16xf32>,
      %parallel_loop3A_581 = vector.shape_cast %parallel_loop3A_580 : vector<1x16xf32> to vector<16xf32>
      %parallel_loop3A_582 = vector.shape_cast %parallel_loop3A_577 : vector<16xf32> to vector<1x16xf32>
      tpu.vector_store %arg15[%parallel_loop3A_578, %parallel_loop3A_579], %parallel_loop3A_582 {strides = array<i32>} : memref<125x64xf32, #tpu.memory_space<vmem>>, vector<1x16xf32>,
      %parallel_loop3A_583 = arith.index_cast %parallel_loop3A_568 : i32 to index
      %parallel_loop3A_584 = arith.constant 16 : index
      %parallel_loop3A_585 = tpu.vector_load %arg15[%parallel_loop3A_583, %parallel_loop3A_584] {strides = array<i32>} : memref<125x64xf32, #tpu.memory_space<vmem>>, vector<1x16xf32>,
      %parallel_loop3A_586 = vector.shape_cast %parallel_loop3A_585 : vector<1x16xf32> to vector<16xf32>
      %parallel_loop3A_587 = arith.index_cast %parallel_loop3A_568 : i32 to index
      %parallel_loop3A_588 = arith.constant 16 : index
      %parallel_loop3A_589 = tpu.vector_load %arg17[%parallel_loop3A_587, %parallel_loop3A_588] {strides = array<i32>} : memref<125x64xf32, #tpu.memory_space<vmem>>, vector<1x16xf32>,
      %parallel_loop3A_590 = vector.shape_cast %parallel_loop3A_589 : vector<1x16xf32> to vector<16xf32>
      %parallel_loop3A_591 = arith.addf %parallel_loop3A_586, %parallel_loop3A_590 : vector<16xf32>
      %parallel_loop3A_592 = arith.index_cast %parallel_loop3A_568 : i32 to index
      %parallel_loop3A_593 = arith.constant 16 : index
      %parallel_loop3A_594 = tpu.vector_load %arg15[%parallel_loop3A_592, %parallel_loop3A_593] {strides = array<i32>} : memref<125x64xf32, #tpu.memory_space<vmem>>, vector<1x16xf32>,
      %parallel_loop3A_595 = vector.shape_cast %parallel_loop3A_594 : vector<1x16xf32> to vector<16xf32>
      %parallel_loop3A_596 = vector.shape_cast %parallel_loop3A_591 : vector<16xf32> to vector<1x16xf32>
      tpu.vector_store %arg15[%parallel_loop3A_592, %parallel_loop3A_593], %parallel_loop3A_596 {strides = array<i32>} : memref<125x64xf32, #tpu.memory_space<vmem>>, vector<1x16xf32>,
      %parallel_loop3A_597 = arith.index_cast %parallel_loop3A_568 : i32 to index
      %parallel_loop3A_598 = arith.constant 32 : index
      %parallel_loop3A_599 = tpu.vector_load %arg15[%parallel_loop3A_597, %parallel_loop3A_598] {strides = array<i32>} : memref<125x64xf32, #tpu.memory_space<vmem>>, vector<1x16xf32>,
      %parallel_loop3A_600 = vector.shape_cast %parallel_loop3A_599 : vector<1x16xf32> to vector<16xf32>
      %parallel_loop3A_601 = arith.index_cast %parallel_loop3A_568 : i32 to index
      %parallel_loop3A_602 = arith.constant 32 : index
      %parallel_loop3A_603 = tpu.vector_load %arg17[%parallel_loop3A_601, %parallel_loop3A_602] {strides = array<i32>} : memref<125x64xf32, #tpu.memory_space<vmem>>, vector<1x16xf32>,
      %parallel_loop3A_604 = vector.shape_cast %parallel_loop3A_603 : vector<1x16xf32> to vector<16xf32>
      %parallel_loop3A_605 = arith.addf %parallel_loop3A_600, %parallel_loop3A_604 : vector<16xf32>
      %parallel_loop3A_606 = arith.index_cast %parallel_loop3A_568 : i32 to index
      %parallel_loop3A_607 = arith.constant 32 : index
      %parallel_loop3A_608 = tpu.vector_load %arg15[%parallel_loop3A_606, %parallel_loop3A_607] {strides = array<i32>} : memref<125x64xf32, #tpu.memory_space<vmem>>, vector<1x16xf32>,
      %parallel_loop3A_609 = vector.shape_cast %parallel_loop3A_608 : vector<1x16xf32> to vector<16xf32>
      %parallel_loop3A_610 = vector.shape_cast %parallel_loop3A_605 : vector<16xf32> to vector<1x16xf32>
      tpu.vector_store %arg15[%parallel_loop3A_606, %parallel_loop3A_607], %parallel_loop3A_610 {strides = array<i32>} : memref<125x64xf32, #tpu.memory_space<vmem>>, vector<1x16xf32>,
      %parallel_loop3A_611 = arith.index_cast %parallel_loop3A_568 : i32 to index
      %parallel_loop3A_612 = arith.constant 48 : index
      %parallel_loop3A_613 = tpu.vector_load %arg15[%parallel_loop3A_611, %parallel_loop3A_612] {strides = array<i32>} : memref<125x64xf32, #tpu.memory_space<vmem>>, vector<1x16xf32>,
      %parallel_loop3A_614 = vector.shape_cast %parallel_loop3A_613 : vector<1x16xf32> to vector<16xf32>
      %parallel_loop3A_615 = arith.index_cast %parallel_loop3A_568 : i32 to index
      %parallel_loop3A_616 = arith.constant 48 : index
      %parallel_loop3A_617 = tpu.vector_load %arg17[%parallel_loop3A_615, %parallel_loop3A_616] {strides = array<i32>} : memref<125x64xf32, #tpu.memory_space<vmem>>, vector<1x16xf32>,
      %parallel_loop3A_618 = vector.shape_cast %parallel_loop3A_617 : vector<1x16xf32> to vector<16xf32>
      %parallel_loop3A_619 = arith.addf %parallel_loop3A_614, %parallel_loop3A_618 : vector<16xf32>
      %parallel_loop3A_620 = arith.index_cast %parallel_loop3A_568 : i32 to index
      %parallel_loop3A_621 = arith.constant 48 : index
      %parallel_loop3A_622 = tpu.vector_load %arg15[%parallel_loop3A_620, %parallel_loop3A_621] {strides = array<i32>} : memref<125x64xf32, #tpu.memory_space<vmem>>, vector<1x16xf32>,
      %parallel_loop3A_623 = vector.shape_cast %parallel_loop3A_622 : vector<1x16xf32> to vector<16xf32>
      %parallel_loop3A_624 = vector.shape_cast %parallel_loop3A_619 : vector<16xf32> to vector<1x16xf32>
      tpu.vector_store %arg15[%parallel_loop3A_620, %parallel_loop3A_621], %parallel_loop3A_624 {strides = array<i32>} : memref<125x64xf32, #tpu.memory_space<vmem>>, vector<1x16xf32>,
    } {sc.loop_unroll_factor = 5 : i64, sc.parallel_access}
    %dma_wait3A_523 = arith.constant 78 : i32
    %dma_wait3A_524 = arith.constant 0 : i32
    %dma_wait3A_525 = tpu.memref_slice %arg12[%dma_wait3A_523, %dma_wait3A_524] : memref<80x125xi32, #tpu.memory_space<vmem>> -> memref<1x125xi32, #tpu.memory_space<vmem>>
    %dma_wait3A_526 = tpu.memref_squeeze %dma_wait3A_525 : memref<1x125xi32, #tpu.memory_space<vmem>> -> memref<125xi32, #tpu.memory_space<vmem>>
    %dma_wait3A_527 = arith.constant 0 : i32
    %dma_wait3A_528 = arith.constant 0 : i32
    %dma_wait3A_529 = tpu.memref_slice %arg21[%dma_wait3A_527, %dma_wait3A_528] : memref<10240x64xf32, #tpu.memory_space<vmem_shared>> -> memref<10240x64xf32, #tpu.memory_space<vmem_shared>>
    tpu.wait_indirect_dma semaphore(%arg28 : memref<!tpu.dma_semaphore, #tpu.memory_space<semaphore_mem>>) src(%arg14 : memref<125x64xf32, #tpu.memory_space<vmem>>) dst(%dma_wait3A_529 : memref<10240x64xf32, #tpu.memory_space<vmem_shared>>)
    %convert_element_type3A_530 = arith.extui %eq3A_315 : i1 to i32
    %cond3A_531 = arith.constant 0 : i32
    %cond3A_532 = arith.cmpi ne, %convert_element_type3A_530, %cond3A_531 : i32
    scf.if %cond3A_532 {
      %dma_wait3A_568 = arith.constant 78 : i32
      %dma_wait3A_569 = arith.constant 0 : i32
      %dma_wait3A_570 = tpu.memref_slice %arg18[%dma_wait3A_569] : memref<128xf32, #tpu.memory_space<vmem>> -> memref<125xf32, #tpu.memory_space<vmem>>
      %dma_wait3A_571 = arith.constant 0 : i32
      %dma_wait3A_572 = tpu.memref_slice %arg12[%dma_wait3A_568, %dma_wait3A_571] : memref<80x125xi32, #tpu.memory_space<vmem>> -> memref<1x125xi32, #tpu.memory_space<vmem>>
      %dma_wait3A_573 = tpu.memref_squeeze %dma_wait3A_572 : memref<1x125xi32, #tpu.memory_space<vmem>> -> memref<125xi32, #tpu.memory_space<vmem>>
      %dma_wait3A_574 = arith.constant 0 : i32
      %dma_wait3A_575 = tpu.memref_slice %arg22[%dma_wait3A_574] : memref<10240xf32, #tpu.memory_space<vmem_shared>> -> memref<10240xf32, #tpu.memory_space<vmem_shared>>
      tpu.wait_indirect_dma semaphore(%arg30 : memref<!tpu.dma_semaphore, #tpu.memory_space<semaphore_mem>>) src(%dma_wait3A_570 : memref<125xf32, #tpu.memory_space<vmem>>) dst(%dma_wait3A_575 : memref<10240xf32, #tpu.memory_space<vmem_shared>>)
    } else {
    }
    %dma_start3A_533 = arith.constant 79 : i32
    %dma_start3A_534 = arith.constant 0 : i32
    %dma_start3A_535 = tpu.memref_slice %arg12[%dma_start3A_533, %dma_start3A_534] : memref<80x125xi32, #tpu.memory_space<vmem>> -> memref<1x125xi32, #tpu.memory_space<vmem>>
    %dma_start3A_536 = tpu.memref_squeeze %dma_start3A_535 : memref<1x125xi32, #tpu.memory_space<vmem>> -> memref<125xi32, #tpu.memory_space<vmem>>
    %dma_start3A_537 = arith.constant 0 : i32
    %dma_start3A_538 = arith.constant 0 : i32
    %dma_start3A_539 = tpu.memref_slice %arg21[%dma_start3A_537, %dma_start3A_538] : memref<10240x64xf32, #tpu.memory_space<vmem_shared>> -> memref<10240x64xf32, #tpu.memory_space<vmem_shared>>
    tpu.enqueue_indirect_dma source(%arg15 : memref<125x64xf32, #tpu.memory_space<vmem>>) target(%dma_start3A_539 : memref<10240x64xf32, #tpu.memory_space<vmem_shared>>) offsets(%dma_start3A_536 : memref<125xi32, #tpu.memory_space<vmem>>) semaphore(%arg29 : memref<!tpu.dma_semaphore, #tpu.memory_space<semaphore_mem>>) {add = true}
    %convert_element_type3A_540 = arith.extui %eq3A_315 : i1 to i32
    %cond3A_541 = arith.constant 0 : i32
    %cond3A_542 = arith.cmpi ne, %convert_element_type3A_540, %cond3A_541 : i32
    scf.if %cond3A_542 {
      %dma_start3A_568 = arith.constant 79 : i32
      %dma_start3A_569 = arith.constant 0 : i32
      %dma_start3A_570 = tpu.memref_slice %arg18[%dma_start3A_569] : memref<128xf32, #tpu.memory_space<vmem>> -> memref<125xf32, #tpu.memory_space<vmem>>
      %dma_start3A_571 = arith.constant 0 : i32
      %dma_start3A_572 = tpu.memref_slice %arg12[%dma_start3A_568, %dma_start3A_571] : memref<80x125xi32, #tpu.memory_space<vmem>> -> memref<1x125xi32, #tpu.memory_space<vmem>>
      %dma_start3A_573 = tpu.memref_squeeze %dma_start3A_572 : memref<1x125xi32, #tpu.memory_space<vmem>> -> memref<125xi32, #tpu.memory_space<vmem>>
      %dma_start3A_574 = arith.constant 0 : i32
      %dma_start3A_575 = tpu.memref_slice %arg22[%dma_start3A_574] : memref<10240xf32, #tpu.memory_space<vmem_shared>> -> memref<10240xf32, #tpu.memory_space<vmem_shared>>
      tpu.enqueue_indirect_dma source(%dma_start3A_570 : memref<125xf32, #tpu.memory_space<vmem>>) target(%dma_start3A_575 : memref<10240xf32, #tpu.memory_space<vmem_shared>>) offsets(%dma_start3A_573 : memref<125xi32, #tpu.memory_space<vmem>>) semaphore(%arg31 : memref<!tpu.dma_semaphore, #tpu.memory_space<semaphore_mem>>) {add = true}
    } else {
    }
    %dma_wait3A_543 = arith.constant 79 : i32
    %dma_wait3A_544 = arith.constant 0 : i32
    %dma_wait3A_545 = tpu.memref_slice %arg12[%dma_wait3A_543, %dma_wait3A_544] : memref<80x125xi32, #tpu.memory_space<vmem>> -> memref<1x125xi32, #tpu.memory_space<vmem>>
    %dma_wait3A_546 = tpu.memref_squeeze %dma_wait3A_545 : memref<1x125xi32, #tpu.memory_space<vmem>> -> memref<125xi32, #tpu.memory_space<vmem>>
    %dma_wait3A_547 = arith.constant 0 : i32
    %dma_wait3A_548 = arith.constant 0 : i32
    %dma_wait3A_549 = tpu.memref_slice %arg21[%dma_wait3A_547, %dma_wait3A_548] : memref<10240x64xf32, #tpu.memory_space<vmem_shared>> -> memref<10240x64xf32, #tpu.memory_space<vmem_shared>>
    tpu.wait_indirect_dma semaphore(%arg29 : memref<!tpu.dma_semaphore, #tpu.memory_space<semaphore_mem>>) src(%arg15 : memref<125x64xf32, #tpu.memory_space<vmem>>) dst(%dma_wait3A_549 : memref<10240x64xf32, #tpu.memory_space<vmem_shared>>)
    %convert_element_type3A_550 = arith.extui %eq3A_315 : i1 to i32
    %cond3A_551 = arith.constant 0 : i32
    %cond3A_552 = arith.cmpi ne, %convert_element_type3A_550, %cond3A_551 : i32
    scf.if %cond3A_552 {
      %dma_wait3A_568 = arith.constant 79 : i32
      %dma_wait3A_569 = arith.constant 0 : i32
      %dma_wait3A_570 = tpu.memref_slice %arg18[%dma_wait3A_569] : memref<128xf32, #tpu.memory_space<vmem>> -> memref<125xf32, #tpu.memory_space<vmem>>
      %dma_wait3A_571 = arith.constant 0 : i32
      %dma_wait3A_572 = tpu.memref_slice %arg12[%dma_wait3A_568, %dma_wait3A_571] : memref<80x125xi32, #tpu.memory_space<vmem>> -> memref<1x125xi32, #tpu.memory_space<vmem>>
      %dma_wait3A_573 = tpu.memref_squeeze %dma_wait3A_572 : memref<1x125xi32, #tpu.memory_space<vmem>> -> memref<125xi32, #tpu.memory_space<vmem>>
      %dma_wait3A_574 = arith.constant 0 : i32
      %dma_wait3A_575 = tpu.memref_slice %arg22[%dma_wait3A_574] : memref<10240xf32, #tpu.memory_space<vmem_shared>> -> memref<10240xf32, #tpu.memory_space<vmem_shared>>
      tpu.wait_indirect_dma semaphore(%arg31 : memref<!tpu.dma_semaphore, #tpu.memory_space<semaphore_mem>>) src(%dma_wait3A_570 : memref<125xf32, #tpu.memory_space<vmem>>) dst(%dma_wait3A_575 : memref<10240xf32, #tpu.memory_space<vmem_shared>>)
    } else {
    }
    %barrier3A_553 = arith.constant 0 : index
    tpu.barrier barrier_id(%barrier3A_553)
    %eq3A_554 = arith.constant 0 : i32
    %eq3A_555 = arith.cmpi eq, %arg0, %eq3A_554 : i32
    %convert_element_type3A_556 = arith.extui %eq3A_555 : i1 to i32
    %cond3A_557 = arith.constant 0 : i32
    %cond3A_558 = arith.cmpi ne, %convert_element_type3A_556, %cond3A_557 : i32
    scf.if %cond3A_558 {
      %mul3A_568 = arith.constant 640 : i32
      %mul3A_569 = arith.muli %arg1, %mul3A_568 : i32
      %add3A_570 = arith.constant 0 : i32
      %add3A_571 = arith.addi %mul3A_569, %add3A_570 : i32
      "tpu.region"() ({
        %run_scoped3A_588 = tpu.sem_alloc : memref<!tpu.dma_semaphore, #tpu.memory_space<semaphore_mem>>
        %dma_start3A_589 = arith.constant 0 : i32
        %dma_start3A_590 = tpu.memref_slice %arg21[%add3A_571, %dma_start3A_589] : memref<10240x64xf32, #tpu.memory_space<vmem_shared>> -> memref<128x64xf32, #tpu.memory_space<vmem_shared>>
        %dma_start3A_591 = arith.constant 0 : i32
        %dma_start3A_592 = tpu.memref_slice %arg21[%add3A_571, %dma_start3A_591] : memref<10240x64xf32, #tpu.memory_space<vmem_shared>> -> memref<128x64xf32, #tpu.memory_space<vmem_shared>>
        tpu.enqueue_dma source(%dma_start3A_592 : memref<128x64xf32, #tpu.memory_space<vmem_shared>>) target(%arg19 : memref<128x64xf32, #tpu.memory_space<vmem>>) target_semaphore(%run_scoped3A_588 : memref<!tpu.dma_semaphore, #tpu.memory_space<semaphore_mem>>)
        %dma_wait3A_593 = arith.constant 0 : i32
        %dma_wait3A_594 = tpu.memref_slice %arg21[%add3A_571, %dma_wait3A_593] : memref<10240x64xf32, #tpu.memory_space<vmem_shared>> -> memref<128x64xf32, #tpu.memory_space<vmem_shared>>
        %dma_wait3A_595 = arith.constant 0 : i32
        %dma_wait3A_596 = tpu.memref_slice %arg21[%add3A_571, %dma_wait3A_595] : memref<10240x64xf32, #tpu.memory_space<vmem_shared>> -> memref<128x64xf32, #tpu.memory_space<vmem_shared>>
        tpu.wait_dma2 semaphore(%run_scoped3A_588 : memref<!tpu.dma_semaphore, #tpu.memory_space<semaphore_mem>>) src(%dma_wait3A_596 : memref<128x64xf32, #tpu.memory_space<vmem_shared>>) dst(%arg19 : memref<128x64xf32, #tpu.memory_space<vmem>>)
        tpu.yield
      }) : () -> ()
      "tpu.region"() ({
        %run_scoped3A_588 = tpu.sem_alloc : memref<!tpu.dma_semaphore, #tpu.memory_space<semaphore_mem>>
        %dma_start3A_589 = arith.constant 0 : i32
        %dma_start3A_590 = tpu.memref_slice %arg8[%add3A_571, %dma_start3A_589] : memref<10240x64xf32, #tpu.memory_space<hbm>> -> memref<128x64xf32, #tpu.memory_space<hbm>>
        %dma_start3A_591 = arith.constant 0 : i32
        %dma_start3A_592 = tpu.memref_slice %arg8[%add3A_571, %dma_start3A_591] : memref<10240x64xf32, #tpu.memory_space<hbm>> -> memref<128x64xf32, #tpu.memory_space<hbm>>
        tpu.enqueue_dma source(%arg19 : memref<128x64xf32, #tpu.memory_space<vmem>>) target(%dma_start3A_592 : memref<128x64xf32, #tpu.memory_space<hbm>>) target_semaphore(%run_scoped3A_588 : memref<!tpu.dma_semaphore, #tpu.memory_space<semaphore_mem>>)
        %dma_wait3A_593 = arith.constant 0 : i32
        %dma_wait3A_594 = tpu.memref_slice %arg8[%add3A_571, %dma_wait3A_593] : memref<10240x64xf32, #tpu.memory_space<hbm>> -> memref<128x64xf32, #tpu.memory_space<hbm>>
        %dma_wait3A_595 = arith.constant 0 : i32
        %dma_wait3A_596 = tpu.memref_slice %arg8[%add3A_571, %dma_wait3A_595] : memref<10240x64xf32, #tpu.memory_space<hbm>> -> memref<128x64xf32, #tpu.memory_space<hbm>>
        tpu.wait_dma2 semaphore(%run_scoped3A_588 : memref<!tpu.dma_semaphore, #tpu.memory_space<semaphore_mem>>) src(%arg19 : memref<128x64xf32, #tpu.memory_space<vmem>>) dst(%dma_wait3A_596 : memref<128x64xf32, #tpu.memory_space<hbm>>)
        tpu.yield
      }) : () -> ()
      %mul3A_572 = arith.constant 640 : i32
      %mul3A_573 = arith.muli %arg1, %mul3A_572 : i32
      %add3A_574 = arith.constant 128 : i32
      %add3A_575 = arith.addi %mul3A_573, %add3A_574 : i32
      "tpu.region"() ({
        %run_scoped3A_588 = tpu.sem_alloc : memref<!tpu.dma_semaphore, #tpu.memory_space<semaphore_mem>>
        %dma_start3A_589 = arith.constant 0 : i32
        %dma_start3A_590 = tpu.memref_slice %arg21[%add3A_575, %dma_start3A_589] : memref<10240x64xf32, #tpu.memory_space<vmem_shared>> -> memref<128x64xf32, #tpu.memory_space<vmem_shared>>
        %dma_start3A_591 = arith.constant 0 : i32
        %dma_start3A_592 = tpu.memref_slice %arg21[%add3A_575, %dma_start3A_591] : memref<10240x64xf32, #tpu.memory_space<vmem_shared>> -> memref<128x64xf32, #tpu.memory_space<vmem_shared>>
        tpu.enqueue_dma source(%dma_start3A_592 : memref<128x64xf32, #tpu.memory_space<vmem_shared>>) target(%arg19 : memref<128x64xf32, #tpu.memory_space<vmem>>) target_semaphore(%run_scoped3A_588 : memref<!tpu.dma_semaphore, #tpu.memory_space<semaphore_mem>>)
        %dma_wait3A_593 = arith.constant 0 : i32
        %dma_wait3A_594 = tpu.memref_slice %arg21[%add3A_575, %dma_wait3A_593] : memref<10240x64xf32, #tpu.memory_space<vmem_shared>> -> memref<128x64xf32, #tpu.memory_space<vmem_shared>>
        %dma_wait3A_595 = arith.constant 0 : i32
        %dma_wait3A_596 = tpu.memref_slice %arg21[%add3A_575, %dma_wait3A_595] : memref<10240x64xf32, #tpu.memory_space<vmem_shared>> -> memref<128x64xf32, #tpu.memory_space<vmem_shared>>
        tpu.wait_dma2 semaphore(%run_scoped3A_588 : memref<!tpu.dma_semaphore, #tpu.memory_space<semaphore_mem>>) src(%dma_wait3A_596 : memref<128x64xf32, #tpu.memory_space<vmem_shared>>) dst(%arg19 : memref<128x64xf32, #tpu.memory_space<vmem>>)
        tpu.yield
      }) : () -> ()
      "tpu.region"() ({
        %run_scoped3A_588 = tpu.sem_alloc : memref<!tpu.dma_semaphore, #tpu.memory_space<semaphore_mem>>
        %dma_start3A_589 = arith.constant 0 : i32
        %dma_start3A_590 = tpu.memref_slice %arg8[%add3A_575, %dma_start3A_589] : memref<10240x64xf32, #tpu.memory_space<hbm>> -> memref<128x64xf32, #tpu.memory_space<hbm>>
        %dma_start3A_591 = arith.constant 0 : i32
        %dma_start3A_592 = tpu.memref_slice %arg8[%add3A_575, %dma_start3A_591] : memref<10240x64xf32, #tpu.memory_space<hbm>> -> memref<128x64xf32, #tpu.memory_space<hbm>>
        tpu.enqueue_dma source(%arg19 : memref<128x64xf32, #tpu.memory_space<vmem>>) target(%dma_start3A_592 : memref<128x64xf32, #tpu.memory_space<hbm>>) target_semaphore(%run_scoped3A_588 : memref<!tpu.dma_semaphore, #tpu.memory_space<semaphore_mem>>)
        %dma_wait3A_593 = arith.constant 0 : i32
        %dma_wait3A_594 = tpu.memref_slice %arg8[%add3A_575, %dma_wait3A_593] : memref<10240x64xf32, #tpu.memory_space<hbm>> -> memref<128x64xf32, #tpu.memory_space<hbm>>
        %dma_wait3A_595 = arith.constant 0 : i32
        %dma_wait3A_596 = tpu.memref_slice %arg8[%add3A_575, %dma_wait3A_595] : memref<10240x64xf32, #tpu.memory_space<hbm>> -> memref<128x64xf32, #tpu.memory_space<hbm>>
        tpu.wait_dma2 semaphore(%run_scoped3A_588 : memref<!tpu.dma_semaphore, #tpu.memory_space<semaphore_mem>>) src(%arg19 : memref<128x64xf32, #tpu.memory_space<vmem>>) dst(%dma_wait3A_596 : memref<128x64xf32, #tpu.memory_space<hbm>>)
        tpu.yield
      }) : () -> ()
      %mul3A_576 = arith.constant 640 : i32
      %mul3A_577 = arith.muli %arg1, %mul3A_576 : i32
      %add3A_578 = arith.constant 256 : i32
      %add3A_579 = arith.addi %mul3A_577, %add3A_578 : i32
      "tpu.region"() ({
        %run_scoped3A_588 = tpu.sem_alloc : memref<!tpu.dma_semaphore, #tpu.memory_space<semaphore_mem>>
        %dma_start3A_589 = arith.constant 0 : i32
        %dma_start3A_590 = tpu.memref_slice %arg21[%add3A_579, %dma_start3A_589] : memref<10240x64xf32, #tpu.memory_space<vmem_shared>> -> memref<128x64xf32, #tpu.memory_space<vmem_shared>>
        %dma_start3A_591 = arith.constant 0 : i32
        %dma_start3A_592 = tpu.memref_slice %arg21[%add3A_579, %dma_start3A_591] : memref<10240x64xf32, #tpu.memory_space<vmem_shared>> -> memref<128x64xf32, #tpu.memory_space<vmem_shared>>
        tpu.enqueue_dma source(%dma_start3A_592 : memref<128x64xf32, #tpu.memory_space<vmem_shared>>) target(%arg19 : memref<128x64xf32, #tpu.memory_space<vmem>>) target_semaphore(%run_scoped3A_588 : memref<!tpu.dma_semaphore, #tpu.memory_space<semaphore_mem>>)
        %dma_wait3A_593 = arith.constant 0 : i32
        %dma_wait3A_594 = tpu.memref_slice %arg21[%add3A_579, %dma_wait3A_593] : memref<10240x64xf32, #tpu.memory_space<vmem_shared>> -> memref<128x64xf32, #tpu.memory_space<vmem_shared>>
        %dma_wait3A_595 = arith.constant 0 : i32
        %dma_wait3A_596 = tpu.memref_slice %arg21[%add3A_579, %dma_wait3A_595] : memref<10240x64xf32, #tpu.memory_space<vmem_shared>> -> memref<128x64xf32, #tpu.memory_space<vmem_shared>>
        tpu.wait_dma2 semaphore(%run_scoped3A_588 : memref<!tpu.dma_semaphore, #tpu.memory_space<semaphore_mem>>) src(%dma_wait3A_596 : memref<128x64xf32, #tpu.memory_space<vmem_shared>>) dst(%arg19 : memref<128x64xf32, #tpu.memory_space<vmem>>)
        tpu.yield
      }) : () -> ()
      "tpu.region"() ({
        %run_scoped3A_588 = tpu.sem_alloc : memref<!tpu.dma_semaphore, #tpu.memory_space<semaphore_mem>>
        %dma_start3A_589 = arith.constant 0 : i32
        %dma_start3A_590 = tpu.memref_slice %arg8[%add3A_579, %dma_start3A_589] : memref<10240x64xf32, #tpu.memory_space<hbm>> -> memref<128x64xf32, #tpu.memory_space<hbm>>
        %dma_start3A_591 = arith.constant 0 : i32
        %dma_start3A_592 = tpu.memref_slice %arg8[%add3A_579, %dma_start3A_591] : memref<10240x64xf32, #tpu.memory_space<hbm>> -> memref<128x64xf32, #tpu.memory_space<hbm>>
        tpu.enqueue_dma source(%arg19 : memref<128x64xf32, #tpu.memory_space<vmem>>) target(%dma_start3A_592 : memref<128x64xf32, #tpu.memory_space<hbm>>) target_semaphore(%run_scoped3A_588 : memref<!tpu.dma_semaphore, #tpu.memory_space<semaphore_mem>>)
        %dma_wait3A_593 = arith.constant 0 : i32
        %dma_wait3A_594 = tpu.memref_slice %arg8[%add3A_579, %dma_wait3A_593] : memref<10240x64xf32, #tpu.memory_space<hbm>> -> memref<128x64xf32, #tpu.memory_space<hbm>>
        %dma_wait3A_595 = arith.constant 0 : i32
        %dma_wait3A_596 = tpu.memref_slice %arg8[%add3A_579, %dma_wait3A_595] : memref<10240x64xf32, #tpu.memory_space<hbm>> -> memref<128x64xf32, #tpu.memory_space<hbm>>
        tpu.wait_dma2 semaphore(%run_scoped3A_588 : memref<!tpu.dma_semaphore, #tpu.memory_space<semaphore_mem>>) src(%arg19 : memref<128x64xf32, #tpu.memory_space<vmem>>) dst(%dma_wait3A_596 : memref<128x64xf32, #tpu.memory_space<hbm>>)
        tpu.yield
      }) : () -> ()
      %mul3A_580 = arith.constant 640 : i32
      %mul3A_581 = arith.muli %arg1, %mul3A_580 : i32
      %add3A_582 = arith.constant 384 : i32
      %add3A_583 = arith.addi %mul3A_581, %add3A_582 : i32
      "tpu.region"() ({
        %run_scoped3A_588 = tpu.sem_alloc : memref<!tpu.dma_semaphore, #tpu.memory_space<semaphore_mem>>
        %dma_start3A_589 = arith.constant 0 : i32
        %dma_start3A_590 = tpu.memref_slice %arg21[%add3A_583, %dma_start3A_589] : memref<10240x64xf32, #tpu.memory_space<vmem_shared>> -> memref<128x64xf32, #tpu.memory_space<vmem_shared>>
        %dma_start3A_591 = arith.constant 0 : i32
        %dma_start3A_592 = tpu.memref_slice %arg21[%add3A_583, %dma_start3A_591] : memref<10240x64xf32, #tpu.memory_space<vmem_shared>> -> memref<128x64xf32, #tpu.memory_space<vmem_shared>>
        tpu.enqueue_dma source(%dma_start3A_592 : memref<128x64xf32, #tpu.memory_space<vmem_shared>>) target(%arg19 : memref<128x64xf32, #tpu.memory_space<vmem>>) target_semaphore(%run_scoped3A_588 : memref<!tpu.dma_semaphore, #tpu.memory_space<semaphore_mem>>)
        %dma_wait3A_593 = arith.constant 0 : i32
        %dma_wait3A_594 = tpu.memref_slice %arg21[%add3A_583, %dma_wait3A_593] : memref<10240x64xf32, #tpu.memory_space<vmem_shared>> -> memref<128x64xf32, #tpu.memory_space<vmem_shared>>
        %dma_wait3A_595 = arith.constant 0 : i32
        %dma_wait3A_596 = tpu.memref_slice %arg21[%add3A_583, %dma_wait3A_595] : memref<10240x64xf32, #tpu.memory_space<vmem_shared>> -> memref<128x64xf32, #tpu.memory_space<vmem_shared>>
        tpu.wait_dma2 semaphore(%run_scoped3A_588 : memref<!tpu.dma_semaphore, #tpu.memory_space<semaphore_mem>>) src(%dma_wait3A_596 : memref<128x64xf32, #tpu.memory_space<vmem_shared>>) dst(%arg19 : memref<128x64xf32, #tpu.memory_space<vmem>>)
        tpu.yield
      }) : () -> ()
      "tpu.region"() ({
        %run_scoped3A_588 = tpu.sem_alloc : memref<!tpu.dma_semaphore, #tpu.memory_space<semaphore_mem>>
        %dma_start3A_589 = arith.constant 0 : i32
        %dma_start3A_590 = tpu.memref_slice %arg8[%add3A_583, %dma_start3A_589] : memref<10240x64xf32, #tpu.memory_space<hbm>> -> memref<128x64xf32, #tpu.memory_space<hbm>>
        %dma_start3A_591 = arith.constant 0 : i32
        %dma_start3A_592 = tpu.memref_slice %arg8[%add3A_583, %dma_start3A_591] : memref<10240x64xf32, #tpu.memory_space<hbm>> -> memref<128x64xf32, #tpu.memory_space<hbm>>
        tpu.enqueue_dma source(%arg19 : memref<128x64xf32, #tpu.memory_space<vmem>>) target(%dma_start3A_592 : memref<128x64xf32, #tpu.memory_space<hbm>>) target_semaphore(%run_scoped3A_588 : memref<!tpu.dma_semaphore, #tpu.memory_space<semaphore_mem>>)
        %dma_wait3A_593 = arith.constant 0 : i32
        %dma_wait3A_594 = tpu.memref_slice %arg8[%add3A_583, %dma_wait3A_593] : memref<10240x64xf32, #tpu.memory_space<hbm>> -> memref<128x64xf32, #tpu.memory_space<hbm>>
        %dma_wait3A_595 = arith.constant 0 : i32
        %dma_wait3A_596 = tpu.memref_slice %arg8[%add3A_583, %dma_wait3A_595] : memref<10240x64xf32, #tpu.memory_space<hbm>> -> memref<128x64xf32, #tpu.memory_space<hbm>>
        tpu.wait_dma2 semaphore(%run_scoped3A_588 : memref<!tpu.dma_semaphore, #tpu.memory_space<semaphore_mem>>) src(%arg19 : memref<128x64xf32, #tpu.memory_space<vmem>>) dst(%dma_wait3A_596 : memref<128x64xf32, #tpu.memory_space<hbm>>)
        tpu.yield
      }) : () -> ()
      %mul3A_584 = arith.constant 640 : i32
      %mul3A_585 = arith.muli %arg1, %mul3A_584 : i32
      %add3A_586 = arith.constant 512 : i32
      %add3A_587 = arith.addi %mul3A_585, %add3A_586 : i32
      "tpu.region"() ({
        %run_scoped3A_588 = tpu.sem_alloc : memref<!tpu.dma_semaphore, #tpu.memory_space<semaphore_mem>>
        %dma_start3A_589 = arith.constant 0 : i32
        %dma_start3A_590 = tpu.memref_slice %arg21[%add3A_587, %dma_start3A_589] : memref<10240x64xf32, #tpu.memory_space<vmem_shared>> -> memref<128x64xf32, #tpu.memory_space<vmem_shared>>
        %dma_start3A_591 = arith.constant 0 : i32
        %dma_start3A_592 = tpu.memref_slice %arg21[%add3A_587, %dma_start3A_591] : memref<10240x64xf32, #tpu.memory_space<vmem_shared>> -> memref<128x64xf32, #tpu.memory_space<vmem_shared>>
        tpu.enqueue_dma source(%dma_start3A_592 : memref<128x64xf32, #tpu.memory_space<vmem_shared>>) target(%arg19 : memref<128x64xf32, #tpu.memory_space<vmem>>) target_semaphore(%run_scoped3A_588 : memref<!tpu.dma_semaphore, #tpu.memory_space<semaphore_mem>>)
        %dma_wait3A_593 = arith.constant 0 : i32
        %dma_wait3A_594 = tpu.memref_slice %arg21[%add3A_587, %dma_wait3A_593] : memref<10240x64xf32, #tpu.memory_space<vmem_shared>> -> memref<128x64xf32, #tpu.memory_space<vmem_shared>>
        %dma_wait3A_595 = arith.constant 0 : i32
        %dma_wait3A_596 = tpu.memref_slice %arg21[%add3A_587, %dma_wait3A_595] : memref<10240x64xf32, #tpu.memory_space<vmem_shared>> -> memref<128x64xf32, #tpu.memory_space<vmem_shared>>
        tpu.wait_dma2 semaphore(%run_scoped3A_588 : memref<!tpu.dma_semaphore, #tpu.memory_space<semaphore_mem>>) src(%dma_wait3A_596 : memref<128x64xf32, #tpu.memory_space<vmem_shared>>) dst(%arg19 : memref<128x64xf32, #tpu.memory_space<vmem>>)
        tpu.yield
      }) : () -> ()
      "tpu.region"() ({
        %run_scoped3A_588 = tpu.sem_alloc : memref<!tpu.dma_semaphore, #tpu.memory_space<semaphore_mem>>
        %dma_start3A_589 = arith.constant 0 : i32
        %dma_start3A_590 = tpu.memref_slice %arg8[%add3A_587, %dma_start3A_589] : memref<10240x64xf32, #tpu.memory_space<hbm>> -> memref<128x64xf32, #tpu.memory_space<hbm>>
        %dma_start3A_591 = arith.constant 0 : i32
        %dma_start3A_592 = tpu.memref_slice %arg8[%add3A_587, %dma_start3A_591] : memref<10240x64xf32, #tpu.memory_space<hbm>> -> memref<128x64xf32, #tpu.memory_space<hbm>>
        tpu.enqueue_dma source(%arg19 : memref<128x64xf32, #tpu.memory_space<vmem>>) target(%dma_start3A_592 : memref<128x64xf32, #tpu.memory_space<hbm>>) target_semaphore(%run_scoped3A_588 : memref<!tpu.dma_semaphore, #tpu.memory_space<semaphore_mem>>)
        %dma_wait3A_593 = arith.constant 0 : i32
        %dma_wait3A_594 = tpu.memref_slice %arg8[%add3A_587, %dma_wait3A_593] : memref<10240x64xf32, #tpu.memory_space<hbm>> -> memref<128x64xf32, #tpu.memory_space<hbm>>
        %dma_wait3A_595 = arith.constant 0 : i32
        %dma_wait3A_596 = tpu.memref_slice %arg8[%add3A_587, %dma_wait3A_595] : memref<10240x64xf32, #tpu.memory_space<hbm>> -> memref<128x64xf32, #tpu.memory_space<hbm>>
        tpu.wait_dma2 semaphore(%run_scoped3A_588 : memref<!tpu.dma_semaphore, #tpu.memory_space<semaphore_mem>>) src(%arg19 : memref<128x64xf32, #tpu.memory_space<vmem>>) dst(%dma_wait3A_596 : memref<128x64xf32, #tpu.memory_space<hbm>>)
        tpu.yield
      }) : () -> ()
    } else {
    }
    %eq3A_559 = arith.constant 1 : i32
    %eq3A_560 = arith.cmpi eq, %arg0, %eq3A_559 : i32
    %convert_element_type3A_561 = arith.extui %eq3A_560 : i1 to i32
    %cond3A_562 = arith.constant 0 : i32
    %cond3A_563 = arith.cmpi ne, %convert_element_type3A_561, %cond3A_562 : i32
    scf.if %cond3A_563 {
      %mul3A_568 = arith.constant 640 : i32
      %mul3A_569 = arith.muli %arg1, %mul3A_568 : i32
      %add3A_570 = arith.constant 0 : i32
      %add3A_571 = arith.addi %mul3A_569, %add3A_570 : i32
      "tpu.region"() ({
        %run_scoped3A_588 = tpu.sem_alloc : memref<!tpu.dma_semaphore, #tpu.memory_space<semaphore_mem>>
        %dma_start3A_589 = arith.constant 0 : i32
        %dma_start3A_590 = tpu.memref_slice %arg21[%add3A_571, %dma_start3A_589] : memref<10240x64xf32, #tpu.memory_space<vmem_shared>> -> memref<128x64xf32, #tpu.memory_space<vmem_shared>>
        %dma_start3A_591 = arith.constant 0 : i32
        %dma_start3A_592 = tpu.memref_slice %arg21[%add3A_571, %dma_start3A_591] : memref<10240x64xf32, #tpu.memory_space<vmem_shared>> -> memref<128x64xf32, #tpu.memory_space<vmem_shared>>
        tpu.enqueue_dma source(%dma_start3A_592 : memref<128x64xf32, #tpu.memory_space<vmem_shared>>) target(%arg19 : memref<128x64xf32, #tpu.memory_space<vmem>>) target_semaphore(%run_scoped3A_588 : memref<!tpu.dma_semaphore, #tpu.memory_space<semaphore_mem>>)
        %dma_wait3A_593 = arith.constant 0 : i32
        %dma_wait3A_594 = tpu.memref_slice %arg21[%add3A_571, %dma_wait3A_593] : memref<10240x64xf32, #tpu.memory_space<vmem_shared>> -> memref<128x64xf32, #tpu.memory_space<vmem_shared>>
        %dma_wait3A_595 = arith.constant 0 : i32
        %dma_wait3A_596 = tpu.memref_slice %arg21[%add3A_571, %dma_wait3A_595] : memref<10240x64xf32, #tpu.memory_space<vmem_shared>> -> memref<128x64xf32, #tpu.memory_space<vmem_shared>>
        tpu.wait_dma2 semaphore(%run_scoped3A_588 : memref<!tpu.dma_semaphore, #tpu.memory_space<semaphore_mem>>) src(%dma_wait3A_596 : memref<128x64xf32, #tpu.memory_space<vmem_shared>>) dst(%arg19 : memref<128x64xf32, #tpu.memory_space<vmem>>)
        tpu.yield
      }) : () -> ()
      "tpu.region"() ({
        %run_scoped3A_588 = tpu.sem_alloc : memref<!tpu.dma_semaphore, #tpu.memory_space<semaphore_mem>>
        %dma_start3A_589 = arith.constant 0 : i32
        %dma_start3A_590 = tpu.memref_slice %arg9[%add3A_571, %dma_start3A_589] : memref<10240x64xf32, #tpu.memory_space<hbm>> -> memref<128x64xf32, #tpu.memory_space<hbm>>
        %dma_start3A_591 = arith.constant 0 : i32
        %dma_start3A_592 = tpu.memref_slice %arg9[%add3A_571, %dma_start3A_591] : memref<10240x64xf32, #tpu.memory_space<hbm>> -> memref<128x64xf32, #tpu.memory_space<hbm>>
        tpu.enqueue_dma source(%arg19 : memref<128x64xf32, #tpu.memory_space<vmem>>) target(%dma_start3A_592 : memref<128x64xf32, #tpu.memory_space<hbm>>) target_semaphore(%run_scoped3A_588 : memref<!tpu.dma_semaphore, #tpu.memory_space<semaphore_mem>>)
        %dma_wait3A_593 = arith.constant 0 : i32
        %dma_wait3A_594 = tpu.memref_slice %arg9[%add3A_571, %dma_wait3A_593] : memref<10240x64xf32, #tpu.memory_space<hbm>> -> memref<128x64xf32, #tpu.memory_space<hbm>>
        %dma_wait3A_595 = arith.constant 0 : i32
        %dma_wait3A_596 = tpu.memref_slice %arg9[%add3A_571, %dma_wait3A_595] : memref<10240x64xf32, #tpu.memory_space<hbm>> -> memref<128x64xf32, #tpu.memory_space<hbm>>
        tpu.wait_dma2 semaphore(%run_scoped3A_588 : memref<!tpu.dma_semaphore, #tpu.memory_space<semaphore_mem>>) src(%arg19 : memref<128x64xf32, #tpu.memory_space<vmem>>) dst(%dma_wait3A_596 : memref<128x64xf32, #tpu.memory_space<hbm>>)
        tpu.yield
      }) : () -> ()
      %mul3A_572 = arith.constant 640 : i32
      %mul3A_573 = arith.muli %arg1, %mul3A_572 : i32
      %add3A_574 = arith.constant 128 : i32
      %add3A_575 = arith.addi %mul3A_573, %add3A_574 : i32
      "tpu.region"() ({
        %run_scoped3A_588 = tpu.sem_alloc : memref<!tpu.dma_semaphore, #tpu.memory_space<semaphore_mem>>
        %dma_start3A_589 = arith.constant 0 : i32
        %dma_start3A_590 = tpu.memref_slice %arg21[%add3A_575, %dma_start3A_589] : memref<10240x64xf32, #tpu.memory_space<vmem_shared>> -> memref<128x64xf32, #tpu.memory_space<vmem_shared>>
        %dma_start3A_591 = arith.constant 0 : i32
        %dma_start3A_592 = tpu.memref_slice %arg21[%add3A_575, %dma_start3A_591] : memref<10240x64xf32, #tpu.memory_space<vmem_shared>> -> memref<128x64xf32, #tpu.memory_space<vmem_shared>>
        tpu.enqueue_dma source(%dma_start3A_592 : memref<128x64xf32, #tpu.memory_space<vmem_shared>>) target(%arg19 : memref<128x64xf32, #tpu.memory_space<vmem>>) target_semaphore(%run_scoped3A_588 : memref<!tpu.dma_semaphore, #tpu.memory_space<semaphore_mem>>)
        %dma_wait3A_593 = arith.constant 0 : i32
        %dma_wait3A_594 = tpu.memref_slice %arg21[%add3A_575, %dma_wait3A_593] : memref<10240x64xf32, #tpu.memory_space<vmem_shared>> -> memref<128x64xf32, #tpu.memory_space<vmem_shared>>
        %dma_wait3A_595 = arith.constant 0 : i32
        %dma_wait3A_596 = tpu.memref_slice %arg21[%add3A_575, %dma_wait3A_595] : memref<10240x64xf32, #tpu.memory_space<vmem_shared>> -> memref<128x64xf32, #tpu.memory_space<vmem_shared>>
        tpu.wait_dma2 semaphore(%run_scoped3A_588 : memref<!tpu.dma_semaphore, #tpu.memory_space<semaphore_mem>>) src(%dma_wait3A_596 : memref<128x64xf32, #tpu.memory_space<vmem_shared>>) dst(%arg19 : memref<128x64xf32, #tpu.memory_space<vmem>>)
        tpu.yield
      }) : () -> ()
      "tpu.region"() ({
        %run_scoped3A_588 = tpu.sem_alloc : memref<!tpu.dma_semaphore, #tpu.memory_space<semaphore_mem>>
        %dma_start3A_589 = arith.constant 0 : i32
        %dma_start3A_590 = tpu.memref_slice %arg9[%add3A_575, %dma_start3A_589] : memref<10240x64xf32, #tpu.memory_space<hbm>> -> memref<128x64xf32, #tpu.memory_space<hbm>>
        %dma_start3A_591 = arith.constant 0 : i32
        %dma_start3A_592 = tpu.memref_slice %arg9[%add3A_575, %dma_start3A_591] : memref<10240x64xf32, #tpu.memory_space<hbm>> -> memref<128x64xf32, #tpu.memory_space<hbm>>
        tpu.enqueue_dma source(%arg19 : memref<128x64xf32, #tpu.memory_space<vmem>>) target(%dma_start3A_592 : memref<128x64xf32, #tpu.memory_space<hbm>>) target_semaphore(%run_scoped3A_588 : memref<!tpu.dma_semaphore, #tpu.memory_space<semaphore_mem>>)
        %dma_wait3A_593 = arith.constant 0 : i32
        %dma_wait3A_594 = tpu.memref_slice %arg9[%add3A_575, %dma_wait3A_593] : memref<10240x64xf32, #tpu.memory_space<hbm>> -> memref<128x64xf32, #tpu.memory_space<hbm>>
        %dma_wait3A_595 = arith.constant 0 : i32
        %dma_wait3A_596 = tpu.memref_slice %arg9[%add3A_575, %dma_wait3A_595] : memref<10240x64xf32, #tpu.memory_space<hbm>> -> memref<128x64xf32, #tpu.memory_space<hbm>>
        tpu.wait_dma2 semaphore(%run_scoped3A_588 : memref<!tpu.dma_semaphore, #tpu.memory_space<semaphore_mem>>) src(%arg19 : memref<128x64xf32, #tpu.memory_space<vmem>>) dst(%dma_wait3A_596 : memref<128x64xf32, #tpu.memory_space<hbm>>)
        tpu.yield
      }) : () -> ()
      %mul3A_576 = arith.constant 640 : i32
      %mul3A_577 = arith.muli %arg1, %mul3A_576 : i32
      %add3A_578 = arith.constant 256 : i32
      %add3A_579 = arith.addi %mul3A_577, %add3A_578 : i32
      "tpu.region"() ({
        %run_scoped3A_588 = tpu.sem_alloc : memref<!tpu.dma_semaphore, #tpu.memory_space<semaphore_mem>>
        %dma_start3A_589 = arith.constant 0 : i32
        %dma_start3A_590 = tpu.memref_slice %arg21[%add3A_579, %dma_start3A_589] : memref<10240x64xf32, #tpu.memory_space<vmem_shared>> -> memref<128x64xf32, #tpu.memory_space<vmem_shared>>
        %dma_start3A_591 = arith.constant 0 : i32
        %dma_start3A_592 = tpu.memref_slice %arg21[%add3A_579, %dma_start3A_591] : memref<10240x64xf32, #tpu.memory_space<vmem_shared>> -> memref<128x64xf32, #tpu.memory_space<vmem_shared>>
        tpu.enqueue_dma source(%dma_start3A_592 : memref<128x64xf32, #tpu.memory_space<vmem_shared>>) target(%arg19 : memref<128x64xf32, #tpu.memory_space<vmem>>) target_semaphore(%run_scoped3A_588 : memref<!tpu.dma_semaphore, #tpu.memory_space<semaphore_mem>>)
        %dma_wait3A_593 = arith.constant 0 : i32
        %dma_wait3A_594 = tpu.memref_slice %arg21[%add3A_579, %dma_wait3A_593] : memref<10240x64xf32, #tpu.memory_space<vmem_shared>> -> memref<128x64xf32, #tpu.memory_space<vmem_shared>>
        %dma_wait3A_595 = arith.constant 0 : i32
        %dma_wait3A_596 = tpu.memref_slice %arg21[%add3A_579, %dma_wait3A_595] : memref<10240x64xf32, #tpu.memory_space<vmem_shared>> -> memref<128x64xf32, #tpu.memory_space<vmem_shared>>
        tpu.wait_dma2 semaphore(%run_scoped3A_588 : memref<!tpu.dma_semaphore, #tpu.memory_space<semaphore_mem>>) src(%dma_wait3A_596 : memref<128x64xf32, #tpu.memory_space<vmem_shared>>) dst(%arg19 : memref<128x64xf32, #tpu.memory_space<vmem>>)
        tpu.yield
      }) : () -> ()
      "tpu.region"() ({
        %run_scoped3A_588 = tpu.sem_alloc : memref<!tpu.dma_semaphore, #tpu.memory_space<semaphore_mem>>
        %dma_start3A_589 = arith.constant 0 : i32
        %dma_start3A_590 = tpu.memref_slice %arg9[%add3A_579, %dma_start3A_589] : memref<10240x64xf32, #tpu.memory_space<hbm>> -> memref<128x64xf32, #tpu.memory_space<hbm>>
        %dma_start3A_591 = arith.constant 0 : i32
        %dma_start3A_592 = tpu.memref_slice %arg9[%add3A_579, %dma_start3A_591] : memref<10240x64xf32, #tpu.memory_space<hbm>> -> memref<128x64xf32, #tpu.memory_space<hbm>>
        tpu.enqueue_dma source(%arg19 : memref<128x64xf32, #tpu.memory_space<vmem>>) target(%dma_start3A_592 : memref<128x64xf32, #tpu.memory_space<hbm>>) target_semaphore(%run_scoped3A_588 : memref<!tpu.dma_semaphore, #tpu.memory_space<semaphore_mem>>)
        %dma_wait3A_593 = arith.constant 0 : i32
        %dma_wait3A_594 = tpu.memref_slice %arg9[%add3A_579, %dma_wait3A_593] : memref<10240x64xf32, #tpu.memory_space<hbm>> -> memref<128x64xf32, #tpu.memory_space<hbm>>
        %dma_wait3A_595 = arith.constant 0 : i32
        %dma_wait3A_596 = tpu.memref_slice %arg9[%add3A_579, %dma_wait3A_595] : memref<10240x64xf32, #tpu.memory_space<hbm>> -> memref<128x64xf32, #tpu.memory_space<hbm>>
        tpu.wait_dma2 semaphore(%run_scoped3A_588 : memref<!tpu.dma_semaphore, #tpu.memory_space<semaphore_mem>>) src(%arg19 : memref<128x64xf32, #tpu.memory_space<vmem>>) dst(%dma_wait3A_596 : memref<128x64xf32, #tpu.memory_space<hbm>>)
        tpu.yield
      }) : () -> ()
      %mul3A_580 = arith.constant 640 : i32
      %mul3A_581 = arith.muli %arg1, %mul3A_580 : i32
      %add3A_582 = arith.constant 384 : i32
      %add3A_583 = arith.addi %mul3A_581, %add3A_582 : i32
      "tpu.region"() ({
        %run_scoped3A_588 = tpu.sem_alloc : memref<!tpu.dma_semaphore, #tpu.memory_space<semaphore_mem>>
        %dma_start3A_589 = arith.constant 0 : i32
        %dma_start3A_590 = tpu.memref_slice %arg21[%add3A_583, %dma_start3A_589] : memref<10240x64xf32, #tpu.memory_space<vmem_shared>> -> memref<128x64xf32, #tpu.memory_space<vmem_shared>>
        %dma_start3A_591 = arith.constant 0 : i32
        %dma_start3A_592 = tpu.memref_slice %arg21[%add3A_583, %dma_start3A_591] : memref<10240x64xf32, #tpu.memory_space<vmem_shared>> -> memref<128x64xf32, #tpu.memory_space<vmem_shared>>
        tpu.enqueue_dma source(%dma_start3A_592 : memref<128x64xf32, #tpu.memory_space<vmem_shared>>) target(%arg19 : memref<128x64xf32, #tpu.memory_space<vmem>>) target_semaphore(%run_scoped3A_588 : memref<!tpu.dma_semaphore, #tpu.memory_space<semaphore_mem>>)
        %dma_wait3A_593 = arith.constant 0 : i32
        %dma_wait3A_594 = tpu.memref_slice %arg21[%add3A_583, %dma_wait3A_593] : memref<10240x64xf32, #tpu.memory_space<vmem_shared>> -> memref<128x64xf32, #tpu.memory_space<vmem_shared>>
        %dma_wait3A_595 = arith.constant 0 : i32
        %dma_wait3A_596 = tpu.memref_slice %arg21[%add3A_583, %dma_wait3A_595] : memref<10240x64xf32, #tpu.memory_space<vmem_shared>> -> memref<128x64xf32, #tpu.memory_space<vmem_shared>>
        tpu.wait_dma2 semaphore(%run_scoped3A_588 : memref<!tpu.dma_semaphore, #tpu.memory_space<semaphore_mem>>) src(%dma_wait3A_596 : memref<128x64xf32, #tpu.memory_space<vmem_shared>>) dst(%arg19 : memref<128x64xf32, #tpu.memory_space<vmem>>)
        tpu.yield
      }) : () -> ()
      "tpu.region"() ({
        %run_scoped3A_588 = tpu.sem_alloc : memref<!tpu.dma_semaphore, #tpu.memory_space<semaphore_mem>>
        %dma_start3A_589 = arith.constant 0 : i32
        %dma_start3A_590 = tpu.memref_slice %arg9[%add3A_583, %dma_start3A_589] : memref<10240x64xf32, #tpu.memory_space<hbm>> -> memref<128x64xf32, #tpu.memory_space<hbm>>
        %dma_start3A_591 = arith.constant 0 : i32
        %dma_start3A_592 = tpu.memref_slice %arg9[%add3A_583, %dma_start3A_591] : memref<10240x64xf32, #tpu.memory_space<hbm>> -> memref<128x64xf32, #tpu.memory_space<hbm>>
        tpu.enqueue_dma source(%arg19 : memref<128x64xf32, #tpu.memory_space<vmem>>) target(%dma_start3A_592 : memref<128x64xf32, #tpu.memory_space<hbm>>) target_semaphore(%run_scoped3A_588 : memref<!tpu.dma_semaphore, #tpu.memory_space<semaphore_mem>>)
        %dma_wait3A_593 = arith.constant 0 : i32
        %dma_wait3A_594 = tpu.memref_slice %arg9[%add3A_583, %dma_wait3A_593] : memref<10240x64xf32, #tpu.memory_space<hbm>> -> memref<128x64xf32, #tpu.memory_space<hbm>>
        %dma_wait3A_595 = arith.constant 0 : i32
        %dma_wait3A_596 = tpu.memref_slice %arg9[%add3A_583, %dma_wait3A_595] : memref<10240x64xf32, #tpu.memory_space<hbm>> -> memref<128x64xf32, #tpu.memory_space<hbm>>
        tpu.wait_dma2 semaphore(%run_scoped3A_588 : memref<!tpu.dma_semaphore, #tpu.memory_space<semaphore_mem>>) src(%arg19 : memref<128x64xf32, #tpu.memory_space<vmem>>) dst(%dma_wait3A_596 : memref<128x64xf32, #tpu.memory_space<hbm>>)
        tpu.yield
      }) : () -> ()
      %mul3A_584 = arith.constant 640 : i32
      %mul3A_585 = arith.muli %arg1, %mul3A_584 : i32
      %add3A_586 = arith.constant 512 : i32
      %add3A_587 = arith.addi %mul3A_585, %add3A_586 : i32
      "tpu.region"() ({
        %run_scoped3A_588 = tpu.sem_alloc : memref<!tpu.dma_semaphore, #tpu.memory_space<semaphore_mem>>
        %dma_start3A_589 = arith.constant 0 : i32
        %dma_start3A_590 = tpu.memref_slice %arg21[%add3A_587, %dma_start3A_589] : memref<10240x64xf32, #tpu.memory_space<vmem_shared>> -> memref<128x64xf32, #tpu.memory_space<vmem_shared>>
        %dma_start3A_591 = arith.constant 0 : i32
        %dma_start3A_592 = tpu.memref_slice %arg21[%add3A_587, %dma_start3A_591] : memref<10240x64xf32, #tpu.memory_space<vmem_shared>> -> memref<128x64xf32, #tpu.memory_space<vmem_shared>>
        tpu.enqueue_dma source(%dma_start3A_592 : memref<128x64xf32, #tpu.memory_space<vmem_shared>>) target(%arg19 : memref<128x64xf32, #tpu.memory_space<vmem>>) target_semaphore(%run_scoped3A_588 : memref<!tpu.dma_semaphore, #tpu.memory_space<semaphore_mem>>)
        %dma_wait3A_593 = arith.constant 0 : i32
        %dma_wait3A_594 = tpu.memref_slice %arg21[%add3A_587, %dma_wait3A_593] : memref<10240x64xf32, #tpu.memory_space<vmem_shared>> -> memref<128x64xf32, #tpu.memory_space<vmem_shared>>
        %dma_wait3A_595 = arith.constant 0 : i32
        %dma_wait3A_596 = tpu.memref_slice %arg21[%add3A_587, %dma_wait3A_595] : memref<10240x64xf32, #tpu.memory_space<vmem_shared>> -> memref<128x64xf32, #tpu.memory_space<vmem_shared>>
        tpu.wait_dma2 semaphore(%run_scoped3A_588 : memref<!tpu.dma_semaphore, #tpu.memory_space<semaphore_mem>>) src(%dma_wait3A_596 : memref<128x64xf32, #tpu.memory_space<vmem_shared>>) dst(%arg19 : memref<128x64xf32, #tpu.memory_space<vmem>>)
        tpu.yield
      }) : () -> ()
      "tpu.region"() ({
        %run_scoped3A_588 = tpu.sem_alloc : memref<!tpu.dma_semaphore, #tpu.memory_space<semaphore_mem>>
        %dma_start3A_589 = arith.constant 0 : i32
        %dma_start3A_590 = tpu.memref_slice %arg9[%add3A_587, %dma_start3A_589] : memref<10240x64xf32, #tpu.memory_space<hbm>> -> memref<128x64xf32, #tpu.memory_space<hbm>>
        %dma_start3A_591 = arith.constant 0 : i32
        %dma_start3A_592 = tpu.memref_slice %arg9[%add3A_587, %dma_start3A_591] : memref<10240x64xf32, #tpu.memory_space<hbm>> -> memref<128x64xf32, #tpu.memory_space<hbm>>
        tpu.enqueue_dma source(%arg19 : memref<128x64xf32, #tpu.memory_space<vmem>>) target(%dma_start3A_592 : memref<128x64xf32, #tpu.memory_space<hbm>>) target_semaphore(%run_scoped3A_588 : memref<!tpu.dma_semaphore, #tpu.memory_space<semaphore_mem>>)
        %dma_wait3A_593 = arith.constant 0 : i32
        %dma_wait3A_594 = tpu.memref_slice %arg9[%add3A_587, %dma_wait3A_593] : memref<10240x64xf32, #tpu.memory_space<hbm>> -> memref<128x64xf32, #tpu.memory_space<hbm>>
        %dma_wait3A_595 = arith.constant 0 : i32
        %dma_wait3A_596 = tpu.memref_slice %arg9[%add3A_587, %dma_wait3A_595] : memref<10240x64xf32, #tpu.memory_space<hbm>> -> memref<128x64xf32, #tpu.memory_space<hbm>>
        tpu.wait_dma2 semaphore(%run_scoped3A_588 : memref<!tpu.dma_semaphore, #tpu.memory_space<semaphore_mem>>) src(%arg19 : memref<128x64xf32, #tpu.memory_space<vmem>>) dst(%dma_wait3A_596 : memref<128x64xf32, #tpu.memory_space<hbm>>)
        tpu.yield
      }) : () -> ()
    } else {
    }
    %mul3A_564 = arith.constant 640 : i32
    %mul3A_565 = arith.muli %arg1, %mul3A_564 : i32
    "tpu.region"() ({
      %run_scoped3A_568 = tpu.sem_alloc : memref<!tpu.dma_semaphore, #tpu.memory_space<semaphore_mem>>
      %dma_start3A_569 = tpu.memref_slice %arg22[%mul3A_565] : memref<10240xf32, #tpu.memory_space<vmem_shared>> -> memref<640xf32, #tpu.memory_space<vmem_shared>>
      %dma_start3A_570 = tpu.memref_slice %arg22[%mul3A_565] : memref<10240xf32, #tpu.memory_space<vmem_shared>> -> memref<640xf32, #tpu.memory_space<vmem_shared>>
      tpu.enqueue_dma source(%dma_start3A_570 : memref<640xf32, #tpu.memory_space<vmem_shared>>) target(%arg20 : memref<640xf32, #tpu.memory_space<vmem>>) target_semaphore(%run_scoped3A_568 : memref<!tpu.dma_semaphore, #tpu.memory_space<semaphore_mem>>)
      %dma_wait3A_571 = tpu.memref_slice %arg22[%mul3A_565] : memref<10240xf32, #tpu.memory_space<vmem_shared>> -> memref<640xf32, #tpu.memory_space<vmem_shared>>
      %dma_wait3A_572 = tpu.memref_slice %arg22[%mul3A_565] : memref<10240xf32, #tpu.memory_space<vmem_shared>> -> memref<640xf32, #tpu.memory_space<vmem_shared>>
      tpu.wait_dma2 semaphore(%run_scoped3A_568 : memref<!tpu.dma_semaphore, #tpu.memory_space<semaphore_mem>>) src(%dma_wait3A_572 : memref<640xf32, #tpu.memory_space<vmem_shared>>) dst(%arg20 : memref<640xf32, #tpu.memory_space<vmem>>)
      tpu.yield
    }) : () -> ()
    %mul3A_566 = arith.constant 640 : i32
    %mul3A_567 = arith.muli %arg1, %mul3A_566 : i32
    "tpu.region"() ({
      %run_scoped3A_568 = tpu.sem_alloc : memref<!tpu.dma_semaphore, #tpu.memory_space<semaphore_mem>>
      %dma_start3A_569 = tpu.memref_slice %arg10[%arg0, %mul3A_567] : memref<2x10240xf32, #tpu.memory_space<hbm>> -> memref<1x640xf32, #tpu.memory_space<hbm>>
      %dma_start3A_570 = tpu.memref_squeeze %dma_start3A_569 : memref<1x640xf32, #tpu.memory_space<hbm>> -> memref<640xf32, #tpu.memory_space<hbm>>
      %dma_start3A_571 = tpu.memref_slice %arg10[%arg0, %mul3A_567] : memref<2x10240xf32, #tpu.memory_space<hbm>> -> memref<1x640xf32, #tpu.memory_space<hbm>>
      %dma_start3A_572 = tpu.memref_squeeze %dma_start3A_571 : memref<1x640xf32, #tpu.memory_space<hbm>> -> memref<640xf32, #tpu.memory_space<hbm>>
      tpu.enqueue_dma source(%arg20 : memref<640xf32, #tpu.memory_space<vmem>>) target(%dma_start3A_572 : memref<640xf32, #tpu.memory_space<hbm>>) target_semaphore(%run_scoped3A_568 : memref<!tpu.dma_semaphore, #tpu.memory_space<semaphore_mem>>)
      %dma_wait3A_573 = tpu.memref_slice %arg10[%arg0, %mul3A_567] : memref<2x10240xf32, #tpu.memory_space<hbm>> -> memref<1x640xf32, #tpu.memory_space<hbm>>
      %dma_wait3A_574 = tpu.memref_squeeze %dma_wait3A_573 : memref<1x640xf32, #tpu.memory_space<hbm>> -> memref<640xf32, #tpu.memory_space<hbm>>
      %dma_wait3A_575 = tpu.memref_slice %arg10[%arg0, %mul3A_567] : memref<2x10240xf32, #tpu.memory_space<hbm>> -> memref<1x640xf32, #tpu.memory_space<hbm>>
      %dma_wait3A_576 = tpu.memref_squeeze %dma_wait3A_575 : memref<1x640xf32, #tpu.memory_space<hbm>> -> memref<640xf32, #tpu.memory_space<hbm>>
      tpu.wait_dma2 semaphore(%run_scoped3A_568 : memref<!tpu.dma_semaphore, #tpu.memory_space<semaphore_mem>>) src(%arg20 : memref<640xf32, #tpu.memory_space<vmem>>) dst(%dma_wait3A_576 : memref<640xf32, #tpu.memory_space<hbm>>)
      tpu.yield
    }) : () -> ()
    return
  }
}

module attributes {stable_mosaic.version = 14 : i64} {
  func.func @body(%arg0: i32, %arg1: memref<1000x64xf32, #tpu.memory_space<vmem>>, %arg2: memref<1000x64xf32, #tpu.memory_space<vmem>>, %arg3: memref<1000x128xf32, #tpu.memory_space<vmem>>, %arg4: memref<1000x1xf32, #tpu.memory_space<vmem>>, %arg5: memref<1x1000x1xf32, #tpu.memory_space<vmem>>, %arg6: memref<1x1000x1xf32, #tpu.memory_space<vmem>>, %arg7: memref<128x128xf32, #tpu.memory_space<vmem>>, %arg8: memref<128x128xf32, #tpu.memory_space<vmem>>, %arg9: memref<128x128xf32, #tpu.memory_space<vmem>>, %arg10: memref<1000x128xf32, #tpu.memory_space<vmem>>) attributes {dimension_semantics = [#tpu.dimension_semantics<arbitrary>], iteration_bounds = array<i64: 10>, scalar_prefetch = 0 : i64, scratch_operands = 0 : i64, tpu.core_type = #tpu.core_type<tc>, window_params = [{transform_indices = @transform_0, window_bounds = array<i64: 1000, 64>}, {transform_indices = @transform_1, window_bounds = array<i64: 1000, 64>}, {transform_indices = @transform_2, window_bounds = array<i64: 1000, 128>}, {transform_indices = @transform_3, window_bounds = array<i64: 1000, 1>}, {transform_indices = @transform_4, window_bounds = array<i64: 1, 1000, 1>}, {transform_indices = @transform_5, window_bounds = array<i64: 1, 1000, 1>}, {pipeline_mode = #tpu.pipeline_mode<synchronous>, transform_indices = @transform_6, window_bounds = array<i64: 128, 128>}, {pipeline_mode = #tpu.pipeline_mode<synchronous>, transform_indices = @transform_7, window_bounds = array<i64: 128, 128>}, {pipeline_mode = #tpu.pipeline_mode<synchronous>, transform_indices = @transform_8, window_bounds = array<i64: 128, 128>}, {transform_indices = @transform_9, window_bounds = array<i64: 1000, 128>}]} {
    %get3A = arith.constant 0 : index
    %get3A_0 = arith.constant 0 : index
    %get3A_1 = vector.load %arg1[%get3A, %get3A_0] : memref<1000x64xf32, #tpu.memory_space<vmem>>, vector<1000x64xf32>
    %get3A_2 = arith.constant 0 : index
    %get3A_3 = arith.constant 0 : index
    %get3A_4 = vector.load %arg7[%get3A_2, %get3A_3] : memref<128x128xf32, #tpu.memory_space<vmem>>, vector<64x128xf32>
    %dot_general3A = arith.constant dense<0.000000e+00> : vector<1000x128xf32>
    %dot_general3A_5 = tpu.matmul %get3A_1, %get3A_4, %dot_general3A {dimension_numbers = #tpu.dot_dimension_numbers<[1], [0], [0], [1], [0, 0, 1, 1], [], []>, transpose_lhs_hint = false} : vector<1000x64xf32>, vector<64x128xf32>, vector<1000x128xf32> -> vector<1000x128xf32>
    %get3A_6 = arith.constant 0 : index
    %get3A_7 = arith.constant 0 : index
    %get3A_8 = vector.load %arg2[%get3A_6, %get3A_7] : memref<1000x64xf32, #tpu.memory_space<vmem>>, vector<1000x64xf32>
    %get3A_9 = arith.constant 64 : index
    %get3A_10 = arith.constant 0 : index
    %get3A_11 = vector.load %arg7[%get3A_9, %get3A_10] : memref<128x128xf32, #tpu.memory_space<vmem>>, vector<64x128xf32>
    %dot_general3A_12 = arith.constant dense<0.000000e+00> : vector<1000x128xf32>
    %dot_general3A_13 = tpu.matmul %get3A_8, %get3A_11, %dot_general3A_12 {dimension_numbers = #tpu.dot_dimension_numbers<[1], [0], [0], [1], [0, 0, 1, 1], [], []>, transpose_lhs_hint = false} : vector<1000x64xf32>, vector<64x128xf32>, vector<1000x128xf32> -> vector<1000x128xf32>
    %add3A = arith.addf %dot_general3A_5, %dot_general3A_13 : vector<1000x128xf32>
    %get3A_14 = arith.constant 0 : index
    %get3A_15 = arith.constant 0 : index
    %get3A_16 = vector.load %arg3[%get3A_14, %get3A_15] : memref<1000x128xf32, #tpu.memory_space<vmem>>, vector<1000x128xf32>
    %get3A_17 = arith.constant 0 : index
    %get3A_18 = arith.constant 0 : index
    %get3A_19 = vector.load %arg8[%get3A_17, %get3A_18] : memref<128x128xf32, #tpu.memory_space<vmem>>, vector<128x128xf32>
    %dot_general3A_20 = arith.constant dense<0.000000e+00> : vector<1000x128xf32>
    %dot_general3A_21 = tpu.matmul %get3A_16, %get3A_19, %dot_general3A_20 {dimension_numbers = #tpu.dot_dimension_numbers<[1], [0], [0], [1], [0, 0, 1, 1], [], []>, transpose_lhs_hint = false} : vector<1000x128xf32>, vector<128x128xf32>, vector<1000x128xf32> -> vector<1000x128xf32>
    %get3A_22 = arith.constant 0 : index
    %get3A_23 = arith.constant 0 : index
    %get3A_24 = vector.load %arg9[%get3A_22, %get3A_23] : memref<128x128xf32, #tpu.memory_space<vmem>>, vector<128x128xf32>
    %dot_general3A_25 = arith.constant dense<0.000000e+00> : vector<1000x128xf32>
    %dot_general3A_26 = tpu.matmul %get3A_16, %get3A_24, %dot_general3A_25 {dimension_numbers = #tpu.dot_dimension_numbers<[1], [0], [0], [1], [0, 0, 1, 1], [], []>, transpose_lhs_hint = false} : vector<1000x128xf32>, vector<128x128xf32>, vector<1000x128xf32> -> vector<1000x128xf32>
    %get3A_27 = arith.constant 0 : index
    %get3A_28 = arith.constant 0 : index
    %get3A_29 = arith.constant 0 : index
    %get3A_30 = vector.load %arg5[%get3A_27, %get3A_28, %get3A_29] : memref<1x1000x1xf32, #tpu.memory_space<vmem>>, vector<1x1000x1xf32>
    %squeeze3A = vector.shape_cast %get3A_30 : vector<1x1000x1xf32> to vector<1000x1xf32>
    %get3A_31 = arith.constant 0 : index
    %get3A_32 = arith.constant 0 : index
    %get3A_33 = arith.constant 0 : index
    %get3A_34 = vector.load %arg6[%get3A_31, %get3A_32, %get3A_33] : memref<1x1000x1xf32, #tpu.memory_space<vmem>>, vector<1x1000x1xf32>
    %squeeze3A_35 = vector.shape_cast %get3A_34 : vector<1x1000x1xf32> to vector<1000x1xf32>
    %add3A_36 = arith.addf %squeeze3A, %squeeze3A_35 : vector<1000x1xf32>
    %get3A_37 = arith.constant 0 : index
    %get3A_38 = arith.constant 0 : index
    %get3A_39 = vector.load %arg4[%get3A_37, %get3A_38] : memref<1000x1xf32, #tpu.memory_space<vmem>>, vector<1000x1xf32>
    %mul3A = vector.broadcast %get3A_39 : vector<1000x1xf32> to vector<1000x128xf32>
    %mul3A_40 = arith.mulf %add3A, %mul3A : vector<1000x128xf32>
    %gt3A = arith.constant 0.000000e+00 : f32
    %gt3A_41 = vector.broadcast %gt3A : f32 to vector<1000x1xf32>
    %gt3A_42 = arith.cmpf ogt, %add3A_36, %gt3A_41 : vector<1000x1xf32>
    %broadcast_in_dim3A = vector.shape_cast %gt3A_42 : vector<1000x1xi1> to vector<1000x1xi1>
    %broadcast_in_dim3A_43 = vector.broadcast %broadcast_in_dim3A : vector<1000x1xi1> to vector<1000x128xi1>
    %select_n3A = arith.select %broadcast_in_dim3A_43, %dot_general3A_21, %dot_general3A_26 : vector<1000x128xi1>, vector<1000x128xf32>
    %add3A_44 = arith.addf %mul3A_40, %select_n3A : vector<1000x128xf32>
    %swap3A = arith.constant 0 : index
    %swap3A_45 = arith.constant 0 : index
    %swap3A_46 = vector.load %arg10[%swap3A, %swap3A_45] : memref<1000x128xf32, #tpu.memory_space<vmem>>, vector<1000x128xf32>
    tpu.vector_store %arg10[%swap3A, %swap3A_45], %add3A_44 {strides = array<i32>} : memref<1000x128xf32, #tpu.memory_space<vmem>>, vector<1000x128xf32>,
    return
  }
  func.func @transform_0(%arg0: i32) -> (i32, i32) {
    %c0_i32 = arith.constant 0 : i32
    %c0_i32_0 = arith.constant 0 : i32
    return %arg0, %c0_i32 : i32, i32
  }
  func.func @transform_1(%arg0: i32) -> (i32, i32) {
    %c0_i32 = arith.constant 0 : i32
    %c0_i32_0 = arith.constant 0 : i32
    return %arg0, %c0_i32 : i32, i32
  }
  func.func @transform_2(%arg0: i32) -> (i32, i32) {
    %c0_i32 = arith.constant 0 : i32
    %c0_i32_0 = arith.constant 0 : i32
    return %arg0, %c0_i32 : i32, i32
  }
  func.func @transform_3(%arg0: i32) -> (i32, i32) {
    %c0_i32 = arith.constant 0 : i32
    %c0_i32_0 = arith.constant 0 : i32
    return %arg0, %c0_i32 : i32, i32
  }
  func.func @transform_4(%arg0: i32) -> (i32, i32, i32) {
    %c0_i32 = arith.constant 0 : i32
    %c0_i32_0 = arith.constant 0 : i32
    %c0_i32_1 = arith.constant 0 : i32
    return %c0_i32, %arg0, %c0_i32_0 : i32, i32, i32
  }
  func.func @transform_5(%arg0: i32) -> (i32, i32, i32) {
    %c1_i32 = arith.constant 1 : i32
    %c0_i32 = arith.constant 0 : i32
    %c0_i32_0 = arith.constant 0 : i32
    return %c1_i32, %arg0, %c0_i32 : i32, i32, i32
  }
  func.func @transform_6(%arg0: i32) -> (i32, i32) {
    %c0_i32 = arith.constant 0 : i32
    %c0_i32_0 = arith.constant 0 : i32
    %c0_i32_1 = arith.constant 0 : i32
    return %c0_i32, %c0_i32_0 : i32, i32
  }
  func.func @transform_7(%arg0: i32) -> (i32, i32) {
    %c0_i32 = arith.constant 0 : i32
    %c0_i32_0 = arith.constant 0 : i32
    %c0_i32_1 = arith.constant 0 : i32
    return %c0_i32, %c0_i32_0 : i32, i32
  }
  func.func @transform_8(%arg0: i32) -> (i32, i32) {
    %c0_i32 = arith.constant 0 : i32
    %c0_i32_0 = arith.constant 0 : i32
    %c0_i32_1 = arith.constant 0 : i32
    return %c0_i32, %c0_i32_0 : i32, i32
  }
  func.func @transform_9(%arg0: i32) -> (i32, i32) {
    %c0_i32 = arith.constant 0 : i32
    %c0_i32_0 = arith.constant 0 : i32
    return %arg0, %c0_i32 : i32, i32
  }
}

</mosaic_0001>

<sc_bundles>
// kernel: kernel.4.cloned.1.call-start
scs
__scs_entry_jumppad:
0x0: {  	(pc) =	sbr.rel $0x88, $3  }
0x1: {  	(tag) =	ssettag $0x0;
	lr =	simm.s32 $0x1  }
0x2: {  	[smem:$0x3F99] =	sst lr;
	_ =	strace $0xD0000000  }
0x3: {  	_ = 	snop  }
0x4: {  	_ = 	snop  }
0x5: {  	_ = 	snop  }
0x6: {  	_ = 	snop  }
0x7: {  	_ = 	snop  }
__scs_overlays_trampoline_lowered:
0x8: {  	[smem:$0x3FA8] =	sst s0  }
0x9: {  	[smem:$0x3FA9] =	sst s1  }
0xa: {  	[smem:$0x3FAA] =	sst s2  }
0xb: {  	[smem:$0x3FAB] =	sst s3  }
0xc: {  	[smem:$0x3FAC] =	sst s4  }
0xd: {  	[smem:$0x3FAD] =	sst s5  }
0xe: {  	[smem:$0x3FAE] =	sst s6  }
0xf: {  	[smem:$0x3FAF] =	sst s7  }
0x10: {  	[smem:$0x3FB0] =	sst s8  }
0x11: {  	[smem:$0x3FB1] =	sst s9;
	s0 =	simm.s32 @!p0 $0x0  }
0x12: {  	s1 =	sld [smem:$0x3F97];
	s0 =	simm.s32 @p0 $0x1  }
0x13: {  	[smem:$0x3FB2] =	sst s0;
	s0 =	simm.s32 @!p1 $0x0  }
0x14: {  	s2 =	sld [smem:$0x3F96];
	s0 =	simm.s32 @p1 $0x1  }
0x15: {  	[smem:$0x3FB3] =	sst s0;
	s0 =	simm.s32 @!p2 $0x0  }
0x16: {  	s3 =	sld [smem:$0x3FDB];
	s0 =	simm.s32 @p2 $0x1  }
0x17: {  	s4 =	simm.s32 $0x1BF5;
	[smem:$0x3FB5] =	sst s0  }
0x18: {  	s0 =	sld [smem:$0x3F98];
	_ =	swait.ge [sflag:s4], $0x0  }
0x19: {  	s7 =	sld [smem:$0x3F99]  }
0x1a: {  	s8 =	sadd.s32 $0xFFFFE003, lr  }
0x1b: {  	s9 =	sadd.s32 $0xFFFFFEF7, lr;
	s5 =	simm.s32 $0xFFFFFFFF;
	p2 =	slt.u32 s8, $0xFFFFF086  }
0x1c: {  	p1 =	slt.u32 s9, $0xF7A;
	s5 =	simm.s32 @!p2 $0x0  }
0x1d: {  	s5 =	simm.s32 @p1 $0x1;
	p0 =	seq.s32 s7, s2  }
0x1e: {  	s7 =	smul.u32 @!p0 $0xF7A, s2;
	p2 =	seq.s32 @!p0 s5, $0x0  }
0x1f: {  	s9 =	smul.u32 $0xF7A, s1;
	s8 =	simm.s32 @!p0 $0x1BF5;
	p2 =	por !p2, p0  }
0x20: {  	[sflag:s8] =	ssyncset.s32 @!p0 $0xFFFFF086;
	s6 =	sadd.s32 @!p0 s3, s7;
	s7 =	simm.s32 @!p0 $0x108  }
0x21: {  	s3 =	sadd.s32 s3, s9;
	s6 =	sadd.s32 @!p0 $0x88, s6;
	s7 =	simm.s32 @p2 $0x1082  }
0x22: {  	[simem:s7], [sflag:s8] =	dma.local @!p0 [hbm:s6], $0xF7A  }
0x23: {  	s9 =	sor.u32 $0xD0000000, s2;
	s6 =	simm.s32 $0x108;
	_ =	swait.ge @!p0 [sflag:s8], $0x0  }
0x24: {  	s3 =	sadd.s32 $0x88, s3;
	s6 =	simm.s32 @!p1 $0x1082;
	[sflag:s4] =	ssyncset.s32 $0xFFFFF086  }
0x25: {  	[simem:s6], [sflag:s4] =	dma.local [hbm:s3], $0xF7A  }
0x26: {  	[smem:$0x3F99] =	sst s1;
	(tag) =	ssettag s2;
	_ =	strace s9  }
0x27: {  	s1 =	sld [smem:$0x3FA9]  }
0x28: {  	s2 =	sld [smem:$0x3FAA]  }
0x29: {  	s4 =	sld [smem:$0x3FAC]  }
0x2a: {  	p0 =	seq.s32 s5, $0x0;
	s5 =	sld [smem:$0x3FAD]  }
0x2b: {  	s6 =	sld [smem:$0x3FAE]  }
0x2c: {  	s7 =	sld [smem:$0x3FAF]  }
0x2d: {  	s3 =	simm.s32 $0x108;
	s8 =	sld [smem:$0x3FB0]  }
0x2e: {  	s3 =	simm.s32 @!p0 $0x1082;
	s9 =	sld [smem:$0x3FB1]  }
0x2f: {  	lr =	sadd.s32 s0, s3;
	s0 =	sld [smem:$0x3FA8]  }
0x30: {  	s3 =	sld [smem:$0x3FAB]  }
0x31: {  	[smem:$0x3FB4] =	sst s10  }
0x32: {  	s10 =	sld [smem:$0x3FB2];
	_ =	sdelay $0x3  }
0x33: {  	p0 =	seq.s32 s10, $0x1;
	s10 =	sld [smem:$0x3FB4];
	_ =	sdelay $0x3  }
0x34: {  	[smem:$0x3FB4] =	sst s10  }
0x35: {  	s10 =	sld [smem:$0x3FB3];
	_ =	sdelay $0x3  }
0x36: {  	p1 =	seq.s32 s10, $0x1;
	s10 =	sld [smem:$0x3FB4];
	_ =	sdelay $0x3  }
0x37: {  	[smem:$0x3FB4] =	sst s10  }
0x38: {  	s10 =	sld [smem:$0x3FB5]  }
0x39: {  	_ = 	snop;
	(pc) =	sbr.ind lr, $3  }
0x3a: {  	_ = 	snop  }
0x3b: {  	_ = 	snop  }
0x3c: {  	p2 =	seq.s32 s10, $0x1;
	s10 =	sld [smem:$0x3FB4]  }
0x3d: {  	_ =	shalt  }
0x3e: {  	_ =	shalt  }
0x3f: {  	_ =	shalt  }
0x40: {  	_ =	shalt  }
0x41: {  	_ =	shalt  }
0x42: {  	_ =	shalt  }
0x43: {  	_ =	shalt  }
0x44: {  	_ =	shalt  }
0x45: {  	_ =	shalt  }
0x46: {  	_ =	shalt  }
0x47: {  	_ =	shalt  }
0x48: {  	_ =	shalt  }
0x49: {  	_ =	shalt  }
0x4a: {  	_ =	shalt  }
0x4b: {  	_ =	shalt  }
0x4c: {  	_ =	shalt  }
0x4d: {  	_ =	shalt  }
0x4e: {  	_ =	shalt  }
0x4f: {  	_ =	shalt  }
0x50: {  	_ =	shalt  }
0x51: {  	_ =	shalt  }
0x52: {  	_ =	shalt  }
0x53: {  	_ =	shalt  }
0x54: {  	_ =	shalt  }
0x55: {  	_ =	shalt  }
0x56: {  	_ =	shalt  }
0x57: {  	_ =	shalt  }
0x58: {  	_ =	shalt  }
0x59: {  	_ =	shalt  }
0x5a: {  	_ =	shalt  }
0x5b: {  	_ =	shalt  }
0x5c: {  	_ =	shalt  }
0x5d: {  	_ =	shalt  }
0x5e: {  	_ =	shalt  }
0x5f: {  	_ =	shalt  }
0x60: {  	_ =	shalt  }
0x61: {  	_ =	shalt  }
0x62: {  	_ =	shalt  }
0x63: {  	_ =	shalt  }
0x64: {  	_ =	shalt  }
0x65: {  	_ =	shalt  }
0x66: {  	_ =	shalt  }
0x67: {  	_ =	shalt  }
0x68: {  	_ =	shalt  }
0x69: {  	_ =	shalt  }
0x6a: {  	_ =	shalt  }
0x6b: {  	_ =	shalt  }
0x6c: {  	_ =	shalt  }
0x6d: {  	_ =	shalt  }
0x6e: {  	_ =	shalt  }
0x6f: {  	_ =	shalt  }
0x70: {  	_ =	shalt  }
0x71: {  	_ =	shalt  }
0x72: {  	_ =	shalt  }
0x73: {  	_ =	shalt  }
0x74: {  	_ =	shalt  }
0x75: {  	_ =	shalt  }
0x76: {  	_ =	shalt  }
0x77: {  	_ =	shalt  }
0x78: {  	_ =	shalt  }
0x79: {  	_ =	shalt  }
0x7a: {  	_ =	shalt  }
0x7b: {  	_ =	shalt  }
0x7c: {  	_ =	shalt  }
0x7d: {  	_ =	shalt  }
0x7e: {  	_ =	shalt  }
0x7f: {  	_ =	shalt  }
0x80: {  	_ =	shalt  }
0x81: {  	_ =	shalt  }
0x82: {  	_ =	shalt  }
0x83: {  	_ =	shalt  }
0x84: {  	_ =	shalt  }
0x85: {  	_ =	shalt  }
0x86: {  	_ =	shalt  }
0x87: {  	_ =	shalt  }
.Lfunc_end0:
.L_simem_size_0:
called_computation_lowered:
.L_overlay_start_0:
0x88: {  	s2 =	sld [smem:$0x3FD9]  }
0x89: {  	s3 =	sld [smem:$0x3FFE];
	_ =	sdelay $0x1  }
0x8a: {  	s1 =	srdreg.scid  }
0x8b: {  	s0 =	sand.u32 $0x1, s1  }
0x8c: {  	s17 =	sshll.u32 s0, $0xA;
	s2 =	sadd.s32 s3, s2  }
0x8d: {  	s2 =	sadd.s32 s2, s17  }
0x8e: {  	[smem:$0x3FC0] =	sst s2  }
0x8f: {  	_ = 	snop  }
0x90: {  	s2 =	sld [smem:$0x3FD0];
	(tm) =	ssettm $0x1  }
0x91: {  	s18 =	sld [smem:$0x3FFB];
	_ =	sdelay $0x3  }
0x92: {  	_ =	strace s18  }
0x93: {  	s3 =	sld [smem:$0x3FFC];
	_ =	sdelay $0x3  }
0x94: {  	_ =	strace s3  }
0x95: {  	s3 =	sld [smem:$0x3FFD];
	_ =	sdelay $0x3  }
0x96: {  	_ =	strace s3  }
0x97: {  	_ =	strace $0x8FFFFFFF  }
0x98: {  	s19 =	sld [smem:$0x3FDB];
	_ =	sdelay $0x1  }
0x99: {  	s4 =	simm.s32 $_scs_section_size  }
0x9a: {  	s5 =	simm.s32 $_size__tile_overlayer_lowered;
	s6 =	simm.s32 $_tile_overlayer_lowered  }
0x9b: {  	s22 =	simm.s32 $0x1BFF;
	s21 =	sshll.u32 s6, $0x1;
	s3 =	sadd.s32 s4, s19  }
0x9c: {  	s7 =	simm.s32 $0x0;
	s20 =	sshll.u32 s5, $0x1;
	s5 =	sadd.s32 s21, s3  }
0x9d: {  	[timem:s7], [sflag:s22] =	dma.local [hbm:s5], s20  }
0x9e: {  	_ =	swait.ge [sflag:s22], s20  }
0x9f: {  	s4 =	ssub.s32 $0x0, s20;
	[sflag:s22] =	ssyncset.done $0x0  }
0xa0: {  	[sflag:s22] =	ssyncadd.s32 s4;
	_ =	sdelay $0x1  }
0xa1: {  	s23 =	simm.s32 $0x1B8B  }
0xa2: {  	_ =	swait.ge [sflag:s23], $0x1  }
0xa3: {  	[sflag:s23] =	ssyncset.done $0x0  }
0xa4: {  	s25 =	simm.s32 $0x1B8E;
	s24 =	sld [smem:$0x3FFE];
	[sflag:s23] =	ssyncadd.s32 $0xFFFFFFFF  }
0xa5: {  	s26 =	simm.s32 $execute0_lowered;
	[smem:$0x3FD2] =	sst s25  }
0xa6: {  	s5 =	sshll.u32 s26, $0x1;
	_ =	strace $0x80000046;
	[dreg:$0x1] =	wrdreg $0xFFFFFFFF  }
0xa7: {  	s28 =	simm.s32 $_size_execute0_lowered;
	s3 =	sadd.s32 s3, s5;
	[dreg:$0x0] =	wrdreg $0x0  }
0xa8: {  	s5 =	sshll.u32 s28, $0x1;
	[dreg:$0x2] =	wrdreg s3  }
0xa9: {  	[dreg:$0x3] =	wrdreg s5  }
0xaa: {  	[dreg:$0x4] =	wrdreg $0xC0  }
0xab: {  	_ =	task [dreg:s7], $0x5FFFF  }
0xac: {  	[dreg:$0x1] =	wrdreg $0xFFFFFFFF  }
0xad: {  	[dreg:$0x0] =	wrdreg $0x60  }
0xae: {  	[dreg:$0x2] =	wrdreg s24  }
0xaf: {  	[dreg:$0x3] =	wrdreg s2  }
0xb0: {  	[dreg:$0x4] =	wrdreg $0x118000  }
0xb1: {  	[dreg:$0x5] =	wrdreg $0x1B8000  }
0xb2: {  	[dreg:$0x6] =	wrdreg $0x1BA800  }
0xb3: {  	[dreg:$0x7] =	wrdreg $0x9  }
0xb4: {  	_ =	task.clear_ibuf [dreg:s7], $0x8FFFF;
	_ =	strace $0x90000046  }
0xb5: {  	s29 =	simm.s32 $0x9;
	_ =	strace $0x80000048  }
0xb6: {  	_ =	swait.ge [sflag:s29], $0x1  }
0xb7: {  	[sflag:s29] =	ssyncadd.s32 $0xFFFFFFFF  }
0xb8: {  	_ =	strace $0x90000048  }
0xb9: {  	_ =	sfence  }
0xba: {  	s30 =	sld [smem:$0x0];
	_ =	sdelay $0x2  }
0xbb: {  	s31 =	sshll.u32 s1, $0xD;
	s1 =	sshrl.u32 s1, $0x2  }
0xbc: {  	s3 =	sand.u32 $0x4000, s31;
	s1 =	sadd.s32 s1, s30  }
0xbd: {  	s0 =	sor.u32 s3, s0;
	s1 =	sshll.u32 s1, $0x11  }
0xbe: {  	s0 =	sor.u32 s1, s0  }
0xbf: {  	s0 =	sadd.s32 $0x8F2B, s0  }
0xc0: {  	[sflag:s0] =	ssyncadd.remote.s32 $0x1  }
0xc1: {  	_ =	sfence.sel $0xFFFF  }
0xc2: {  	[dreg:$0x0] =	wrdreg $0xFFFFFFFF;
	(pc) =	sbr.abs _section_cstart, $3  }
0xc3: {  	[dreg:$0x1] =	wrdreg $0xFFFFFFFF  }
0xc4: {  	_ =	task.clear_ibuf [dreg:s7], $0x2FFFF;
	_ =	strace $0x9FFFFFFF  }
0xc5: {  	(tm) =	ssettm $0x7FFFFFFF  }
tec
execute0_lowered:
.L_overlay_start_1:
0x0: {  	(tag) =	ssettag $0x1  }
0x1: {  	s0 =	rddreg [dreg:$0x0]  }
0x2: {  	s2 =	rddreg [dreg:$0x1];
	s1 =	simm.s32 $0x0  }
0x3: {  	s3 =	srdreg.scid;
	s17 =	stileid.u32;
	s30 =	simm.s32 $0x5000  }
0x4: {  	s31 =	simm.s32 $0x0;
	[smem:$0x7FF] =	sst s1;
	s6 =	smul.u32 $0xA000, s17  }
0x5: {  	s3 =	sand.u32 $0x1, s3;
	s4 =	sadd.s32 $0x3000, s0;
	s9 =	smul.u32 $0x5000, s17  }
0x6: {  	s7 =	sadd.s32 $0x48400, s0;
	s10 =	sadd.s32 $0x34400, s0;
	s11 =	smul.u32 $0x280, s17  }
0x7: {  	p3 =	seq.s32 s17, $0x0;
	s5 =	ssub.s32 $0x2, s3;
	p1 =	seq.s32 s3, $0x1  }
0x8: {  	p2 =	sne.s32 s3, $0x0;
	s8 =	sshrl.u32 s5, $0x1;
	s12 =	sadd.s32 $0x4000, s6  }
0x9: {  	s9 =	sshrl.u32 s9, $0x3;
	s13 =	sadd.s32 $0x6000, s6;
	s25 =	sshrl.u32 s6, $0x3  }
0xa: {  	s15 =	sadd.s32 $0x500, s9;
	s22 =	sadd.s32 s2, s9;
	s9 =	sadd.s32 s4, s9  }
0xb: {  	s14 =	sadd.s32 $0x8000, s6;
	s16 =	sadd.s32 s7, s25;
	[dreg:$0x7] =	wrdreg s9  }
0xc: {  	p3 =	por !p3, !p1;
	s5 =	ssub.s32 s5, s8;
	[dreg:$0xa] =	wrdreg s16  }
0xd: {  	s2 =	sadd.s32 s2, s15;
	s24 =	sadd.s32 s4, s15;
	s15 =	rddreg [dreg:$0x2]  }
0xe: {  	s8 =	sadd.s32 $0x2000, s6;
	s19 =	sshrl.u32 s12, $0x3;
	[dreg:$0x8] =	wrdreg s2  }
0xf: {  	s21 =	sshrl.u32 s13, $0x3;
	s20 =	sadd.s32 s7, s19;
	[dreg:$0x9] =	wrdreg s24  }
0x10: {  	p3 =	por !p3, !p3;
	s26 =	sshrl.u32 s8, $0x3;
	[dreg:$0xc] =	wrdreg s20  }
0x11: {  	s18 =	sadd.s32 s7, s26;
	s24 =	sadd.s32 s10, s19;
	s19 =	rddreg [dreg:$0x4]  }
0x12: {  	s16 =	sshrl.u32 s14, $0x3;
	s2 =	sadd.s32 s10, s25;
	[dreg:$0xb] =	wrdreg s18  }
0x13: {  	s9 =	sor.u32 s3, s17;
	s23 =	sadd.s32 s10, s26;
	[dreg:$0xf] =	wrdreg s2  }
0x14: {  	s17 =	simm.s32 $0x11580;
	s25 =	sadd.s32 s10, s21;
	[dreg:$0x10] =	wrdreg s23  }
0x15: {  	s26 =	smul.u32 $0x2800, s3;
	s10 =	sadd.s32 s10, s16;
	[dreg:$0x11] =	wrdreg s24  }
0x16: {  	p0 =	sne.s32 s9, $0x0;
	s20 =	sadd.s32 $0x20A00, s0;
	[dreg:$0x12] =	wrdreg s25  }
0x17: {  	s6 =	sadd.s32 s6, s15;
	s18 =	sadd.s32 s7, s21;
	[dreg:$0x13] =	wrdreg s10  }
0x18: {  	s28 =	sadd.s32 s13, s15;
	s7 =	sadd.s32 s7, s16;
	[dreg:$0xd] =	wrdreg s18  }
0x19: {  	s29 =	sadd.s32 s14, s15;
	s9 =	simm.s32 $0x7D;
	[dreg:$0xe] =	wrdreg s7  }
0x1a: {  	s13 =	simm.s32 $0x7800;
	s16 =	sadd.s32 $0x2800, s0;
	s18 =	rddreg [dreg:$0x3]  }
0x1b: {  	s24 =	smax.u32 s5, $0x1;
	_ =	strace $0x80000047;
	[dreg:$0x14] =	wrdreg s16  }
0x1c: {  	s14 =	simm.s32 $0x4;
	s25 =	sadd.s32 $0xA000, s22;
	[dreg:$0x1b] =	wrdreg s24  }
0x1d: {  	s21 =	sadd.s32 $0xD000, s0;
	s5 =	simm.s32 $0x9;
	[dreg:$0x1c] =	wrdreg s25  }
0x1e: {  	s2 =	sadd.s32 s11, s26;
	s26 =	sadd.s32 $0xA500, s22;
	[dreg:$0x6] =	wrdreg s22  }
0x1f: {  	s10 =	simm.s32 $0xB680;
	s7 =	sadd.s32 s8, s15;
	[dreg:$0x1d] =	wrdreg s26  }
0x20: {  	s8 =	sadd.s32 s12, s15;
	s12 =	simm.s32 $0x2;
	[dreg:$0x16] =	wrdreg s6  }
0x21: {  	s2 =	sshrl.u32 s2, $0x3;
	s4 =	sadd.s32 s11, s18;
	[dreg:$0x17] =	wrdreg s7  }
0x22: {  	s26 =	simm.s32 $0x2800;
	s11 =	simm.s32 $0xD5C0;
	[dreg:$0x18] =	wrdreg s8  }
0x23: {  	s2 =	sadd.s32 s2, s0;
	s0 =	sadd.s32 $0x2000, s0;
	[dreg:$0x19] =	wrdreg s4  }
0x24: {  	s16 =	simm.s32 $0x5;
	[dreg:$0x15] =	wrdreg s0;
	s23 =	sadd.s32 $0x5C400, s2  }
0x25: {  	v0 =	vimm.f32 $0.0e+00;
	v1 =	vimm.f32 $1.000000000e+00;
	s22 =	simm.s32 $0x9740;
	[dreg:$0x1a] =	wrdreg s23;
	s23 =	simm.s32 $0x6  }
.LBB2_1:
0x26: {  	s2 =	simm.s32 $0x100;
	s0 =	simm.s32 $0x0  }
.LBB2_2:
0x27: {  	p4 =	sne.s32 s2, $0x7F00;
	[tilespmem:s0+$0xF5B0] =	vst v0;
	s3 =	smov.u32 s2;
	s2 =	sadd.s32 $0x100, s2  }
.Ltmp0:
0x28: {  	[tilespmem:s0+$0xF5A0] =	vst v0;
	(pc) =	sbr.rel @p4 .LBB2_2-.Ltmp0, $3  }
0x29: {  	[tilespmem:s0+$0xF580] =	vst v0  }
0x2a: {  	[tilespmem:s0+$0xF590] =	vst v0;
	_ =	sdelay $0x1  }
0x2b: {  	s0 =	sshra.s32 s3, $0x2  }
0x2c: {  	[tilespmem:s0+$0xF5B0] =	vst v0  }
0x2d: {  	[tilespmem:s0+$0xF5A0] =	vst v0  }
0x2e: {  	[tilespmem:s0+$0xF580] =	vst v0  }
0x2f: {  	[tilespmem:s0+$0xF590] =	vst v0  }
0x30: {  	[tilespmem:$0x11580] =	vst v0  }
0x31: {  	[tilespmem:$0x11590] =	vst v0  }
0x32: {  	[tilespmem:$0x115A0] =	vst v0  }
0x33: {  	[tilespmem:$0x115B0] =	vst v0  }
0x34: {  	[tilespmem:$0x115C0] =	vst v0  }
0x35: {  	[tilespmem:$0x115D0] =	vst v0  }
0x36: {  	[tilespmem:$0x115E0] =	vst v0  }
0x37: {  	[tilespmem:$0x115F0] =	vst v0  }
0x38: {  	[tilespmem:$0x11600] =	vst v0  }
0x39: {  	[tilespmem:$0x11610] =	vst v0  }
0x3a: {  	[tilespmem:$0x11620] =	vst v0  }
0x3b: {  	[tilespmem:$0x11630] =	vst v0  }
0x3c: {  	[tilespmem:$0x11640] =	vst v0  }
0x3d: {  	[tilespmem:$0x11650] =	vst v0  }
0x3e: {  	[tilespmem:$0x11660] =	vst v0  }
0x3f: {  	[tilespmem:$0x11670] =	vst v0  }
0x40: {  	[tilespmem:$0x11680] =	vst v0  }
0x41: {  	[tilespmem:$0x11690] =	vst v0  }
0x42: {  	[tilespmem:$0x116A0] =	vst v0  }
0x43: {  	[tilespmem:$0x116B0] =	vst v0  }
0x44: {  	[tilespmem:$0x116C0] =	vst v0  }
0x45: {  	[tilespmem:$0x116D0] =	vst v0  }
0x46: {  	[tilespmem:$0x116E0] =	vst v0  }
0x47: {  	[tilespmem:$0x116F0] =	vst v0  }
0x48: {  	[tilespmem:$0x11700] =	vst v0  }
0x49: {  	[tilespmem:$0x11710] =	vst v0  }
0x4a: {  	[tilespmem:$0x11720] =	vst v0  }
0x4b: {  	[tilespmem:$0x11730] =	vst v0  }
0x4c: {  	[tilespmem:$0x11740] =	vst v0  }
0x4d: {  	[tilespmem:$0x11750] =	vst v0  }
0x4e: {  	[tilespmem:$0x11760] =	vst v0  }
0x4f: {  	[tilespmem:$0x11770] =	vst v0  }
0x50: {  	[tilespmem:$0x11780] =	vst v0  }
0x51: {  	[tilespmem:$0x11790] =	vst v0  }
0x52: {  	[tilespmem:$0x117A0] =	vst v0  }
0x53: {  	[tilespmem:$0x117B0] =	vst v0  }
0x54: {  	[tilespmem:$0x117C0] =	vst v0  }
0x55: {  	[tilespmem:$0x117D0] =	vst v0  }
0x56: {  	[tilespmem:$0x117E0] =	vst v0  }
0x57: {  	[tilespmem:$0x117F0] =	vst v0  }
0x58: {  	[tilespmem:$0xF500] =	vst v1  }
0x59: {  	[tilespmem:$0xF510] =	vst v1  }
0x5a: {  	[tilespmem:$0xF520] =	vst v1  }
0x5b: {  	[tilespmem:$0xF530] =	vst v1  }
0x5c: {  	[tilespmem:$0xF540] =	vst v1  }
0x5d: {  	[tilespmem:$0xF550] =	vst v1  }
0x5e: {  	[tilespmem:$0xF560] =	vst v1  }
0x5f: {  	s3 =	simm.s32 $0xF580;
	[tilespmem:$0xF570] =	vst v1  }
0x60: {  	[spmem:s6] =	stream.linear.scatter [tilespmem:s3], [sflag:$0x9], $0x2000, $0x38;
	[tilespmem:$0x1BDA0] =	vst v63  }
0x61: {  	_ =	swait.ge [sflag:s5], $0x2000  }
0x62: {  	[sflag:s5] =	ssyncset.done $0x0  }
0x63: {  	[sflag:s5] =	ssyncadd.s32 $0xFFFFE000  }
0x64: {  	[spmem:s7] =	stream.linear.scatter [tilespmem:s3], [sflag:$0x9], $0x2000, $0x38;
	[tilespmem:$0x1BDA0] =	vst v63  }
0x65: {  	_ =	swait.ge [sflag:s5], $0x2000  }
0x66: {  	[sflag:s5] =	ssyncset.done $0x0  }
0x67: {  	[sflag:s5] =	ssyncadd.s32 $0xFFFFE000  }
0x68: {  	[spmem:s8] =	stream.linear.scatter [tilespmem:s3], [sflag:$0x9], $0x2000, $0x38;
	[tilespmem:$0x1BDA0] =	vst v63  }
0x69: {  	_ =	swait.ge [sflag:s5], $0x2000  }
0x6a: {  	[sflag:s5] =	ssyncset.done $0x0  }
0x6b: {  	[sflag:s5] =	ssyncadd.s32 $0xFFFFE000  }
0x6c: {  	[spmem:s28] =	stream.linear.scatter [tilespmem:s3], [sflag:$0x9], $0x2000, $0x38;
	[tilespmem:$0x1BDA0] =	vst v63  }
0x6d: {  	_ =	swait.ge [sflag:s5], $0x2000  }
0x6e: {  	[sflag:s5] =	ssyncset.done $0x0  }
0x6f: {  	[sflag:s5] =	ssyncadd.s32 $0xFFFFE000  }
0x70: {  	[spmem:s29] =	stream.linear.scatter [tilespmem:s3], [sflag:$0x9], $0x2000, $0x38;
	[tilespmem:$0x1BDA0] =	vst v63  }
0x71: {  	_ =	swait.ge [sflag:s5], $0x2000  }
0x72: {  	[sflag:s5] =	ssyncset.done $0x0  }
0x73: {  	[sflag:s5] =	ssyncadd.s32 $0xFFFFE000  }
0x74: {  	[spmem:s4] =	stream.linear.scatter [tilespmem:s17], [sflag:$0x9], $0x280, $0x38;
	[tilespmem:$0x1BDA0] =	vst v63  }
0x75: {  	s0 =	stileid.u32;
	_ =	swait.ge [sflag:s5], $0x280  }
0x76: {  	s2 =	sshrl.u32 @!p0 s19, $0x3;
	s0 =	sshll.u32 @!p0 s0, $0x6;
	[sflag:s5] =	ssyncset.done $0x0  }
0x77: {  	s0 =	sor.u32 @!p0 $0x1C09, s0;
	s3 =	rddreg [dreg:$0x14];
	[sflag:s5] =	ssyncadd.s32 $0xFFFFFD80  }
0x78: {  	[spmem:s2], [sflag:s0] =	dma.local @!p0 [hbm:s3], $0x640  }
0x79: {  	s0 =	simm.s32 @!p0 $0x9  }
0x7a: {  	_ =	swait.ge @!p0 [sflag:s0], $0x640  }
0x7b: {  	s2 =	simm.s32 @p3 $0x1C09;
	[sflag:s0] =	ssyncset.done @!p0 $0x0  }
0x7c: {  	s3 =	rddreg [dreg:$0x15];
	[sflag:s0] =	ssyncadd.s32 @!p0 $0xFFFFF9C0;
	s0 =	sshrl.u32 @p3 s19, $0x3  }
0x7d: {  	[spmem:s0], [sflag:s2] =	dma.local @p3 [hbm:s3], $0x640  }
0x7e: {  	s0 =	simm.s32 @p3 $0x9  }
0x7f: {  	_ =	swait.ge @p3 [sflag:s0], $0x640  }
0x80: {  	[sflag:s0] =	ssyncset.done @p3 $0x0  }
0x81: {  	[sflag:s0] =	ssyncadd.s32 @p3 $0xFFFFF9C0  }
0x82: {  	[bflag:$0x0] =	sbarrier.arrive $0xFFFF  }
0x83: {  	s8 =	rddreg [dreg:$0x6]  }
0x84: {  	[tilespmem:s1], [sflag:$0x9] =	stream.linear.gather [hbm4b:s8+s1], $0x2800, $0x38;
	[tilespmem:$0x1BDA0] =	vst v63  }
0x85: {  	_ =	swait.ge [sflag:s5], $0x2800  }
0x86: {  	[sflag:s5] =	ssyncset.done $0x0  }
0x87: {  	s17 =	rddreg [dreg:$0x1c];
	[sflag:s5] =	ssyncadd.s32 $0xFFFFD800  }
0x88: {  	[tilespmem:s26], [sflag:$0x9] =	stream.linear.gather [hbm4b:s17+s1], $0x2800, $0x38;
	[tilespmem:$0x1BDA0] =	vst v63  }
0x89: {  	_ =	swait.ge [sflag:s5], $0x2800  }
0x8a: {  	[sflag:s5] =	ssyncset.done $0x0  }
0x8b: {  	s24 =	rddreg [dreg:$0x7];
	[sflag:s5] =	ssyncadd.s32 $0xFFFFD800  }
0x8c: {  	[tilespmem:s30], [sflag:$0x9] =	stream.linear.gather [hbm4b:s24+s1], $0x2800, $0x38;
	[tilespmem:$0x1BDA0] =	vst v63  }
0x8d: {  	_ =	swait.ge [sflag:s5], $0x2800  }
0x8e: {  	s2 =	simm.s32 @!p2 $0x0;
	[sflag:s5] =	ssyncset.done $0x0  }
0x8f: {  	s3 =	simm.s32 @!p2 $0x7800;
	s0 =	simm.s32 @!p2 $0x7D;
	[sflag:s5] =	ssyncadd.s32 $0xFFFFD800  }
0x90: {  	[tilespmem:s3], [sflag:$0x1] =	stream.indirect.gather @!p2 [hbm4b:s20+s0], $0x40, s2, s0, $0xb8;
	[tilespmem:$0x1BDA0] =	vst v63  }
0x91: {  	s4 =	simm.s32 @p1 $0x7800;
	s2 =	simm.s32 @p1 $0x7D;
	s3 =	simm.s32 @p1 $0x0  }
0x92: {  	[tilespmem:s4], [sflag:$0x1] =	stream.indirect.gather @p1 [hbm4b:s21+s2], $0x40, s3, s2, $0xb8;
	[tilespmem:$0x1BDA0] =	vst v63  }
0x93: {  	_ = 	snop  }
0x94: {  	[tilespmem:s10], [sflag:$0x2] =	stream.indirect.gather [spmem:s19], $0x40, s30, s9, $0xb8;
	[tilespmem:$0x1BDA0] =	vst v63  }
0x95: {  	s25 =	simm.s32 $0x5080  }
0x96: {  	[tilespmem:s11], [sflag:$0x4] =	stream.indirect.gather [spmem:s19], $0x40, s25, s9, $0xb8;
	[tilespmem:$0x1BDA0] =	vst v63  }
0x97: {  	s3 =	simm.s32 @!p2 $0x80;
	s4 =	simm.s32 @!p2 $0x9740  }
0x98: {  	[tilespmem:s4], [sflag:$0x3] =	stream.indirect.gather @!p2 [hbm4b:s20+s0], $0x40, s3, s0, $0xb8;
	[tilespmem:$0x1BDA0] =	vst v63  }
0x99: {  	s0 =	simm.s32 @p1 $0x80;
	s3 =	simm.s32 @p1 $0x9740  }
0x9a: {  	[tilespmem:s3], [sflag:$0x3] =	stream.indirect.gather @p1 [hbm4b:s21+s2], $0x40, s0, s2, $0xb8;
	[tilespmem:$0x1BDA0] =	vst v63  }
0x9b: {  	s0 =	simm.s32 @!p2 $0x1  }
0x9c: {  	_ =	swait.ge @!p2 [sflag:s0], $0x1F40  }
0x9d: {  	[sflag:s0] =	ssyncset.done @!p2 $0x0  }
0x9e: {  	[sflag:s0] =	ssyncadd.s32 @!p2 $0xFFFFE0C0;
	s0 =	simm.s32 @p1 $0x1  }
0x9f: {  	_ =	swait.ge @p1 [sflag:s0], $0x1F40  }
0xa0: {  	[sflag:s0] =	ssyncset.done @p1 $0x0  }
0xa1: {  	[sflag:s0] =	ssyncadd.s32 @p1 $0xFFFFE0C0  }
0xa2: {  	_ =	swait.ge [sflag:s12], $0x1F40  }
0xa3: {  	[sflag:s12] =	ssyncset.done $0x0  }
0xa4: {  	s0 =	simm.s32 $0x78A0;
	[sflag:s12] =	ssyncadd.s32 $0xFFFFE0C0  }
0xa5: {  	s2 =	simm.s32 $0xB720;
	v2 =	vld [tilespmem:s0+$0x60]  }
0xa6: {  	v3 =	vld [tilespmem:s2+$0x60]  }
0xa7: {  	v4 =	vld [tilespmem:s2+$0xFFFFFF60]  }
0xa8: {  	v5 =	vld [tilespmem:s0+$0xFFFFFFA0]  }
0xa9: {  	v6 =	vld [tilespmem:s0+$0xFFFFFFE0]  }
0xaa: {  	v8 =	vld [tilespmem:s2+$0xFFFFFFE0]  }
0xab: {  	v9 =	vld [tilespmem:s0+$0x20]  }
0xac: {  	v10 =	vld [tilespmem:s0+$0xFFFFFF60]  }
0xad: {  	v2 =	vadd.f32 v3, v2;
	v3 =	vld [tilespmem:s2+$0xFFFFFFA0]  }
0xae: {  	v12 =	vld [tilespmem:s0+$0x0]  }
0xaf: {  	[tilespmem:s0+$0x60] =	vst v2;
	v2 =	vld [tilespmem:s0+$0x70]  }
0xb0: {  	v7 =	vld [tilespmem:s2+$0x70]  }
0xb1: {  	v6 =	vadd.f32 v8, v6;
	v8 =	vld [tilespmem:s0+$0xFFFFFFB0];
	v4 =	vadd.f32 v4, v10  }
0xb2: {  	v3 =	vadd.f32 v3, v5;
	v5 =	vld [tilespmem:s2+$0x20]  }
0xb3: {  	v10 =	vld [tilespmem:s0+$0x30];
	[tilespmem:s0+$0xFFFFFF60] =	vst v4  }
0xb4: {  	v4 =	vld [tilespmem:s2+$0xFFFFFF70];
	[tilespmem:s0+$0xFFFFFFA0] =	vst v3  }
0xb5: {  	v3 =	vld [tilespmem:s2+$0xFFFFFFB0];
	v2 =	vadd.f32 v7, v2  }
0xb6: {  	v7 =	vld [tilespmem:s0+$0xFFFFFF70]  }
0xb7: {  	[tilespmem:s0+$0x70] =	vst v2;
	v2 =	vadd.f32 v5, v9;
	v5 =	vld [tilespmem:s0+$0x80]  }
0xb8: {  	[tilespmem:s0+$0xFFFFFFE0] =	vst v6;
	v6 =	vld [tilespmem:s2+$0x80]  }
0xb9: {  	v9 =	vld [tilespmem:s2+$0xFFFFFFF0]  }
0xba: {  	[tilespmem:s0+$0x20] =	vst v2;
	v3 =	vadd.f32 v3, v8;
	v8 =	vld [tilespmem:s0+$0xFFFFFFF0]  }
0xbb: {  	v2 =	vld [tilespmem:s2+$0x30]  }
0xbc: {  	v13 =	vld [tilespmem:s0+$0xFFFFFFD0];
	v4 =	vadd.f32 v4, v7  }
0xbd: {  	[tilespmem:s0+$0xFFFFFFB0] =	vst v3;
	v5 =	vadd.f32 v6, v5;
	v6 =	vld [tilespmem:s0+$0xFFFFFF80]  }
0xbe: {  	[tilespmem:s0+$0xFFFFFF70] =	vst v4;
	v3 =	vld [tilespmem:s2+$0xFFFFFFC0]  }
0xbf: {  	[tilespmem:s0+$0x80] =	vst v5;
	v5 =	vadd.f32 v9, v8;
	v8 =	vld [tilespmem:s0+$0xFFFFFFC0]  }
0xc0: {  	v4 =	vld [tilespmem:s2+$0xFFFFFF80];
	v2 =	vadd.f32 v2, v10  }
0xc1: {  	v7 =	vld [tilespmem:s0+$0x90];
	[tilespmem:s0+$0xFFFFFFF0] =	vst v5  }
0xc2: {  	[tilespmem:s0+$0x30] =	vst v2;
	v10 =	vld [tilespmem:s2+$0x0]  }
0xc3: {  	v11 =	vld [tilespmem:s2+$0x40]  }
0xc4: {  	v3 =	vadd.f32 v3, v8;
	v8 =	vld [tilespmem:s0+$0x40]  }
0xc5: {  	v9 =	vld [tilespmem:s2+$0x90];
	v4 =	vadd.f32 v4, v6  }
0xc6: {  	v2 =	vld [tilespmem:s0+$0xFFFFFF90];
	[tilespmem:s0+$0xFFFFFFC0] =	vst v3  }
0xc7: {  	[tilespmem:s0+$0xFFFFFF80] =	vst v4;
	v14 =	vld [tilespmem:s2+$0xFFFFFFD0]  }
0xc8: {  	v5 =	vld [tilespmem:s2+$0xFFFFFF90];
	v4 =	vadd.f32 v10, v12  }
0xc9: {  	v3 =	vld [tilespmem:s0+$0x10];
	v8 =	vadd.f32 v11, v8  }
0xca: {  	v7 =	vadd.f32 v9, v7;
	[tilespmem:s0+$0x0] =	vst v4;
	v4 =	vld [tilespmem:s0+$0x50]  }
0xcb: {  	v6 =	vld [tilespmem:s2+$0x10];
	[tilespmem:s0+$0x40] =	vst v8  }
0xcc: {  	s4 =	simm.s32 $0x79E0;
	s3 =	simm.s32 $0x0;
	[tilespmem:s0+$0x90] =	vst v7;
	v8 =	vadd.f32 v14, v13;
	v7 =	vld [tilespmem:s2+$0x50]  }
.LBB2_4:
0xcd: {  	v9 =	vld [tilespmem:s4+$0x60];
	v2 =	vadd.f32 v5, v2;
	s2 =	sadd.s32 $0x140, s2  }
0xce: {  	s3 =	sadd.s32 $0x5, s3;
	v5 =	vld [tilespmem:s2+$0x60];
	[tilespmem:s0+$0xFFFFFFD0] =	vst v8  }
0xcf: {  	p4 =	slt.u32 s3, $0x78;
	v8 =	vld [tilespmem:s2+$0xFFFFFF60];
	[tilespmem:s0+$0xFFFFFF90] =	vst v2  }
0xd0: {  	v2 =	vld [tilespmem:s4+$0xFFFFFFA0];
	v3 =	vadd.f32 v6, v3  }
0xd1: {  	v6 =	vld [tilespmem:s2+$0xFFFFFFA0];
	v4 =	vadd.f32 v7, v4  }
0xd2: {  	v7 =	vld [tilespmem:s4+$0xFFFFFFE0];
	[tilespmem:s0+$0x10] =	vst v3  }
0xd3: {  	v3 =	vld [tilespmem:s2+$0xFFFFFFE0];
	v5 =	vadd.f32 v5, v9;
	[tilespmem:s0+$0x50] =	vst v4;
	s0 =	smov.u32 s4  }
0xd4: {  	v4 =	vld [tilespmem:s4+$0x20]  }
0xd5: {  	[tilespmem:s4+$0x60] =	vst v5;
	v5 =	vld [tilespmem:s4+$0x70]  }
0xd6: {  	v2 =	vadd.f32 v6, v2;
	v6 =	vld [tilespmem:s2+$0x70]  }
0xd7: {  	v9 =	vld [tilespmem:s2+$0x20]  }
0xd8: {  	v10 =	vld [tilespmem:s4+$0xFFFFFF60];
	[tilespmem:s4+$0xFFFFFFA0] =	vst v2;
	v2 =	vadd.f32 v3, v7  }
0xd9: {  	v3 =	vld [tilespmem:s2+$0xFFFFFFB0]  }
0xda: {  	v7 =	vld [tilespmem:s4+$0xFFFFFF70];
	[tilespmem:s4+$0xFFFFFFE0] =	vst v2  }
0xdb: {  	v2 =	vld [tilespmem:s2+$0xFFFFFFF0];
	v5 =	vadd.f32 v6, v5  }
0xdc: {  	v6 =	vld [tilespmem:s4+$0xFFFFFFB0];
	v4 =	vadd.f32 v9, v4  }
0xdd: {  	v8 =	vadd.f32 v8, v10;
	[tilespmem:s4+$0x70] =	vst v5;
	v5 =	vld [tilespmem:s4+$0x80]  }
0xde: {  	[tilespmem:s4+$0x20] =	vst v4;
	v4 =	vld [tilespmem:s2+$0x80]  }
0xdf: {  	[tilespmem:s4+$0xFFFFFF60] =	vst v8;
	v8 =	vld [tilespmem:s2+$0x30]  }
0xe0: {  	v9 =	vld [tilespmem:s2+$0xFFFFFF70]  }
0xe1: {  	v3 =	vadd.f32 v3, v6;
	v6 =	vld [tilespmem:s4+$0xFFFFFFF0]  }
0xe2: {  	v10 =	vld [tilespmem:s4+$0x30]  }
0xe3: {  	v11 =	vld [tilespmem:s4+$0xFFFFFF80];
	[tilespmem:s4+$0xFFFFFFB0] =	vst v3;
	v3 =	vadd.f32 v4, v5  }
0xe4: {  	v4 =	vld [tilespmem:s2+$0xFFFFFFC0]  }
0xe5: {  	v5 =	vadd.f32 v9, v7;
	[tilespmem:s4+$0x80] =	vst v3;
	v3 =	vld [tilespmem:s4+$0x90]  }
0xe6: {  	v2 =	vadd.f32 v2, v6;
	v6 =	vld [tilespmem:s2+$0x90]  }
0xe7: {  	[tilespmem:s4+$0xFFFFFF70] =	vst v5;
	v5 =	vld [tilespmem:s4+$0xFFFFFFC0];
	v7 =	vadd.f32 v8, v10  }
0xe8: {  	v8 =	vld [tilespmem:s2+$0xFFFFFF80];
	[tilespmem:s4+$0xFFFFFFF0] =	vst v2  }
0xe9: {  	v9 =	vld [tilespmem:s2+$0x0];
	[tilespmem:s4+$0x30] =	vst v7  }
0xea: {  	v7 =	vld [tilespmem:s2+$0x40]  }
0xeb: {  	v10 =	vld [tilespmem:s4+$0x0];
	v3 =	vadd.f32 v6, v3  }
0xec: {  	v4 =	vadd.f32 v4, v5;
	v6 =	vld [tilespmem:s4+$0x40]  }
0xed: {  	v5 =	vadd.f32 v8, v11;
	v2 =	vld [tilespmem:s4+$0xFFFFFF90];
	[tilespmem:s4+$0x90] =	vst v3  }
0xee: {  	[tilespmem:s4+$0xFFFFFFC0] =	vst v4;
	v8 =	vld [tilespmem:s4+$0xFFFFFFD0]  }
0xef: {  	[tilespmem:s4+$0xFFFFFF80] =	vst v5;
	v11 =	vld [tilespmem:s2+$0xFFFFFFD0]  }
.Ltmp1:
0xf0: {  	v5 =	vld [tilespmem:s2+$0xFFFFFF90];
	v4 =	vadd.f32 v9, v10;
	(pc) =	sbr.rel @p4 .LBB2_4-.Ltmp1, $4  }
0xf1: {  	v3 =	vld [tilespmem:s4+$0x10];
	v7 =	vadd.f32 v7, v6  }
0xf2: {  	[tilespmem:s4+$0x0] =	vst v4;
	v4 =	vld [tilespmem:s4+$0x50]  }
0xf3: {  	v6 =	vld [tilespmem:s2+$0x10];
	[tilespmem:s4+$0x40] =	vst v7  }
0xf4: {  	s4 =	sadd.s32 $0x140, s4;
	v8 =	vadd.f32 v11, v8;
	v7 =	vld [tilespmem:s2+$0x50]  }
0xf5: {  	_ =	sdelay $0x1  }
0xf6: {  	v2 =	vadd.f32 v5, v2  }
0xf7: {  	[tilespmem:s0+$0xFFFFFFD0] =	vst v8;
	v3 =	vadd.f32 v6, v3  }
0xf8: {  	[tilespmem:s0+$0xFFFFFF90] =	vst v2;
	v2 =	vadd.f32 v7, v4  }
0xf9: {  	[tilespmem:s0+$0x10] =	vst v3  }
0xfa: {  	s25 =	simm.s32 $0x5100;
	[tilespmem:s0+$0x50] =	vst v2  }
0xfb: {  	[tilespmem:s10], [sflag:$0x2] =	stream.indirect.gather [spmem:s19], $0x40, s25, s9, $0xb8;
	[tilespmem:$0x1BDA0] =	vst v63  }
0xfc: {  	_ = 	snop  }
0xfd: {  	[spmem:s15] =	stream.indirect.scatter.add.f32 [tilespmem:s13], [sflag:$0x5], $0x40, s26, s9, $0xb8;
	[tilespmem:$0x1BDA0] =	vst v63  }
0xfe: {  	s2 =	simm.s32 @!p2 $0x2800;
	s3 =	simm.s32 @!p2 $0xF500;
	s0 =	simm.s32 @!p2 $0x7D  }
0xff: {  	[spmem:s18] =	stream.indirect.scatter.add.f32 @!p2 [tilespmem:s3], [sflag:$0x7], $0x1, s2, s0, $0xb8;
	[tilespmem:$0x1BDA0] =	vst v63  }
0x100: {  	s0 =	simm.s32 @!p2 $0x3  }
0x101: {  	_ =	swait.ge @!p2 [sflag:s0], $0x1F40  }
0x102: {  	[sflag:s0] =	ssyncset.done @!p2 $0x0  }
0x103: {  	[sflag:s0] =	ssyncadd.s32 @!p2 $0xFFFFE0C0;
	s0 =	simm.s32 @p1 $0x3  }
0x104: {  	_ =	swait.ge @p1 [sflag:s0], $0x1F40  }
0x105: {  	[sflag:s0] =	ssyncset.done @p1 $0x0  }
0x106: {  	[sflag:s0] =	ssyncadd.s32 @p1 $0xFFFFE0C0  }
0x107: {  	_ =	swait.ge [sflag:s14], $0x1F40  }
0x108: {  	[sflag:s14] =	ssyncset.done $0x0  }
0x109: {  	s0 =	simm.s32 $0x97E0;
	[sflag:s14] =	ssyncadd.s32 $0xFFFFE0C0  }
0x10a: {  	s2 =	simm.s32 $0xD660;
	v2 =	vld [tilespmem:s0+$0x60]  }
0x10b: {  	v3 =	vld [tilespmem:s2+$0x60]  }
0x10c: {  	v4 =	vld [tilespmem:s2+$0xFFFFFF60]  }
0x10d: {  	v5 =	vld [tilespmem:s0+$0xFFFFFFA0]  }
0x10e: {  	v6 =	vld [tilespmem:s0+$0xFFFFFFE0]  }
0x10f: {  	v8 =	vld [tilespmem:s2+$0xFFFFFFE0]  }
0x110: {  	v9 =	vld [tilespmem:s0+$0x20]  }
0x111: {  	v10 =	vld [tilespmem:s0+$0xFFFFFF60]  }
0x112: {  	v2 =	vadd.f32 v3, v2;
	v3 =	vld [tilespmem:s2+$0xFFFFFFA0]  }
0x113: {  	v12 =	vld [tilespmem:s0+$0x0]  }
0x114: {  	[tilespmem:s0+$0x60] =	vst v2;
	v2 =	vld [tilespmem:s0+$0x70]  }
0x115: {  	v7 =	vld [tilespmem:s2+$0x70]  }
0x116: {  	v6 =	vadd.f32 v8, v6;
	v8 =	vld [tilespmem:s0+$0xFFFFFFB0];
	v4 =	vadd.f32 v4, v10  }
0x117: {  	v3 =	vadd.f32 v3, v5;
	v5 =	vld [tilespmem:s2+$0x20]  }
0x118: {  	v10 =	vld [tilespmem:s0+$0x30];
	[tilespmem:s0+$0xFFFFFF60] =	vst v4  }
0x119: {  	v4 =	vld [tilespmem:s2+$0xFFFFFF70];
	[tilespmem:s0+$0xFFFFFFA0] =	vst v3  }
0x11a: {  	v3 =	vld [tilespmem:s2+$0xFFFFFFB0];
	v2 =	vadd.f32 v7, v2  }
0x11b: {  	v7 =	vld [tilespmem:s0+$0xFFFFFF70]  }
0x11c: {  	[tilespmem:s0+$0x70] =	vst v2;
	v2 =	vadd.f32 v5, v9;
	v5 =	vld [tilespmem:s0+$0x80]  }
0x11d: {  	[tilespmem:s0+$0xFFFFFFE0] =	vst v6;
	v6 =	vld [tilespmem:s2+$0x80]  }
0x11e: {  	v9 =	vld [tilespmem:s2+$0xFFFFFFF0]  }
0x11f: {  	[tilespmem:s0+$0x20] =	vst v2;
	v3 =	vadd.f32 v3, v8;
	v8 =	vld [tilespmem:s0+$0xFFFFFFF0]  }
0x120: {  	v2 =	vld [tilespmem:s2+$0x30]  }
0x121: {  	v13 =	vld [tilespmem:s0+$0xFFFFFFD0];
	v4 =	vadd.f32 v4, v7  }
0x122: {  	[tilespmem:s0+$0xFFFFFFB0] =	vst v3;
	v5 =	vadd.f32 v6, v5;
	v6 =	vld [tilespmem:s0+$0xFFFFFF80]  }
0x123: {  	[tilespmem:s0+$0xFFFFFF70] =	vst v4;
	v3 =	vld [tilespmem:s2+$0xFFFFFFC0]  }
0x124: {  	[tilespmem:s0+$0x80] =	vst v5;
	v5 =	vadd.f32 v9, v8;
	v8 =	vld [tilespmem:s0+$0xFFFFFFC0]  }
0x125: {  	v4 =	vld [tilespmem:s2+$0xFFFFFF80];
	v2 =	vadd.f32 v2, v10  }
0x126: {  	v7 =	vld [tilespmem:s0+$0x90];
	[tilespmem:s0+$0xFFFFFFF0] =	vst v5  }
0x127: {  	[tilespmem:s0+$0x30] =	vst v2;
	v10 =	vld [tilespmem:s2+$0x0]  }
0x128: {  	v11 =	vld [tilespmem:s2+$0x40]  }
0x129: {  	v3 =	vadd.f32 v3, v8;
	v8 =	vld [tilespmem:s0+$0x40]  }
0x12a: {  	v9 =	vld [tilespmem:s2+$0x90];
	v4 =	vadd.f32 v4, v6  }
0x12b: {  	v2 =	vld [tilespmem:s0+$0xFFFFFF90];
	[tilespmem:s0+$0xFFFFFFC0] =	vst v3  }
0x12c: {  	[tilespmem:s0+$0xFFFFFF80] =	vst v4;
	v14 =	vld [tilespmem:s2+$0xFFFFFFD0]  }
0x12d: {  	v5 =	vld [tilespmem:s2+$0xFFFFFF90];
	v4 =	vadd.f32 v10, v12  }
0x12e: {  	v3 =	vld [tilespmem:s0+$0x10];
	v8 =	vadd.f32 v11, v8  }
0x12f: {  	v7 =	vadd.f32 v9, v7;
	[tilespmem:s0+$0x0] =	vst v4;
	v4 =	vld [tilespmem:s0+$0x50]  }
0x130: {  	v6 =	vld [tilespmem:s2+$0x10];
	[tilespmem:s0+$0x40] =	vst v8  }
0x131: {  	s4 =	simm.s32 $0x9920;
	s3 =	simm.s32 $0x0;
	[tilespmem:s0+$0x90] =	vst v7;
	v8 =	vadd.f32 v14, v13;
	v7 =	vld [tilespmem:s2+$0x50]  }
.LBB2_6:
0x132: {  	v9 =	vld [tilespmem:s4+$0x60];
	v2 =	vadd.f32 v5, v2;
	s2 =	sadd.s32 $0x140, s2  }
0x133: {  	s3 =	sadd.s32 $0x5, s3;
	v5 =	vld [tilespmem:s2+$0x60];
	[tilespmem:s0+$0xFFFFFFD0] =	vst v8  }
0x134: {  	p4 =	slt.u32 s3, $0x78;
	v8 =	vld [tilespmem:s2+$0xFFFFFF60];
	[tilespmem:s0+$0xFFFFFF90] =	vst v2  }
0x135: {  	v2 =	vld [tilespmem:s4+$0xFFFFFFA0];
	v3 =	vadd.f32 v6, v3  }
0x136: {  	v6 =	vld [tilespmem:s2+$0xFFFFFFA0];
	v4 =	vadd.f32 v7, v4  }
0x137: {  	v7 =	vld [tilespmem:s4+$0xFFFFFFE0];
	[tilespmem:s0+$0x10] =	vst v3  }
0x138: {  	v3 =	vld [tilespmem:s2+$0xFFFFFFE0];
	v5 =	vadd.f32 v5, v9;
	[tilespmem:s0+$0x50] =	vst v4;
	s0 =	smov.u32 s4  }
0x139: {  	v4 =	vld [tilespmem:s4+$0x20]  }
0x13a: {  	[tilespmem:s4+$0x60] =	vst v5;
	v5 =	vld [tilespmem:s4+$0x70]  }
0x13b: {  	v2 =	vadd.f32 v6, v2;
	v6 =	vld [tilespmem:s2+$0x70]  }
0x13c: {  	v9 =	vld [tilespmem:s2+$0x20]  }
0x13d: {  	v10 =	vld [tilespmem:s4+$0xFFFFFF60];
	[tilespmem:s4+$0xFFFFFFA0] =	vst v2;
	v2 =	vadd.f32 v3, v7  }
0x13e: {  	v3 =	vld [tilespmem:s2+$0xFFFFFFB0]  }
0x13f: {  	v7 =	vld [tilespmem:s4+$0xFFFFFF70];
	[tilespmem:s4+$0xFFFFFFE0] =	vst v2  }
0x140: {  	v2 =	vld [tilespmem:s2+$0xFFFFFFF0];
	v5 =	vadd.f32 v6, v5  }
0x141: {  	v6 =	vld [tilespmem:s4+$0xFFFFFFB0];
	v4 =	vadd.f32 v9, v4  }
0x142: {  	v8 =	vadd.f32 v8, v10;
	[tilespmem:s4+$0x70] =	vst v5;
	v5 =	vld [tilespmem:s4+$0x80]  }
0x143: {  	[tilespmem:s4+$0x20] =	vst v4;
	v4 =	vld [tilespmem:s2+$0x80]  }
0x144: {  	[tilespmem:s4+$0xFFFFFF60] =	vst v8;
	v8 =	vld [tilespmem:s2+$0x30]  }
0x145: {  	v9 =	vld [tilespmem:s2+$0xFFFFFF70]  }
0x146: {  	v3 =	vadd.f32 v3, v6;
	v6 =	vld [tilespmem:s4+$0xFFFFFFF0]  }
0x147: {  	v10 =	vld [tilespmem:s4+$0x30]  }
0x148: {  	v11 =	vld [tilespmem:s4+$0xFFFFFF80];
	[tilespmem:s4+$0xFFFFFFB0] =	vst v3;
	v3 =	vadd.f32 v4, v5  }
0x149: {  	v4 =	vld [tilespmem:s2+$0xFFFFFFC0]  }
0x14a: {  	v5 =	vadd.f32 v9, v7;
	[tilespmem:s4+$0x80] =	vst v3;
	v3 =	vld [tilespmem:s4+$0x90]  }
0x14b: {  	v2 =	vadd.f32 v2, v6;
	v6 =	vld [tilespmem:s2+$0x90]  }
0x14c: {  	[tilespmem:s4+$0xFFFFFF70] =	vst v5;
	v5 =	vld [tilespmem:s4+$0xFFFFFFC0];
	v7 =	vadd.f32 v8, v10  }
0x14d: {  	v8 =	vld [tilespmem:s2+$0xFFFFFF80];
	[tilespmem:s4+$0xFFFFFFF0] =	vst v2  }
0x14e: {  	v9 =	vld [tilespmem:s2+$0x0];
	[tilespmem:s4+$0x30] =	vst v7  }
0x14f: {  	v7 =	vld [tilespmem:s2+$0x40]  }
0x150: {  	v10 =	vld [tilespmem:s4+$0x0];
	v3 =	vadd.f32 v6, v3  }
0x151: {  	v4 =	vadd.f32 v4, v5;
	v6 =	vld [tilespmem:s4+$0x40]  }
0x152: {  	v5 =	vadd.f32 v8, v11;
	v2 =	vld [tilespmem:s4+$0xFFFFFF90];
	[tilespmem:s4+$0x90] =	vst v3  }
0x153: {  	[tilespmem:s4+$0xFFFFFFC0] =	vst v4;
	v8 =	vld [tilespmem:s4+$0xFFFFFFD0]  }
0x154: {  	[tilespmem:s4+$0xFFFFFF80] =	vst v5;
	v11 =	vld [tilespmem:s2+$0xFFFFFFD0]  }
.Ltmp2:
0x155: {  	v5 =	vld [tilespmem:s2+$0xFFFFFF90];
	v4 =	vadd.f32 v9, v10;
	(pc) =	sbr.rel @p4 .LBB2_6-.Ltmp2, $4  }
0x156: {  	v3 =	vld [tilespmem:s4+$0x10];
	v7 =	vadd.f32 v7, v6  }
0x157: {  	[tilespmem:s4+$0x0] =	vst v4;
	v4 =	vld [tilespmem:s4+$0x50]  }
0x158: {  	v6 =	vld [tilespmem:s2+$0x10];
	[tilespmem:s4+$0x40] =	vst v7  }
0x159: {  	s4 =	sadd.s32 $0x140, s4;
	v8 =	vadd.f32 v11, v8;
	v7 =	vld [tilespmem:s2+$0x50]  }
0x15a: {  	_ =	sdelay $0x1  }
0x15b: {  	v2 =	vadd.f32 v5, v2  }
0x15c: {  	[tilespmem:s0+$0xFFFFFFD0] =	vst v8;
	v3 =	vadd.f32 v6, v3  }
0x15d: {  	[tilespmem:s0+$0xFFFFFF90] =	vst v2;
	v2 =	vadd.f32 v7, v4  }
0x15e: {  	[tilespmem:s0+$0x10] =	vst v3  }
0x15f: {  	s24 =	simm.s32 $0x5180;
	[tilespmem:s0+$0x50] =	vst v2  }
0x160: {  	[tilespmem:s11], [sflag:$0x4] =	stream.indirect.gather [spmem:s19], $0x40, s24, s9, $0xb8;
	[tilespmem:$0x1BDA0] =	vst v63  }
0x161: {  	_ =	swait.ge [sflag:s16], $0x1F40  }
0x162: {  	[sflag:s16] =	ssyncset.done $0x0  }
0x163: {  	s0 =	simm.s32 @!p2 $0x7;
	[sflag:s16] =	ssyncadd.s32 $0xFFFFE0C0  }
0x164: {  	_ =	swait.ge @!p2 [sflag:s0], $0x7D  }
0x165: {  	s2 =	simm.s32 @!p2 $0x100;
	[sflag:s0] =	ssyncset.done @!p2 $0x0  }
0x166: {  	s3 =	simm.s32 @!p2 $0x7800;
	[sflag:s0] =	ssyncadd.s32 @!p2 $0xFFFFFF83;
	s0 =	simm.s32 @!p2 $0x7D  }
0x167: {  	[tilespmem:s3], [sflag:$0x1] =	stream.indirect.gather @!p2 [hbm4b:s20+s0], $0x40, s2, s0, $0xb8;
	[tilespmem:$0x1BDA0] =	vst v63  }
0x168: {  	s17 =	simm.s32 @p1 $0x7D;
	s2 =	simm.s32 @p1 $0x100;
	s3 =	simm.s32 @p1 $0x7800  }
0x169: {  	[tilespmem:s3], [sflag:$0x1] =	stream.indirect.gather @p1 [hbm4b:s21+s17], $0x40, s2, s17, $0xb8;
	[tilespmem:$0x1BDA0] =	vst v63  }
0x16a: {  	s25 =	simm.s32 $0x2880  }
0x16b: {  	[spmem:s15] =	stream.indirect.scatter.add.f32 [tilespmem:s22], [sflag:$0x6], $0x40, s25, s9, $0xb8;
	[tilespmem:$0x1BDA0] =	vst v63  }
0x16c: {  	s2 =	simm.s32 @!p2 $0x2880;
	s3 =	simm.s32 @!p2 $0xF500  }
0x16d: {  	[spmem:s18] =	stream.indirect.scatter.add.f32 @!p2 [tilespmem:s3], [sflag:$0x8], $0x1, s2, s0, $0xb8;
	[tilespmem:$0x1BDA0] =	vst v63  }
0x16e: {  	s2 =	simm.s32 $0x1  }
.LBB2_8:
0x16f: {  	_ =	swait.ge [sflag:s23], $0x1F40  }
0x170: {  	[sflag:s23] =	ssyncset.done $0x0  }
0x171: {  	s4 =	simm.s32 @!p2 $0x8;
	[sflag:s23] =	ssyncadd.s32 $0xFFFFE0C0  }
0x172: {  	s3 =	sshllo.u32 s2, $0x1;
	_ =	swait.ge @!p2 [sflag:s4], $0x7D  }
0x173: {  	s6 =	sshll.u32 @!p2 s3, $0x7;
	[sflag:s4] =	ssyncset.done @!p2 $0x0  }
0x174: {  	[sflag:s4] =	ssyncadd.s32 @!p2 $0xFFFFFF83;
	s4 =	sand.u32 @!p2 $0x3FFFFF80, s6;
	s6 =	simm.s32 @!p2 $0x9740  }
0x175: {  	[tilespmem:s6], [sflag:$0x3] =	stream.indirect.gather @!p2 [hbm4b:s20+s0], $0x40, s4, s0, $0xb8;
	[tilespmem:$0x1BDA0] =	vst v63  }
0x176: {  	s4 =	sshll.u32 @p1 s3, $0x7  }
0x177: {  	s6 =	simm.s32 @p1 $0x9740;
	s4 =	sand.u32 @p1 $0x3FFFFF80, s4  }
0x178: {  	[tilespmem:s6], [sflag:$0x3] =	stream.indirect.gather @p1 [hbm4b:s21+s17], $0x40, s4, s17, $0xb8;
	[tilespmem:$0x1BDA0] =	vst v63  }
0x179: {  	s4 =	simm.s32 @!p2 $0x1  }
0x17a: {  	_ =	swait.ge @!p2 [sflag:s4], $0x1F40  }
0x17b: {  	[sflag:s4] =	ssyncset.done @!p2 $0x0  }
0x17c: {  	[sflag:s4] =	ssyncadd.s32 @!p2 $0xFFFFE0C0;
	s4 =	simm.s32 @p1 $0x1  }
0x17d: {  	_ =	swait.ge @p1 [sflag:s4], $0x1F40  }
0x17e: {  	[sflag:s4] =	ssyncset.done @p1 $0x0  }
0x17f: {  	[sflag:s4] =	ssyncadd.s32 @p1 $0xFFFFE0C0  }
0x180: {  	_ =	swait.ge [sflag:s12], $0x1F40  }
0x181: {  	[sflag:s12] =	ssyncset.done $0x0  }
0x182: {  	s6 =	simm.s32 $0x78A0;
	[sflag:s12] =	ssyncadd.s32 $0xFFFFE0C0  }
0x183: {  	s4 =	simm.s32 $0xB720;
	v2 =	vld [tilespmem:s6+$0x60]  }
0x184: {  	v3 =	vld [tilespmem:s4+$0x60]  }
0x185: {  	v4 =	vld [tilespmem:s4+$0xFFFFFF60]  }
0x186: {  	v5 =	vld [tilespmem:s6+$0xFFFFFFA0]  }
0x187: {  	v6 =	vld [tilespmem:s6+$0xFFFFFFE0]  }
0x188: {  	v8 =	vld [tilespmem:s4+$0xFFFFFFE0]  }
0x189: {  	v9 =	vld [tilespmem:s6+$0x20]  }
0x18a: {  	v10 =	vld [tilespmem:s6+$0xFFFFFF60]  }
0x18b: {  	v2 =	vadd.f32 v3, v2;
	v3 =	vld [tilespmem:s4+$0xFFFFFFA0]  }
0x18c: {  	v12 =	vld [tilespmem:s6+$0x0]  }
0x18d: {  	[tilespmem:s6+$0x60] =	vst v2;
	v2 =	vld [tilespmem:s6+$0x70]  }
0x18e: {  	v7 =	vld [tilespmem:s4+$0x70]  }
0x18f: {  	v6 =	vadd.f32 v8, v6;
	v8 =	vld [tilespmem:s6+$0xFFFFFFB0];
	v4 =	vadd.f32 v4, v10  }
0x190: {  	v3 =	vadd.f32 v3, v5;
	v5 =	vld [tilespmem:s4+$0x20]  }
0x191: {  	v10 =	vld [tilespmem:s6+$0x30];
	[tilespmem:s6+$0xFFFFFF60] =	vst v4  }
0x192: {  	v4 =	vld [tilespmem:s4+$0xFFFFFF70];
	[tilespmem:s6+$0xFFFFFFA0] =	vst v3  }
0x193: {  	v3 =	vld [tilespmem:s4+$0xFFFFFFB0];
	v2 =	vadd.f32 v7, v2  }
0x194: {  	v7 =	vld [tilespmem:s6+$0xFFFFFF70]  }
0x195: {  	[tilespmem:s6+$0x70] =	vst v2;
	v2 =	vadd.f32 v5, v9;
	v5 =	vld [tilespmem:s6+$0x80]  }
0x196: {  	[tilespmem:s6+$0xFFFFFFE0] =	vst v6;
	v6 =	vld [tilespmem:s4+$0x80]  }
0x197: {  	v9 =	vld [tilespmem:s4+$0xFFFFFFF0]  }
0x198: {  	[tilespmem:s6+$0x20] =	vst v2;
	v3 =	vadd.f32 v3, v8;
	v8 =	vld [tilespmem:s6+$0xFFFFFFF0]  }
0x199: {  	v2 =	vld [tilespmem:s4+$0x30]  }
0x19a: {  	v13 =	vld [tilespmem:s6+$0xFFFFFFD0];
	v4 =	vadd.f32 v4, v7  }
0x19b: {  	[tilespmem:s6+$0xFFFFFFB0] =	vst v3;
	v5 =	vadd.f32 v6, v5;
	v6 =	vld [tilespmem:s6+$0xFFFFFF80]  }
0x19c: {  	[tilespmem:s6+$0xFFFFFF70] =	vst v4;
	v3 =	vld [tilespmem:s4+$0xFFFFFFC0]  }
0x19d: {  	[tilespmem:s6+$0x80] =	vst v5;
	v5 =	vadd.f32 v9, v8;
	v8 =	vld [tilespmem:s6+$0xFFFFFFC0]  }
0x19e: {  	v4 =	vld [tilespmem:s4+$0xFFFFFF80];
	v2 =	vadd.f32 v2, v10  }
0x19f: {  	v7 =	vld [tilespmem:s6+$0x90];
	[tilespmem:s6+$0xFFFFFFF0] =	vst v5  }
0x1a0: {  	[tilespmem:s6+$0x30] =	vst v2;
	v10 =	vld [tilespmem:s4+$0x0]  }
0x1a1: {  	v11 =	vld [tilespmem:s4+$0x40]  }
0x1a2: {  	v3 =	vadd.f32 v3, v8;
	v8 =	vld [tilespmem:s6+$0x40]  }
0x1a3: {  	v9 =	vld [tilespmem:s4+$0x90];
	v4 =	vadd.f32 v4, v6  }
0x1a4: {  	v2 =	vld [tilespmem:s6+$0xFFFFFF90];
	[tilespmem:s6+$0xFFFFFFC0] =	vst v3  }
0x1a5: {  	[tilespmem:s6+$0xFFFFFF80] =	vst v4;
	v14 =	vld [tilespmem:s4+$0xFFFFFFD0]  }
0x1a6: {  	v5 =	vld [tilespmem:s4+$0xFFFFFF90];
	v4 =	vadd.f32 v10, v12  }
0x1a7: {  	v3 =	vld [tilespmem:s6+$0x10];
	v8 =	vadd.f32 v11, v8  }
0x1a8: {  	v7 =	vadd.f32 v9, v7;
	[tilespmem:s6+$0x0] =	vst v4;
	v4 =	vld [tilespmem:s6+$0x50]  }
0x1a9: {  	v6 =	vld [tilespmem:s4+$0x10];
	[tilespmem:s6+$0x40] =	vst v8  }
0x1aa: {  	s7 =	simm.s32 $0x0;
	s8 =	simm.s32 $0x79E0;
	[tilespmem:s6+$0x90] =	vst v7;
	v8 =	vadd.f32 v14, v13;
	v7 =	vld [tilespmem:s4+$0x50]  }
.LBB2_9:
0x1ab: {  	v9 =	vld [tilespmem:s8+$0x60];
	v2 =	vadd.f32 v5, v2;
	s4 =	sadd.s32 $0x140, s4  }
0x1ac: {  	s7 =	sadd.s32 $0x5, s7;
	v5 =	vld [tilespmem:s4+$0x60];
	[tilespmem:s6+$0xFFFFFFD0] =	vst v8  }
0x1ad: {  	p4 =	slt.u32 s7, $0x78;
	v8 =	vld [tilespmem:s4+$0xFFFFFF60];
	[tilespmem:s6+$0xFFFFFF90] =	vst v2  }
0x1ae: {  	v2 =	vld [tilespmem:s8+$0xFFFFFFA0];
	v3 =	vadd.f32 v6, v3  }
0x1af: {  	v6 =	vld [tilespmem:s4+$0xFFFFFFA0];
	v4 =	vadd.f32 v7, v4  }
0x1b0: {  	v7 =	vld [tilespmem:s8+$0xFFFFFFE0];
	[tilespmem:s6+$0x10] =	vst v3  }
0x1b1: {  	v3 =	vld [tilespmem:s4+$0xFFFFFFE0];
	v5 =	vadd.f32 v5, v9;
	[tilespmem:s6+$0x50] =	vst v4;
	s6 =	smov.u32 s8  }
0x1b2: {  	v4 =	vld [tilespmem:s8+$0x20]  }
0x1b3: {  	[tilespmem:s8+$0x60] =	vst v5;
	v5 =	vld [tilespmem:s8+$0x70]  }
0x1b4: {  	v2 =	vadd.f32 v6, v2;
	v6 =	vld [tilespmem:s4+$0x70]  }
0x1b5: {  	v9 =	vld [tilespmem:s4+$0x20]  }
0x1b6: {  	v10 =	vld [tilespmem:s8+$0xFFFFFF60];
	[tilespmem:s8+$0xFFFFFFA0] =	vst v2;
	v2 =	vadd.f32 v3, v7  }
0x1b7: {  	v3 =	vld [tilespmem:s4+$0xFFFFFFB0]  }
0x1b8: {  	v7 =	vld [tilespmem:s8+$0xFFFFFF70];
	[tilespmem:s8+$0xFFFFFFE0] =	vst v2  }
0x1b9: {  	v2 =	vld [tilespmem:s4+$0xFFFFFFF0];
	v5 =	vadd.f32 v6, v5  }
0x1ba: {  	v6 =	vld [tilespmem:s8+$0xFFFFFFB0];
	v4 =	vadd.f32 v9, v4  }
0x1bb: {  	v8 =	vadd.f32 v8, v10;
	[tilespmem:s8+$0x70] =	vst v5;
	v5 =	vld [tilespmem:s8+$0x80]  }
0x1bc: {  	[tilespmem:s8+$0x20] =	vst v4;
	v4 =	vld [tilespmem:s4+$0x80]  }
0x1bd: {  	[tilespmem:s8+$0xFFFFFF60] =	vst v8;
	v8 =	vld [tilespmem:s4+$0x30]  }
0x1be: {  	v9 =	vld [tilespmem:s4+$0xFFFFFF70]  }
0x1bf: {  	v3 =	vadd.f32 v3, v6;
	v6 =	vld [tilespmem:s8+$0xFFFFFFF0]  }
0x1c0: {  	v10 =	vld [tilespmem:s8+$0x30]  }
0x1c1: {  	v11 =	vld [tilespmem:s8+$0xFFFFFF80];
	[tilespmem:s8+$0xFFFFFFB0] =	vst v3;
	v3 =	vadd.f32 v4, v5  }
0x1c2: {  	v4 =	vld [tilespmem:s4+$0xFFFFFFC0]  }
0x1c3: {  	v5 =	vadd.f32 v9, v7;
	[tilespmem:s8+$0x80] =	vst v3;
	v3 =	vld [tilespmem:s8+$0x90]  }
0x1c4: {  	v2 =	vadd.f32 v2, v6;
	v6 =	vld [tilespmem:s4+$0x90]  }
0x1c5: {  	[tilespmem:s8+$0xFFFFFF70] =	vst v5;
	v5 =	vld [tilespmem:s8+$0xFFFFFFC0];
	v7 =	vadd.f32 v8, v10  }
0x1c6: {  	v8 =	vld [tilespmem:s4+$0xFFFFFF80];
	[tilespmem:s8+$0xFFFFFFF0] =	vst v2  }
0x1c7: {  	v9 =	vld [tilespmem:s4+$0x0];
	[tilespmem:s8+$0x30] =	vst v7  }
0x1c8: {  	v7 =	vld [tilespmem:s4+$0x40]  }
0x1c9: {  	v10 =	vld [tilespmem:s8+$0x0];
	v3 =	vadd.f32 v6, v3  }
0x1ca: {  	v4 =	vadd.f32 v4, v5;
	v6 =	vld [tilespmem:s8+$0x40]  }
0x1cb: {  	v5 =	vadd.f32 v8, v11;
	v2 =	vld [tilespmem:s8+$0xFFFFFF90];
	[tilespmem:s8+$0x90] =	vst v3  }
0x1cc: {  	[tilespmem:s8+$0xFFFFFFC0] =	vst v4;
	v8 =	vld [tilespmem:s8+$0xFFFFFFD0]  }
0x1cd: {  	[tilespmem:s8+$0xFFFFFF80] =	vst v5;
	v11 =	vld [tilespmem:s4+$0xFFFFFFD0]  }
.Ltmp3:
0x1ce: {  	v5 =	vld [tilespmem:s4+$0xFFFFFF90];
	v4 =	vadd.f32 v9, v10;
	(pc) =	sbr.rel @p4 .LBB2_9-.Ltmp3, $4  }
0x1cf: {  	v3 =	vld [tilespmem:s8+$0x10];
	v7 =	vadd.f32 v7, v6  }
0x1d0: {  	[tilespmem:s8+$0x0] =	vst v4;
	v4 =	vld [tilespmem:s8+$0x50]  }
0x1d1: {  	v6 =	vld [tilespmem:s4+$0x10];
	[tilespmem:s8+$0x40] =	vst v7  }
0x1d2: {  	s8 =	sadd.s32 $0x140, s8;
	v8 =	vadd.f32 v11, v8;
	v7 =	vld [tilespmem:s4+$0x50]  }
0x1d3: {  	_ =	sdelay $0x1  }
0x1d4: {  	v2 =	vadd.f32 v5, v2  }
0x1d5: {  	[tilespmem:s6+$0xFFFFFFD0] =	vst v8;
	v3 =	vadd.f32 v6, v3  }
0x1d6: {  	[tilespmem:s6+$0xFFFFFF90] =	vst v2;
	v2 =	vadd.f32 v7, v4  }
0x1d7: {  	s4 =	sshll.u32 s2, $0x8;
	s25 =	sshll.u32 s2, $0xA;
	[tilespmem:s6+$0x10] =	vst v3  }
0x1d8: {  	s24 =	sadd.s32 $0x5100, s4;
	[tilespmem:s6+$0x50] =	vst v2;
	s6 =	sshrl.u32 s25, $0x2  }
0x1d9: {  	[tilespmem:s10], [sflag:$0x2] =	stream.indirect.gather [spmem:s19], $0x40, s24, s9, $0xb8;
	[tilespmem:$0x1BDA0] =	vst v63  }
0x1da: {  	s7 =	sadd.s32 $0x2800, s6  }
0x1db: {  	[spmem:s15] =	stream.indirect.scatter.add.f32 [tilespmem:s13], [sflag:$0x5], $0x40, s7, s9, $0xb8;
	[tilespmem:$0x1BDA0] =	vst v63  }
0x1dc: {  	s8 =	simm.s32 @!p2 $0x7D;
	s24 =	simm.s32 @!p2 $0xF500  }
0x1dd: {  	[spmem:s18] =	stream.indirect.scatter.add.f32 @!p2 [tilespmem:s24], [sflag:$0x7], $0x1, s7, s8, $0xb8;
	[tilespmem:$0x1BDA0] =	vst v63  }
0x1de: {  	s7 =	simm.s32 @!p2 $0x3  }
0x1df: {  	_ =	swait.ge @!p2 [sflag:s7], $0x1F40  }
0x1e0: {  	[sflag:s7] =	ssyncset.done @!p2 $0x0  }
0x1e1: {  	[sflag:s7] =	ssyncadd.s32 @!p2 $0xFFFFE0C0;
	s7 =	simm.s32 @p1 $0x3  }
0x1e2: {  	_ =	swait.ge @p1 [sflag:s7], $0x1F40  }
0x1e3: {  	[sflag:s7] =	ssyncset.done @p1 $0x0  }
0x1e4: {  	[sflag:s7] =	ssyncadd.s32 @p1 $0xFFFFE0C0  }
0x1e5: {  	_ =	swait.ge [sflag:s14], $0x1F40  }
0x1e6: {  	[sflag:s14] =	ssyncset.done $0x0  }
0x1e7: {  	s7 =	simm.s32 $0x97E0;
	[sflag:s14] =	ssyncadd.s32 $0xFFFFE0C0  }
0x1e8: {  	s8 =	simm.s32 $0xD660;
	v2 =	vld [tilespmem:s7+$0x60]  }
0x1e9: {  	v3 =	vld [tilespmem:s8+$0x60]  }
0x1ea: {  	v4 =	vld [tilespmem:s8+$0xFFFFFF60]  }
0x1eb: {  	v5 =	vld [tilespmem:s7+$0xFFFFFFA0]  }
0x1ec: {  	v6 =	vld [tilespmem:s7+$0xFFFFFFE0]  }
0x1ed: {  	v8 =	vld [tilespmem:s8+$0xFFFFFFE0]  }
0x1ee: {  	v9 =	vld [tilespmem:s7+$0x20]  }
0x1ef: {  	v10 =	vld [tilespmem:s7+$0xFFFFFF60]  }
0x1f0: {  	v2 =	vadd.f32 v3, v2;
	v3 =	vld [tilespmem:s8+$0xFFFFFFA0]  }
0x1f1: {  	v12 =	vld [tilespmem:s7+$0x0]  }
0x1f2: {  	[tilespmem:s7+$0x60] =	vst v2;
	v2 =	vld [tilespmem:s7+$0x70]  }
0x1f3: {  	v7 =	vld [tilespmem:s8+$0x70]  }
0x1f4: {  	v6 =	vadd.f32 v8, v6;
	v8 =	vld [tilespmem:s7+$0xFFFFFFB0];
	v4 =	vadd.f32 v4, v10  }
0x1f5: {  	v3 =	vadd.f32 v3, v5;
	v5 =	vld [tilespmem:s8+$0x20]  }
0x1f6: {  	v10 =	vld [tilespmem:s7+$0x30];
	[tilespmem:s7+$0xFFFFFF60] =	vst v4  }
0x1f7: {  	v4 =	vld [tilespmem:s8+$0xFFFFFF70];
	[tilespmem:s7+$0xFFFFFFA0] =	vst v3  }
0x1f8: {  	v3 =	vld [tilespmem:s8+$0xFFFFFFB0];
	v2 =	vadd.f32 v7, v2  }
0x1f9: {  	v7 =	vld [tilespmem:s7+$0xFFFFFF70]  }
0x1fa: {  	[tilespmem:s7+$0x70] =	vst v2;
	v2 =	vadd.f32 v5, v9;
	v5 =	vld [tilespmem:s7+$0x80]  }
0x1fb: {  	[tilespmem:s7+$0xFFFFFFE0] =	vst v6;
	v6 =	vld [tilespmem:s8+$0x80]  }
0x1fc: {  	v9 =	vld [tilespmem:s8+$0xFFFFFFF0]  }
0x1fd: {  	[tilespmem:s7+$0x20] =	vst v2;
	v3 =	vadd.f32 v3, v8;
	v8 =	vld [tilespmem:s7+$0xFFFFFFF0]  }
0x1fe: {  	v2 =	vld [tilespmem:s8+$0x30]  }
0x1ff: {  	v13 =	vld [tilespmem:s7+$0xFFFFFFD0];
	v4 =	vadd.f32 v4, v7  }
0x200: {  	[tilespmem:s7+$0xFFFFFFB0] =	vst v3;
	v5 =	vadd.f32 v6, v5;
	v6 =	vld [tilespmem:s7+$0xFFFFFF80]  }
0x201: {  	[tilespmem:s7+$0xFFFFFF70] =	vst v4;
	v3 =	vld [tilespmem:s8+$0xFFFFFFC0]  }
0x202: {  	[tilespmem:s7+$0x80] =	vst v5;
	v5 =	vadd.f32 v9, v8;
	v8 =	vld [tilespmem:s7+$0xFFFFFFC0]  }
0x203: {  	v4 =	vld [tilespmem:s8+$0xFFFFFF80];
	v2 =	vadd.f32 v2, v10  }
0x204: {  	v7 =	vld [tilespmem:s7+$0x90];
	[tilespmem:s7+$0xFFFFFFF0] =	vst v5  }
0x205: {  	[tilespmem:s7+$0x30] =	vst v2;
	v10 =	vld [tilespmem:s8+$0x0]  }
0x206: {  	v11 =	vld [tilespmem:s8+$0x40]  }
0x207: {  	v3 =	vadd.f32 v3, v8;
	v8 =	vld [tilespmem:s7+$0x40]  }
0x208: {  	v9 =	vld [tilespmem:s8+$0x90];
	v4 =	vadd.f32 v4, v6  }
0x209: {  	v2 =	vld [tilespmem:s7+$0xFFFFFF90];
	[tilespmem:s7+$0xFFFFFFC0] =	vst v3  }
0x20a: {  	[tilespmem:s7+$0xFFFFFF80] =	vst v4;
	v14 =	vld [tilespmem:s8+$0xFFFFFFD0]  }
0x20b: {  	v5 =	vld [tilespmem:s8+$0xFFFFFF90];
	v4 =	vadd.f32 v10, v12  }
0x20c: {  	v3 =	vld [tilespmem:s7+$0x10];
	v8 =	vadd.f32 v11, v8  }
0x20d: {  	v7 =	vadd.f32 v9, v7;
	[tilespmem:s7+$0x0] =	vst v4;
	v4 =	vld [tilespmem:s7+$0x50]  }
0x20e: {  	v6 =	vld [tilespmem:s8+$0x10];
	[tilespmem:s7+$0x40] =	vst v8  }
0x20f: {  	s4 =	sadd.s32 $0x100, s4;
	s25 =	simm.s32 $0x9920;
	s24 =	simm.s32 $0x0;
	[tilespmem:s7+$0x90] =	vst v7;
	v8 =	vadd.f32 v14, v13;
	v7 =	vld [tilespmem:s8+$0x50]  }
.LBB2_11:
0x210: {  	v9 =	vld [tilespmem:s25+$0x60];
	v2 =	vadd.f32 v5, v2;
	s8 =	sadd.s32 $0x140, s8  }
0x211: {  	s24 =	sadd.s32 $0x5, s24;
	v5 =	vld [tilespmem:s8+$0x60];
	[tilespmem:s7+$0xFFFFFFD0] =	vst v8  }
0x212: {  	p4 =	slt.u32 s24, $0x78;
	v8 =	vld [tilespmem:s8+$0xFFFFFF60];
	[tilespmem:s7+$0xFFFFFF90] =	vst v2  }
0x213: {  	v2 =	vld [tilespmem:s25+$0xFFFFFFA0];
	v3 =	vadd.f32 v6, v3  }
0x214: {  	v6 =	vld [tilespmem:s8+$0xFFFFFFA0];
	v4 =	vadd.f32 v7, v4  }
0x215: {  	v7 =	vld [tilespmem:s25+$0xFFFFFFE0];
	[tilespmem:s7+$0x10] =	vst v3  }
0x216: {  	v3 =	vld [tilespmem:s8+$0xFFFFFFE0];
	v5 =	vadd.f32 v5, v9;
	[tilespmem:s7+$0x50] =	vst v4;
	s7 =	smov.u32 s25  }
0x217: {  	v4 =	vld [tilespmem:s25+$0x20]  }
0x218: {  	[tilespmem:s25+$0x60] =	vst v5;
	v5 =	vld [tilespmem:s25+$0x70]  }
0x219: {  	v2 =	vadd.f32 v6, v2;
	v6 =	vld [tilespmem:s8+$0x70]  }
0x21a: {  	v9 =	vld [tilespmem:s8+$0x20]  }
0x21b: {  	v10 =	vld [tilespmem:s25+$0xFFFFFF60];
	[tilespmem:s25+$0xFFFFFFA0] =	vst v2;
	v2 =	vadd.f32 v3, v7  }
0x21c: {  	v3 =	vld [tilespmem:s8+$0xFFFFFFB0]  }
0x21d: {  	v7 =	vld [tilespmem:s25+$0xFFFFFF70];
	[tilespmem:s25+$0xFFFFFFE0] =	vst v2  }
0x21e: {  	v2 =	vld [tilespmem:s8+$0xFFFFFFF0];
	v5 =	vadd.f32 v6, v5  }
0x21f: {  	v6 =	vld [tilespmem:s25+$0xFFFFFFB0];
	v4 =	vadd.f32 v9, v4  }
0x220: {  	v8 =	vadd.f32 v8, v10;
	[tilespmem:s25+$0x70] =	vst v5;
	v5 =	vld [tilespmem:s25+$0x80]  }
0x221: {  	[tilespmem:s25+$0x20] =	vst v4;
	v4 =	vld [tilespmem:s8+$0x80]  }
0x222: {  	[tilespmem:s25+$0xFFFFFF60] =	vst v8;
	v8 =	vld [tilespmem:s8+$0x30]  }
0x223: {  	v9 =	vld [tilespmem:s8+$0xFFFFFF70]  }
0x224: {  	v3 =	vadd.f32 v3, v6;
	v6 =	vld [tilespmem:s25+$0xFFFFFFF0]  }
0x225: {  	v10 =	vld [tilespmem:s25+$0x30]  }
0x226: {  	v11 =	vld [tilespmem:s25+$0xFFFFFF80];
	[tilespmem:s25+$0xFFFFFFB0] =	vst v3;
	v3 =	vadd.f32 v4, v5  }
0x227: {  	v4 =	vld [tilespmem:s8+$0xFFFFFFC0]  }
0x228: {  	v5 =	vadd.f32 v9, v7;
	[tilespmem:s25+$0x80] =	vst v3;
	v3 =	vld [tilespmem:s25+$0x90]  }
0x229: {  	v2 =	vadd.f32 v2, v6;
	v6 =	vld [tilespmem:s8+$0x90]  }
0x22a: {  	[tilespmem:s25+$0xFFFFFF70] =	vst v5;
	v5 =	vld [tilespmem:s25+$0xFFFFFFC0];
	v7 =	vadd.f32 v8, v10  }
0x22b: {  	v8 =	vld [tilespmem:s8+$0xFFFFFF80];
	[tilespmem:s25+$0xFFFFFFF0] =	vst v2  }
0x22c: {  	v9 =	vld [tilespmem:s8+$0x0];
	[tilespmem:s25+$0x30] =	vst v7  }
0x22d: {  	v7 =	vld [tilespmem:s8+$0x40]  }
0x22e: {  	v10 =	vld [tilespmem:s25+$0x0];
	v3 =	vadd.f32 v6, v3  }
0x22f: {  	v4 =	vadd.f32 v4, v5;
	v6 =	vld [tilespmem:s25+$0x40]  }
0x230: {  	v5 =	vadd.f32 v8, v11;
	v2 =	vld [tilespmem:s25+$0xFFFFFF90];
	[tilespmem:s25+$0x90] =	vst v3  }
0x231: {  	[tilespmem:s25+$0xFFFFFFC0] =	vst v4;
	v8 =	vld [tilespmem:s25+$0xFFFFFFD0]  }
0x232: {  	[tilespmem:s25+$0xFFFFFF80] =	vst v5;
	v11 =	vld [tilespmem:s8+$0xFFFFFFD0]  }
.Ltmp4:
0x233: {  	v5 =	vld [tilespmem:s8+$0xFFFFFF90];
	v4 =	vadd.f32 v9, v10;
	(pc) =	sbr.rel @p4 .LBB2_11-.Ltmp4, $4  }
0x234: {  	v3 =	vld [tilespmem:s25+$0x10];
	v7 =	vadd.f32 v7, v6  }
0x235: {  	[tilespmem:s25+$0x0] =	vst v4;
	v4 =	vld [tilespmem:s25+$0x50]  }
0x236: {  	v6 =	vld [tilespmem:s8+$0x10];
	[tilespmem:s25+$0x40] =	vst v7  }
0x237: {  	s25 =	sadd.s32 $0x140, s25;
	v8 =	vadd.f32 v11, v8;
	v7 =	vld [tilespmem:s8+$0x50]  }
0x238: {  	_ =	sdelay $0x1  }
0x239: {  	v2 =	vadd.f32 v5, v2  }
0x23a: {  	[tilespmem:s7+$0xFFFFFFD0] =	vst v8;
	v3 =	vadd.f32 v6, v3  }
0x23b: {  	[tilespmem:s7+$0xFFFFFF90] =	vst v2;
	v2 =	vadd.f32 v7, v4  }
0x23c: {  	[tilespmem:s7+$0x10] =	vst v3  }
0x23d: {  	s6 =	sadd.s32 $0x5180, s6;
	[tilespmem:s7+$0x50] =	vst v2  }
0x23e: {  	[tilespmem:s11], [sflag:$0x4] =	stream.indirect.gather [spmem:s19], $0x40, s6, s9, $0xb8;
	[tilespmem:$0x1BDA0] =	vst v63  }
0x23f: {  	_ =	swait.ge [sflag:s16], $0x1F40  }
0x240: {  	[sflag:s16] =	ssyncset.done $0x0  }
0x241: {  	s6 =	simm.s32 @!p2 $0x7;
	[sflag:s16] =	ssyncadd.s32 $0xFFFFE0C0  }
0x242: {  	_ =	swait.ge @!p2 [sflag:s6], $0x7D  }
0x243: {  	s8 =	simm.s32 @p1 $0x7800;
	s2 =	sadd.s32 $0x1, s2;
	[sflag:s6] =	ssyncset.done @!p2 $0x0  }
0x244: {  	s7 =	simm.s32 @!p2 $0x7800;
	[sflag:s6] =	ssyncadd.s32 @!p2 $0xFFFFFF83;
	s6 =	simm.s32 @!p2 $0x7D  }
0x245: {  	[tilespmem:s7], [sflag:$0x1] =	stream.indirect.gather @!p2 [hbm4b:s20+s6], $0x40, s4, s6, $0xb8;
	[tilespmem:$0x1BDA0] =	vst v63  }
0x246: {  	s3 =	sshll.u32 s3, $0x7;
	p4 =	sne.s32 s2, $0x27;
	s7 =	simm.s32 @p1 $0x7D  }
0x247: {  	[tilespmem:s8], [sflag:$0x1] =	stream.indirect.gather @p1 [hbm4b:s21+s7], $0x40, s4, s7, $0xb8;
	[tilespmem:$0x1BDA0] =	vst v63  }
.Ltmp5:
0x248: {  	s3 =	sand.u32 $0x3FFFFF80, s3;
	(pc) =	sbr.rel @p4 .LBB2_8-.Ltmp5, $4  }
0x249: {  	s3 =	sadd.s32 $0x2800, s3  }
0x24a: {  	[spmem:s15] =	stream.indirect.scatter.add.f32 [tilespmem:s22], [sflag:$0x6], $0x40, s3, s9, $0xb8;
	[tilespmem:$0x1BDA0] =	vst v63  }
0x24b: {  	s4 =	simm.s32 @!p2 $0xF500  }
0x24c: {  	[spmem:s18] =	stream.indirect.scatter.add.f32 @!p2 [tilespmem:s4], [sflag:$0x8], $0x1, s3, s6, $0xb8;
	[tilespmem:$0x1BDA0] =	vst v63  }
0x24d: {  	_ =	swait.ge [sflag:s23], $0x1F40  }
0x24e: {  	[sflag:s23] =	ssyncset.done $0x0  }
0x24f: {  	s0 =	simm.s32 @!p2 $0x8;
	[sflag:s23] =	ssyncadd.s32 $0xFFFFE0C0  }
0x250: {  	_ =	swait.ge @!p2 [sflag:s0], $0x7D  }
0x251: {  	[sflag:s0] =	ssyncset.done @!p2 $0x0  }
0x252: {  	s2 =	simm.s32 @!p2 $0x9740;
	[sflag:s0] =	ssyncadd.s32 @!p2 $0xFFFFFF83;
	s0 =	simm.s32 @!p2 $0x2780  }
0x253: {  	[tilespmem:s2], [sflag:$0x3] =	stream.indirect.gather @!p2 [hbm4b:s20+s6], $0x40, s0, s6, $0xb8;
	[tilespmem:$0x1BDA0] =	vst v63  }
0x254: {  	s0 =	simm.s32 @p1 $0x2780;
	s2 =	simm.s32 @p1 $0x9740  }
0x255: {  	[tilespmem:s2], [sflag:$0x3] =	stream.indirect.gather @p1 [hbm4b:s21+s7], $0x40, s0, s7, $0xb8;
	[tilespmem:$0x1BDA0] =	vst v63  }
0x256: {  	s0 =	simm.s32 @!p2 $0x1  }
0x257: {  	_ =	swait.ge @!p2 [sflag:s0], $0x1F40  }
0x258: {  	[sflag:s0] =	ssyncset.done @!p2 $0x0  }
0x259: {  	[sflag:s0] =	ssyncadd.s32 @!p2 $0xFFFFE0C0;
	s0 =	simm.s32 @p1 $0x1  }
0x25a: {  	_ =	swait.ge @p1 [sflag:s0], $0x1F40  }
0x25b: {  	[sflag:s0] =	ssyncset.done @p1 $0x0  }
0x25c: {  	[sflag:s0] =	ssyncadd.s32 @p1 $0xFFFFE0C0  }
0x25d: {  	_ =	swait.ge [sflag:s12], $0x1F40  }
0x25e: {  	[sflag:s12] =	ssyncset.done $0x0  }
0x25f: {  	s0 =	simm.s32 $0x78A0;
	[sflag:s12] =	ssyncadd.s32 $0xFFFFE0C0  }
0x260: {  	s2 =	simm.s32 $0xB720;
	v2 =	vld [tilespmem:s0+$0x60]  }
0x261: {  	v3 =	vld [tilespmem:s2+$0x60]  }
0x262: {  	v4 =	vld [tilespmem:s2+$0xFFFFFF60]  }
0x263: {  	v5 =	vld [tilespmem:s0+$0xFFFFFFA0]  }
0x264: {  	v6 =	vld [tilespmem:s0+$0xFFFFFFE0]  }
0x265: {  	v8 =	vld [tilespmem:s2+$0xFFFFFFE0]  }
0x266: {  	v9 =	vld [tilespmem:s0+$0x20]  }
0x267: {  	v10 =	vld [tilespmem:s0+$0xFFFFFF60]  }
0x268: {  	v2 =	vadd.f32 v3, v2;
	v3 =	vld [tilespmem:s2+$0xFFFFFFA0]  }
0x269: {  	v12 =	vld [tilespmem:s0+$0x0]  }
0x26a: {  	[tilespmem:s0+$0x60] =	vst v2;
	v2 =	vld [tilespmem:s0+$0x70]  }
0x26b: {  	v7 =	vld [tilespmem:s2+$0x70]  }
0x26c: {  	v6 =	vadd.f32 v8, v6;
	v8 =	vld [tilespmem:s0+$0xFFFFFFB0];
	v4 =	vadd.f32 v4, v10  }
0x26d: {  	v3 =	vadd.f32 v3, v5;
	v5 =	vld [tilespmem:s2+$0x20]  }
0x26e: {  	v10 =	vld [tilespmem:s0+$0x30];
	[tilespmem:s0+$0xFFFFFF60] =	vst v4  }
0x26f: {  	v4 =	vld [tilespmem:s2+$0xFFFFFF70];
	[tilespmem:s0+$0xFFFFFFA0] =	vst v3  }
0x270: {  	v3 =	vld [tilespmem:s2+$0xFFFFFFB0];
	v2 =	vadd.f32 v7, v2  }
0x271: {  	v7 =	vld [tilespmem:s0+$0xFFFFFF70]  }
0x272: {  	[tilespmem:s0+$0x70] =	vst v2;
	v2 =	vadd.f32 v5, v9;
	v5 =	vld [tilespmem:s0+$0x80]  }
0x273: {  	[tilespmem:s0+$0xFFFFFFE0] =	vst v6;
	v6 =	vld [tilespmem:s2+$0x80]  }
0x274: {  	v9 =	vld [tilespmem:s2+$0xFFFFFFF0]  }
0x275: {  	[tilespmem:s0+$0x20] =	vst v2;
	v3 =	vadd.f32 v3, v8;
	v8 =	vld [tilespmem:s0+$0xFFFFFFF0]  }
0x276: {  	v2 =	vld [tilespmem:s2+$0x30]  }
0x277: {  	v13 =	vld [tilespmem:s0+$0xFFFFFFD0];
	v4 =	vadd.f32 v4, v7  }
0x278: {  	[tilespmem:s0+$0xFFFFFFB0] =	vst v3;
	v5 =	vadd.f32 v6, v5;
	v6 =	vld [tilespmem:s0+$0xFFFFFF80]  }
0x279: {  	[tilespmem:s0+$0xFFFFFF70] =	vst v4;
	v3 =	vld [tilespmem:s2+$0xFFFFFFC0]  }
0x27a: {  	[tilespmem:s0+$0x80] =	vst v5;
	v5 =	vadd.f32 v9, v8;
	v8 =	vld [tilespmem:s0+$0xFFFFFFC0]  }
0x27b: {  	v4 =	vld [tilespmem:s2+$0xFFFFFF80];
	v2 =	vadd.f32 v2, v10  }
0x27c: {  	v7 =	vld [tilespmem:s0+$0x90];
	[tilespmem:s0+$0xFFFFFFF0] =	vst v5  }
0x27d: {  	[tilespmem:s0+$0x30] =	vst v2;
	v10 =	vld [tilespmem:s2+$0x0]  }
0x27e: {  	v11 =	vld [tilespmem:s2+$0x40]  }
0x27f: {  	v3 =	vadd.f32 v3, v8;
	v8 =	vld [tilespmem:s0+$0x40]  }
0x280: {  	v9 =	vld [tilespmem:s2+$0x90];
	v4 =	vadd.f32 v4, v6  }
0x281: {  	v2 =	vld [tilespmem:s0+$0xFFFFFF90];
	[tilespmem:s0+$0xFFFFFFC0] =	vst v3  }
0x282: {  	[tilespmem:s0+$0xFFFFFF80] =	vst v4;
	v14 =	vld [tilespmem:s2+$0xFFFFFFD0]  }
0x283: {  	v5 =	vld [tilespmem:s2+$0xFFFFFF90];
	v4 =	vadd.f32 v10, v12  }
0x284: {  	v3 =	vld [tilespmem:s0+$0x10];
	v8 =	vadd.f32 v11, v8  }
0x285: {  	v7 =	vadd.f32 v9, v7;
	[tilespmem:s0+$0x0] =	vst v4;
	v4 =	vld [tilespmem:s0+$0x50]  }
0x286: {  	v6 =	vld [tilespmem:s2+$0x10];
	[tilespmem:s0+$0x40] =	vst v8  }
0x287: {  	s3 =	simm.s32 $0x0;
	s4 =	simm.s32 $0x79E0;
	[tilespmem:s0+$0x90] =	vst v7;
	v8 =	vadd.f32 v14, v13;
	v7 =	vld [tilespmem:s2+$0x50]  }
.LBB2_14:
0x288: {  	v9 =	vld [tilespmem:s4+$0x60];
	v2 =	vadd.f32 v5, v2;
	s2 =	sadd.s32 $0x140, s2  }
0x289: {  	s3 =	sadd.s32 $0x5, s3;
	v5 =	vld [tilespmem:s2+$0x60];
	[tilespmem:s0+$0xFFFFFFD0] =	vst v8  }
0x28a: {  	p4 =	slt.u32 s3, $0x78;
	v8 =	vld [tilespmem:s2+$0xFFFFFF60];
	[tilespmem:s0+$0xFFFFFF90] =	vst v2  }
0x28b: {  	v2 =	vld [tilespmem:s4+$0xFFFFFFA0];
	v3 =	vadd.f32 v6, v3  }
0x28c: {  	v6 =	vld [tilespmem:s2+$0xFFFFFFA0];
	v4 =	vadd.f32 v7, v4  }
0x28d: {  	v7 =	vld [tilespmem:s4+$0xFFFFFFE0];
	[tilespmem:s0+$0x10] =	vst v3  }
0x28e: {  	v3 =	vld [tilespmem:s2+$0xFFFFFFE0];
	v5 =	vadd.f32 v5, v9;
	[tilespmem:s0+$0x50] =	vst v4;
	s0 =	smov.u32 s4  }
0x28f: {  	v4 =	vld [tilespmem:s4+$0x20]  }
0x290: {  	[tilespmem:s4+$0x60] =	vst v5;
	v5 =	vld [tilespmem:s4+$0x70]  }
0x291: {  	v2 =	vadd.f32 v6, v2;
	v6 =	vld [tilespmem:s2+$0x70]  }
0x292: {  	v9 =	vld [tilespmem:s2+$0x20]  }
0x293: {  	v10 =	vld [tilespmem:s4+$0xFFFFFF60];
	[tilespmem:s4+$0xFFFFFFA0] =	vst v2;
	v2 =	vadd.f32 v3, v7  }
0x294: {  	v3 =	vld [tilespmem:s2+$0xFFFFFFB0]  }
0x295: {  	v7 =	vld [tilespmem:s4+$0xFFFFFF70];
	[tilespmem:s4+$0xFFFFFFE0] =	vst v2  }
0x296: {  	v2 =	vld [tilespmem:s2+$0xFFFFFFF0];
	v5 =	vadd.f32 v6, v5  }
0x297: {  	v6 =	vld [tilespmem:s4+$0xFFFFFFB0];
	v4 =	vadd.f32 v9, v4  }
0x298: {  	v8 =	vadd.f32 v8, v10;
	[tilespmem:s4+$0x70] =	vst v5;
	v5 =	vld [tilespmem:s4+$0x80]  }
0x299: {  	[tilespmem:s4+$0x20] =	vst v4;
	v4 =	vld [tilespmem:s2+$0x80]  }
0x29a: {  	[tilespmem:s4+$0xFFFFFF60] =	vst v8;
	v8 =	vld [tilespmem:s2+$0x30]  }
0x29b: {  	v9 =	vld [tilespmem:s2+$0xFFFFFF70]  }
0x29c: {  	v3 =	vadd.f32 v3, v6;
	v6 =	vld [tilespmem:s4+$0xFFFFFFF0]  }
0x29d: {  	v10 =	vld [tilespmem:s4+$0x30]  }
0x29e: {  	v11 =	vld [tilespmem:s4+$0xFFFFFF80];
	[tilespmem:s4+$0xFFFFFFB0] =	vst v3;
	v3 =	vadd.f32 v4, v5  }
0x29f: {  	v4 =	vld [tilespmem:s2+$0xFFFFFFC0]  }
0x2a0: {  	v5 =	vadd.f32 v9, v7;
	[tilespmem:s4+$0x80] =	vst v3;
	v3 =	vld [tilespmem:s4+$0x90]  }
0x2a1: {  	v2 =	vadd.f32 v2, v6;
	v6 =	vld [tilespmem:s2+$0x90]  }
0x2a2: {  	[tilespmem:s4+$0xFFFFFF70] =	vst v5;
	v5 =	vld [tilespmem:s4+$0xFFFFFFC0];
	v7 =	vadd.f32 v8, v10  }
0x2a3: {  	v8 =	vld [tilespmem:s2+$0xFFFFFF80];
	[tilespmem:s4+$0xFFFFFFF0] =	vst v2  }
0x2a4: {  	v9 =	vld [tilespmem:s2+$0x0];
	[tilespmem:s4+$0x30] =	vst v7  }
0x2a5: {  	v7 =	vld [tilespmem:s2+$0x40]  }
0x2a6: {  	v10 =	vld [tilespmem:s4+$0x0];
	v3 =	vadd.f32 v6, v3  }
0x2a7: {  	v4 =	vadd.f32 v4, v5;
	v6 =	vld [tilespmem:s4+$0x40]  }
0x2a8: {  	v5 =	vadd.f32 v8, v11;
	v2 =	vld [tilespmem:s4+$0xFFFFFF90];
	[tilespmem:s4+$0x90] =	vst v3  }
0x2a9: {  	[tilespmem:s4+$0xFFFFFFC0] =	vst v4;
	v8 =	vld [tilespmem:s4+$0xFFFFFFD0]  }
0x2aa: {  	[tilespmem:s4+$0xFFFFFF80] =	vst v5;
	v11 =	vld [tilespmem:s2+$0xFFFFFFD0]  }
.Ltmp6:
0x2ab: {  	v5 =	vld [tilespmem:s2+$0xFFFFFF90];
	v4 =	vadd.f32 v9, v10;
	(pc) =	sbr.rel @p4 .LBB2_14-.Ltmp6, $4  }
0x2ac: {  	v3 =	vld [tilespmem:s4+$0x10];
	v7 =	vadd.f32 v7, v6  }
0x2ad: {  	[tilespmem:s4+$0x0] =	vst v4;
	v4 =	vld [tilespmem:s4+$0x50]  }
0x2ae: {  	v6 =	vld [tilespmem:s2+$0x10];
	[tilespmem:s4+$0x40] =	vst v7  }
0x2af: {  	s4 =	sadd.s32 $0x140, s4;
	v8 =	vadd.f32 v11, v8;
	v7 =	vld [tilespmem:s2+$0x50]  }
0x2b0: {  	_ =	sdelay $0x1  }
0x2b1: {  	v2 =	vadd.f32 v5, v2  }
0x2b2: {  	[tilespmem:s0+$0xFFFFFFD0] =	vst v8;
	v3 =	vadd.f32 v6, v3  }
0x2b3: {  	[tilespmem:s0+$0xFFFFFF90] =	vst v2;
	v2 =	vadd.f32 v7, v4  }
0x2b4: {  	[tilespmem:s0+$0x10] =	vst v3  }
0x2b5: {  	s25 =	simm.s32 $0x4F00;
	[tilespmem:s0+$0x50] =	vst v2  }
0x2b6: {  	[spmem:s15] =	stream.indirect.scatter.add.f32 [tilespmem:s13], [sflag:$0x5], $0x40, s25, s9, $0xb8;
	[tilespmem:$0x1BDA0] =	vst v63  }
0x2b7: {  	s2 =	simm.s32 @!p2 $0x4F00;
	s3 =	simm.s32 @!p2 $0xF500;
	s0 =	simm.s32 @!p2 $0x7D  }
0x2b8: {  	[spmem:s18] =	stream.indirect.scatter.add.f32 @!p2 [tilespmem:s3], [sflag:$0x7], $0x1, s2, s0, $0xb8;
	[tilespmem:$0x1BDA0] =	vst v63  }
0x2b9: {  	s0 =	simm.s32 @!p2 $0x3  }
0x2ba: {  	_ =	swait.ge @!p2 [sflag:s0], $0x1F40  }
0x2bb: {  	[sflag:s0] =	ssyncset.done @!p2 $0x0  }
0x2bc: {  	[sflag:s0] =	ssyncadd.s32 @!p2 $0xFFFFE0C0;
	s0 =	simm.s32 @p1 $0x3  }
0x2bd: {  	_ =	swait.ge @p1 [sflag:s0], $0x1F40  }
0x2be: {  	[sflag:s0] =	ssyncset.done @p1 $0x0  }
0x2bf: {  	[sflag:s0] =	ssyncadd.s32 @p1 $0xFFFFE0C0  }
0x2c0: {  	_ =	swait.ge [sflag:s14], $0x1F40  }
0x2c1: {  	[sflag:s14] =	ssyncset.done $0x0  }
0x2c2: {  	s0 =	simm.s32 $0x97E0;
	[sflag:s14] =	ssyncadd.s32 $0xFFFFE0C0  }
0x2c3: {  	s2 =	simm.s32 $0xD660;
	v2 =	vld [tilespmem:s0+$0x60]  }
0x2c4: {  	v3 =	vld [tilespmem:s2+$0x60]  }
0x2c5: {  	v4 =	vld [tilespmem:s2+$0xFFFFFF60]  }
0x2c6: {  	v5 =	vld [tilespmem:s0+$0xFFFFFFA0]  }
0x2c7: {  	v6 =	vld [tilespmem:s0+$0xFFFFFFE0]  }
0x2c8: {  	v8 =	vld [tilespmem:s2+$0xFFFFFFE0]  }
0x2c9: {  	v9 =	vld [tilespmem:s0+$0x20]  }
0x2ca: {  	v10 =	vld [tilespmem:s0+$0xFFFFFF60]  }
0x2cb: {  	v2 =	vadd.f32 v3, v2;
	v3 =	vld [tilespmem:s2+$0xFFFFFFA0]  }
0x2cc: {  	v12 =	vld [tilespmem:s0+$0x0]  }
0x2cd: {  	[tilespmem:s0+$0x60] =	vst v2;
	v2 =	vld [tilespmem:s0+$0x70]  }
0x2ce: {  	v7 =	vld [tilespmem:s2+$0x70]  }
0x2cf: {  	v6 =	vadd.f32 v8, v6;
	v8 =	vld [tilespmem:s0+$0xFFFFFFB0];
	v4 =	vadd.f32 v4, v10  }
0x2d0: {  	v3 =	vadd.f32 v3, v5;
	v5 =	vld [tilespmem:s2+$0x20]  }
0x2d1: {  	v10 =	vld [tilespmem:s0+$0x30];
	[tilespmem:s0+$0xFFFFFF60] =	vst v4  }
0x2d2: {  	v4 =	vld [tilespmem:s2+$0xFFFFFF70];
	[tilespmem:s0+$0xFFFFFFA0] =	vst v3  }
0x2d3: {  	v3 =	vld [tilespmem:s2+$0xFFFFFFB0];
	v2 =	vadd.f32 v7, v2  }
0x2d4: {  	v7 =	vld [tilespmem:s0+$0xFFFFFF70]  }
0x2d5: {  	[tilespmem:s0+$0x70] =	vst v2;
	v2 =	vadd.f32 v5, v9;
	v5 =	vld [tilespmem:s0+$0x80]  }
0x2d6: {  	[tilespmem:s0+$0xFFFFFFE0] =	vst v6;
	v6 =	vld [tilespmem:s2+$0x80]  }
0x2d7: {  	v9 =	vld [tilespmem:s2+$0xFFFFFFF0]  }
0x2d8: {  	[tilespmem:s0+$0x20] =	vst v2;
	v3 =	vadd.f32 v3, v8;
	v8 =	vld [tilespmem:s0+$0xFFFFFFF0]  }
0x2d9: {  	v2 =	vld [tilespmem:s2+$0x30]  }
0x2da: {  	v13 =	vld [tilespmem:s0+$0xFFFFFFD0];
	v4 =	vadd.f32 v4, v7  }
0x2db: {  	[tilespmem:s0+$0xFFFFFFB0] =	vst v3;
	v5 =	vadd.f32 v6, v5;
	v6 =	vld [tilespmem:s0+$0xFFFFFF80]  }
0x2dc: {  	[tilespmem:s0+$0xFFFFFF70] =	vst v4;
	v3 =	vld [tilespmem:s2+$0xFFFFFFC0]  }
0x2dd: {  	[tilespmem:s0+$0x80] =	vst v5;
	v5 =	vadd.f32 v9, v8;
	v8 =	vld [tilespmem:s0+$0xFFFFFFC0]  }
0x2de: {  	v4 =	vld [tilespmem:s2+$0xFFFFFF80];
	v2 =	vadd.f32 v2, v10  }
0x2df: {  	v7 =	vld [tilespmem:s0+$0x90];
	[tilespmem:s0+$0xFFFFFFF0] =	vst v5  }
0x2e0: {  	[tilespmem:s0+$0x30] =	vst v2;
	v10 =	vld [tilespmem:s2+$0x0]  }
0x2e1: {  	v11 =	vld [tilespmem:s2+$0x40]  }
0x2e2: {  	v3 =	vadd.f32 v3, v8;
	v8 =	vld [tilespmem:s0+$0x40]  }
0x2e3: {  	v9 =	vld [tilespmem:s2+$0x90];
	v4 =	vadd.f32 v4, v6  }
0x2e4: {  	v2 =	vld [tilespmem:s0+$0xFFFFFF90];
	[tilespmem:s0+$0xFFFFFFC0] =	vst v3  }
0x2e5: {  	[tilespmem:s0+$0xFFFFFF80] =	vst v4;
	v14 =	vld [tilespmem:s2+$0xFFFFFFD0]  }
0x2e6: {  	v5 =	vld [tilespmem:s2+$0xFFFFFF90];
	v4 =	vadd.f32 v10, v12  }
0x2e7: {  	v3 =	vld [tilespmem:s0+$0x10];
	v8 =	vadd.f32 v11, v8  }
0x2e8: {  	v7 =	vadd.f32 v9, v7;
	[tilespmem:s0+$0x0] =	vst v4;
	v4 =	vld [tilespmem:s0+$0x50]  }
0x2e9: {  	v6 =	vld [tilespmem:s2+$0x10];
	[tilespmem:s0+$0x40] =	vst v8  }
0x2ea: {  	s4 =	simm.s32 $0x9920;
	s3 =	simm.s32 $0x0;
	[tilespmem:s0+$0x90] =	vst v7;
	v8 =	vadd.f32 v14, v13;
	v7 =	vld [tilespmem:s2+$0x50]  }
.LBB2_16:
0x2eb: {  	v9 =	vld [tilespmem:s4+$0x60];
	v2 =	vadd.f32 v5, v2;
	s2 =	sadd.s32 $0x140, s2  }
0x2ec: {  	s3 =	sadd.s32 $0x5, s3;
	v5 =	vld [tilespmem:s2+$0x60];
	[tilespmem:s0+$0xFFFFFFD0] =	vst v8  }
0x2ed: {  	p4 =	slt.u32 s3, $0x78;
	v8 =	vld [tilespmem:s2+$0xFFFFFF60];
	[tilespmem:s0+$0xFFFFFF90] =	vst v2  }
0x2ee: {  	v2 =	vld [tilespmem:s4+$0xFFFFFFA0];
	v3 =	vadd.f32 v6, v3  }
0x2ef: {  	v6 =	vld [tilespmem:s2+$0xFFFFFFA0];
	v4 =	vadd.f32 v7, v4  }
0x2f0: {  	v7 =	vld [tilespmem:s4+$0xFFFFFFE0];
	[tilespmem:s0+$0x10] =	vst v3  }
0x2f1: {  	v3 =	vld [tilespmem:s2+$0xFFFFFFE0];
	v5 =	vadd.f32 v5, v9;
	[tilespmem:s0+$0x50] =	vst v4;
	s0 =	smov.u32 s4  }
0x2f2: {  	v4 =	vld [tilespmem:s4+$0x20]  }
0x2f3: {  	[tilespmem:s4+$0x60] =	vst v5;
	v5 =	vld [tilespmem:s4+$0x70]  }
0x2f4: {  	v2 =	vadd.f32 v6, v2;
	v6 =	vld [tilespmem:s2+$0x70]  }
0x2f5: {  	v9 =	vld [tilespmem:s2+$0x20]  }
0x2f6: {  	v10 =	vld [tilespmem:s4+$0xFFFFFF60];
	[tilespmem:s4+$0xFFFFFFA0] =	vst v2;
	v2 =	vadd.f32 v3, v7  }
0x2f7: {  	v3 =	vld [tilespmem:s2+$0xFFFFFFB0]  }
0x2f8: {  	v7 =	vld [tilespmem:s4+$0xFFFFFF70];
	[tilespmem:s4+$0xFFFFFFE0] =	vst v2  }
0x2f9: {  	v2 =	vld [tilespmem:s2+$0xFFFFFFF0];
	v5 =	vadd.f32 v6, v5  }
0x2fa: {  	v6 =	vld [tilespmem:s4+$0xFFFFFFB0];
	v4 =	vadd.f32 v9, v4  }
0x2fb: {  	v8 =	vadd.f32 v8, v10;
	[tilespmem:s4+$0x70] =	vst v5;
	v5 =	vld [tilespmem:s4+$0x80]  }
0x2fc: {  	[tilespmem:s4+$0x20] =	vst v4;
	v4 =	vld [tilespmem:s2+$0x80]  }
0x2fd: {  	[tilespmem:s4+$0xFFFFFF60] =	vst v8;
	v8 =	vld [tilespmem:s2+$0x30]  }
0x2fe: {  	v9 =	vld [tilespmem:s2+$0xFFFFFF70]  }
0x2ff: {  	v3 =	vadd.f32 v3, v6;
	v6 =	vld [tilespmem:s4+$0xFFFFFFF0]  }
0x300: {  	v10 =	vld [tilespmem:s4+$0x30]  }
0x301: {  	v11 =	vld [tilespmem:s4+$0xFFFFFF80];
	[tilespmem:s4+$0xFFFFFFB0] =	vst v3;
	v3 =	vadd.f32 v4, v5  }
0x302: {  	v4 =	vld [tilespmem:s2+$0xFFFFFFC0]  }
0x303: {  	v5 =	vadd.f32 v9, v7;
	[tilespmem:s4+$0x80] =	vst v3;
	v3 =	vld [tilespmem:s4+$0x90]  }
0x304: {  	v2 =	vadd.f32 v2, v6;
	v6 =	vld [tilespmem:s2+$0x90]  }
0x305: {  	[tilespmem:s4+$0xFFFFFF70] =	vst v5;
	v5 =	vld [tilespmem:s4+$0xFFFFFFC0];
	v7 =	vadd.f32 v8, v10  }
0x306: {  	v8 =	vld [tilespmem:s2+$0xFFFFFF80];
	[tilespmem:s4+$0xFFFFFFF0] =	vst v2  }
0x307: {  	v9 =	vld [tilespmem:s2+$0x0];
	[tilespmem:s4+$0x30] =	vst v7  }
0x308: {  	v7 =	vld [tilespmem:s2+$0x40]  }
0x309: {  	v10 =	vld [tilespmem:s4+$0x0];
	v3 =	vadd.f32 v6, v3  }
0x30a: {  	v4 =	vadd.f32 v4, v5;
	v6 =	vld [tilespmem:s4+$0x40]  }
0x30b: {  	v5 =	vadd.f32 v8, v11;
	v2 =	vld [tilespmem:s4+$0xFFFFFF90];
	[tilespmem:s4+$0x90] =	vst v3  }
0x30c: {  	[tilespmem:s4+$0xFFFFFFC0] =	vst v4;
	v8 =	vld [tilespmem:s4+$0xFFFFFFD0]  }
0x30d: {  	[tilespmem:s4+$0xFFFFFF80] =	vst v5;
	v11 =	vld [tilespmem:s2+$0xFFFFFFD0]  }
.Ltmp7:
0x30e: {  	v5 =	vld [tilespmem:s2+$0xFFFFFF90];
	v4 =	vadd.f32 v9, v10;
	(pc) =	sbr.rel @p4 .LBB2_16-.Ltmp7, $4  }
0x30f: {  	v3 =	vld [tilespmem:s4+$0x10];
	v7 =	vadd.f32 v7, v6  }
0x310: {  	[tilespmem:s4+$0x0] =	vst v4;
	v4 =	vld [tilespmem:s4+$0x50]  }
0x311: {  	v6 =	vld [tilespmem:s2+$0x10];
	[tilespmem:s4+$0x40] =	vst v7  }
0x312: {  	s4 =	sadd.s32 $0x140, s4;
	v8 =	vadd.f32 v11, v8;
	v7 =	vld [tilespmem:s2+$0x50]  }
0x313: {  	_ =	sdelay $0x1  }
0x314: {  	v2 =	vadd.f32 v5, v2  }
0x315: {  	[tilespmem:s0+$0xFFFFFFD0] =	vst v8;
	v3 =	vadd.f32 v6, v3  }
0x316: {  	[tilespmem:s0+$0xFFFFFF90] =	vst v2;
	v2 =	vadd.f32 v7, v4  }
0x317: {  	[tilespmem:s0+$0x10] =	vst v3  }
0x318: {  	[tilespmem:s0+$0x50] =	vst v2  }
0x319: {  	_ =	swait.ge [sflag:s16], $0x1F40  }
0x31a: {  	s2 =	simm.s32 @p2 $0x4F80;
	[sflag:s16] =	ssyncset.done $0x0  }
0x31b: {  	s3 =	simm.s32 @p2 $0x9740;
	s0 =	simm.s32 @p2 $0x7D;
	[sflag:s16] =	ssyncadd.s32 $0xFFFFE0C0  }
0x31c: {  	[spmem:s15] =	stream.indirect.scatter.add.f32 @p2 [tilespmem:s3], [sflag:$0x6], $0x40, s2, s0, $0xb8;
	[tilespmem:$0x1BDA0] =	vst v63  }
0x31d: {  	s0 =	simm.s32 @p2 $0x6  }
0x31e: {  	_ =	swait.ge @p2 [sflag:s0], $0x1F40  }
0x31f: {  	[sflag:s0] =	ssyncset.done @p2 $0x0  }
0x320: {  	[sflag:s0] =	ssyncadd.s32 @p2 $0xFFFFE0C0;
	s0 =	simm.s32 @!p2 $0x7  }
0x321: {  	_ =	swait.ge @!p2 [sflag:s0], $0x7D  }
0x322: {  	s2 =	simm.s32 @!p2 $0x4F80;
	[sflag:s0] =	ssyncset.done @!p2 $0x0  }
0x323: {  	s3 =	simm.s32 @!p2 $0x9740;
	[sflag:s0] =	ssyncadd.s32 @!p2 $0xFFFFFF83;
	s0 =	simm.s32 @!p2 $0x7D  }
0x324: {  	[spmem:s15] =	stream.indirect.scatter.add.f32 @!p2 [tilespmem:s3], [sflag:$0x6], $0x40, s2, s0, $0xb8;
	[tilespmem:$0x1BDA0] =	vst v63  }
0x325: {  	s4 =	simm.s32 @!p2 $0xF500  }
0x326: {  	[spmem:s18] =	stream.indirect.scatter.add.f32 @!p2 [tilespmem:s4], [sflag:$0x8], $0x1, s2, s0, $0xb8;
	[tilespmem:$0x1BDA0] =	vst v63  }
0x327: {  	s2 =	simm.s32 @!p2 $0x6  }
0x328: {  	_ =	swait.ge @!p2 [sflag:s2], $0x1F40  }
0x329: {  	[sflag:s2] =	ssyncset.done @!p2 $0x0  }
0x32a: {  	[sflag:s2] =	ssyncadd.s32 @!p2 $0xFFFFE0C0;
	s2 =	simm.s32 @!p2 $0x8  }
0x32b: {  	_ =	swait.ge @!p2 [sflag:s2], $0x7D  }
0x32c: {  	[sflag:s2] =	ssyncset.done @!p2 $0x0  }
0x32d: {  	s17 =	rddreg [dreg:$0x8];
	[sflag:s2] =	ssyncadd.s32 @!p2 $0xFFFFFF83  }
0x32e: {  	[tilespmem:s1], [sflag:$0x9] =	stream.linear.gather [hbm4b:s17+s1], $0x2800, $0x38;
	[tilespmem:$0x1BDA0] =	vst v63  }
0x32f: {  	_ =	swait.ge [sflag:s5], $0x2800  }
0x330: {  	[sflag:s5] =	ssyncset.done $0x0  }
0x331: {  	s24 =	rddreg [dreg:$0x1d];
	[sflag:s5] =	ssyncadd.s32 $0xFFFFD800  }
0x332: {  	[tilespmem:s26], [sflag:$0x9] =	stream.linear.gather [hbm4b:s24+s1], $0x2800, $0x38;
	[tilespmem:$0x1BDA0] =	vst v63  }
0x333: {  	_ =	swait.ge [sflag:s5], $0x2800  }
0x334: {  	[sflag:s5] =	ssyncset.done $0x0  }
0x335: {  	s25 =	rddreg [dreg:$0x9];
	[sflag:s5] =	ssyncadd.s32 $0xFFFFD800  }
0x336: {  	[tilespmem:s30], [sflag:$0x9] =	stream.linear.gather [hbm4b:s25+s1], $0x2800, $0x38;
	[tilespmem:$0x1BDA0] =	vst v63  }
0x337: {  	_ =	swait.ge [sflag:s5], $0x2800  }
0x338: {  	[sflag:s5] =	ssyncset.done $0x0  }
0x339: {  	s4 =	simm.s32 @!p2 $0x7800;
	s2 =	simm.s32 @!p2 $0x0;
	[sflag:s5] =	ssyncadd.s32 $0xFFFFD800  }
0x33a: {  	[tilespmem:s4], [sflag:$0x1] =	stream.indirect.gather @!p2 [hbm4b:s20+s0], $0x40, s2, s0, $0xb8;
	[tilespmem:$0x1BDA0] =	vst v63  }
0x33b: {  	s6 =	simm.s32 @p1 $0x7800;
	s2 =	simm.s32 @p1 $0x7D;
	s4 =	simm.s32 @p1 $0x0  }
0x33c: {  	[tilespmem:s6], [sflag:$0x1] =	stream.indirect.gather @p1 [hbm4b:s21+s2], $0x40, s4, s2, $0xb8;
	[tilespmem:$0x1BDA0] =	vst v63  }
0x33d: {  	_ = 	snop  }
0x33e: {  	[tilespmem:s10], [sflag:$0x2] =	stream.indirect.gather [spmem:s19], $0x40, s30, s9, $0xb8;
	[tilespmem:$0x1BDA0] =	vst v63  }
0x33f: {  	s30 =	simm.s32 $0x5080  }
0x340: {  	[tilespmem:s11], [sflag:$0x4] =	stream.indirect.gather [spmem:s19], $0x40, s30, s9, $0xb8;
	[tilespmem:$0x1BDA0] =	vst v63  }
0x341: {  	s4 =	simm.s32 @!p2 $0x80  }
0x342: {  	[tilespmem:s3], [sflag:$0x3] =	stream.indirect.gather @!p2 [hbm4b:s20+s0], $0x40, s4, s0, $0xb8;
	[tilespmem:$0x1BDA0] =	vst v63  }
0x343: {  	s0 =	simm.s32 @p1 $0x80;
	s3 =	simm.s32 @p1 $0x9740  }
0x344: {  	[tilespmem:s3], [sflag:$0x3] =	stream.indirect.gather @p1 [hbm4b:s21+s2], $0x40, s0, s2, $0xb8;
	[tilespmem:$0x1BDA0] =	vst v63  }
0x345: {  	s0 =	simm.s32 @!p2 $0x1  }
0x346: {  	_ =	swait.ge @!p2 [sflag:s0], $0x1F40  }
0x347: {  	[sflag:s0] =	ssyncset.done @!p2 $0x0  }
0x348: {  	[sflag:s0] =	ssyncadd.s32 @!p2 $0xFFFFE0C0;
	s0 =	simm.s32 @p1 $0x1  }
0x349: {  	_ =	swait.ge @p1 [sflag:s0], $0x1F40  }
0x34a: {  	[sflag:s0] =	ssyncset.done @p1 $0x0  }
0x34b: {  	[sflag:s0] =	ssyncadd.s32 @p1 $0xFFFFE0C0  }
0x34c: {  	_ =	swait.ge [sflag:s12], $0x1F40  }
0x34d: {  	[sflag:s12] =	ssyncset.done $0x0  }
0x34e: {  	s0 =	simm.s32 $0x78A0;
	[sflag:s12] =	ssyncadd.s32 $0xFFFFE0C0  }
0x34f: {  	s2 =	simm.s32 $0xB720;
	v2 =	vld [tilespmem:s0+$0x60]  }
0x350: {  	v3 =	vld [tilespmem:s2+$0x60]  }
0x351: {  	v4 =	vld [tilespmem:s2+$0xFFFFFF60]  }
0x352: {  	v5 =	vld [tilespmem:s0+$0xFFFFFFA0]  }
0x353: {  	v6 =	vld [tilespmem:s0+$0xFFFFFFE0]  }
0x354: {  	v8 =	vld [tilespmem:s2+$0xFFFFFFE0]  }
0x355: {  	v9 =	vld [tilespmem:s0+$0x20]  }
0x356: {  	v10 =	vld [tilespmem:s0+$0xFFFFFF60]  }
0x357: {  	v2 =	vadd.f32 v3, v2;
	v3 =	vld [tilespmem:s2+$0xFFFFFFA0]  }
0x358: {  	v12 =	vld [tilespmem:s0+$0x0]  }
0x359: {  	[tilespmem:s0+$0x60] =	vst v2;
	v2 =	vld [tilespmem:s0+$0x70]  }
0x35a: {  	v7 =	vld [tilespmem:s2+$0x70]  }
0x35b: {  	v6 =	vadd.f32 v8, v6;
	v8 =	vld [tilespmem:s0+$0xFFFFFFB0];
	v4 =	vadd.f32 v4, v10  }
0x35c: {  	v3 =	vadd.f32 v3, v5;
	v5 =	vld [tilespmem:s2+$0x20]  }
0x35d: {  	v10 =	vld [tilespmem:s0+$0x30];
	[tilespmem:s0+$0xFFFFFF60] =	vst v4  }
0x35e: {  	v4 =	vld [tilespmem:s2+$0xFFFFFF70];
	[tilespmem:s0+$0xFFFFFFA0] =	vst v3  }
0x35f: {  	v3 =	vld [tilespmem:s2+$0xFFFFFFB0];
	v2 =	vadd.f32 v7, v2  }
0x360: {  	v7 =	vld [tilespmem:s0+$0xFFFFFF70]  }
0x361: {  	[tilespmem:s0+$0x70] =	vst v2;
	v2 =	vadd.f32 v5, v9;
	v5 =	vld [tilespmem:s0+$0x80]  }
0x362: {  	[tilespmem:s0+$0xFFFFFFE0] =	vst v6;
	v6 =	vld [tilespmem:s2+$0x80]  }
0x363: {  	v9 =	vld [tilespmem:s2+$0xFFFFFFF0]  }
0x364: {  	[tilespmem:s0+$0x20] =	vst v2;
	v3 =	vadd.f32 v3, v8;
	v8 =	vld [tilespmem:s0+$0xFFFFFFF0]  }
0x365: {  	v2 =	vld [tilespmem:s2+$0x30]  }
0x366: {  	v13 =	vld [tilespmem:s0+$0xFFFFFFD0];
	v4 =	vadd.f32 v4, v7  }
0x367: {  	[tilespmem:s0+$0xFFFFFFB0] =	vst v3;
	v5 =	vadd.f32 v6, v5;
	v6 =	vld [tilespmem:s0+$0xFFFFFF80]  }
0x368: {  	[tilespmem:s0+$0xFFFFFF70] =	vst v4;
	v3 =	vld [tilespmem:s2+$0xFFFFFFC0]  }
0x369: {  	[tilespmem:s0+$0x80] =	vst v5;
	v5 =	vadd.f32 v9, v8;
	v8 =	vld [tilespmem:s0+$0xFFFFFFC0]  }
0x36a: {  	v4 =	vld [tilespmem:s2+$0xFFFFFF80];
	v2 =	vadd.f32 v2, v10  }
0x36b: {  	v7 =	vld [tilespmem:s0+$0x90];
	[tilespmem:s0+$0xFFFFFFF0] =	vst v5  }
0x36c: {  	[tilespmem:s0+$0x30] =	vst v2;
	v10 =	vld [tilespmem:s2+$0x0]  }
0x36d: {  	v11 =	vld [tilespmem:s2+$0x40]  }
0x36e: {  	v3 =	vadd.f32 v3, v8;
	v8 =	vld [tilespmem:s0+$0x40]  }
0x36f: {  	v9 =	vld [tilespmem:s2+$0x90];
	v4 =	vadd.f32 v4, v6  }
0x370: {  	v2 =	vld [tilespmem:s0+$0xFFFFFF90];
	[tilespmem:s0+$0xFFFFFFC0] =	vst v3  }
0x371: {  	[tilespmem:s0+$0xFFFFFF80] =	vst v4;
	v14 =	vld [tilespmem:s2+$0xFFFFFFD0]  }
0x372: {  	v5 =	vld [tilespmem:s2+$0xFFFFFF90];
	v4 =	vadd.f32 v10, v12  }
0x373: {  	v3 =	vld [tilespmem:s0+$0x10];
	v8 =	vadd.f32 v11, v8  }
0x374: {  	v7 =	vadd.f32 v9, v7;
	[tilespmem:s0+$0x0] =	vst v4;
	v4 =	vld [tilespmem:s0+$0x50]  }
0x375: {  	v6 =	vld [tilespmem:s2+$0x10];
	[tilespmem:s0+$0x40] =	vst v8  }
0x376: {  	s4 =	simm.s32 $0x79E0;
	s3 =	simm.s32 $0x0;
	[tilespmem:s0+$0x90] =	vst v7;
	v8 =	vadd.f32 v14, v13;
	v7 =	vld [tilespmem:s2+$0x50]  }
.LBB2_18:
0x377: {  	v9 =	vld [tilespmem:s4+$0x60];
	v2 =	vadd.f32 v5, v2;
	s2 =	sadd.s32 $0x140, s2  }
0x378: {  	s3 =	sadd.s32 $0x5, s3;
	v5 =	vld [tilespmem:s2+$0x60];
	[tilespmem:s0+$0xFFFFFFD0] =	vst v8  }
0x379: {  	p4 =	slt.u32 s3, $0x78;
	v8 =	vld [tilespmem:s2+$0xFFFFFF60];
	[tilespmem:s0+$0xFFFFFF90] =	vst v2  }
0x37a: {  	v2 =	vld [tilespmem:s4+$0xFFFFFFA0];
	v3 =	vadd.f32 v6, v3  }
0x37b: {  	v6 =	vld [tilespmem:s2+$0xFFFFFFA0];
	v4 =	vadd.f32 v7, v4  }
0x37c: {  	v7 =	vld [tilespmem:s4+$0xFFFFFFE0];
	[tilespmem:s0+$0x10] =	vst v3  }
0x37d: {  	v3 =	vld [tilespmem:s2+$0xFFFFFFE0];
	v5 =	vadd.f32 v5, v9;
	[tilespmem:s0+$0x50] =	vst v4;
	s0 =	smov.u32 s4  }
0x37e: {  	v4 =	vld [tilespmem:s4+$0x20]  }
0x37f: {  	[tilespmem:s4+$0x60] =	vst v5;
	v5 =	vld [tilespmem:s4+$0x70]  }
0x380: {  	v2 =	vadd.f32 v6, v2;
	v6 =	vld [tilespmem:s2+$0x70]  }
0x381: {  	v9 =	vld [tilespmem:s2+$0x20]  }
0x382: {  	v10 =	vld [tilespmem:s4+$0xFFFFFF60];
	[tilespmem:s4+$0xFFFFFFA0] =	vst v2;
	v2 =	vadd.f32 v3, v7  }
0x383: {  	v3 =	vld [tilespmem:s2+$0xFFFFFFB0]  }
0x384: {  	v7 =	vld [tilespmem:s4+$0xFFFFFF70];
	[tilespmem:s4+$0xFFFFFFE0] =	vst v2  }
0x385: {  	v2 =	vld [tilespmem:s2+$0xFFFFFFF0];
	v5 =	vadd.f32 v6, v5  }
0x386: {  	v6 =	vld [tilespmem:s4+$0xFFFFFFB0];
	v4 =	vadd.f32 v9, v4  }
0x387: {  	v8 =	vadd.f32 v8, v10;
	[tilespmem:s4+$0x70] =	vst v5;
	v5 =	vld [tilespmem:s4+$0x80]  }
0x388: {  	[tilespmem:s4+$0x20] =	vst v4;
	v4 =	vld [tilespmem:s2+$0x80]  }
0x389: {  	[tilespmem:s4+$0xFFFFFF60] =	vst v8;
	v8 =	vld [tilespmem:s2+$0x30]  }
0x38a: {  	v9 =	vld [tilespmem:s2+$0xFFFFFF70]  }
0x38b: {  	v3 =	vadd.f32 v3, v6;
	v6 =	vld [tilespmem:s4+$0xFFFFFFF0]  }
0x38c: {  	v10 =	vld [tilespmem:s4+$0x30]  }
0x38d: {  	v11 =	vld [tilespmem:s4+$0xFFFFFF80];
	[tilespmem:s4+$0xFFFFFFB0] =	vst v3;
	v3 =	vadd.f32 v4, v5  }
0x38e: {  	v4 =	vld [tilespmem:s2+$0xFFFFFFC0]  }
0x38f: {  	v5 =	vadd.f32 v9, v7;
	[tilespmem:s4+$0x80] =	vst v3;
	v3 =	vld [tilespmem:s4+$0x90]  }
0x390: {  	v2 =	vadd.f32 v2, v6;
	v6 =	vld [tilespmem:s2+$0x90]  }
0x391: {  	[tilespmem:s4+$0xFFFFFF70] =	vst v5;
	v5 =	vld [tilespmem:s4+$0xFFFFFFC0];
	v7 =	vadd.f32 v8, v10  }
0x392: {  	v8 =	vld [tilespmem:s2+$0xFFFFFF80];
	[tilespmem:s4+$0xFFFFFFF0] =	vst v2  }
0x393: {  	v9 =	vld [tilespmem:s2+$0x0];
	[tilespmem:s4+$0x30] =	vst v7  }
0x394: {  	v7 =	vld [tilespmem:s2+$0x40]  }
0x395: {  	v10 =	vld [tilespmem:s4+$0x0];
	v3 =	vadd.f32 v6, v3  }
0x396: {  	v4 =	vadd.f32 v4, v5;
	v6 =	vld [tilespmem:s4+$0x40]  }
0x397: {  	v5 =	vadd.f32 v8, v11;
	v2 =	vld [tilespmem:s4+$0xFFFFFF90];
	[tilespmem:s4+$0x90] =	vst v3  }
0x398: {  	[tilespmem:s4+$0xFFFFFFC0] =	vst v4;
	v8 =	vld [tilespmem:s4+$0xFFFFFFD0]  }
0x399: {  	[tilespmem:s4+$0xFFFFFF80] =	vst v5;
	v11 =	vld [tilespmem:s2+$0xFFFFFFD0]  }
.Ltmp8:
0x39a: {  	v5 =	vld [tilespmem:s2+$0xFFFFFF90];
	v4 =	vadd.f32 v9, v10;
	(pc) =	sbr.rel @p4 .LBB2_18-.Ltmp8, $4  }
0x39b: {  	v3 =	vld [tilespmem:s4+$0x10];
	v7 =	vadd.f32 v7, v6  }
0x39c: {  	[tilespmem:s4+$0x0] =	vst v4;
	v4 =	vld [tilespmem:s4+$0x50]  }
0x39d: {  	v6 =	vld [tilespmem:s2+$0x10];
	[tilespmem:s4+$0x40] =	vst v7  }
0x39e: {  	s4 =	sadd.s32 $0x140, s4;
	v8 =	vadd.f32 v11, v8;
	v7 =	vld [tilespmem:s2+$0x50]  }
0x39f: {  	_ =	sdelay $0x1  }
0x3a0: {  	v2 =	vadd.f32 v5, v2  }
0x3a1: {  	[tilespmem:s0+$0xFFFFFFD0] =	vst v8;
	v3 =	vadd.f32 v6, v3  }
0x3a2: {  	[tilespmem:s0+$0xFFFFFF90] =	vst v2;
	v2 =	vadd.f32 v7, v4  }
0x3a3: {  	[tilespmem:s0+$0x10] =	vst v3  }
0x3a4: {  	s30 =	simm.s32 $0x5100;
	[tilespmem:s0+$0x50] =	vst v2  }
0x3a5: {  	[tilespmem:s10], [sflag:$0x2] =	stream.indirect.gather [spmem:s19], $0x40, s30, s9, $0xb8;
	[tilespmem:$0x1BDA0] =	vst v63  }
0x3a6: {  	_ = 	snop  }
0x3a7: {  	[spmem:s15] =	stream.indirect.scatter.add.f32 [tilespmem:s13], [sflag:$0x5], $0x40, s26, s9, $0xb8;
	[tilespmem:$0x1BDA0] =	vst v63  }
0x3a8: {  	s2 =	simm.s32 @p1 $0x2800;
	s3 =	simm.s32 @p1 $0xF500;
	s0 =	simm.s32 @p1 $0x7D  }
0x3a9: {  	[spmem:s18] =	stream.indirect.scatter.add.f32 @p1 [tilespmem:s3], [sflag:$0x7], $0x1, s2, s0, $0xb8;
	[tilespmem:$0x1BDA0] =	vst v63  }
0x3aa: {  	s0 =	simm.s32 @!p2 $0x3  }
0x3ab: {  	_ =	swait.ge @!p2 [sflag:s0], $0x1F40  }
0x3ac: {  	[sflag:s0] =	ssyncset.done @!p2 $0x0  }
0x3ad: {  	[sflag:s0] =	ssyncadd.s32 @!p2 $0xFFFFE0C0;
	s0 =	simm.s32 @p1 $0x3  }
0x3ae: {  	_ =	swait.ge @p1 [sflag:s0], $0x1F40  }
0x3af: {  	[sflag:s0] =	ssyncset.done @p1 $0x0  }
0x3b0: {  	[sflag:s0] =	ssyncadd.s32 @p1 $0xFFFFE0C0  }
0x3b1: {  	_ =	swait.ge [sflag:s14], $0x1F40  }
0x3b2: {  	[sflag:s14] =	ssyncset.done $0x0  }
0x3b3: {  	s0 =	simm.s32 $0x97E0;
	[sflag:s14] =	ssyncadd.s32 $0xFFFFE0C0  }
0x3b4: {  	s2 =	simm.s32 $0xD660;
	v2 =	vld [tilespmem:s0+$0x60]  }
0x3b5: {  	v3 =	vld [tilespmem:s2+$0x60]  }
0x3b6: {  	v4 =	vld [tilespmem:s2+$0xFFFFFF60]  }
0x3b7: {  	v5 =	vld [tilespmem:s0+$0xFFFFFFA0]  }
0x3b8: {  	v6 =	vld [tilespmem:s0+$0xFFFFFFE0]  }
0x3b9: {  	v8 =	vld [tilespmem:s2+$0xFFFFFFE0]  }
0x3ba: {  	v9 =	vld [tilespmem:s0+$0x20]  }
0x3bb: {  	v10 =	vld [tilespmem:s0+$0xFFFFFF60]  }
0x3bc: {  	v2 =	vadd.f32 v3, v2;
	v3 =	vld [tilespmem:s2+$0xFFFFFFA0]  }
0x3bd: {  	v12 =	vld [tilespmem:s0+$0x0]  }
0x3be: {  	[tilespmem:s0+$0x60] =	vst v2;
	v2 =	vld [tilespmem:s0+$0x70]  }
0x3bf: {  	v7 =	vld [tilespmem:s2+$0x70]  }
0x3c0: {  	v6 =	vadd.f32 v8, v6;
	v8 =	vld [tilespmem:s0+$0xFFFFFFB0];
	v4 =	vadd.f32 v4, v10  }
0x3c1: {  	v3 =	vadd.f32 v3, v5;
	v5 =	vld [tilespmem:s2+$0x20]  }
0x3c2: {  	v10 =	vld [tilespmem:s0+$0x30];
	[tilespmem:s0+$0xFFFFFF60] =	vst v4  }
0x3c3: {  	v4 =	vld [tilespmem:s2+$0xFFFFFF70];
	[tilespmem:s0+$0xFFFFFFA0] =	vst v3  }
0x3c4: {  	v3 =	vld [tilespmem:s2+$0xFFFFFFB0];
	v2 =	vadd.f32 v7, v2  }
0x3c5: {  	v7 =	vld [tilespmem:s0+$0xFFFFFF70]  }
0x3c6: {  	[tilespmem:s0+$0x70] =	vst v2;
	v2 =	vadd.f32 v5, v9;
	v5 =	vld [tilespmem:s0+$0x80]  }
0x3c7: {  	[tilespmem:s0+$0xFFFFFFE0] =	vst v6;
	v6 =	vld [tilespmem:s2+$0x80]  }
0x3c8: {  	v9 =	vld [tilespmem:s2+$0xFFFFFFF0]  }
0x3c9: {  	[tilespmem:s0+$0x20] =	vst v2;
	v3 =	vadd.f32 v3, v8;
	v8 =	vld [tilespmem:s0+$0xFFFFFFF0]  }
0x3ca: {  	v2 =	vld [tilespmem:s2+$0x30]  }
0x3cb: {  	v13 =	vld [tilespmem:s0+$0xFFFFFFD0];
	v4 =	vadd.f32 v4, v7  }
0x3cc: {  	[tilespmem:s0+$0xFFFFFFB0] =	vst v3;
	v5 =	vadd.f32 v6, v5;
	v6 =	vld [tilespmem:s0+$0xFFFFFF80]  }
0x3cd: {  	[tilespmem:s0+$0xFFFFFF70] =	vst v4;
	v3 =	vld [tilespmem:s2+$0xFFFFFFC0]  }
0x3ce: {  	[tilespmem:s0+$0x80] =	vst v5;
	v5 =	vadd.f32 v9, v8;
	v8 =	vld [tilespmem:s0+$0xFFFFFFC0]  }
0x3cf: {  	v4 =	vld [tilespmem:s2+$0xFFFFFF80];
	v2 =	vadd.f32 v2, v10  }
0x3d0: {  	v7 =	vld [tilespmem:s0+$0x90];
	[tilespmem:s0+$0xFFFFFFF0] =	vst v5  }
0x3d1: {  	[tilespmem:s0+$0x30] =	vst v2;
	v10 =	vld [tilespmem:s2+$0x0]  }
0x3d2: {  	v11 =	vld [tilespmem:s2+$0x40]  }
0x3d3: {  	v3 =	vadd.f32 v3, v8;
	v8 =	vld [tilespmem:s0+$0x40]  }
0x3d4: {  	v9 =	vld [tilespmem:s2+$0x90];
	v4 =	vadd.f32 v4, v6  }
0x3d5: {  	v2 =	vld [tilespmem:s0+$0xFFFFFF90];
	[tilespmem:s0+$0xFFFFFFC0] =	vst v3  }
0x3d6: {  	[tilespmem:s0+$0xFFFFFF80] =	vst v4;
	v14 =	vld [tilespmem:s2+$0xFFFFFFD0]  }
0x3d7: {  	v5 =	vld [tilespmem:s2+$0xFFFFFF90];
	v4 =	vadd.f32 v10, v12  }
0x3d8: {  	v3 =	vld [tilespmem:s0+$0x10];
	v8 =	vadd.f32 v11, v8  }
0x3d9: {  	v7 =	vadd.f32 v9, v7;
	[tilespmem:s0+$0x0] =	vst v4;
	v4 =	vld [tilespmem:s0+$0x50]  }
0x3da: {  	v6 =	vld [tilespmem:s2+$0x10];
	[tilespmem:s0+$0x40] =	vst v8  }
0x3db: {  	s4 =	simm.s32 $0x9920;
	s3 =	simm.s32 $0x0;
	[tilespmem:s0+$0x90] =	vst v7;
	v8 =	vadd.f32 v14, v13;
	v7 =	vld [tilespmem:s2+$0x50]  }
.LBB2_20:
0x3dc: {  	v9 =	vld [tilespmem:s4+$0x60];
	v2 =	vadd.f32 v5, v2;
	s2 =	sadd.s32 $0x140, s2  }
0x3dd: {  	s3 =	sadd.s32 $0x5, s3;
	v5 =	vld [tilespmem:s2+$0x60];
	[tilespmem:s0+$0xFFFFFFD0] =	vst v8  }
0x3de: {  	p4 =	slt.u32 s3, $0x78;
	v8 =	vld [tilespmem:s2+$0xFFFFFF60];
	[tilespmem:s0+$0xFFFFFF90] =	vst v2  }
0x3df: {  	v2 =	vld [tilespmem:s4+$0xFFFFFFA0];
	v3 =	vadd.f32 v6, v3  }
0x3e0: {  	v6 =	vld [tilespmem:s2+$0xFFFFFFA0];
	v4 =	vadd.f32 v7, v4  }
0x3e1: {  	v7 =	vld [tilespmem:s4+$0xFFFFFFE0];
	[tilespmem:s0+$0x10] =	vst v3  }
0x3e2: {  	v3 =	vld [tilespmem:s2+$0xFFFFFFE0];
	v5 =	vadd.f32 v5, v9;
	[tilespmem:s0+$0x50] =	vst v4;
	s0 =	smov.u32 s4  }
0x3e3: {  	v4 =	vld [tilespmem:s4+$0x20]  }
0x3e4: {  	[tilespmem:s4+$0x60] =	vst v5;
	v5 =	vld [tilespmem:s4+$0x70]  }
0x3e5: {  	v2 =	vadd.f32 v6, v2;
	v6 =	vld [tilespmem:s2+$0x70]  }
0x3e6: {  	v9 =	vld [tilespmem:s2+$0x20]  }
0x3e7: {  	v10 =	vld [tilespmem:s4+$0xFFFFFF60];
	[tilespmem:s4+$0xFFFFFFA0] =	vst v2;
	v2 =	vadd.f32 v3, v7  }
0x3e8: {  	v3 =	vld [tilespmem:s2+$0xFFFFFFB0]  }
0x3e9: {  	v7 =	vld [tilespmem:s4+$0xFFFFFF70];
	[tilespmem:s4+$0xFFFFFFE0] =	vst v2  }
0x3ea: {  	v2 =	vld [tilespmem:s2+$0xFFFFFFF0];
	v5 =	vadd.f32 v6, v5  }
0x3eb: {  	v6 =	vld [tilespmem:s4+$0xFFFFFFB0];
	v4 =	vadd.f32 v9, v4  }
0x3ec: {  	v8 =	vadd.f32 v8, v10;
	[tilespmem:s4+$0x70] =	vst v5;
	v5 =	vld [tilespmem:s4+$0x80]  }
0x3ed: {  	[tilespmem:s4+$0x20] =	vst v4;
	v4 =	vld [tilespmem:s2+$0x80]  }
0x3ee: {  	[tilespmem:s4+$0xFFFFFF60] =	vst v8;
	v8 =	vld [tilespmem:s2+$0x30]  }
0x3ef: {  	v9 =	vld [tilespmem:s2+$0xFFFFFF70]  }
0x3f0: {  	v3 =	vadd.f32 v3, v6;
	v6 =	vld [tilespmem:s4+$0xFFFFFFF0]  }
0x3f1: {  	v10 =	vld [tilespmem:s4+$0x30]  }
0x3f2: {  	v11 =	vld [tilespmem:s4+$0xFFFFFF80];
	[tilespmem:s4+$0xFFFFFFB0] =	vst v3;
	v3 =	vadd.f32 v4, v5  }
0x3f3: {  	v4 =	vld [tilespmem:s2+$0xFFFFFFC0]  }
0x3f4: {  	v5 =	vadd.f32 v9, v7;
	[tilespmem:s4+$0x80] =	vst v3;
	v3 =	vld [tilespmem:s4+$0x90]  }
0x3f5: {  	v2 =	vadd.f32 v2, v6;
	v6 =	vld [tilespmem:s2+$0x90]  }
0x3f6: {  	[tilespmem:s4+$0xFFFFFF70] =	vst v5;
	v5 =	vld [tilespmem:s4+$0xFFFFFFC0];
	v7 =	vadd.f32 v8, v10  }
0x3f7: {  	v8 =	vld [tilespmem:s2+$0xFFFFFF80];
	[tilespmem:s4+$0xFFFFFFF0] =	vst v2  }
0x3f8: {  	v9 =	vld [tilespmem:s2+$0x0];
	[tilespmem:s4+$0x30] =	vst v7  }
0x3f9: {  	v7 =	vld [tilespmem:s2+$0x40]  }
0x3fa: {  	v10 =	vld [tilespmem:s4+$0x0];
	v3 =	vadd.f32 v6, v3  }
0x3fb: {  	v4 =	vadd.f32 v4, v5;
	v6 =	vld [tilespmem:s4+$0x40]  }
0x3fc: {  	v5 =	vadd.f32 v8, v11;
	v2 =	vld [tilespmem:s4+$0xFFFFFF90];
	[tilespmem:s4+$0x90] =	vst v3  }
0x3fd: {  	[tilespmem:s4+$0xFFFFFFC0] =	vst v4;
	v8 =	vld [tilespmem:s4+$0xFFFFFFD0]  }
0x3fe: {  	[tilespmem:s4+$0xFFFFFF80] =	vst v5;
	v11 =	vld [tilespmem:s2+$0xFFFFFFD0]  }
.Ltmp9:
0x3ff: {  	v5 =	vld [tilespmem:s2+$0xFFFFFF90];
	v4 =	vadd.f32 v9, v10;
	(pc) =	sbr.rel @p4 .LBB2_20-.Ltmp9, $4  }
0x400: {  	v3 =	vld [tilespmem:s4+$0x10];
	v7 =	vadd.f32 v7, v6  }
0x401: {  	[tilespmem:s4+$0x0] =	vst v4;
	v4 =	vld [tilespmem:s4+$0x50]  }
0x402: {  	v6 =	vld [tilespmem:s2+$0x10];
	[tilespmem:s4+$0x40] =	vst v7  }
0x403: {  	s4 =	sadd.s32 $0x140, s4;
	v8 =	vadd.f32 v11, v8;
	v7 =	vld [tilespmem:s2+$0x50]  }
0x404: {  	_ =	sdelay $0x1  }
0x405: {  	v2 =	vadd.f32 v5, v2  }
0x406: {  	[tilespmem:s0+$0xFFFFFFD0] =	vst v8;
	v3 =	vadd.f32 v6, v3  }
0x407: {  	[tilespmem:s0+$0xFFFFFF90] =	vst v2;
	v2 =	vadd.f32 v7, v4  }
0x408: {  	[tilespmem:s0+$0x10] =	vst v3  }
0x409: {  	s30 =	simm.s32 $0x5180;
	[tilespmem:s0+$0x50] =	vst v2  }
0x40a: {  	[tilespmem:s11], [sflag:$0x4] =	stream.indirect.gather [spmem:s19], $0x40, s30, s9, $0xb8;
	[tilespmem:$0x1BDA0] =	vst v63  }
0x40b: {  	_ =	swait.ge [sflag:s16], $0x1F40  }
0x40c: {  	[sflag:s16] =	ssyncset.done $0x0  }
0x40d: {  	s0 =	simm.s32 @p1 $0x7;
	[sflag:s16] =	ssyncadd.s32 $0xFFFFE0C0  }
0x40e: {  	_ =	swait.ge @p1 [sflag:s0], $0x7D  }
0x40f: {  	s17 =	simm.s32 @!p2 $0x7D;
	[sflag:s0] =	ssyncset.done @p1 $0x0  }
0x410: {  	s2 =	simm.s32 @!p2 $0x7800;
	[sflag:s0] =	ssyncadd.s32 @p1 $0xFFFFFF83;
	s0 =	simm.s32 @!p2 $0x100  }
0x411: {  	[tilespmem:s2], [sflag:$0x1] =	stream.indirect.gather @!p2 [hbm4b:s20+s17], $0x40, s0, s17, $0xb8;
	[tilespmem:$0x1BDA0] =	vst v63  }
0x412: {  	s3 =	simm.s32 @!p1 $0x9740;
	s0 =	simm.s32 @!p1 $0x7D;
	s2 =	simm.s32 @!p1 $0x2880  }
0x413: {  	[spmem:s15] =	stream.indirect.scatter.add.f32 @!p1 [tilespmem:s3], [sflag:$0x6], $0x40, s2, s0, $0xb8;
	[tilespmem:$0x1BDA0] =	vst v63  }
0x414: {  	s0 =	simm.s32 @p1 $0x7D;
	s2 =	simm.s32 @p1 $0x100;
	s3 =	simm.s32 @p1 $0x7800  }
0x415: {  	[tilespmem:s3], [sflag:$0x1] =	stream.indirect.gather @p1 [hbm4b:s21+s0], $0x40, s2, s0, $0xb8;
	[tilespmem:$0x1BDA0] =	vst v63  }
0x416: {  	s2 =	simm.s32 @p1 $0x2880;
	s3 =	simm.s32 @p1 $0x9740  }
0x417: {  	[spmem:s15] =	stream.indirect.scatter.add.f32 @p1 [tilespmem:s3], [sflag:$0x6], $0x40, s2, s0, $0xb8;
	[tilespmem:$0x1BDA0] =	vst v63  }
0x418: {  	s4 =	simm.s32 @p1 $0xF500  }
0x419: {  	[spmem:s18] =	stream.indirect.scatter.add.f32 @p1 [tilespmem:s4], [sflag:$0x8], $0x1, s2, s0, $0xb8;
	[tilespmem:$0x1BDA0] =	vst v63  }
0x41a: {  	s2 =	simm.s32 $0x1  }
.LBB2_22:
0x41b: {  	_ =	swait.ge [sflag:s23], $0x1F40  }
0x41c: {  	[sflag:s23] =	ssyncset.done $0x0  }
0x41d: {  	s4 =	simm.s32 @p1 $0x8;
	[sflag:s23] =	ssyncadd.s32 $0xFFFFE0C0  }
0x41e: {  	s6 =	sshllo.u32 s2, $0x1;
	_ =	swait.ge @p1 [sflag:s4], $0x7D  }
0x41f: {  	s7 =	sshll.u32 @!p2 s6, $0x7;
	[sflag:s4] =	ssyncset.done @p1 $0x0  }
0x420: {  	[sflag:s4] =	ssyncadd.s32 @p1 $0xFFFFFF83;
	s4 =	sand.u32 @!p2 $0x3FFFFF80, s7;
	s7 =	simm.s32 @!p2 $0x9740  }
0x421: {  	[tilespmem:s7], [sflag:$0x3] =	stream.indirect.gather @!p2 [hbm4b:s20+s17], $0x40, s4, s17, $0xb8;
	[tilespmem:$0x1BDA0] =	vst v63  }
0x422: {  	s4 =	sshll.u32 @p1 s6, $0x7  }
0x423: {  	s7 =	sand.u32 @p1 $0x3FFFFF80, s4;
	s4 =	simm.s32 @!p2 $0x1  }
0x424: {  	[tilespmem:s3], [sflag:$0x3] =	stream.indirect.gather @p1 [hbm4b:s21+s0], $0x40, s7, s0, $0xb8;
	[tilespmem:$0x1BDA0] =	vst v63  }
0x425: {  	_ =	swait.ge @!p2 [sflag:s4], $0x1F40  }
0x426: {  	[sflag:s4] =	ssyncset.done @!p2 $0x0  }
0x427: {  	[sflag:s4] =	ssyncadd.s32 @!p2 $0xFFFFE0C0;
	s4 =	simm.s32 @p1 $0x1  }
0x428: {  	_ =	swait.ge @p1 [sflag:s4], $0x1F40  }
0x429: {  	[sflag:s4] =	ssyncset.done @p1 $0x0  }
0x42a: {  	[sflag:s4] =	ssyncadd.s32 @p1 $0xFFFFE0C0  }
0x42b: {  	_ =	swait.ge [sflag:s12], $0x1F40  }
0x42c: {  	[sflag:s12] =	ssyncset.done $0x0  }
0x42d: {  	s8 =	simm.s32 $0x78A0;
	[sflag:s12] =	ssyncadd.s32 $0xFFFFE0C0  }
0x42e: {  	s4 =	simm.s32 $0xB720;
	v2 =	vld [tilespmem:s8+$0x60]  }
0x42f: {  	v3 =	vld [tilespmem:s4+$0x60]  }
0x430: {  	v4 =	vld [tilespmem:s4+$0xFFFFFF60]  }
0x431: {  	v5 =	vld [tilespmem:s8+$0xFFFFFFA0]  }
0x432: {  	v6 =	vld [tilespmem:s8+$0xFFFFFFE0]  }
0x433: {  	v8 =	vld [tilespmem:s4+$0xFFFFFFE0]  }
0x434: {  	v9 =	vld [tilespmem:s8+$0x20]  }
0x435: {  	v10 =	vld [tilespmem:s8+$0xFFFFFF60]  }
0x436: {  	v2 =	vadd.f32 v3, v2;
	v3 =	vld [tilespmem:s4+$0xFFFFFFA0]  }
0x437: {  	v12 =	vld [tilespmem:s8+$0x0]  }
0x438: {  	[tilespmem:s8+$0x60] =	vst v2;
	v2 =	vld [tilespmem:s8+$0x70]  }
0x439: {  	v7 =	vld [tilespmem:s4+$0x70]  }
0x43a: {  	v6 =	vadd.f32 v8, v6;
	v8 =	vld [tilespmem:s8+$0xFFFFFFB0];
	v4 =	vadd.f32 v4, v10  }
0x43b: {  	v3 =	vadd.f32 v3, v5;
	v5 =	vld [tilespmem:s4+$0x20]  }
0x43c: {  	v10 =	vld [tilespmem:s8+$0x30];
	[tilespmem:s8+$0xFFFFFF60] =	vst v4  }
0x43d: {  	v4 =	vld [tilespmem:s4+$0xFFFFFF70];
	[tilespmem:s8+$0xFFFFFFA0] =	vst v3  }
0x43e: {  	v3 =	vld [tilespmem:s4+$0xFFFFFFB0];
	v2 =	vadd.f32 v7, v2  }
0x43f: {  	v7 =	vld [tilespmem:s8+$0xFFFFFF70]  }
0x440: {  	[tilespmem:s8+$0x70] =	vst v2;
	v2 =	vadd.f32 v5, v9;
	v5 =	vld [tilespmem:s8+$0x80]  }
0x441: {  	[tilespmem:s8+$0xFFFFFFE0] =	vst v6;
	v6 =	vld [tilespmem:s4+$0x80]  }
0x442: {  	v9 =	vld [tilespmem:s4+$0xFFFFFFF0]  }
0x443: {  	[tilespmem:s8+$0x20] =	vst v2;
	v3 =	vadd.f32 v3, v8;
	v8 =	vld [tilespmem:s8+$0xFFFFFFF0]  }
0x444: {  	v2 =	vld [tilespmem:s4+$0x30]  }
0x445: {  	v13 =	vld [tilespmem:s8+$0xFFFFFFD0];
	v4 =	vadd.f32 v4, v7  }
0x446: {  	[tilespmem:s8+$0xFFFFFFB0] =	vst v3;
	v5 =	vadd.f32 v6, v5;
	v6 =	vld [tilespmem:s8+$0xFFFFFF80]  }
0x447: {  	[tilespmem:s8+$0xFFFFFF70] =	vst v4;
	v3 =	vld [tilespmem:s4+$0xFFFFFFC0]  }
0x448: {  	[tilespmem:s8+$0x80] =	vst v5;
	v5 =	vadd.f32 v9, v8;
	v8 =	vld [tilespmem:s8+$0xFFFFFFC0]  }
0x449: {  	v4 =	vld [tilespmem:s4+$0xFFFFFF80];
	v2 =	vadd.f32 v2, v10  }
0x44a: {  	v7 =	vld [tilespmem:s8+$0x90];
	[tilespmem:s8+$0xFFFFFFF0] =	vst v5  }
0x44b: {  	[tilespmem:s8+$0x30] =	vst v2;
	v10 =	vld [tilespmem:s4+$0x0]  }
0x44c: {  	v11 =	vld [tilespmem:s4+$0x40]  }
0x44d: {  	v3 =	vadd.f32 v3, v8;
	v8 =	vld [tilespmem:s8+$0x40]  }
0x44e: {  	v9 =	vld [tilespmem:s4+$0x90];
	v4 =	vadd.f32 v4, v6  }
0x44f: {  	v2 =	vld [tilespmem:s8+$0xFFFFFF90];
	[tilespmem:s8+$0xFFFFFFC0] =	vst v3  }
0x450: {  	[tilespmem:s8+$0xFFFFFF80] =	vst v4;
	v14 =	vld [tilespmem:s4+$0xFFFFFFD0]  }
0x451: {  	v5 =	vld [tilespmem:s4+$0xFFFFFF90];
	v4 =	vadd.f32 v10, v12  }
0x452: {  	v3 =	vld [tilespmem:s8+$0x10];
	v8 =	vadd.f32 v11, v8  }
0x453: {  	v7 =	vadd.f32 v9, v7;
	[tilespmem:s8+$0x0] =	vst v4;
	v4 =	vld [tilespmem:s8+$0x50]  }
0x454: {  	v6 =	vld [tilespmem:s4+$0x10];
	[tilespmem:s8+$0x40] =	vst v8  }
0x455: {  	s24 =	simm.s32 $0x0;
	s25 =	simm.s32 $0x79E0;
	[tilespmem:s8+$0x90] =	vst v7;
	v8 =	vadd.f32 v14, v13;
	v7 =	vld [tilespmem:s4+$0x50]  }
.LBB2_23:
0x456: {  	v9 =	vld [tilespmem:s25+$0x60];
	v2 =	vadd.f32 v5, v2;
	s4 =	sadd.s32 $0x140, s4  }
0x457: {  	s24 =	sadd.s32 $0x5, s24;
	v5 =	vld [tilespmem:s4+$0x60];
	[tilespmem:s8+$0xFFFFFFD0] =	vst v8  }
0x458: {  	p4 =	slt.u32 s24, $0x78;
	v8 =	vld [tilespmem:s4+$0xFFFFFF60];
	[tilespmem:s8+$0xFFFFFF90] =	vst v2  }
0x459: {  	v2 =	vld [tilespmem:s25+$0xFFFFFFA0];
	v3 =	vadd.f32 v6, v3  }
0x45a: {  	v6 =	vld [tilespmem:s4+$0xFFFFFFA0];
	v4 =	vadd.f32 v7, v4  }
0x45b: {  	v7 =	vld [tilespmem:s25+$0xFFFFFFE0];
	[tilespmem:s8+$0x10] =	vst v3  }
0x45c: {  	v3 =	vld [tilespmem:s4+$0xFFFFFFE0];
	v5 =	vadd.f32 v5, v9;
	[tilespmem:s8+$0x50] =	vst v4;
	s8 =	smov.u32 s25  }
0x45d: {  	v4 =	vld [tilespmem:s25+$0x20]  }
0x45e: {  	[tilespmem:s25+$0x60] =	vst v5;
	v5 =	vld [tilespmem:s25+$0x70]  }
0x45f: {  	v2 =	vadd.f32 v6, v2;
	v6 =	vld [tilespmem:s4+$0x70]  }
0x460: {  	v9 =	vld [tilespmem:s4+$0x20]  }
0x461: {  	v10 =	vld [tilespmem:s25+$0xFFFFFF60];
	[tilespmem:s25+$0xFFFFFFA0] =	vst v2;
	v2 =	vadd.f32 v3, v7  }
0x462: {  	v3 =	vld [tilespmem:s4+$0xFFFFFFB0]  }
0x463: {  	v7 =	vld [tilespmem:s25+$0xFFFFFF70];
	[tilespmem:s25+$0xFFFFFFE0] =	vst v2  }
0x464: {  	v2 =	vld [tilespmem:s4+$0xFFFFFFF0];
	v5 =	vadd.f32 v6, v5  }
0x465: {  	v6 =	vld [tilespmem:s25+$0xFFFFFFB0];
	v4 =	vadd.f32 v9, v4  }
0x466: {  	v8 =	vadd.f32 v8, v10;
	[tilespmem:s25+$0x70] =	vst v5;
	v5 =	vld [tilespmem:s25+$0x80]  }
0x467: {  	[tilespmem:s25+$0x20] =	vst v4;
	v4 =	vld [tilespmem:s4+$0x80]  }
0x468: {  	[tilespmem:s25+$0xFFFFFF60] =	vst v8;
	v8 =	vld [tilespmem:s4+$0x30]  }
0x469: {  	v9 =	vld [tilespmem:s4+$0xFFFFFF70]  }
0x46a: {  	v3 =	vadd.f32 v3, v6;
	v6 =	vld [tilespmem:s25+$0xFFFFFFF0]  }
0x46b: {  	v10 =	vld [tilespmem:s25+$0x30]  }
0x46c: {  	v11 =	vld [tilespmem:s25+$0xFFFFFF80];
	[tilespmem:s25+$0xFFFFFFB0] =	vst v3;
	v3 =	vadd.f32 v4, v5  }
0x46d: {  	v4 =	vld [tilespmem:s4+$0xFFFFFFC0]  }
0x46e: {  	v5 =	vadd.f32 v9, v7;
	[tilespmem:s25+$0x80] =	vst v3;
	v3 =	vld [tilespmem:s25+$0x90]  }
0x46f: {  	v2 =	vadd.f32 v2, v6;
	v6 =	vld [tilespmem:s4+$0x90]  }
0x470: {  	[tilespmem:s25+$0xFFFFFF70] =	vst v5;
	v5 =	vld [tilespmem:s25+$0xFFFFFFC0];
	v7 =	vadd.f32 v8, v10  }
0x471: {  	v8 =	vld [tilespmem:s4+$0xFFFFFF80];
	[tilespmem:s25+$0xFFFFFFF0] =	vst v2  }
0x472: {  	v9 =	vld [tilespmem:s4+$0x0];
	[tilespmem:s25+$0x30] =	vst v7  }
0x473: {  	v7 =	vld [tilespmem:s4+$0x40]  }
0x474: {  	v10 =	vld [tilespmem:s25+$0x0];
	v3 =	vadd.f32 v6, v3  }
0x475: {  	v4 =	vadd.f32 v4, v5;
	v6 =	vld [tilespmem:s25+$0x40]  }
0x476: {  	v5 =	vadd.f32 v8, v11;
	v2 =	vld [tilespmem:s25+$0xFFFFFF90];
	[tilespmem:s25+$0x90] =	vst v3  }
0x477: {  	[tilespmem:s25+$0xFFFFFFC0] =	vst v4;
	v8 =	vld [tilespmem:s25+$0xFFFFFFD0]  }
0x478: {  	[tilespmem:s25+$0xFFFFFF80] =	vst v5;
	v11 =	vld [tilespmem:s4+$0xFFFFFFD0]  }
.Ltmp10:
0x479: {  	v5 =	vld [tilespmem:s4+$0xFFFFFF90];
	v4 =	vadd.f32 v9, v10;
	(pc) =	sbr.rel @p4 .LBB2_23-.Ltmp10, $4  }
0x47a: {  	v3 =	vld [tilespmem:s25+$0x10];
	v7 =	vadd.f32 v7, v6  }
0x47b: {  	[tilespmem:s25+$0x0] =	vst v4;
	v4 =	vld [tilespmem:s25+$0x50]  }
0x47c: {  	v6 =	vld [tilespmem:s4+$0x10];
	[tilespmem:s25+$0x40] =	vst v7  }
0x47d: {  	s25 =	sadd.s32 $0x140, s25;
	v8 =	vadd.f32 v11, v8;
	v7 =	vld [tilespmem:s4+$0x50]  }
0x47e: {  	_ =	sdelay $0x1  }
0x47f: {  	v2 =	vadd.f32 v5, v2  }
0x480: {  	[tilespmem:s8+$0xFFFFFFD0] =	vst v8;
	v3 =	vadd.f32 v6, v3  }
0x481: {  	[tilespmem:s8+$0xFFFFFF90] =	vst v2;
	v2 =	vadd.f32 v7, v4  }
0x482: {  	s24 =	sshll.u32 s2, $0x8;
	s26 =	sshll.u32 s2, $0xA;
	[tilespmem:s8+$0x10] =	vst v3  }
0x483: {  	s4 =	sadd.s32 $0x5100, s24;
	[tilespmem:s8+$0x50] =	vst v2;
	s8 =	sshrl.u32 s26, $0x2  }
0x484: {  	[tilespmem:s10], [sflag:$0x2] =	stream.indirect.gather [spmem:s19], $0x40, s4, s9, $0xb8;
	[tilespmem:$0x1BDA0] =	vst v63  }
0x485: {  	s4 =	sadd.s32 $0x2800, s8  }
0x486: {  	[spmem:s15] =	stream.indirect.scatter.add.f32 [tilespmem:s13], [sflag:$0x5], $0x40, s4, s9, $0xb8;
	[tilespmem:$0x1BDA0] =	vst v63  }
0x487: {  	s25 =	simm.s32 @p1 $0x7D;
	s26 =	simm.s32 @p1 $0xF500  }
0x488: {  	[spmem:s18] =	stream.indirect.scatter.add.f32 @p1 [tilespmem:s26], [sflag:$0x7], $0x1, s4, s25, $0xb8;
	[tilespmem:$0x1BDA0] =	vst v63  }
0x489: {  	s4 =	simm.s32 @!p2 $0x3  }
0x48a: {  	_ =	swait.ge @!p2 [sflag:s4], $0x1F40  }
0x48b: {  	[sflag:s4] =	ssyncset.done @!p2 $0x0  }
0x48c: {  	[sflag:s4] =	ssyncadd.s32 @!p2 $0xFFFFE0C0;
	s4 =	simm.s32 @p1 $0x3  }
0x48d: {  	_ =	swait.ge @p1 [sflag:s4], $0x1F40  }
0x48e: {  	[sflag:s4] =	ssyncset.done @p1 $0x0  }
0x48f: {  	[sflag:s4] =	ssyncadd.s32 @p1 $0xFFFFE0C0  }
0x490: {  	_ =	swait.ge [sflag:s14], $0x1F40  }
0x491: {  	[sflag:s14] =	ssyncset.done $0x0  }
0x492: {  	s30 =	simm.s32 $0x97E0;
	[sflag:s14] =	ssyncadd.s32 $0xFFFFE0C0  }
0x493: {  	s4 =	simm.s32 $0xD660;
	v2 =	vld [tilespmem:s30+$0x60]  }
0x494: {  	v3 =	vld [tilespmem:s4+$0x60]  }
0x495: {  	v4 =	vld [tilespmem:s4+$0xFFFFFF60]  }
0x496: {  	v5 =	vld [tilespmem:s30+$0xFFFFFFA0]  }
0x497: {  	v6 =	vld [tilespmem:s30+$0xFFFFFFE0]  }
0x498: {  	v8 =	vld [tilespmem:s4+$0xFFFFFFE0]  }
0x499: {  	v9 =	vld [tilespmem:s30+$0x20]  }
0x49a: {  	v10 =	vld [tilespmem:s30+$0xFFFFFF60]  }
0x49b: {  	v2 =	vadd.f32 v3, v2;
	v3 =	vld [tilespmem:s4+$0xFFFFFFA0]  }
0x49c: {  	v12 =	vld [tilespmem:s30+$0x0]  }
0x49d: {  	[tilespmem:s30+$0x60] =	vst v2;
	v2 =	vld [tilespmem:s30+$0x70]  }
0x49e: {  	v7 =	vld [tilespmem:s4+$0x70]  }
0x49f: {  	v6 =	vadd.f32 v8, v6;
	v8 =	vld [tilespmem:s30+$0xFFFFFFB0];
	v4 =	vadd.f32 v4, v10  }
0x4a0: {  	v3 =	vadd.f32 v3, v5;
	v5 =	vld [tilespmem:s4+$0x20]  }
0x4a1: {  	v10 =	vld [tilespmem:s30+$0x30];
	[tilespmem:s30+$0xFFFFFF60] =	vst v4  }
0x4a2: {  	v4 =	vld [tilespmem:s4+$0xFFFFFF70];
	[tilespmem:s30+$0xFFFFFFA0] =	vst v3  }
0x4a3: {  	v3 =	vld [tilespmem:s4+$0xFFFFFFB0];
	v2 =	vadd.f32 v7, v2  }
0x4a4: {  	v7 =	vld [tilespmem:s30+$0xFFFFFF70]  }
0x4a5: {  	[tilespmem:s30+$0x70] =	vst v2;
	v2 =	vadd.f32 v5, v9;
	v5 =	vld [tilespmem:s30+$0x80]  }
0x4a6: {  	[tilespmem:s30+$0xFFFFFFE0] =	vst v6;
	v6 =	vld [tilespmem:s4+$0x80]  }
0x4a7: {  	v9 =	vld [tilespmem:s4+$0xFFFFFFF0]  }
0x4a8: {  	[tilespmem:s30+$0x20] =	vst v2;
	v3 =	vadd.f32 v3, v8;
	v8 =	vld [tilespmem:s30+$0xFFFFFFF0]  }
0x4a9: {  	v2 =	vld [tilespmem:s4+$0x30]  }
0x4aa: {  	v13 =	vld [tilespmem:s30+$0xFFFFFFD0];
	v4 =	vadd.f32 v4, v7  }
0x4ab: {  	[tilespmem:s30+$0xFFFFFFB0] =	vst v3;
	v5 =	vadd.f32 v6, v5;
	v6 =	vld [tilespmem:s30+$0xFFFFFF80]  }
0x4ac: {  	[tilespmem:s30+$0xFFFFFF70] =	vst v4;
	v3 =	vld [tilespmem:s4+$0xFFFFFFC0]  }
0x4ad: {  	[tilespmem:s30+$0x80] =	vst v5;
	v5 =	vadd.f32 v9, v8;
	v8 =	vld [tilespmem:s30+$0xFFFFFFC0]  }
0x4ae: {  	v4 =	vld [tilespmem:s4+$0xFFFFFF80];
	v2 =	vadd.f32 v2, v10  }
0x4af: {  	v7 =	vld [tilespmem:s30+$0x90];
	[tilespmem:s30+$0xFFFFFFF0] =	vst v5  }
0x4b0: {  	[tilespmem:s30+$0x30] =	vst v2;
	v10 =	vld [tilespmem:s4+$0x0]  }
0x4b1: {  	v11 =	vld [tilespmem:s4+$0x40]  }
0x4b2: {  	v3 =	vadd.f32 v3, v8;
	v8 =	vld [tilespmem:s30+$0x40]  }
0x4b3: {  	v9 =	vld [tilespmem:s4+$0x90];
	v4 =	vadd.f32 v4, v6  }
0x4b4: {  	v2 =	vld [tilespmem:s30+$0xFFFFFF90];
	[tilespmem:s30+$0xFFFFFFC0] =	vst v3  }
0x4b5: {  	[tilespmem:s30+$0xFFFFFF80] =	vst v4;
	v14 =	vld [tilespmem:s4+$0xFFFFFFD0]  }
0x4b6: {  	v5 =	vld [tilespmem:s4+$0xFFFFFF90];
	v4 =	vadd.f32 v10, v12  }
0x4b7: {  	v3 =	vld [tilespmem:s30+$0x10];
	v8 =	vadd.f32 v11, v8  }
0x4b8: {  	v7 =	vadd.f32 v9, v7;
	[tilespmem:s30+$0x0] =	vst v4;
	v4 =	vld [tilespmem:s30+$0x50]  }
0x4b9: {  	v6 =	vld [tilespmem:s4+$0x10];
	[tilespmem:s30+$0x40] =	vst v8  }
0x4ba: {  	s24 =	sadd.s32 $0x100, s24;
	s25 =	simm.s32 $0x0;
	s26 =	simm.s32 $0x9920;
	[tilespmem:s30+$0x90] =	vst v7;
	v8 =	vadd.f32 v14, v13;
	v7 =	vld [tilespmem:s4+$0x50]  }
.LBB2_25:
0x4bb: {  	v9 =	vld [tilespmem:s26+$0x60];
	v2 =	vadd.f32 v5, v2;
	s4 =	sadd.s32 $0x140, s4  }
0x4bc: {  	s25 =	sadd.s32 $0x5, s25;
	v5 =	vld [tilespmem:s4+$0x60];
	[tilespmem:s30+$0xFFFFFFD0] =	vst v8  }
0x4bd: {  	p4 =	slt.u32 s25, $0x78;
	v8 =	vld [tilespmem:s4+$0xFFFFFF60];
	[tilespmem:s30+$0xFFFFFF90] =	vst v2  }
0x4be: {  	v2 =	vld [tilespmem:s26+$0xFFFFFFA0];
	v3 =	vadd.f32 v6, v3  }
0x4bf: {  	v6 =	vld [tilespmem:s4+$0xFFFFFFA0];
	v4 =	vadd.f32 v7, v4  }
0x4c0: {  	v7 =	vld [tilespmem:s26+$0xFFFFFFE0];
	[tilespmem:s30+$0x10] =	vst v3  }
0x4c1: {  	v3 =	vld [tilespmem:s4+$0xFFFFFFE0];
	v5 =	vadd.f32 v5, v9;
	[tilespmem:s30+$0x50] =	vst v4;
	s30 =	smov.u32 s26  }
0x4c2: {  	v4 =	vld [tilespmem:s26+$0x20]  }
0x4c3: {  	[tilespmem:s26+$0x60] =	vst v5;
	v5 =	vld [tilespmem:s26+$0x70]  }
0x4c4: {  	v2 =	vadd.f32 v6, v2;
	v6 =	vld [tilespmem:s4+$0x70]  }
0x4c5: {  	v9 =	vld [tilespmem:s4+$0x20]  }
0x4c6: {  	v10 =	vld [tilespmem:s26+$0xFFFFFF60];
	[tilespmem:s26+$0xFFFFFFA0] =	vst v2;
	v2 =	vadd.f32 v3, v7  }
0x4c7: {  	v3 =	vld [tilespmem:s4+$0xFFFFFFB0]  }
0x4c8: {  	v7 =	vld [tilespmem:s26+$0xFFFFFF70];
	[tilespmem:s26+$0xFFFFFFE0] =	vst v2  }
0x4c9: {  	v2 =	vld [tilespmem:s4+$0xFFFFFFF0];
	v5 =	vadd.f32 v6, v5  }
0x4ca: {  	v6 =	vld [tilespmem:s26+$0xFFFFFFB0];
	v4 =	vadd.f32 v9, v4  }
0x4cb: {  	v8 =	vadd.f32 v8, v10;
	[tilespmem:s26+$0x70] =	vst v5;
	v5 =	vld [tilespmem:s26+$0x80]  }
0x4cc: {  	[tilespmem:s26+$0x20] =	vst v4;
	v4 =	vld [tilespmem:s4+$0x80]  }
0x4cd: {  	[tilespmem:s26+$0xFFFFFF60] =	vst v8;
	v8 =	vld [tilespmem:s4+$0x30]  }
0x4ce: {  	v9 =	vld [tilespmem:s4+$0xFFFFFF70]  }
0x4cf: {  	v3 =	vadd.f32 v3, v6;
	v6 =	vld [tilespmem:s26+$0xFFFFFFF0]  }
0x4d0: {  	v10 =	vld [tilespmem:s26+$0x30]  }
0x4d1: {  	v11 =	vld [tilespmem:s26+$0xFFFFFF80];
	[tilespmem:s26+$0xFFFFFFB0] =	vst v3;
	v3 =	vadd.f32 v4, v5  }
0x4d2: {  	v4 =	vld [tilespmem:s4+$0xFFFFFFC0]  }
0x4d3: {  	v5 =	vadd.f32 v9, v7;
	[tilespmem:s26+$0x80] =	vst v3;
	v3 =	vld [tilespmem:s26+$0x90]  }
0x4d4: {  	v2 =	vadd.f32 v2, v6;
	v6 =	vld [tilespmem:s4+$0x90]  }
0x4d5: {  	[tilespmem:s26+$0xFFFFFF70] =	vst v5;
	v5 =	vld [tilespmem:s26+$0xFFFFFFC0];
	v7 =	vadd.f32 v8, v10  }
0x4d6: {  	v8 =	vld [tilespmem:s4+$0xFFFFFF80];
	[tilespmem:s26+$0xFFFFFFF0] =	vst v2  }
0x4d7: {  	v9 =	vld [tilespmem:s4+$0x0];
	[tilespmem:s26+$0x30] =	vst v7  }
0x4d8: {  	v7 =	vld [tilespmem:s4+$0x40]  }
0x4d9: {  	v10 =	vld [tilespmem:s26+$0x0];
	v3 =	vadd.f32 v6, v3  }
0x4da: {  	v4 =	vadd.f32 v4, v5;
	v6 =	vld [tilespmem:s26+$0x40]  }
0x4db: {  	v5 =	vadd.f32 v8, v11;
	v2 =	vld [tilespmem:s26+$0xFFFFFF90];
	[tilespmem:s26+$0x90] =	vst v3  }
0x4dc: {  	[tilespmem:s26+$0xFFFFFFC0] =	vst v4;
	v8 =	vld [tilespmem:s26+$0xFFFFFFD0]  }
0x4dd: {  	[tilespmem:s26+$0xFFFFFF80] =	vst v5;
	v11 =	vld [tilespmem:s4+$0xFFFFFFD0]  }
.Ltmp11:
0x4de: {  	v5 =	vld [tilespmem:s4+$0xFFFFFF90];
	v4 =	vadd.f32 v9, v10;
	(pc) =	sbr.rel @p4 .LBB2_25-.Ltmp11, $4  }
0x4df: {  	v3 =	vld [tilespmem:s26+$0x10];
	v7 =	vadd.f32 v7, v6  }
0x4e0: {  	[tilespmem:s26+$0x0] =	vst v4;
	v4 =	vld [tilespmem:s26+$0x50]  }
0x4e1: {  	v6 =	vld [tilespmem:s4+$0x10];
	[tilespmem:s26+$0x40] =	vst v7  }
0x4e2: {  	s26 =	sadd.s32 $0x140, s26;
	v8 =	vadd.f32 v11, v8;
	v7 =	vld [tilespmem:s4+$0x50]  }
0x4e3: {  	_ =	sdelay $0x1  }
0x4e4: {  	v2 =	vadd.f32 v5, v2  }
0x4e5: {  	[tilespmem:s30+$0xFFFFFFD0] =	vst v8;
	v3 =	vadd.f32 v6, v3  }
0x4e6: {  	[tilespmem:s30+$0xFFFFFF90] =	vst v2;
	v2 =	vadd.f32 v7, v4  }
0x4e7: {  	[tilespmem:s30+$0x10] =	vst v3  }
0x4e8: {  	s4 =	sadd.s32 $0x5180, s8;
	[tilespmem:s30+$0x50] =	vst v2  }
0x4e9: {  	[tilespmem:s11], [sflag:$0x4] =	stream.indirect.gather [spmem:s19], $0x40, s4, s9, $0xb8;
	[tilespmem:$0x1BDA0] =	vst v63  }
0x4ea: {  	_ =	swait.ge [sflag:s16], $0x1F40  }
0x4eb: {  	[sflag:s16] =	ssyncset.done $0x0  }
0x4ec: {  	s4 =	simm.s32 @p1 $0x7;
	[sflag:s16] =	ssyncadd.s32 $0xFFFFE0C0  }
0x4ed: {  	s8 =	simm.s32 @!p2 $0x7800;
	_ =	swait.ge @p1 [sflag:s4], $0x7D  }
0x4ee: {  	s6 =	sshll.u32 @!p1 s6, $0x7;
	s25 =	simm.s32 @!p1 $0x9740;
	[sflag:s4] =	ssyncset.done @p1 $0x0  }
0x4ef: {  	s6 =	sand.u32 @!p1 $0x3FFFFF80, s6;
	[sflag:s4] =	ssyncadd.s32 @p1 $0xFFFFFF83;
	s4 =	simm.s32 @!p2 $0x7D  }
0x4f0: {  	[tilespmem:s8], [sflag:$0x1] =	stream.indirect.gather @!p2 [hbm4b:s20+s4], $0x40, s24, s4, $0xb8;
	[tilespmem:$0x1BDA0] =	vst v63  }
0x4f1: {  	s2 =	sadd.s32 $0x1, s2;
	s6 =	sadd.s32 @!p1 $0x2800, s6;
	s8 =	simm.s32 @!p1 $0x7D  }
0x4f2: {  	[spmem:s15] =	stream.indirect.scatter.add.f32 @!p1 [tilespmem:s25], [sflag:$0x6], $0x40, s6, s8, $0xb8;
	[tilespmem:$0x1BDA0] =	vst v63  }
0x4f3: {  	p4 =	sne.s32 s2, $0x27;
	s6 =	simm.s32 @p1 $0x7D;
	s8 =	simm.s32 @p1 $0x7800  }
0x4f4: {  	[tilespmem:s8], [sflag:$0x1] =	stream.indirect.gather @p1 [hbm4b:s21+s6], $0x40, s24, s6, $0xb8;
	[tilespmem:$0x1BDA0] =	vst v63  }
.Ltmp12:
0x4f5: {  	_ = 	snop;
	(pc) =	sbr.rel @p4 .LBB2_22-.Ltmp12, $4  }
0x4f6: {  	s8 =	sadd.s32 @p1 $0x2800, s7;
	s7 =	simm.s32 @p1 $0x9740  }
0x4f7: {  	[spmem:s15] =	stream.indirect.scatter.add.f32 @p1 [tilespmem:s7], [sflag:$0x6], $0x40, s8, s6, $0xb8;
	[tilespmem:$0x1BDA0] =	vst v63  }
0x4f8: {  	s24 =	simm.s32 @p1 $0xF500  }
0x4f9: {  	[spmem:s18] =	stream.indirect.scatter.add.f32 @p1 [tilespmem:s24], [sflag:$0x8], $0x1, s8, s6, $0xb8;
	[tilespmem:$0x1BDA0] =	vst v63  }
0x4fa: {  	_ =	swait.ge [sflag:s23], $0x1F40  }
0x4fb: {  	[sflag:s23] =	ssyncset.done $0x0  }
0x4fc: {  	s0 =	simm.s32 @p1 $0x8;
	[sflag:s23] =	ssyncadd.s32 $0xFFFFE0C0  }
0x4fd: {  	_ =	swait.ge @p1 [sflag:s0], $0x7D  }
0x4fe: {  	[sflag:s0] =	ssyncset.done @p1 $0x0  }
0x4ff: {  	s2 =	simm.s32 @!p2 $0x9740;
	[sflag:s0] =	ssyncadd.s32 @p1 $0xFFFFFF83;
	s0 =	simm.s32 @!p2 $0x2780  }
0x500: {  	[tilespmem:s2], [sflag:$0x3] =	stream.indirect.gather @!p2 [hbm4b:s20+s4], $0x40, s0, s4, $0xb8;
	[tilespmem:$0x1BDA0] =	vst v63  }
0x501: {  	s0 =	simm.s32 @p1 $0x2780  }
0x502: {  	[tilespmem:s7], [sflag:$0x3] =	stream.indirect.gather @p1 [hbm4b:s21+s6], $0x40, s0, s6, $0xb8;
	[tilespmem:$0x1BDA0] =	vst v63  }
0x503: {  	s0 =	simm.s32 @!p2 $0x1  }
0x504: {  	_ =	swait.ge @!p2 [sflag:s0], $0x1F40  }
0x505: {  	[sflag:s0] =	ssyncset.done @!p2 $0x0  }
0x506: {  	[sflag:s0] =	ssyncadd.s32 @!p2 $0xFFFFE0C0;
	s0 =	simm.s32 @p1 $0x1  }
0x507: {  	_ =	swait.ge @p1 [sflag:s0], $0x1F40  }
0x508: {  	[sflag:s0] =	ssyncset.done @p1 $0x0  }
0x509: {  	[sflag:s0] =	ssyncadd.s32 @p1 $0xFFFFE0C0  }
0x50a: {  	_ =	swait.ge [sflag:s12], $0x1F40  }
0x50b: {  	[sflag:s12] =	ssyncset.done $0x0  }
0x50c: {  	s0 =	simm.s32 $0x78A0;
	[sflag:s12] =	ssyncadd.s32 $0xFFFFE0C0  }
0x50d: {  	s2 =	simm.s32 $0xB720;
	v2 =	vld [tilespmem:s0+$0x60]  }
0x50e: {  	v3 =	vld [tilespmem:s2+$0x60]  }
0x50f: {  	v4 =	vld [tilespmem:s2+$0xFFFFFF60]  }
0x510: {  	v5 =	vld [tilespmem:s0+$0xFFFFFFA0]  }
0x511: {  	v6 =	vld [tilespmem:s0+$0xFFFFFFE0]  }
0x512: {  	v8 =	vld [tilespmem:s2+$0xFFFFFFE0]  }
0x513: {  	v9 =	vld [tilespmem:s0+$0x20]  }
0x514: {  	v10 =	vld [tilespmem:s0+$0xFFFFFF60]  }
0x515: {  	v2 =	vadd.f32 v3, v2;
	v3 =	vld [tilespmem:s2+$0xFFFFFFA0]  }
0x516: {  	v12 =	vld [tilespmem:s0+$0x0]  }
0x517: {  	[tilespmem:s0+$0x60] =	vst v2;
	v2 =	vld [tilespmem:s0+$0x70]  }
0x518: {  	v7 =	vld [tilespmem:s2+$0x70]  }
0x519: {  	v6 =	vadd.f32 v8, v6;
	v8 =	vld [tilespmem:s0+$0xFFFFFFB0];
	v4 =	vadd.f32 v4, v10  }
0x51a: {  	v3 =	vadd.f32 v3, v5;
	v5 =	vld [tilespmem:s2+$0x20]  }
0x51b: {  	v10 =	vld [tilespmem:s0+$0x30];
	[tilespmem:s0+$0xFFFFFF60] =	vst v4  }
0x51c: {  	v4 =	vld [tilespmem:s2+$0xFFFFFF70];
	[tilespmem:s0+$0xFFFFFFA0] =	vst v3  }
0x51d: {  	v3 =	vld [tilespmem:s2+$0xFFFFFFB0];
	v2 =	vadd.f32 v7, v2  }
0x51e: {  	v7 =	vld [tilespmem:s0+$0xFFFFFF70]  }
0x51f: {  	[tilespmem:s0+$0x70] =	vst v2;
	v2 =	vadd.f32 v5, v9;
	v5 =	vld [tilespmem:s0+$0x80]  }
0x520: {  	[tilespmem:s0+$0xFFFFFFE0] =	vst v6;
	v6 =	vld [tilespmem:s2+$0x80]  }
0x521: {  	v9 =	vld [tilespmem:s2+$0xFFFFFFF0]  }
0x522: {  	[tilespmem:s0+$0x20] =	vst v2;
	v3 =	vadd.f32 v3, v8;
	v8 =	vld [tilespmem:s0+$0xFFFFFFF0]  }
0x523: {  	v2 =	vld [tilespmem:s2+$0x30]  }
0x524: {  	v13 =	vld [tilespmem:s0+$0xFFFFFFD0];
	v4 =	vadd.f32 v4, v7  }
0x525: {  	[tilespmem:s0+$0xFFFFFFB0] =	vst v3;
	v5 =	vadd.f32 v6, v5;
	v6 =	vld [tilespmem:s0+$0xFFFFFF80]  }
0x526: {  	[tilespmem:s0+$0xFFFFFF70] =	vst v4;
	v3 =	vld [tilespmem:s2+$0xFFFFFFC0]  }
0x527: {  	[tilespmem:s0+$0x80] =	vst v5;
	v5 =	vadd.f32 v9, v8;
	v8 =	vld [tilespmem:s0+$0xFFFFFFC0]  }
0x528: {  	v4 =	vld [tilespmem:s2+$0xFFFFFF80];
	v2 =	vadd.f32 v2, v10  }
0x529: {  	v7 =	vld [tilespmem:s0+$0x90];
	[tilespmem:s0+$0xFFFFFFF0] =	vst v5  }
0x52a: {  	[tilespmem:s0+$0x30] =	vst v2;
	v10 =	vld [tilespmem:s2+$0x0]  }
0x52b: {  	v11 =	vld [tilespmem:s2+$0x40]  }
0x52c: {  	v3 =	vadd.f32 v3, v8;
	v8 =	vld [tilespmem:s0+$0x40]  }
0x52d: {  	v9 =	vld [tilespmem:s2+$0x90];
	v4 =	vadd.f32 v4, v6  }
0x52e: {  	v2 =	vld [tilespmem:s0+$0xFFFFFF90];
	[tilespmem:s0+$0xFFFFFFC0] =	vst v3  }
0x52f: {  	[tilespmem:s0+$0xFFFFFF80] =	vst v4;
	v14 =	vld [tilespmem:s2+$0xFFFFFFD0]  }
0x530: {  	v5 =	vld [tilespmem:s2+$0xFFFFFF90];
	v4 =	vadd.f32 v10, v12  }
0x531: {  	v3 =	vld [tilespmem:s0+$0x10];
	v8 =	vadd.f32 v11, v8  }
0x532: {  	v7 =	vadd.f32 v9, v7;
	[tilespmem:s0+$0x0] =	vst v4;
	v4 =	vld [tilespmem:s0+$0x50]  }
0x533: {  	v6 =	vld [tilespmem:s2+$0x10];
	[tilespmem:s0+$0x40] =	vst v8  }
0x534: {  	s3 =	simm.s32 $0x0;
	s4 =	simm.s32 $0x79E0;
	[tilespmem:s0+$0x90] =	vst v7;
	v8 =	vadd.f32 v14, v13;
	v7 =	vld [tilespmem:s2+$0x50]  }
.LBB2_28:
0x535: {  	v9 =	vld [tilespmem:s4+$0x60];
	v2 =	vadd.f32 v5, v2;
	s2 =	sadd.s32 $0x140, s2  }
0x536: {  	s3 =	sadd.s32 $0x5, s3;
	v5 =	vld [tilespmem:s2+$0x60];
	[tilespmem:s0+$0xFFFFFFD0] =	vst v8  }
0x537: {  	p4 =	slt.u32 s3, $0x78;
	v8 =	vld [tilespmem:s2+$0xFFFFFF60];
	[tilespmem:s0+$0xFFFFFF90] =	vst v2  }
0x538: {  	v2 =	vld [tilespmem:s4+$0xFFFFFFA0];
	v3 =	vadd.f32 v6, v3  }
0x539: {  	v6 =	vld [tilespmem:s2+$0xFFFFFFA0];
	v4 =	vadd.f32 v7, v4  }
0x53a: {  	v7 =	vld [tilespmem:s4+$0xFFFFFFE0];
	[tilespmem:s0+$0x10] =	vst v3  }
0x53b: {  	v3 =	vld [tilespmem:s2+$0xFFFFFFE0];
	v5 =	vadd.f32 v5, v9;
	[tilespmem:s0+$0x50] =	vst v4;
	s0 =	smov.u32 s4  }
0x53c: {  	v4 =	vld [tilespmem:s4+$0x20]  }
0x53d: {  	[tilespmem:s4+$0x60] =	vst v5;
	v5 =	vld [tilespmem:s4+$0x70]  }
0x53e: {  	v2 =	vadd.f32 v6, v2;
	v6 =	vld [tilespmem:s2+$0x70]  }
0x53f: {  	v9 =	vld [tilespmem:s2+$0x20]  }
0x540: {  	v10 =	vld [tilespmem:s4+$0xFFFFFF60];
	[tilespmem:s4+$0xFFFFFFA0] =	vst v2;
	v2 =	vadd.f32 v3, v7  }
0x541: {  	v3 =	vld [tilespmem:s2+$0xFFFFFFB0]  }
0x542: {  	v7 =	vld [tilespmem:s4+$0xFFFFFF70];
	[tilespmem:s4+$0xFFFFFFE0] =	vst v2  }
0x543: {  	v2 =	vld [tilespmem:s2+$0xFFFFFFF0];
	v5 =	vadd.f32 v6, v5  }
0x544: {  	v6 =	vld [tilespmem:s4+$0xFFFFFFB0];
	v4 =	vadd.f32 v9, v4  }
0x545: {  	v8 =	vadd.f32 v8, v10;
	[tilespmem:s4+$0x70] =	vst v5;
	v5 =	vld [tilespmem:s4+$0x80]  }
0x546: {  	[tilespmem:s4+$0x20] =	vst v4;
	v4 =	vld [tilespmem:s2+$0x80]  }
0x547: {  	[tilespmem:s4+$0xFFFFFF60] =	vst v8;
	v8 =	vld [tilespmem:s2+$0x30]  }
0x548: {  	v9 =	vld [tilespmem:s2+$0xFFFFFF70]  }
0x549: {  	v3 =	vadd.f32 v3, v6;
	v6 =	vld [tilespmem:s4+$0xFFFFFFF0]  }
0x54a: {  	v10 =	vld [tilespmem:s4+$0x30]  }
0x54b: {  	v11 =	vld [tilespmem:s4+$0xFFFFFF80];
	[tilespmem:s4+$0xFFFFFFB0] =	vst v3;
	v3 =	vadd.f32 v4, v5  }
0x54c: {  	v4 =	vld [tilespmem:s2+$0xFFFFFFC0]  }
0x54d: {  	v5 =	vadd.f32 v9, v7;
	[tilespmem:s4+$0x80] =	vst v3;
	v3 =	vld [tilespmem:s4+$0x90]  }
0x54e: {  	v2 =	vadd.f32 v2, v6;
	v6 =	vld [tilespmem:s2+$0x90]  }
0x54f: {  	[tilespmem:s4+$0xFFFFFF70] =	vst v5;
	v5 =	vld [tilespmem:s4+$0xFFFFFFC0];
	v7 =	vadd.f32 v8, v10  }
0x550: {  	v8 =	vld [tilespmem:s2+$0xFFFFFF80];
	[tilespmem:s4+$0xFFFFFFF0] =	vst v2  }
0x551: {  	v9 =	vld [tilespmem:s2+$0x0];
	[tilespmem:s4+$0x30] =	vst v7  }
0x552: {  	v7 =	vld [tilespmem:s2+$0x40]  }
0x553: {  	v10 =	vld [tilespmem:s4+$0x0];
	v3 =	vadd.f32 v6, v3  }
0x554: {  	v4 =	vadd.f32 v4, v5;
	v6 =	vld [tilespmem:s4+$0x40]  }
0x555: {  	v5 =	vadd.f32 v8, v11;
	v2 =	vld [tilespmem:s4+$0xFFFFFF90];
	[tilespmem:s4+$0x90] =	vst v3  }
0x556: {  	[tilespmem:s4+$0xFFFFFFC0] =	vst v4;
	v8 =	vld [tilespmem:s4+$0xFFFFFFD0]  }
0x557: {  	[tilespmem:s4+$0xFFFFFF80] =	vst v5;
	v11 =	vld [tilespmem:s2+$0xFFFFFFD0]  }
.Ltmp13:
0x558: {  	v5 =	vld [tilespmem:s2+$0xFFFFFF90];
	v4 =	vadd.f32 v9, v10;
	(pc) =	sbr.rel @p4 .LBB2_28-.Ltmp13, $4  }
0x559: {  	v3 =	vld [tilespmem:s4+$0x10];
	v7 =	vadd.f32 v7, v6  }
0x55a: {  	[tilespmem:s4+$0x0] =	vst v4;
	v4 =	vld [tilespmem:s4+$0x50]  }
0x55b: {  	v6 =	vld [tilespmem:s2+$0x10];
	[tilespmem:s4+$0x40] =	vst v7  }
0x55c: {  	s4 =	sadd.s32 $0x140, s4;
	v8 =	vadd.f32 v11, v8;
	v7 =	vld [tilespmem:s2+$0x50]  }
0x55d: {  	_ =	sdelay $0x1  }
0x55e: {  	v2 =	vadd.f32 v5, v2  }
0x55f: {  	[tilespmem:s0+$0xFFFFFFD0] =	vst v8;
	v3 =	vadd.f32 v6, v3  }
0x560: {  	[tilespmem:s0+$0xFFFFFF90] =	vst v2;
	v2 =	vadd.f32 v7, v4  }
0x561: {  	[tilespmem:s0+$0x10] =	vst v3  }
0x562: {  	s26 =	simm.s32 $0x4F00;
	[tilespmem:s0+$0x50] =	vst v2  }
0x563: {  	[spmem:s15] =	stream.indirect.scatter.add.f32 [tilespmem:s13], [sflag:$0x5], $0x40, s26, s9, $0xb8;
	[tilespmem:$0x1BDA0] =	vst v63  }
0x564: {  	s2 =	simm.s32 @p1 $0x4F00;
	s3 =	simm.s32 @p1 $0xF500;
	s0 =	simm.s32 @p1 $0x7D  }
0x565: {  	[spmem:s18] =	stream.indirect.scatter.add.f32 @p1 [tilespmem:s3], [sflag:$0x7], $0x1, s2, s0, $0xb8;
	[tilespmem:$0x1BDA0] =	vst v63  }
0x566: {  	s0 =	simm.s32 @!p2 $0x3  }
0x567: {  	_ =	swait.ge @!p2 [sflag:s0], $0x1F40  }
0x568: {  	[sflag:s0] =	ssyncset.done @!p2 $0x0  }
0x569: {  	[sflag:s0] =	ssyncadd.s32 @!p2 $0xFFFFE0C0;
	s0 =	simm.s32 @p1 $0x3  }
0x56a: {  	_ =	swait.ge @p1 [sflag:s0], $0x1F40  }
0x56b: {  	[sflag:s0] =	ssyncset.done @p1 $0x0  }
0x56c: {  	[sflag:s0] =	ssyncadd.s32 @p1 $0xFFFFE0C0  }
0x56d: {  	_ =	swait.ge [sflag:s14], $0x1F40  }
0x56e: {  	[sflag:s14] =	ssyncset.done $0x0  }
0x56f: {  	s0 =	simm.s32 $0x97E0;
	[sflag:s14] =	ssyncadd.s32 $0xFFFFE0C0  }
0x570: {  	s2 =	simm.s32 $0xD660;
	v2 =	vld [tilespmem:s0+$0x60]  }
0x571: {  	v3 =	vld [tilespmem:s2+$0x60]  }
0x572: {  	v4 =	vld [tilespmem:s2+$0xFFFFFF60]  }
0x573: {  	v5 =	vld [tilespmem:s0+$0xFFFFFFA0]  }
0x574: {  	v6 =	vld [tilespmem:s0+$0xFFFFFFE0]  }
0x575: {  	v8 =	vld [tilespmem:s2+$0xFFFFFFE0]  }
0x576: {  	v9 =	vld [tilespmem:s0+$0x20]  }
0x577: {  	v10 =	vld [tilespmem:s0+$0xFFFFFF60]  }
0x578: {  	v2 =	vadd.f32 v3, v2;
	v3 =	vld [tilespmem:s2+$0xFFFFFFA0]  }
0x579: {  	v12 =	vld [tilespmem:s0+$0x0]  }
0x57a: {  	[tilespmem:s0+$0x60] =	vst v2;
	v2 =	vld [tilespmem:s0+$0x70]  }
0x57b: {  	v7 =	vld [tilespmem:s2+$0x70]  }
0x57c: {  	v6 =	vadd.f32 v8, v6;
	v8 =	vld [tilespmem:s0+$0xFFFFFFB0];
	v4 =	vadd.f32 v4, v10  }
0x57d: {  	v3 =	vadd.f32 v3, v5;
	v5 =	vld [tilespmem:s2+$0x20]  }
0x57e: {  	v10 =	vld [tilespmem:s0+$0x30];
	[tilespmem:s0+$0xFFFFFF60] =	vst v4  }
0x57f: {  	v4 =	vld [tilespmem:s2+$0xFFFFFF70];
	[tilespmem:s0+$0xFFFFFFA0] =	vst v3  }
0x580: {  	v3 =	vld [tilespmem:s2+$0xFFFFFFB0];
	v2 =	vadd.f32 v7, v2  }
0x581: {  	v7 =	vld [tilespmem:s0+$0xFFFFFF70]  }
0x582: {  	[tilespmem:s0+$0x70] =	vst v2;
	v2 =	vadd.f32 v5, v9;
	v5 =	vld [tilespmem:s0+$0x80]  }
0x583: {  	[tilespmem:s0+$0xFFFFFFE0] =	vst v6;
	v6 =	vld [tilespmem:s2+$0x80]  }
0x584: {  	v9 =	vld [tilespmem:s2+$0xFFFFFFF0]  }
0x585: {  	[tilespmem:s0+$0x20] =	vst v2;
	v3 =	vadd.f32 v3, v8;
	v8 =	vld [tilespmem:s0+$0xFFFFFFF0]  }
0x586: {  	v2 =	vld [tilespmem:s2+$0x30]  }
0x587: {  	v4 =	vadd.f32 v4, v7;
	v7 =	vld [tilespmem:s0+$0x90]  }
0x588: {  	[tilespmem:s0+$0xFFFFFFB0] =	vst v3;
	v5 =	vadd.f32 v6, v5;
	v6 =	vld [tilespmem:s0+$0xFFFFFF80]  }
0x589: {  	[tilespmem:s0+$0xFFFFFF70] =	vst v4;
	v3 =	vld [tilespmem:s2+$0xFFFFFFC0]  }
0x58a: {  	[tilespmem:s0+$0x80] =	vst v5;
	v5 =	vadd.f32 v9, v8;
	v8 =	vld [tilespmem:s0+$0xFFFFFFC0]  }
0x58b: {  	v4 =	vld [tilespmem:s2+$0xFFFFFF80];
	v2 =	vadd.f32 v2, v10  }
0x58c: {  	v9 =	vld [tilespmem:s2+$0x90];
	[tilespmem:s0+$0xFFFFFFF0] =	vst v5  }
0x58d: {  	[tilespmem:s0+$0x30] =	vst v2;
	v10 =	vld [tilespmem:s2+$0x0]  }
0x58e: {  	v11 =	vld [tilespmem:s2+$0x40]  }
0x58f: {  	v3 =	vadd.f32 v3, v8;
	v8 =	vld [tilespmem:s0+$0x40]  }
0x590: {  	v4 =	vadd.f32 v4, v6;
	_ =	sdelay $0x1  }
0x591: {  	v13 =	vld [tilespmem:s0+$0xFFFFFFD0];
	[tilespmem:s0+$0xFFFFFF80] =	vst v4;
	v7 =	vadd.f32 v9, v7  }
0x592: {  	v2 =	vld [tilespmem:s0+$0xFFFFFF90];
	[tilespmem:s0+$0xFFFFFFC0] =	vst v3;
	v4 =	vadd.f32 v10, v12  }
0x593: {  	v14 =	vld [tilespmem:s2+$0xFFFFFFD0];
	[tilespmem:s0+$0x90] =	vst v7;
	v8 =	vadd.f32 v11, v8  }
0x594: {  	v5 =	vld [tilespmem:s2+$0xFFFFFF90];
	[tilespmem:s0+$0x0] =	vst v4  }
0x595: {  	v3 =	vld [tilespmem:s0+$0x10];
	[tilespmem:s0+$0x40] =	vst v8  }
0x596: {  	s4 =	simm.s32 $0x9920;
	v4 =	vld [tilespmem:s0+$0x50];
	s6 =	rddreg [dreg:$0x16]  }
0x597: {  	s17 =	simm.s32 $0x11580;
	s30 =	simm.s32 $0x5000;
	v6 =	vld [tilespmem:s2+$0x10];
	s7 =	rddreg [dreg:$0x17]  }
0x598: {  	s26 =	simm.s32 $0x2800;
	s3 =	simm.s32 $0x0;
	v8 =	vadd.f32 v14, v13;
	v7 =	vld [tilespmem:s2+$0x50];
	s8 =	rddreg [dreg:$0x18]  }
.LBB2_30:
0x599: {  	v9 =	vld [tilespmem:s4+$0x60];
	v2 =	vadd.f32 v5, v2;
	s2 =	sadd.s32 $0x140, s2  }
0x59a: {  	s3 =	sadd.s32 $0x5, s3;
	v5 =	vld [tilespmem:s2+$0x60];
	[tilespmem:s0+$0xFFFFFFD0] =	vst v8  }
0x59b: {  	p4 =	slt.u32 s3, $0x78;
	v8 =	vld [tilespmem:s2+$0xFFFFFF60];
	[tilespmem:s0+$0xFFFFFF90] =	vst v2  }
0x59c: {  	v2 =	vld [tilespmem:s4+$0xFFFFFFA0];
	v3 =	vadd.f32 v6, v3  }
0x59d: {  	v6 =	vld [tilespmem:s2+$0xFFFFFFA0];
	v4 =	vadd.f32 v7, v4  }
0x59e: {  	v7 =	vld [tilespmem:s4+$0xFFFFFFE0];
	[tilespmem:s0+$0x10] =	vst v3  }
0x59f: {  	v3 =	vld [tilespmem:s2+$0xFFFFFFE0];
	v5 =	vadd.f32 v5, v9;
	[tilespmem:s0+$0x50] =	vst v4;
	s0 =	smov.u32 s4  }
0x5a0: {  	v4 =	vld [tilespmem:s4+$0x20]  }
0x5a1: {  	[tilespmem:s4+$0x60] =	vst v5;
	v5 =	vld [tilespmem:s4+$0x70]  }
0x5a2: {  	v2 =	vadd.f32 v6, v2;
	v6 =	vld [tilespmem:s2+$0x70]  }
0x5a3: {  	v9 =	vld [tilespmem:s2+$0x20]  }
0x5a4: {  	v10 =	vld [tilespmem:s4+$0xFFFFFF60];
	[tilespmem:s4+$0xFFFFFFA0] =	vst v2;
	v2 =	vadd.f32 v3, v7  }
0x5a5: {  	v3 =	vld [tilespmem:s2+$0xFFFFFFB0]  }
0x5a6: {  	v7 =	vld [tilespmem:s4+$0xFFFFFF70];
	[tilespmem:s4+$0xFFFFFFE0] =	vst v2  }
0x5a7: {  	v2 =	vld [tilespmem:s2+$0xFFFFFFF0];
	v5 =	vadd.f32 v6, v5  }
0x5a8: {  	v6 =	vld [tilespmem:s4+$0xFFFFFFB0];
	v4 =	vadd.f32 v9, v4  }
0x5a9: {  	v8 =	vadd.f32 v8, v10;
	[tilespmem:s4+$0x70] =	vst v5;
	v5 =	vld [tilespmem:s4+$0x80]  }
0x5aa: {  	[tilespmem:s4+$0x20] =	vst v4;
	v4 =	vld [tilespmem:s2+$0x80]  }
0x5ab: {  	[tilespmem:s4+$0xFFFFFF60] =	vst v8;
	v8 =	vld [tilespmem:s2+$0x30]  }
0x5ac: {  	v9 =	vld [tilespmem:s2+$0xFFFFFF70]  }
0x5ad: {  	v3 =	vadd.f32 v3, v6;
	v6 =	vld [tilespmem:s4+$0xFFFFFFF0]  }
0x5ae: {  	v10 =	vld [tilespmem:s4+$0x30]  }
0x5af: {  	v11 =	vld [tilespmem:s4+$0xFFFFFF80];
	[tilespmem:s4+$0xFFFFFFB0] =	vst v3;
	v3 =	vadd.f32 v4, v5  }
0x5b0: {  	v4 =	vld [tilespmem:s2+$0xFFFFFFC0]  }
0x5b1: {  	v5 =	vadd.f32 v9, v7;
	[tilespmem:s4+$0x80] =	vst v3;
	v3 =	vld [tilespmem:s4+$0x90]  }
0x5b2: {  	v2 =	vadd.f32 v2, v6;
	v6 =	vld [tilespmem:s2+$0x90]  }
0x5b3: {  	[tilespmem:s4+$0xFFFFFF70] =	vst v5;
	v5 =	vld [tilespmem:s4+$0xFFFFFFC0];
	v7 =	vadd.f32 v8, v10  }
0x5b4: {  	v8 =	vld [tilespmem:s2+$0xFFFFFF80];
	[tilespmem:s4+$0xFFFFFFF0] =	vst v2  }
0x5b5: {  	v9 =	vld [tilespmem:s2+$0x0];
	[tilespmem:s4+$0x30] =	vst v7  }
0x5b6: {  	v7 =	vld [tilespmem:s2+$0x40]  }
0x5b7: {  	v10 =	vld [tilespmem:s4+$0x0];
	v3 =	vadd.f32 v6, v3  }
0x5b8: {  	v4 =	vadd.f32 v4, v5;
	v6 =	vld [tilespmem:s4+$0x40]  }
0x5b9: {  	v5 =	vadd.f32 v8, v11;
	v2 =	vld [tilespmem:s4+$0xFFFFFF90];
	[tilespmem:s4+$0x90] =	vst v3  }
0x5ba: {  	[tilespmem:s4+$0xFFFFFFC0] =	vst v4;
	v8 =	vld [tilespmem:s4+$0xFFFFFFD0]  }
0x5bb: {  	[tilespmem:s4+$0xFFFFFF80] =	vst v5;
	v11 =	vld [tilespmem:s2+$0xFFFFFFD0]  }
.Ltmp14:
0x5bc: {  	v5 =	vld [tilespmem:s2+$0xFFFFFF90];
	v4 =	vadd.f32 v9, v10;
	(pc) =	sbr.rel @p4 .LBB2_30-.Ltmp14, $4  }
0x5bd: {  	v3 =	vld [tilespmem:s4+$0x10];
	v7 =	vadd.f32 v7, v6  }
0x5be: {  	[tilespmem:s4+$0x0] =	vst v4;
	v4 =	vld [tilespmem:s4+$0x50]  }
0x5bf: {  	v6 =	vld [tilespmem:s2+$0x10];
	[tilespmem:s4+$0x40] =	vst v7  }
0x5c0: {  	s4 =	sadd.s32 $0x140, s4;
	v8 =	vadd.f32 v11, v8;
	v7 =	vld [tilespmem:s2+$0x50]  }
0x5c1: {  	_ =	sdelay $0x1  }
0x5c2: {  	v2 =	vadd.f32 v5, v2  }
0x5c3: {  	[tilespmem:s0+$0xFFFFFFD0] =	vst v8;
	v3 =	vadd.f32 v6, v3  }
0x5c4: {  	[tilespmem:s0+$0xFFFFFF90] =	vst v2;
	v2 =	vadd.f32 v7, v4  }
0x5c5: {  	[tilespmem:s0+$0x10] =	vst v3  }
0x5c6: {  	[tilespmem:s0+$0x50] =	vst v2  }
0x5c7: {  	_ =	swait.ge [sflag:s16], $0x1F40  }
0x5c8: {  	[sflag:s16] =	ssyncset.done $0x0  }
0x5c9: {  	s0 =	simm.s32 @p1 $0x7;
	[sflag:s16] =	ssyncadd.s32 $0xFFFFE0C0  }
0x5ca: {  	_ =	swait.ge @p1 [sflag:s0], $0x7D  }
0x5cb: {  	s2 =	simm.s32 @p1 $0x4F80;
	[sflag:s0] =	ssyncset.done @p1 $0x0  }
0x5cc: {  	s3 =	simm.s32 @p1 $0x9740;
	[sflag:s0] =	ssyncadd.s32 @p1 $0xFFFFFF83;
	s0 =	simm.s32 @p1 $0x7D  }
0x5cd: {  	[spmem:s15] =	stream.indirect.scatter.add.f32 @p1 [tilespmem:s3], [sflag:$0x6], $0x40, s2, s0, $0xb8;
	[tilespmem:$0x1BDA0] =	vst v63  }
0x5ce: {  	s3 =	simm.s32 @p1 $0xF500  }
0x5cf: {  	[spmem:s18] =	stream.indirect.scatter.add.f32 @p1 [tilespmem:s3], [sflag:$0x8], $0x1, s2, s0, $0xb8;
	[tilespmem:$0x1BDA0] =	vst v63  }
0x5d0: {  	s0 =	simm.s32 @p1 $0x6  }
0x5d1: {  	_ =	swait.ge @p1 [sflag:s0], $0x1F40  }
0x5d2: {  	[sflag:s0] =	ssyncset.done @p1 $0x0  }
0x5d3: {  	[sflag:s0] =	ssyncadd.s32 @p1 $0xFFFFE0C0;
	s0 =	simm.s32 @p1 $0x8  }
0x5d4: {  	_ =	swait.ge @p1 [sflag:s0], $0x7D  }
0x5d5: {  	s2 =	simm.s32 @!p1 $0x4F80;
	[sflag:s0] =	ssyncset.done @p1 $0x0  }
0x5d6: {  	s3 =	simm.s32 @!p1 $0x9740;
	[sflag:s0] =	ssyncadd.s32 @p1 $0xFFFFFF83;
	s0 =	simm.s32 @!p1 $0x7D  }
0x5d7: {  	[spmem:s15] =	stream.indirect.scatter.add.f32 @!p1 [tilespmem:s3], [sflag:$0x6], $0x40, s2, s0, $0xb8;
	[tilespmem:$0x1BDA0] =	vst v63  }
0x5d8: {  	s0 =	simm.s32 @!p1 $0x6  }
0x5d9: {  	_ =	swait.ge @!p1 [sflag:s0], $0x1F40  }
0x5da: {  	[sflag:s0] =	ssyncset.done @!p1 $0x0  }
0x5db: {  	[sflag:s0] =	ssyncadd.s32 @!p1 $0xFFFFE0C0  }
0x5dc: {  	s2 =	simm.s32 @!p2 $0x9;
	s0 =	simm.s32 @!p2 $0xF580;
	[bflag:$0x0] =	sbarrier.arrive $0xFFFF  }
0x5dd: {  	[tilespmem:s0], [sflag:$0x9] =	stream.linear.gather @!p2 [spmem:s6], $0x2000, $0x38;
	[tilespmem:$0x1BDA0] =	vst v63  }
0x5de: {  	_ =	swait.ge @!p2 [sflag:s2], $0x2000  }
0x5df: {  	[sflag:s2] =	ssyncset.done @!p2 $0x0  }
0x5e0: {  	s3 =	simm.s32 @!p2 $0x0;
	s4 =	rddreg [dreg:$0xa];
	[sflag:s2] =	ssyncadd.s32 @!p2 $0xFFFFE000  }
0x5e1: {  	[hbm4b:s4+s3] =	stream.linear.scatter @!p2 [tilespmem:s0], [sflag:$0x9], $0x2000, $0x38;
	[tilespmem:$0x1BDA0] =	vst v63  }
0x5e2: {  	_ =	swait.ge @!p2 [sflag:s2], $0x2000  }
0x5e3: {  	[sflag:s2] =	ssyncset.done @!p2 $0x0  }
0x5e4: {  	[sflag:s2] =	ssyncadd.s32 @!p2 $0xFFFFE000  }
0x5e5: {  	[tilespmem:s0], [sflag:$0x9] =	stream.linear.gather @!p2 [spmem:s7], $0x2000, $0x38;
	[tilespmem:$0x1BDA0] =	vst v63  }
0x5e6: {  	_ =	swait.ge @!p2 [sflag:s2], $0x2000  }
0x5e7: {  	[sflag:s2] =	ssyncset.done @!p2 $0x0  }
0x5e8: {  	s4 =	rddreg [dreg:$0xb];
	[sflag:s2] =	ssyncadd.s32 @!p2 $0xFFFFE000  }
0x5e9: {  	[hbm4b:s4+s3] =	stream.linear.scatter @!p2 [tilespmem:s0], [sflag:$0x9], $0x2000, $0x38;
	[tilespmem:$0x1BDA0] =	vst v63  }
0x5ea: {  	_ =	swait.ge @!p2 [sflag:s2], $0x2000  }
0x5eb: {  	[sflag:s2] =	ssyncset.done @!p2 $0x0  }
0x5ec: {  	[sflag:s2] =	ssyncadd.s32 @!p2 $0xFFFFE000  }
0x5ed: {  	[tilespmem:s0], [sflag:$0x9] =	stream.linear.gather @!p2 [spmem:s8], $0x2000, $0x38;
	[tilespmem:$0x1BDA0] =	vst v63  }
0x5ee: {  	_ =	swait.ge @!p2 [sflag:s2], $0x2000  }
0x5ef: {  	[sflag:s2] =	ssyncset.done @!p2 $0x0  }
0x5f0: {  	s4 =	rddreg [dreg:$0xc];
	[sflag:s2] =	ssyncadd.s32 @!p2 $0xFFFFE000  }
0x5f1: {  	[hbm4b:s4+s3] =	stream.linear.scatter @!p2 [tilespmem:s0], [sflag:$0x9], $0x2000, $0x38;
	[tilespmem:$0x1BDA0] =	vst v63  }
0x5f2: {  	_ =	swait.ge @!p2 [sflag:s2], $0x2000  }
0x5f3: {  	[sflag:s2] =	ssyncset.done @!p2 $0x0  }
0x5f4: {  	[sflag:s2] =	ssyncadd.s32 @!p2 $0xFFFFE000  }
0x5f5: {  	[tilespmem:s0], [sflag:$0x9] =	stream.linear.gather @!p2 [spmem:s28], $0x2000, $0x38;
	[tilespmem:$0x1BDA0] =	vst v63  }
0x5f6: {  	_ =	swait.ge @!p2 [sflag:s2], $0x2000  }
0x5f7: {  	[sflag:s2] =	ssyncset.done @!p2 $0x0  }
0x5f8: {  	s4 =	rddreg [dreg:$0xd];
	[sflag:s2] =	ssyncadd.s32 @!p2 $0xFFFFE000  }
0x5f9: {  	[hbm4b:s4+s3] =	stream.linear.scatter @!p2 [tilespmem:s0], [sflag:$0x9], $0x2000, $0x38;
	[tilespmem:$0x1BDA0] =	vst v63  }
0x5fa: {  	_ =	swait.ge @!p2 [sflag:s2], $0x2000  }
0x5fb: {  	[sflag:s2] =	ssyncset.done @!p2 $0x0  }
0x5fc: {  	[sflag:s2] =	ssyncadd.s32 @!p2 $0xFFFFE000  }
0x5fd: {  	[tilespmem:s0], [sflag:$0x9] =	stream.linear.gather @!p2 [spmem:s29], $0x2000, $0x38;
	[tilespmem:$0x1BDA0] =	vst v63  }
0x5fe: {  	_ =	swait.ge @!p2 [sflag:s2], $0x2000  }
0x5ff: {  	[sflag:s2] =	ssyncset.done @!p2 $0x0  }
0x600: {  	s4 =	rddreg [dreg:$0xe];
	[sflag:s2] =	ssyncadd.s32 @!p2 $0xFFFFE000  }
0x601: {  	[hbm4b:s4+s3] =	stream.linear.scatter @!p2 [tilespmem:s0], [sflag:$0x9], $0x2000, $0x38;
	[tilespmem:$0x1BDA0] =	vst v63  }
0x602: {  	_ =	swait.ge @!p2 [sflag:s2], $0x2000  }
0x603: {  	[sflag:s2] =	ssyncset.done @!p2 $0x0  }
0x604: {  	s0 =	simm.s32 @p1 $0xF580;
	[sflag:s2] =	ssyncadd.s32 @!p2 $0xFFFFE000;
	s2 =	simm.s32 @p1 $0x9  }
0x605: {  	[tilespmem:s0], [sflag:$0x9] =	stream.linear.gather @p1 [spmem:s6], $0x2000, $0x38;
	[tilespmem:$0x1BDA0] =	vst v63  }
0x606: {  	_ =	swait.ge @p1 [sflag:s2], $0x2000  }
0x607: {  	[sflag:s2] =	ssyncset.done @p1 $0x0  }
0x608: {  	s3 =	simm.s32 @p1 $0x0;
	s4 =	rddreg [dreg:$0xf];
	[sflag:s2] =	ssyncadd.s32 @p1 $0xFFFFE000  }
0x609: {  	[hbm4b:s4+s3] =	stream.linear.scatter @p1 [tilespmem:s0], [sflag:$0x9], $0x2000, $0x38;
	[tilespmem:$0x1BDA0] =	vst v63  }
0x60a: {  	_ =	swait.ge @p1 [sflag:s2], $0x2000  }
0x60b: {  	[sflag:s2] =	ssyncset.done @p1 $0x0  }
0x60c: {  	[sflag:s2] =	ssyncadd.s32 @p1 $0xFFFFE000  }
0x60d: {  	[tilespmem:s0], [sflag:$0x9] =	stream.linear.gather @p1 [spmem:s7], $0x2000, $0x38;
	[tilespmem:$0x1BDA0] =	vst v63  }
0x60e: {  	_ =	swait.ge @p1 [sflag:s2], $0x2000  }
0x60f: {  	[sflag:s2] =	ssyncset.done @p1 $0x0  }
0x610: {  	s4 =	rddreg [dreg:$0x10];
	[sflag:s2] =	ssyncadd.s32 @p1 $0xFFFFE000  }
0x611: {  	[hbm4b:s4+s3] =	stream.linear.scatter @p1 [tilespmem:s0], [sflag:$0x9], $0x2000, $0x38;
	[tilespmem:$0x1BDA0] =	vst v63  }
0x612: {  	_ =	swait.ge @p1 [sflag:s2], $0x2000  }
0x613: {  	[sflag:s2] =	ssyncset.done @p1 $0x0  }
0x614: {  	[sflag:s2] =	ssyncadd.s32 @p1 $0xFFFFE000  }
0x615: {  	[tilespmem:s0], [sflag:$0x9] =	stream.linear.gather @p1 [spmem:s8], $0x2000, $0x38;
	[tilespmem:$0x1BDA0] =	vst v63  }
0x616: {  	_ =	swait.ge @p1 [sflag:s2], $0x2000  }
0x617: {  	[sflag:s2] =	ssyncset.done @p1 $0x0  }
0x618: {  	s4 =	rddreg [dreg:$0x11];
	[sflag:s2] =	ssyncadd.s32 @p1 $0xFFFFE000  }
0x619: {  	[hbm4b:s4+s3] =	stream.linear.scatter @p1 [tilespmem:s0], [sflag:$0x9], $0x2000, $0x38;
	[tilespmem:$0x1BDA0] =	vst v63  }
0x61a: {  	_ =	swait.ge @p1 [sflag:s2], $0x2000  }
0x61b: {  	[sflag:s2] =	ssyncset.done @p1 $0x0  }
0x61c: {  	[sflag:s2] =	ssyncadd.s32 @p1 $0xFFFFE000  }
0x61d: {  	[tilespmem:s0], [sflag:$0x9] =	stream.linear.gather @p1 [spmem:s28], $0x2000, $0x38;
	[tilespmem:$0x1BDA0] =	vst v63  }
0x61e: {  	_ =	swait.ge @p1 [sflag:s2], $0x2000  }
0x61f: {  	[sflag:s2] =	ssyncset.done @p1 $0x0  }
0x620: {  	s4 =	rddreg [dreg:$0x12];
	[sflag:s2] =	ssyncadd.s32 @p1 $0xFFFFE000  }
0x621: {  	[hbm4b:s4+s3] =	stream.linear.scatter @p1 [tilespmem:s0], [sflag:$0x9], $0x2000, $0x38;
	[tilespmem:$0x1BDA0] =	vst v63  }
0x622: {  	_ =	swait.ge @p1 [sflag:s2], $0x2000  }
0x623: {  	[sflag:s2] =	ssyncset.done @p1 $0x0  }
0x624: {  	[sflag:s2] =	ssyncadd.s32 @p1 $0xFFFFE000  }
0x625: {  	[tilespmem:s0], [sflag:$0x9] =	stream.linear.gather @p1 [spmem:s29], $0x2000, $0x38;
	[tilespmem:$0x1BDA0] =	vst v63  }
0x626: {  	_ =	swait.ge @p1 [sflag:s2], $0x2000  }
0x627: {  	[sflag:s2] =	ssyncset.done @p1 $0x0  }
0x628: {  	s4 =	rddreg [dreg:$0x13];
	[sflag:s2] =	ssyncadd.s32 @p1 $0xFFFFE000  }
0x629: {  	[hbm4b:s4+s3] =	stream.linear.scatter @p1 [tilespmem:s0], [sflag:$0x9], $0x2000, $0x38;
	[tilespmem:$0x1BDA0] =	vst v63  }
0x62a: {  	_ =	swait.ge @p1 [sflag:s2], $0x2000  }
0x62b: {  	[sflag:s2] =	ssyncset.done @p1 $0x0  }
0x62c: {  	s4 =	rddreg [dreg:$0x19];
	[sflag:s2] =	ssyncadd.s32 @p1 $0xFFFFE000  }
0x62d: {  	[tilespmem:s17], [sflag:$0x9] =	stream.linear.gather [spmem:s4], $0x280, $0x38;
	[tilespmem:$0x1BDA0] =	vst v63  }
0x62e: {  	_ =	swait.ge [sflag:s5], $0x280  }
0x62f: {  	[sflag:s5] =	ssyncset.done $0x0  }
0x630: {  	s24 =	rddreg [dreg:$0x1a];
	[sflag:s5] =	ssyncadd.s32 $0xFFFFFD80  }
0x631: {  	[hbm4b:s24+s1] =	stream.linear.scatter [tilespmem:s17], [sflag:$0x9], $0x280, $0x38;
	[tilespmem:$0x1BDA0] =	vst v63  }
0x632: {  	_ =	swait.ge [sflag:s5], $0x280  }
0x633: {  	s31 =	sadd.s32 $0x1, s31;
	s25 =	rddreg [dreg:$0x1b]  }
0x634: {  	p4 =	sne.s32 s31, s25  }
.Ltmp15:
0x635: {  	_ = 	snop;
	(pc) =	sbr.rel @p4 .LBB2_1-.Ltmp15, $3  }
0x636: {  	_ =	sdelay $0x1  }
0x637: {  	[sflag:s5] =	ssyncset.done $0x0  }
0x638: {  	[sflag:s5] =	ssyncadd.s32 $0xFFFFFD80  }
0x639: {  	_ =	sfence.sel $0x180000  }
0x63a: {  	[bflag:$0x0] =	sbarrier.arrive $0xFFFF  }
0x63b: {  	_ =	strace $0x90000047  }
0x63c: {  	s0 =	stileid.u32;
	[bflag:$0x2] =	sbarrier.arrive $0xFFFF  }
0x63d: {  	p0 =	sne.s32 s0, $0x0;
	s0 =	rddreg [dreg:$0x5]  }
0x63e: {  	s0 =	sadd.s32 @!p0 $0x100000, s0  }
0x63f: {  	[sflag:s0] =	ssyncadd.tile.s32 @!p0 $0x1;
	_ =	shalt  }
.Lfunc_end2:
_tile_overlayer_lowered:
.L_overlay_start_2:
0x640: {  	(tag) =	ssettag $0x2  }
0x641: {  	s0 =	rddreg [dreg:$0x0];
	s2 =	stileid.u32  }
0x642: {  	s1 =	rddreg [dreg:$0x1];
	p0 =	sne.s32 s2, $0x0  }
0x643: {  	s3 =	rddreg [dreg:$0x2];
	[bflag:$0x3] =	sbarrier.arrive $0xFFFF;
	s2 =	simm.s32 @!p0 $0x1C09  }
0x644: {  	[timem:s3], [sflag:s2] =	dma.local @!p0 [hbm:s0], s1  }
0x645: {  	s0 =	simm.s32 @!p0 $0x9  }
0x646: {  	_ =	swait.ge @!p0 [sflag:s0], s1  }
0x647: {  	s1 =	ssub.s32 @!p0 $0x0, s1;
	[sflag:s0] =	ssyncset.done @!p0 $0x0  }
0x648: {  	[sflag:s0] =	ssyncadd.s32 @!p0 s1  }
0x649: {  	[bflag:$0x3] =	sbarrier.arrive $0xFFFF  }
0x64a: {  	_ =	shalt  }

</sc_bundles>
